<compile_context>
chip_gen: v7x
topology: tpu7x:2x2x1
jax: 0.10.2.dev20260603
libtpu: 0.0.44.dev20260713+nightly
codegen_flags: <defaults>
</compile_context>

<pallas_src>
import functools
import math

import jax
import jax.numpy as jnp
from jax import lax
from jax.experimental import pallas as pl
from jax.experimental.pallas import tpu as pltpu
from jax.experimental.pallas import tpu_sc as plsc

B = 4096
L = 200
D = 64
DP = 128
SCALE = math.sqrt(D)

NW = 32
ROWS = B * L
PER_W = ROWS // NW
BROWS_W = B // NW
TBLK = 32
C = 80
G = PER_W // C
NBUF = 4
LANES = 16
RUNROLL = 8


def _sc_body(tok_hbm, table_hbm, out_hbm, tok_v, idx_v, ins, outs,
             sem_g, sem_s):
    cid = lax.axis_index("c")
    sid = lax.axis_index("s")
    wid = sid * 2 + cid
    bbase = wid * BROWS_W
    base = wid * PER_W

    offs = [16 * k for k in range(12)] + [184]

    for blk in range(BROWS_W // TBLK):
        pltpu.sync_copy(tok_hbm.at[pl.ds(bbase + blk * TBLK, TBLK)], tok_v)

        def row(r, carry, blk=blk):
            for o in offs:
                idx_v[pl.ds((blk * TBLK + r) * L + o, LANES)] = (
                    tok_v[r, pl.ds(o, LANES)]
                )
            return carry

        lax.fori_loop(0, TBLK, row, 0)

    def start_gather(buf, g):
        pltpu.make_async_copy(
            table_hbm.at[idx_v.at[pl.ds(g * C, C)]], ins[buf], sem_g.at[buf]
        ).start()

    def wait_gather(buf, g):
        pltpu.make_async_copy(
            table_hbm.at[idx_v.at[pl.ds(g * C, C)]], ins[buf], sem_g.at[buf]
        ).wait()

    def scale(buf):
        src, dst = ins[buf], outs[buf]

        def rowblk(i, carry):
            r0 = i * RUNROLL
            for rr in range(RUNROLL):
                for j in range(D // LANES):
                    sl = pl.ds(j * LANES, LANES)
                    dst[r0 + rr, sl] = src[r0 + rr, sl] * jnp.float32(SCALE)
            return carry

        lax.fori_loop(0, C // RUNROLL, rowblk, 0)

    for buf in range(NBUF):
        start_gather(buf, buf)

    def outer(t, carry):
        for buf in range(NBUF):
            g = t * NBUF + buf
            wait_gather(buf, g)
            @pl.when(g >= NBUF)
            def _():
                pltpu.make_async_copy(
                    outs[buf],
                    out_hbm.at[pl.ds(base + (g - NBUF) * C, C)],
                    sem_s.at[buf],
                ).wait()

            scale(buf)

            @pl.when(g + NBUF < G)
            def _():
                start_gather(buf, g + NBUF)

            pltpu.make_async_copy(
                outs[buf], out_hbm.at[pl.ds(base + g * C, C)], sem_s.at[buf]
            ).start()
        return carry

    lax.fori_loop(0, G // NBUF, outer, 0)

    for buf in range(NBUF):
        g = G - NBUF + buf
        pltpu.make_async_copy(
            outs[buf], out_hbm.at[pl.ds(base + g * C, C)], sem_s.at[buf]
        ).wait()


_sc_gather = functools.partial(
    pl.kernel,
    mesh=plsc.VectorSubcoreMesh(core_axis_name="c", subcore_axis_name="s"),
    out_type=jax.ShapeDtypeStruct((ROWS, D), jnp.float32),
    scratch_types=[
        pltpu.VMEM((TBLK, L), jnp.int32),
        pltpu.VMEM((PER_W,), jnp.int32),
        [pltpu.VMEM((C, DP), jnp.float32) for _ in range(NBUF)],
        [pltpu.VMEM((C, D), jnp.float32) for _ in range(NBUF)],
        pltpu.SemaphoreType.DMA((NBUF,)),
        pltpu.SemaphoreType.DMA((NBUF,)),
    ],
)(_sc_body)


def kernel(tokens, table):
    tpad = jnp.pad(table, ((0, 0), (0, DP - D)))
    out = _sc_gather(tokens, tpad)
    return out.reshape(B, L, D)

# --- scband reference (transcript-rebuilt; emitter-appended) ---
"""Pipeline reference for scband-token-embedding-79499844649545 (READ-ONLY COPY).

The authoritative reference and input builder live on the scoring server;
editing this copy changes nothing except your own understanding.
"""

import jax, jax.numpy as jnp
import numpy as np
import math

VOCAB = 1000000
EMB = 64
B = 4096
L = 200

def setup_inputs(seed: int = 0) -> dict:
    key = jax.random.key(seed)
    k1, k2 = jax.random.split(key)
    tokens = jax.random.randint(k1, (B, L), 0, VOCAB, dtype=jnp.int64 if jax.config.jax_enable_x64 else jnp.int32)
    table = jax.random.normal(k2, (VOCAB, EMB), dtype=jnp.float32)
    return {"tokens": tokens, "table": table}

def reference(tokens, table):
    emb = jnp.take(table, tokens, axis=0)
    return emb * math.sqrt(EMB)

if __name__ == "__main__":
    import jax
    _d = setup_inputs()
    print(jax.jit(kernel)(*tuple(_d.values())))

</pallas_src>

<mosaic_0001>
#map = affine_map<(d0, d1) -> (0, 0)>
module attributes {stable_mosaic.version = 14 : i64} {
  func.func @_sc_body(%arg0: i32, %arg1: i32, %arg2: memref<4096x200xi32, #tpu.memory_space<hbm>>, %arg3: memref<1000000x128xf32, #tpu.memory_space<hbm>>, %arg4: memref<819200x64xf32, #tpu.memory_space<hbm>>, %arg5: memref<32x200xi32, #tpu.memory_space<vmem>>, %arg6: memref<25600xi32, #tpu.memory_space<vmem>>, %arg7: memref<80x128xf32, #tpu.memory_space<vmem>>, %arg8: memref<80x128xf32, #tpu.memory_space<vmem>>, %arg9: memref<80x128xf32, #tpu.memory_space<vmem>>, %arg10: memref<80x128xf32, #tpu.memory_space<vmem>>, %arg11: memref<80x64xf32, #tpu.memory_space<vmem>>, %arg12: memref<80x64xf32, #tpu.memory_space<vmem>>, %arg13: memref<80x64xf32, #tpu.memory_space<vmem>>, %arg14: memref<80x64xf32, #tpu.memory_space<vmem>>, %arg15: memref<4x!tpu.dma_semaphore, #tpu.memory_space<semaphore_mem>>, %arg16: memref<4x!tpu.dma_semaphore, #tpu.memory_space<semaphore_mem>>) attributes {dimension_semantics = [#tpu.dimension_semantics<core_parallel>, #tpu.dimension_semantics<subcore_parallel>], iteration_bounds = array<i64: 2, 16>, scalar_prefetch = 0 : i64, scratch_operands = 12 : i64, tpu.core_type = #tpu.core_type<sc_vector_subcore>, window_params = [{transform_indices = #map}, {transform_indices = #map}, {transform_indices = #map}]} {
    %mul3A = arith.constant 2 : i32
    %mul3A_0 = arith.muli %arg1, %mul3A : i32
    %add3A = arith.addi %mul3A_0, %arg0 : i32
    %mul3A_1 = arith.constant 128 : i32
    %mul3A_2 = arith.muli %add3A, %mul3A_1 : i32
    %mul3A_3 = arith.constant 25600 : i32
    %mul3A_4 = arith.muli %add3A, %mul3A_3 : i32
    %add3A_5 = arith.constant 0 : i32
    %add3A_6 = arith.addi %mul3A_2, %add3A_5 : i32
    "tpu.region"() ({
      %run_scoped3A = tpu.sem_alloc : memref<!tpu.dma_semaphore, #tpu.memory_space<semaphore_mem>>
      %dma_start3A_108 = arith.constant 0 : i32
      %dma_start3A_109 = tpu.memref_slice %arg2[%add3A_6, %dma_start3A_108] : memref<4096x200xi32, #tpu.memory_space<hbm>> -> memref<32x200xi32, #tpu.memory_space<hbm>>
      %dma_start3A_110 = arith.constant 0 : i32
      %dma_start3A_111 = tpu.memref_slice %arg2[%add3A_6, %dma_start3A_110] : memref<4096x200xi32, #tpu.memory_space<hbm>> -> memref<32x200xi32, #tpu.memory_space<hbm>>
      tpu.enqueue_dma source(%dma_start3A_111 : memref<32x200xi32, #tpu.memory_space<hbm>>) target(%arg5 : memref<32x200xi32, #tpu.memory_space<vmem>>) target_semaphore(%run_scoped3A : memref<!tpu.dma_semaphore, #tpu.memory_space<semaphore_mem>>)
      %dma_wait3A_112 = arith.constant 0 : i32
      %dma_wait3A_113 = tpu.memref_slice %arg2[%add3A_6, %dma_wait3A_112] : memref<4096x200xi32, #tpu.memory_space<hbm>> -> memref<32x200xi32, #tpu.memory_space<hbm>>
      %dma_wait3A_114 = arith.constant 0 : i32
      %dma_wait3A_115 = tpu.memref_slice %arg2[%add3A_6, %dma_wait3A_114] : memref<4096x200xi32, #tpu.memory_space<hbm>> -> memref<32x200xi32, #tpu.memory_space<hbm>>
      tpu.wait_dma2 semaphore(%run_scoped3A : memref<!tpu.dma_semaphore, #tpu.memory_space<semaphore_mem>>) src(%dma_wait3A_115 : memref<32x200xi32, #tpu.memory_space<hbm>>) dst(%arg5 : memref<32x200xi32, #tpu.memory_space<vmem>>)
      tpu.yield
    }) : () -> ()
    %scan3A = arith.constant 0 : i32
    %scan3A_7 = arith.constant 0 : i32
    %scan3A_8 = arith.constant 32 : i32
    %scan3A_9 = arith.addi %scan3A_7, %scan3A_8 : i32
    %scan3A_10 = arith.constant 1 : i32
    scf.for %scan3A_108 = %scan3A_7 to %scan3A_9 step %scan3A_10  : i32 {
      %get3A = arith.index_cast %scan3A_108 : i32 to index
      %get3A_109 = arith.constant 0 : index
      %get3A_110 = tpu.vector_load %arg5[%get3A, %get3A_109] {strides = array<i32>} : memref<32x200xi32, #tpu.memory_space<vmem>>, vector<1x16xi32>,
      %get3A_111 = vector.shape_cast %get3A_110 : vector<1x16xi32> to vector<16xi32>
      %add3A_112 = arith.constant 0 : i32
      %add3A_113 = arith.addi %add3A_112, %scan3A_108 : i32
      %mul3A_114 = arith.constant 200 : i32
      %mul3A_115 = arith.muli %add3A_113, %mul3A_114 : i32
      %add3A_116 = arith.constant 0 : i32
      %add3A_117 = arith.addi %mul3A_115, %add3A_116 : i32
      %swap3A = arith.index_cast %add3A_117 : i32 to index
      %swap3A_118 = tpu.vector_load %arg6[%swap3A] {strides = array<i32>} : memref<25600xi32, #tpu.memory_space<vmem>>, vector<16xi32>,
      %swap3A_119 = vector.shape_cast %swap3A_118 : vector<16xi32> to vector<16xi32>
      %swap3A_120 = vector.shape_cast %get3A_111 : vector<16xi32> to vector<16xi32>
      tpu.vector_store %arg6[%swap3A], %swap3A_120 {strides = array<i32>} : memref<25600xi32, #tpu.memory_space<vmem>>, vector<16xi32>,
      %get3A_121 = arith.index_cast %scan3A_108 : i32 to index
      %get3A_122 = arith.constant 16 : index
      %get3A_123 = tpu.vector_load %arg5[%get3A_121, %get3A_122] {strides = array<i32>} : memref<32x200xi32, #tpu.memory_space<vmem>>, vector<1x16xi32>,
      %get3A_124 = vector.shape_cast %get3A_123 : vector<1x16xi32> to vector<16xi32>
      %add3A_125 = arith.constant 0 : i32
      %add3A_126 = arith.addi %add3A_125, %scan3A_108 : i32
      %mul3A_127 = arith.constant 200 : i32
      %mul3A_128 = arith.muli %add3A_126, %mul3A_127 : i32
      %add3A_129 = arith.constant 16 : i32
      %add3A_130 = arith.addi %mul3A_128, %add3A_129 : i32
      %swap3A_131 = arith.index_cast %add3A_130 : i32 to index
      %swap3A_132 = tpu.vector_load %arg6[%swap3A_131] {strides = array<i32>} : memref<25600xi32, #tpu.memory_space<vmem>>, vector<16xi32>,
      %swap3A_133 = vector.shape_cast %swap3A_132 : vector<16xi32> to vector<16xi32>
      %swap3A_134 = vector.shape_cast %get3A_124 : vector<16xi32> to vector<16xi32>
      tpu.vector_store %arg6[%swap3A_131], %swap3A_134 {strides = array<i32>} : memref<25600xi32, #tpu.memory_space<vmem>>, vector<16xi32>,
      %get3A_135 = arith.index_cast %scan3A_108 : i32 to index
      %get3A_136 = arith.constant 32 : index
      %get3A_137 = tpu.vector_load %arg5[%get3A_135, %get3A_136] {strides = array<i32>} : memref<32x200xi32, #tpu.memory_space<vmem>>, vector<1x16xi32>,
      %get3A_138 = vector.shape_cast %get3A_137 : vector<1x16xi32> to vector<16xi32>
      %add3A_139 = arith.constant 0 : i32
      %add3A_140 = arith.addi %add3A_139, %scan3A_108 : i32
      %mul3A_141 = arith.constant 200 : i32
      %mul3A_142 = arith.muli %add3A_140, %mul3A_141 : i32
      %add3A_143 = arith.constant 32 : i32
      %add3A_144 = arith.addi %mul3A_142, %add3A_143 : i32
      %swap3A_145 = arith.index_cast %add3A_144 : i32 to index
      %swap3A_146 = tpu.vector_load %arg6[%swap3A_145] {strides = array<i32>} : memref<25600xi32, #tpu.memory_space<vmem>>, vector<16xi32>,
      %swap3A_147 = vector.shape_cast %swap3A_146 : vector<16xi32> to vector<16xi32>
      %swap3A_148 = vector.shape_cast %get3A_138 : vector<16xi32> to vector<16xi32>
      tpu.vector_store %arg6[%swap3A_145], %swap3A_148 {strides = array<i32>} : memref<25600xi32, #tpu.memory_space<vmem>>, vector<16xi32>,
      %get3A_149 = arith.index_cast %scan3A_108 : i32 to index
      %get3A_150 = arith.constant 48 : index
      %get3A_151 = tpu.vector_load %arg5[%get3A_149, %get3A_150] {strides = array<i32>} : memref<32x200xi32, #tpu.memory_space<vmem>>, vector<1x16xi32>,
      %get3A_152 = vector.shape_cast %get3A_151 : vector<1x16xi32> to vector<16xi32>
      %add3A_153 = arith.constant 0 : i32
      %add3A_154 = arith.addi %add3A_153, %scan3A_108 : i32
      %mul3A_155 = arith.constant 200 : i32
      %mul3A_156 = arith.muli %add3A_154, %mul3A_155 : i32
      %add3A_157 = arith.constant 48 : i32
      %add3A_158 = arith.addi %mul3A_156, %add3A_157 : i32
      %swap3A_159 = arith.index_cast %add3A_158 : i32 to index
      %swap3A_160 = tpu.vector_load %arg6[%swap3A_159] {strides = array<i32>} : memref<25600xi32, #tpu.memory_space<vmem>>, vector<16xi32>,
      %swap3A_161 = vector.shape_cast %swap3A_160 : vector<16xi32> to vector<16xi32>
      %swap3A_162 = vector.shape_cast %get3A_152 : vector<16xi32> to vector<16xi32>
      tpu.vector_store %arg6[%swap3A_159], %swap3A_162 {strides = array<i32>} : memref<25600xi32, #tpu.memory_space<vmem>>, vector<16xi32>,
      %get3A_163 = arith.index_cast %scan3A_108 : i32 to index
      %get3A_164 = arith.constant 64 : index
      %get3A_165 = tpu.vector_load %arg5[%get3A_163, %get3A_164] {strides = array<i32>} : memref<32x200xi32, #tpu.memory_space<vmem>>, vector<1x16xi32>,
      %get3A_166 = vector.shape_cast %get3A_165 : vector<1x16xi32> to vector<16xi32>
      %add3A_167 = arith.constant 0 : i32
      %add3A_168 = arith.addi %add3A_167, %scan3A_108 : i32
      %mul3A_169 = arith.constant 200 : i32
      %mul3A_170 = arith.muli %add3A_168, %mul3A_169 : i32
      %add3A_171 = arith.constant 64 : i32
      %add3A_172 = arith.addi %mul3A_170, %add3A_171 : i32
      %swap3A_173 = arith.index_cast %add3A_172 : i32 to index
      %swap3A_174 = tpu.vector_load %arg6[%swap3A_173] {strides = array<i32>} : memref<25600xi32, #tpu.memory_space<vmem>>, vector<16xi32>,
      %swap3A_175 = vector.shape_cast %swap3A_174 : vector<16xi32> to vector<16xi32>
      %swap3A_176 = vector.shape_cast %get3A_166 : vector<16xi32> to vector<16xi32>
      tpu.vector_store %arg6[%swap3A_173], %swap3A_176 {strides = array<i32>} : memref<25600xi32, #tpu.memory_space<vmem>>, vector<16xi32>,
      %get3A_177 = arith.index_cast %scan3A_108 : i32 to index
      %get3A_178 = arith.constant 80 : index
      %get3A_179 = tpu.vector_load %arg5[%get3A_177, %get3A_178] {strides = array<i32>} : memref<32x200xi32, #tpu.memory_space<vmem>>, vector<1x16xi32>,
      %get3A_180 = vector.shape_cast %get3A_179 : vector<1x16xi32> to vector<16xi32>
      %add3A_181 = arith.constant 0 : i32
      %add3A_182 = arith.addi %add3A_181, %scan3A_108 : i32
      %mul3A_183 = arith.constant 200 : i32
      %mul3A_184 = arith.muli %add3A_182, %mul3A_183 : i32
      %add3A_185 = arith.constant 80 : i32
      %add3A_186 = arith.addi %mul3A_184, %add3A_185 : i32
      %swap3A_187 = arith.index_cast %add3A_186 : i32 to index
      %swap3A_188 = tpu.vector_load %arg6[%swap3A_187] {strides = array<i32>} : memref<25600xi32, #tpu.memory_space<vmem>>, vector<16xi32>,
      %swap3A_189 = vector.shape_cast %swap3A_188 : vector<16xi32> to vector<16xi32>
      %swap3A_190 = vector.shape_cast %get3A_180 : vector<16xi32> to vector<16xi32>
      tpu.vector_store %arg6[%swap3A_187], %swap3A_190 {strides = array<i32>} : memref<25600xi32, #tpu.memory_space<vmem>>, vector<16xi32>,
      %get3A_191 = arith.index_cast %scan3A_108 : i32 to index
      %get3A_192 = arith.constant 96 : index
      %get3A_193 = tpu.vector_load %arg5[%get3A_191, %get3A_192] {strides = array<i32>} : memref<32x200xi32, #tpu.memory_space<vmem>>, vector<1x16xi32>,
      %get3A_194 = vector.shape_cast %get3A_193 : vector<1x16xi32> to vector<16xi32>
      %add3A_195 = arith.constant 0 : i32
      %add3A_196 = arith.addi %add3A_195, %scan3A_108 : i32
      %mul3A_197 = arith.constant 200 : i32
      %mul3A_198 = arith.muli %add3A_196, %mul3A_197 : i32
      %add3A_199 = arith.constant 96 : i32
      %add3A_200 = arith.addi %mul3A_198, %add3A_199 : i32
      %swap3A_201 = arith.index_cast %add3A_200 : i32 to index
      %swap3A_202 = tpu.vector_load %arg6[%swap3A_201] {strides = array<i32>} : memref<25600xi32, #tpu.memory_space<vmem>>, vector<16xi32>,
      %swap3A_203 = vector.shape_cast %swap3A_202 : vector<16xi32> to vector<16xi32>
      %swap3A_204 = vector.shape_cast %get3A_194 : vector<16xi32> to vector<16xi32>
      tpu.vector_store %arg6[%swap3A_201], %swap3A_204 {strides = array<i32>} : memref<25600xi32, #tpu.memory_space<vmem>>, vector<16xi32>,
      %get3A_205 = arith.index_cast %scan3A_108 : i32 to index
      %get3A_206 = arith.constant 112 : index
      %get3A_207 = tpu.vector_load %arg5[%get3A_205, %get3A_206] {strides = array<i32>} : memref<32x200xi32, #tpu.memory_space<vmem>>, vector<1x16xi32>,
      %get3A_208 = vector.shape_cast %get3A_207 : vector<1x16xi32> to vector<16xi32>
      %add3A_209 = arith.constant 0 : i32
      %add3A_210 = arith.addi %add3A_209, %scan3A_108 : i32
      %mul3A_211 = arith.constant 200 : i32
      %mul3A_212 = arith.muli %add3A_210, %mul3A_211 : i32
      %add3A_213 = arith.constant 112 : i32
      %add3A_214 = arith.addi %mul3A_212, %add3A_213 : i32
      %swap3A_215 = arith.index_cast %add3A_214 : i32 to index
      %swap3A_216 = tpu.vector_load %arg6[%swap3A_215] {strides = array<i32>} : memref<25600xi32, #tpu.memory_space<vmem>>, vector<16xi32>,
      %swap3A_217 = vector.shape_cast %swap3A_216 : vector<16xi32> to vector<16xi32>
      %swap3A_218 = vector.shape_cast %get3A_208 : vector<16xi32> to vector<16xi32>
      tpu.vector_store %arg6[%swap3A_215], %swap3A_218 {strides = array<i32>} : memref<25600xi32, #tpu.memory_space<vmem>>, vector<16xi32>,
      %get3A_219 = arith.index_cast %scan3A_108 : i32 to index
      %get3A_220 = arith.constant 128 : index
      %get3A_221 = tpu.vector_load %arg5[%get3A_219, %get3A_220] {strides = array<i32>} : memref<32x200xi32, #tpu.memory_space<vmem>>, vector<1x16xi32>,
      %get3A_222 = vector.shape_cast %get3A_221 : vector<1x16xi32> to vector<16xi32>
      %add3A_223 = arith.constant 0 : i32
      %add3A_224 = arith.addi %add3A_223, %scan3A_108 : i32
      %mul3A_225 = arith.constant 200 : i32
      %mul3A_226 = arith.muli %add3A_224, %mul3A_225 : i32
      %add3A_227 = arith.constant 128 : i32
      %add3A_228 = arith.addi %mul3A_226, %add3A_227 : i32
      %swap3A_229 = arith.index_cast %add3A_228 : i32 to index
      %swap3A_230 = tpu.vector_load %arg6[%swap3A_229] {strides = array<i32>} : memref<25600xi32, #tpu.memory_space<vmem>>, vector<16xi32>,
      %swap3A_231 = vector.shape_cast %swap3A_230 : vector<16xi32> to vector<16xi32>
      %swap3A_232 = vector.shape_cast %get3A_222 : vector<16xi32> to vector<16xi32>
      tpu.vector_store %arg6[%swap3A_229], %swap3A_232 {strides = array<i32>} : memref<25600xi32, #tpu.memory_space<vmem>>, vector<16xi32>,
      %get3A_233 = arith.index_cast %scan3A_108 : i32 to index
      %get3A_234 = arith.constant 144 : index
      %get3A_235 = tpu.vector_load %arg5[%get3A_233, %get3A_234] {strides = array<i32>} : memref<32x200xi32, #tpu.memory_space<vmem>>, vector<1x16xi32>,
      %get3A_236 = vector.shape_cast %get3A_235 : vector<1x16xi32> to vector<16xi32>
      %add3A_237 = arith.constant 0 : i32
      %add3A_238 = arith.addi %add3A_237, %scan3A_108 : i32
      %mul3A_239 = arith.constant 200 : i32
      %mul3A_240 = arith.muli %add3A_238, %mul3A_239 : i32
      %add3A_241 = arith.constant 144 : i32
      %add3A_242 = arith.addi %mul3A_240, %add3A_241 : i32
      %swap3A_243 = arith.index_cast %add3A_242 : i32 to index
      %swap3A_244 = tpu.vector_load %arg6[%swap3A_243] {strides = array<i32>} : memref<25600xi32, #tpu.memory_space<vmem>>, vector<16xi32>,
      %swap3A_245 = vector.shape_cast %swap3A_244 : vector<16xi32> to vector<16xi32>
      %swap3A_246 = vector.shape_cast %get3A_236 : vector<16xi32> to vector<16xi32>
      tpu.vector_store %arg6[%swap3A_243], %swap3A_246 {strides = array<i32>} : memref<25600xi32, #tpu.memory_space<vmem>>, vector<16xi32>,
      %get3A_247 = arith.index_cast %scan3A_108 : i32 to index
      %get3A_248 = arith.constant 160 : index
      %get3A_249 = tpu.vector_load %arg5[%get3A_247, %get3A_248] {strides = array<i32>} : memref<32x200xi32, #tpu.memory_space<vmem>>, vector<1x16xi32>,
      %get3A_250 = vector.shape_cast %get3A_249 : vector<1x16xi32> to vector<16xi32>
      %add3A_251 = arith.constant 0 : i32
      %add3A_252 = arith.addi %add3A_251, %scan3A_108 : i32
      %mul3A_253 = arith.constant 200 : i32
      %mul3A_254 = arith.muli %add3A_252, %mul3A_253 : i32
      %add3A_255 = arith.constant 160 : i32
      %add3A_256 = arith.addi %mul3A_254, %add3A_255 : i32
      %swap3A_257 = arith.index_cast %add3A_256 : i32 to index
      %swap3A_258 = tpu.vector_load %arg6[%swap3A_257] {strides = array<i32>} : memref<25600xi32, #tpu.memory_space<vmem>>, vector<16xi32>,
      %swap3A_259 = vector.shape_cast %swap3A_258 : vector<16xi32> to vector<16xi32>
      %swap3A_260 = vector.shape_cast %get3A_250 : vector<16xi32> to vector<16xi32>
      tpu.vector_store %arg6[%swap3A_257], %swap3A_260 {strides = array<i32>} : memref<25600xi32, #tpu.memory_space<vmem>>, vector<16xi32>,
      %get3A_261 = arith.index_cast %scan3A_108 : i32 to index
      %get3A_262 = arith.constant 176 : index
      %get3A_263 = tpu.vector_load %arg5[%get3A_261, %get3A_262] {strides = array<i32>} : memref<32x200xi32, #tpu.memory_space<vmem>>, vector<1x16xi32>,
      %get3A_264 = vector.shape_cast %get3A_263 : vector<1x16xi32> to vector<16xi32>
      %add3A_265 = arith.constant 0 : i32
      %add3A_266 = arith.addi %add3A_265, %scan3A_108 : i32
      %mul3A_267 = arith.constant 200 : i32
      %mul3A_268 = arith.muli %add3A_266, %mul3A_267 : i32
      %add3A_269 = arith.constant 176 : i32
      %add3A_270 = arith.addi %mul3A_268, %add3A_269 : i32
      %swap3A_271 = arith.index_cast %add3A_270 : i32 to index
      %swap3A_272 = tpu.vector_load %arg6[%swap3A_271] {strides = array<i32>} : memref<25600xi32, #tpu.memory_space<vmem>>, vector<16xi32>,
      %swap3A_273 = vector.shape_cast %swap3A_272 : vector<16xi32> to vector<16xi32>
      %swap3A_274 = vector.shape_cast %get3A_264 : vector<16xi32> to vector<16xi32>
      tpu.vector_store %arg6[%swap3A_271], %swap3A_274 {strides = array<i32>} : memref<25600xi32, #tpu.memory_space<vmem>>, vector<16xi32>,
      %get3A_275 = arith.index_cast %scan3A_108 : i32 to index
      %get3A_276 = arith.constant 184 : index
      %get3A_277 = tpu.vector_load %arg5[%get3A_275, %get3A_276] {strides = array<i32>} : memref<32x200xi32, #tpu.memory_space<vmem>>, vector<1x16xi32>,
      %get3A_278 = vector.shape_cast %get3A_277 : vector<1x16xi32> to vector<16xi32>
      %add3A_279 = arith.constant 0 : i32
      %add3A_280 = arith.addi %add3A_279, %scan3A_108 : i32
      %mul3A_281 = arith.constant 200 : i32
      %mul3A_282 = arith.muli %add3A_280, %mul3A_281 : i32
      %add3A_283 = arith.constant 184 : i32
      %add3A_284 = arith.addi %mul3A_282, %add3A_283 : i32
      %swap3A_285 = arith.index_cast %add3A_284 : i32 to index
      %swap3A_286 = tpu.vector_load %arg6[%swap3A_285] {strides = array<i32>} : memref<25600xi32, #tpu.memory_space<vmem>>, vector<16xi32>,
      %swap3A_287 = vector.shape_cast %swap3A_286 : vector<16xi32> to vector<16xi32>
      %swap3A_288 = vector.shape_cast %get3A_278 : vector<16xi32> to vector<16xi32>
      tpu.vector_store %arg6[%swap3A_285], %swap3A_288 {strides = array<i32>} : memref<25600xi32, #tpu.memory_space<vmem>>, vector<16xi32>,
    }
    %scan3A_11 = arith.constant 32 : i32
    %add3A_12 = arith.constant 32 : i32
    %add3A_13 = arith.addi %mul3A_2, %add3A_12 : i32
    "tpu.region"() ({
      %run_scoped3A = tpu.sem_alloc : memref<!tpu.dma_semaphore, #tpu.memory_space<semaphore_mem>>
      %dma_start3A_108 = arith.constant 0 : i32
      %dma_start3A_109 = tpu.memref_slice %arg2[%add3A_13, %dma_start3A_108] : memref<4096x200xi32, #tpu.memory_space<hbm>> -> memref<32x200xi32, #tpu.memory_space<hbm>>
      %dma_start3A_110 = arith.constant 0 : i32
      %dma_start3A_111 = tpu.memref_slice %arg2[%add3A_13, %dma_start3A_110] : memref<4096x200xi32, #tpu.memory_space<hbm>> -> memref<32x200xi32, #tpu.memory_space<hbm>>
      tpu.enqueue_dma source(%dma_start3A_111 : memref<32x200xi32, #tpu.memory_space<hbm>>) target(%arg5 : memref<32x200xi32, #tpu.memory_space<vmem>>) target_semaphore(%run_scoped3A : memref<!tpu.dma_semaphore, #tpu.memory_space<semaphore_mem>>)
      %dma_wait3A_112 = arith.constant 0 : i32
      %dma_wait3A_113 = tpu.memref_slice %arg2[%add3A_13, %dma_wait3A_112] : memref<4096x200xi32, #tpu.memory_space<hbm>> -> memref<32x200xi32, #tpu.memory_space<hbm>>
      %dma_wait3A_114 = arith.constant 0 : i32
      %dma_wait3A_115 = tpu.memref_slice %arg2[%add3A_13, %dma_wait3A_114] : memref<4096x200xi32, #tpu.memory_space<hbm>> -> memref<32x200xi32, #tpu.memory_space<hbm>>
      tpu.wait_dma2 semaphore(%run_scoped3A : memref<!tpu.dma_semaphore, #tpu.memory_space<semaphore_mem>>) src(%dma_wait3A_115 : memref<32x200xi32, #tpu.memory_space<hbm>>) dst(%arg5 : memref<32x200xi32, #tpu.memory_space<vmem>>)
      tpu.yield
    }) : () -> ()
    %scan3A_14 = arith.constant 0 : i32
    %scan3A_15 = arith.constant 0 : i32
    %scan3A_16 = arith.constant 32 : i32
    %scan3A_17 = arith.addi %scan3A_15, %scan3A_16 : i32
    %scan3A_18 = arith.constant 1 : i32
    scf.for %scan3A_108 = %scan3A_15 to %scan3A_17 step %scan3A_18  : i32 {
      %get3A = arith.index_cast %scan3A_108 : i32 to index
      %get3A_109 = arith.constant 0 : index
      %get3A_110 = tpu.vector_load %arg5[%get3A, %get3A_109] {strides = array<i32>} : memref<32x200xi32, #tpu.memory_space<vmem>>, vector<1x16xi32>,
      %get3A_111 = vector.shape_cast %get3A_110 : vector<1x16xi32> to vector<16xi32>
      %add3A_112 = arith.constant 32 : i32
      %add3A_113 = arith.addi %add3A_112, %scan3A_108 : i32
      %mul3A_114 = arith.constant 200 : i32
      %mul3A_115 = arith.muli %add3A_113, %mul3A_114 : i32
      %add3A_116 = arith.constant 0 : i32
      %add3A_117 = arith.addi %mul3A_115, %add3A_116 : i32
      %swap3A = arith.index_cast %add3A_117 : i32 to index
      %swap3A_118 = tpu.vector_load %arg6[%swap3A] {strides = array<i32>} : memref<25600xi32, #tpu.memory_space<vmem>>, vector<16xi32>,
      %swap3A_119 = vector.shape_cast %swap3A_118 : vector<16xi32> to vector<16xi32>
      %swap3A_120 = vector.shape_cast %get3A_111 : vector<16xi32> to vector<16xi32>
      tpu.vector_store %arg6[%swap3A], %swap3A_120 {strides = array<i32>} : memref<25600xi32, #tpu.memory_space<vmem>>, vector<16xi32>,
      %get3A_121 = arith.index_cast %scan3A_108 : i32 to index
      %get3A_122 = arith.constant 16 : index
      %get3A_123 = tpu.vector_load %arg5[%get3A_121, %get3A_122] {strides = array<i32>} : memref<32x200xi32, #tpu.memory_space<vmem>>, vector<1x16xi32>,
      %get3A_124 = vector.shape_cast %get3A_123 : vector<1x16xi32> to vector<16xi32>
      %add3A_125 = arith.constant 32 : i32
      %add3A_126 = arith.addi %add3A_125, %scan3A_108 : i32
      %mul3A_127 = arith.constant 200 : i32
      %mul3A_128 = arith.muli %add3A_126, %mul3A_127 : i32
      %add3A_129 = arith.constant 16 : i32
      %add3A_130 = arith.addi %mul3A_128, %add3A_129 : i32
      %swap3A_131 = arith.index_cast %add3A_130 : i32 to index
      %swap3A_132 = tpu.vector_load %arg6[%swap3A_131] {strides = array<i32>} : memref<25600xi32, #tpu.memory_space<vmem>>, vector<16xi32>,
      %swap3A_133 = vector.shape_cast %swap3A_132 : vector<16xi32> to vector<16xi32>
      %swap3A_134 = vector.shape_cast %get3A_124 : vector<16xi32> to vector<16xi32>
      tpu.vector_store %arg6[%swap3A_131], %swap3A_134 {strides = array<i32>} : memref<25600xi32, #tpu.memory_space<vmem>>, vector<16xi32>,
      %get3A_135 = arith.index_cast %scan3A_108 : i32 to index
      %get3A_136 = arith.constant 32 : index
      %get3A_137 = tpu.vector_load %arg5[%get3A_135, %get3A_136] {strides = array<i32>} : memref<32x200xi32, #tpu.memory_space<vmem>>, vector<1x16xi32>,
      %get3A_138 = vector.shape_cast %get3A_137 : vector<1x16xi32> to vector<16xi32>
      %add3A_139 = arith.constant 32 : i32
      %add3A_140 = arith.addi %add3A_139, %scan3A_108 : i32
      %mul3A_141 = arith.constant 200 : i32
      %mul3A_142 = arith.muli %add3A_140, %mul3A_141 : i32
      %add3A_143 = arith.constant 32 : i32
      %add3A_144 = arith.addi %mul3A_142, %add3A_143 : i32
      %swap3A_145 = arith.index_cast %add3A_144 : i32 to index
      %swap3A_146 = tpu.vector_load %arg6[%swap3A_145] {strides = array<i32>} : memref<25600xi32, #tpu.memory_space<vmem>>, vector<16xi32>,
      %swap3A_147 = vector.shape_cast %swap3A_146 : vector<16xi32> to vector<16xi32>
      %swap3A_148 = vector.shape_cast %get3A_138 : vector<16xi32> to vector<16xi32>
      tpu.vector_store %arg6[%swap3A_145], %swap3A_148 {strides = array<i32>} : memref<25600xi32, #tpu.memory_space<vmem>>, vector<16xi32>,
      %get3A_149 = arith.index_cast %scan3A_108 : i32 to index
      %get3A_150 = arith.constant 48 : index
      %get3A_151 = tpu.vector_load %arg5[%get3A_149, %get3A_150] {strides = array<i32>} : memref<32x200xi32, #tpu.memory_space<vmem>>, vector<1x16xi32>,
      %get3A_152 = vector.shape_cast %get3A_151 : vector<1x16xi32> to vector<16xi32>
      %add3A_153 = arith.constant 32 : i32
      %add3A_154 = arith.addi %add3A_153, %scan3A_108 : i32
      %mul3A_155 = arith.constant 200 : i32
      %mul3A_156 = arith.muli %add3A_154, %mul3A_155 : i32
      %add3A_157 = arith.constant 48 : i32
      %add3A_158 = arith.addi %mul3A_156, %add3A_157 : i32
      %swap3A_159 = arith.index_cast %add3A_158 : i32 to index
      %swap3A_160 = tpu.vector_load %arg6[%swap3A_159] {strides = array<i32>} : memref<25600xi32, #tpu.memory_space<vmem>>, vector<16xi32>,
      %swap3A_161 = vector.shape_cast %swap3A_160 : vector<16xi32> to vector<16xi32>
      %swap3A_162 = vector.shape_cast %get3A_152 : vector<16xi32> to vector<16xi32>
      tpu.vector_store %arg6[%swap3A_159], %swap3A_162 {strides = array<i32>} : memref<25600xi32, #tpu.memory_space<vmem>>, vector<16xi32>,
      %get3A_163 = arith.index_cast %scan3A_108 : i32 to index
      %get3A_164 = arith.constant 64 : index
      %get3A_165 = tpu.vector_load %arg5[%get3A_163, %get3A_164] {strides = array<i32>} : memref<32x200xi32, #tpu.memory_space<vmem>>, vector<1x16xi32>,
      %get3A_166 = vector.shape_cast %get3A_165 : vector<1x16xi32> to vector<16xi32>
      %add3A_167 = arith.constant 32 : i32
      %add3A_168 = arith.addi %add3A_167, %scan3A_108 : i32
      %mul3A_169 = arith.constant 200 : i32
      %mul3A_170 = arith.muli %add3A_168, %mul3A_169 : i32
      %add3A_171 = arith.constant 64 : i32
      %add3A_172 = arith.addi %mul3A_170, %add3A_171 : i32
      %swap3A_173 = arith.index_cast %add3A_172 : i32 to index
      %swap3A_174 = tpu.vector_load %arg6[%swap3A_173] {strides = array<i32>} : memref<25600xi32, #tpu.memory_space<vmem>>, vector<16xi32>,
      %swap3A_175 = vector.shape_cast %swap3A_174 : vector<16xi32> to vector<16xi32>
      %swap3A_176 = vector.shape_cast %get3A_166 : vector<16xi32> to vector<16xi32>
      tpu.vector_store %arg6[%swap3A_173], %swap3A_176 {strides = array<i32>} : memref<25600xi32, #tpu.memory_space<vmem>>, vector<16xi32>,
      %get3A_177 = arith.index_cast %scan3A_108 : i32 to index
      %get3A_178 = arith.constant 80 : index
      %get3A_179 = tpu.vector_load %arg5[%get3A_177, %get3A_178] {strides = array<i32>} : memref<32x200xi32, #tpu.memory_space<vmem>>, vector<1x16xi32>,
      %get3A_180 = vector.shape_cast %get3A_179 : vector<1x16xi32> to vector<16xi32>
      %add3A_181 = arith.constant 32 : i32
      %add3A_182 = arith.addi %add3A_181, %scan3A_108 : i32
      %mul3A_183 = arith.constant 200 : i32
      %mul3A_184 = arith.muli %add3A_182, %mul3A_183 : i32
      %add3A_185 = arith.constant 80 : i32
      %add3A_186 = arith.addi %mul3A_184, %add3A_185 : i32
      %swap3A_187 = arith.index_cast %add3A_186 : i32 to index
      %swap3A_188 = tpu.vector_load %arg6[%swap3A_187] {strides = array<i32>} : memref<25600xi32, #tpu.memory_space<vmem>>, vector<16xi32>,
      %swap3A_189 = vector.shape_cast %swap3A_188 : vector<16xi32> to vector<16xi32>
      %swap3A_190 = vector.shape_cast %get3A_180 : vector<16xi32> to vector<16xi32>
      tpu.vector_store %arg6[%swap3A_187], %swap3A_190 {strides = array<i32>} : memref<25600xi32, #tpu.memory_space<vmem>>, vector<16xi32>,
      %get3A_191 = arith.index_cast %scan3A_108 : i32 to index
      %get3A_192 = arith.constant 96 : index
      %get3A_193 = tpu.vector_load %arg5[%get3A_191, %get3A_192] {strides = array<i32>} : memref<32x200xi32, #tpu.memory_space<vmem>>, vector<1x16xi32>,
      %get3A_194 = vector.shape_cast %get3A_193 : vector<1x16xi32> to vector<16xi32>
      %add3A_195 = arith.constant 32 : i32
      %add3A_196 = arith.addi %add3A_195, %scan3A_108 : i32
      %mul3A_197 = arith.constant 200 : i32
      %mul3A_198 = arith.muli %add3A_196, %mul3A_197 : i32
      %add3A_199 = arith.constant 96 : i32
      %add3A_200 = arith.addi %mul3A_198, %add3A_199 : i32
      %swap3A_201 = arith.index_cast %add3A_200 : i32 to index
      %swap3A_202 = tpu.vector_load %arg6[%swap3A_201] {strides = array<i32>} : memref<25600xi32, #tpu.memory_space<vmem>>, vector<16xi32>,
      %swap3A_203 = vector.shape_cast %swap3A_202 : vector<16xi32> to vector<16xi32>
      %swap3A_204 = vector.shape_cast %get3A_194 : vector<16xi32> to vector<16xi32>
      tpu.vector_store %arg6[%swap3A_201], %swap3A_204 {strides = array<i32>} : memref<25600xi32, #tpu.memory_space<vmem>>, vector<16xi32>,
      %get3A_205 = arith.index_cast %scan3A_108 : i32 to index
      %get3A_206 = arith.constant 112 : index
      %get3A_207 = tpu.vector_load %arg5[%get3A_205, %get3A_206] {strides = array<i32>} : memref<32x200xi32, #tpu.memory_space<vmem>>, vector<1x16xi32>,
      %get3A_208 = vector.shape_cast %get3A_207 : vector<1x16xi32> to vector<16xi32>
      %add3A_209 = arith.constant 32 : i32
      %add3A_210 = arith.addi %add3A_209, %scan3A_108 : i32
      %mul3A_211 = arith.constant 200 : i32
      %mul3A_212 = arith.muli %add3A_210, %mul3A_211 : i32
      %add3A_213 = arith.constant 112 : i32
      %add3A_214 = arith.addi %mul3A_212, %add3A_213 : i32
      %swap3A_215 = arith.index_cast %add3A_214 : i32 to index
      %swap3A_216 = tpu.vector_load %arg6[%swap3A_215] {strides = array<i32>} : memref<25600xi32, #tpu.memory_space<vmem>>, vector<16xi32>,
      %swap3A_217 = vector.shape_cast %swap3A_216 : vector<16xi32> to vector<16xi32>
      %swap3A_218 = vector.shape_cast %get3A_208 : vector<16xi32> to vector<16xi32>
      tpu.vector_store %arg6[%swap3A_215], %swap3A_218 {strides = array<i32>} : memref<25600xi32, #tpu.memory_space<vmem>>, vector<16xi32>,
      %get3A_219 = arith.index_cast %scan3A_108 : i32 to index
      %get3A_220 = arith.constant 128 : index
      %get3A_221 = tpu.vector_load %arg5[%get3A_219, %get3A_220] {strides = array<i32>} : memref<32x200xi32, #tpu.memory_space<vmem>>, vector<1x16xi32>,
      %get3A_222 = vector.shape_cast %get3A_221 : vector<1x16xi32> to vector<16xi32>
      %add3A_223 = arith.constant 32 : i32
      %add3A_224 = arith.addi %add3A_223, %scan3A_108 : i32
      %mul3A_225 = arith.constant 200 : i32
      %mul3A_226 = arith.muli %add3A_224, %mul3A_225 : i32
      %add3A_227 = arith.constant 128 : i32
      %add3A_228 = arith.addi %mul3A_226, %add3A_227 : i32
      %swap3A_229 = arith.index_cast %add3A_228 : i32 to index
      %swap3A_230 = tpu.vector_load %arg6[%swap3A_229] {strides = array<i32>} : memref<25600xi32, #tpu.memory_space<vmem>>, vector<16xi32>,
      %swap3A_231 = vector.shape_cast %swap3A_230 : vector<16xi32> to vector<16xi32>
      %swap3A_232 = vector.shape_cast %get3A_222 : vector<16xi32> to vector<16xi32>
      tpu.vector_store %arg6[%swap3A_229], %swap3A_232 {strides = array<i32>} : memref<25600xi32, #tpu.memory_space<vmem>>, vector<16xi32>,
      %get3A_233 = arith.index_cast %scan3A_108 : i32 to index
      %get3A_234 = arith.constant 144 : index
      %get3A_235 = tpu.vector_load %arg5[%get3A_233, %get3A_234] {strides = array<i32>} : memref<32x200xi32, #tpu.memory_space<vmem>>, vector<1x16xi32>,
      %get3A_236 = vector.shape_cast %get3A_235 : vector<1x16xi32> to vector<16xi32>
      %add3A_237 = arith.constant 32 : i32
      %add3A_238 = arith.addi %add3A_237, %scan3A_108 : i32
      %mul3A_239 = arith.constant 200 : i32
      %mul3A_240 = arith.muli %add3A_238, %mul3A_239 : i32
      %add3A_241 = arith.constant 144 : i32
      %add3A_242 = arith.addi %mul3A_240, %add3A_241 : i32
      %swap3A_243 = arith.index_cast %add3A_242 : i32 to index
      %swap3A_244 = tpu.vector_load %arg6[%swap3A_243] {strides = array<i32>} : memref<25600xi32, #tpu.memory_space<vmem>>, vector<16xi32>,
      %swap3A_245 = vector.shape_cast %swap3A_244 : vector<16xi32> to vector<16xi32>
      %swap3A_246 = vector.shape_cast %get3A_236 : vector<16xi32> to vector<16xi32>
      tpu.vector_store %arg6[%swap3A_243], %swap3A_246 {strides = array<i32>} : memref<25600xi32, #tpu.memory_space<vmem>>, vector<16xi32>,
      %get3A_247 = arith.index_cast %scan3A_108 : i32 to index
      %get3A_248 = arith.constant 160 : index
      %get3A_249 = tpu.vector_load %arg5[%get3A_247, %get3A_248] {strides = array<i32>} : memref<32x200xi32, #tpu.memory_space<vmem>>, vector<1x16xi32>,
      %get3A_250 = vector.shape_cast %get3A_249 : vector<1x16xi32> to vector<16xi32>
      %add3A_251 = arith.constant 32 : i32
      %add3A_252 = arith.addi %add3A_251, %scan3A_108 : i32
      %mul3A_253 = arith.constant 200 : i32
      %mul3A_254 = arith.muli %add3A_252, %mul3A_253 : i32
      %add3A_255 = arith.constant 160 : i32
      %add3A_256 = arith.addi %mul3A_254, %add3A_255 : i32
      %swap3A_257 = arith.index_cast %add3A_256 : i32 to index
      %swap3A_258 = tpu.vector_load %arg6[%swap3A_257] {strides = array<i32>} : memref<25600xi32, #tpu.memory_space<vmem>>, vector<16xi32>,
      %swap3A_259 = vector.shape_cast %swap3A_258 : vector<16xi32> to vector<16xi32>
      %swap3A_260 = vector.shape_cast %get3A_250 : vector<16xi32> to vector<16xi32>
      tpu.vector_store %arg6[%swap3A_257], %swap3A_260 {strides = array<i32>} : memref<25600xi32, #tpu.memory_space<vmem>>, vector<16xi32>,
      %get3A_261 = arith.index_cast %scan3A_108 : i32 to index
      %get3A_262 = arith.constant 176 : index
      %get3A_263 = tpu.vector_load %arg5[%get3A_261, %get3A_262] {strides = array<i32>} : memref<32x200xi32, #tpu.memory_space<vmem>>, vector<1x16xi32>,
      %get3A_264 = vector.shape_cast %get3A_263 : vector<1x16xi32> to vector<16xi32>
      %add3A_265 = arith.constant 32 : i32
      %add3A_266 = arith.addi %add3A_265, %scan3A_108 : i32
      %mul3A_267 = arith.constant 200 : i32
      %mul3A_268 = arith.muli %add3A_266, %mul3A_267 : i32
      %add3A_269 = arith.constant 176 : i32
      %add3A_270 = arith.addi %mul3A_268, %add3A_269 : i32
      %swap3A_271 = arith.index_cast %add3A_270 : i32 to index
      %swap3A_272 = tpu.vector_load %arg6[%swap3A_271] {strides = array<i32>} : memref<25600xi32, #tpu.memory_space<vmem>>, vector<16xi32>,
      %swap3A_273 = vector.shape_cast %swap3A_272 : vector<16xi32> to vector<16xi32>
      %swap3A_274 = vector.shape_cast %get3A_264 : vector<16xi32> to vector<16xi32>
      tpu.vector_store %arg6[%swap3A_271], %swap3A_274 {strides = array<i32>} : memref<25600xi32, #tpu.memory_space<vmem>>, vector<16xi32>,
      %get3A_275 = arith.index_cast %scan3A_108 : i32 to index
      %get3A_276 = arith.constant 184 : index
      %get3A_277 = tpu.vector_load %arg5[%get3A_275, %get3A_276] {strides = array<i32>} : memref<32x200xi32, #tpu.memory_space<vmem>>, vector<1x16xi32>,
      %get3A_278 = vector.shape_cast %get3A_277 : vector<1x16xi32> to vector<16xi32>
      %add3A_279 = arith.constant 32 : i32
      %add3A_280 = arith.addi %add3A_279, %scan3A_108 : i32
      %mul3A_281 = arith.constant 200 : i32
      %mul3A_282 = arith.muli %add3A_280, %mul3A_281 : i32
      %add3A_283 = arith.constant 184 : i32
      %add3A_284 = arith.addi %mul3A_282, %add3A_283 : i32
      %swap3A_285 = arith.index_cast %add3A_284 : i32 to index
      %swap3A_286 = tpu.vector_load %arg6[%swap3A_285] {strides = array<i32>} : memref<25600xi32, #tpu.memory_space<vmem>>, vector<16xi32>,
      %swap3A_287 = vector.shape_cast %swap3A_286 : vector<16xi32> to vector<16xi32>
      %swap3A_288 = vector.shape_cast %get3A_278 : vector<16xi32> to vector<16xi32>
      tpu.vector_store %arg6[%swap3A_285], %swap3A_288 {strides = array<i32>} : memref<25600xi32, #tpu.memory_space<vmem>>, vector<16xi32>,
    }
    %scan3A_19 = arith.constant 32 : i32
    %add3A_20 = arith.constant 64 : i32
    %add3A_21 = arith.addi %mul3A_2, %add3A_20 : i32
    "tpu.region"() ({
      %run_scoped3A = tpu.sem_alloc : memref<!tpu.dma_semaphore, #tpu.memory_space<semaphore_mem>>
      %dma_start3A_108 = arith.constant 0 : i32
      %dma_start3A_109 = tpu.memref_slice %arg2[%add3A_21, %dma_start3A_108] : memref<4096x200xi32, #tpu.memory_space<hbm>> -> memref<32x200xi32, #tpu.memory_space<hbm>>
      %dma_start3A_110 = arith.constant 0 : i32
      %dma_start3A_111 = tpu.memref_slice %arg2[%add3A_21, %dma_start3A_110] : memref<4096x200xi32, #tpu.memory_space<hbm>> -> memref<32x200xi32, #tpu.memory_space<hbm>>
      tpu.enqueue_dma source(%dma_start3A_111 : memref<32x200xi32, #tpu.memory_space<hbm>>) target(%arg5 : memref<32x200xi32, #tpu.memory_space<vmem>>) target_semaphore(%run_scoped3A : memref<!tpu.dma_semaphore, #tpu.memory_space<semaphore_mem>>)
      %dma_wait3A_112 = arith.constant 0 : i32
      %dma_wait3A_113 = tpu.memref_slice %arg2[%add3A_21, %dma_wait3A_112] : memref<4096x200xi32, #tpu.memory_space<hbm>> -> memref<32x200xi32, #tpu.memory_space<hbm>>
      %dma_wait3A_114 = arith.constant 0 : i32
      %dma_wait3A_115 = tpu.memref_slice %arg2[%add3A_21, %dma_wait3A_114] : memref<4096x200xi32, #tpu.memory_space<hbm>> -> memref<32x200xi32, #tpu.memory_space<hbm>>
      tpu.wait_dma2 semaphore(%run_scoped3A : memref<!tpu.dma_semaphore, #tpu.memory_space<semaphore_mem>>) src(%dma_wait3A_115 : memref<32x200xi32, #tpu.memory_space<hbm>>) dst(%arg5 : memref<32x200xi32, #tpu.memory_space<vmem>>)
      tpu.yield
    }) : () -> ()
    %scan3A_22 = arith.constant 0 : i32
    %scan3A_23 = arith.constant 0 : i32
    %scan3A_24 = arith.constant 32 : i32
    %scan3A_25 = arith.addi %scan3A_23, %scan3A_24 : i32
    %scan3A_26 = arith.constant 1 : i32
    scf.for %scan3A_108 = %scan3A_23 to %scan3A_25 step %scan3A_26  : i32 {
      %get3A = arith.index_cast %scan3A_108 : i32 to index
      %get3A_109 = arith.constant 0 : index
      %get3A_110 = tpu.vector_load %arg5[%get3A, %get3A_109] {strides = array<i32>} : memref<32x200xi32, #tpu.memory_space<vmem>>, vector<1x16xi32>,
      %get3A_111 = vector.shape_cast %get3A_110 : vector<1x16xi32> to vector<16xi32>
      %add3A_112 = arith.constant 64 : i32
      %add3A_113 = arith.addi %add3A_112, %scan3A_108 : i32
      %mul3A_114 = arith.constant 200 : i32
      %mul3A_115 = arith.muli %add3A_113, %mul3A_114 : i32
      %add3A_116 = arith.constant 0 : i32
      %add3A_117 = arith.addi %mul3A_115, %add3A_116 : i32
      %swap3A = arith.index_cast %add3A_117 : i32 to index
      %swap3A_118 = tpu.vector_load %arg6[%swap3A] {strides = array<i32>} : memref<25600xi32, #tpu.memory_space<vmem>>, vector<16xi32>,
      %swap3A_119 = vector.shape_cast %swap3A_118 : vector<16xi32> to vector<16xi32>
      %swap3A_120 = vector.shape_cast %get3A_111 : vector<16xi32> to vector<16xi32>
      tpu.vector_store %arg6[%swap3A], %swap3A_120 {strides = array<i32>} : memref<25600xi32, #tpu.memory_space<vmem>>, vector<16xi32>,
      %get3A_121 = arith.index_cast %scan3A_108 : i32 to index
      %get3A_122 = arith.constant 16 : index
      %get3A_123 = tpu.vector_load %arg5[%get3A_121, %get3A_122] {strides = array<i32>} : memref<32x200xi32, #tpu.memory_space<vmem>>, vector<1x16xi32>,
      %get3A_124 = vector.shape_cast %get3A_123 : vector<1x16xi32> to vector<16xi32>
      %add3A_125 = arith.constant 64 : i32
      %add3A_126 = arith.addi %add3A_125, %scan3A_108 : i32
      %mul3A_127 = arith.constant 200 : i32
      %mul3A_128 = arith.muli %add3A_126, %mul3A_127 : i32
      %add3A_129 = arith.constant 16 : i32
      %add3A_130 = arith.addi %mul3A_128, %add3A_129 : i32
      %swap3A_131 = arith.index_cast %add3A_130 : i32 to index
      %swap3A_132 = tpu.vector_load %arg6[%swap3A_131] {strides = array<i32>} : memref<25600xi32, #tpu.memory_space<vmem>>, vector<16xi32>,
      %swap3A_133 = vector.shape_cast %swap3A_132 : vector<16xi32> to vector<16xi32>
      %swap3A_134 = vector.shape_cast %get3A_124 : vector<16xi32> to vector<16xi32>
      tpu.vector_store %arg6[%swap3A_131], %swap3A_134 {strides = array<i32>} : memref<25600xi32, #tpu.memory_space<vmem>>, vector<16xi32>,
      %get3A_135 = arith.index_cast %scan3A_108 : i32 to index
      %get3A_136 = arith.constant 32 : index
      %get3A_137 = tpu.vector_load %arg5[%get3A_135, %get3A_136] {strides = array<i32>} : memref<32x200xi32, #tpu.memory_space<vmem>>, vector<1x16xi32>,
      %get3A_138 = vector.shape_cast %get3A_137 : vector<1x16xi32> to vector<16xi32>
      %add3A_139 = arith.constant 64 : i32
      %add3A_140 = arith.addi %add3A_139, %scan3A_108 : i32
      %mul3A_141 = arith.constant 200 : i32
      %mul3A_142 = arith.muli %add3A_140, %mul3A_141 : i32
      %add3A_143 = arith.constant 32 : i32
      %add3A_144 = arith.addi %mul3A_142, %add3A_143 : i32
      %swap3A_145 = arith.index_cast %add3A_144 : i32 to index
      %swap3A_146 = tpu.vector_load %arg6[%swap3A_145] {strides = array<i32>} : memref<25600xi32, #tpu.memory_space<vmem>>, vector<16xi32>,
      %swap3A_147 = vector.shape_cast %swap3A_146 : vector<16xi32> to vector<16xi32>
      %swap3A_148 = vector.shape_cast %get3A_138 : vector<16xi32> to vector<16xi32>
      tpu.vector_store %arg6[%swap3A_145], %swap3A_148 {strides = array<i32>} : memref<25600xi32, #tpu.memory_space<vmem>>, vector<16xi32>,
      %get3A_149 = arith.index_cast %scan3A_108 : i32 to index
      %get3A_150 = arith.constant 48 : index
      %get3A_151 = tpu.vector_load %arg5[%get3A_149, %get3A_150] {strides = array<i32>} : memref<32x200xi32, #tpu.memory_space<vmem>>, vector<1x16xi32>,
      %get3A_152 = vector.shape_cast %get3A_151 : vector<1x16xi32> to vector<16xi32>
      %add3A_153 = arith.constant 64 : i32
      %add3A_154 = arith.addi %add3A_153, %scan3A_108 : i32
      %mul3A_155 = arith.constant 200 : i32
      %mul3A_156 = arith.muli %add3A_154, %mul3A_155 : i32
      %add3A_157 = arith.constant 48 : i32
      %add3A_158 = arith.addi %mul3A_156, %add3A_157 : i32
      %swap3A_159 = arith.index_cast %add3A_158 : i32 to index
      %swap3A_160 = tpu.vector_load %arg6[%swap3A_159] {strides = array<i32>} : memref<25600xi32, #tpu.memory_space<vmem>>, vector<16xi32>,
      %swap3A_161 = vector.shape_cast %swap3A_160 : vector<16xi32> to vector<16xi32>
      %swap3A_162 = vector.shape_cast %get3A_152 : vector<16xi32> to vector<16xi32>
      tpu.vector_store %arg6[%swap3A_159], %swap3A_162 {strides = array<i32>} : memref<25600xi32, #tpu.memory_space<vmem>>, vector<16xi32>,
      %get3A_163 = arith.index_cast %scan3A_108 : i32 to index
      %get3A_164 = arith.constant 64 : index
      %get3A_165 = tpu.vector_load %arg5[%get3A_163, %get3A_164] {strides = array<i32>} : memref<32x200xi32, #tpu.memory_space<vmem>>, vector<1x16xi32>,
      %get3A_166 = vector.shape_cast %get3A_165 : vector<1x16xi32> to vector<16xi32>
      %add3A_167 = arith.constant 64 : i32
      %add3A_168 = arith.addi %add3A_167, %scan3A_108 : i32
      %mul3A_169 = arith.constant 200 : i32
      %mul3A_170 = arith.muli %add3A_168, %mul3A_169 : i32
      %add3A_171 = arith.constant 64 : i32
      %add3A_172 = arith.addi %mul3A_170, %add3A_171 : i32
      %swap3A_173 = arith.index_cast %add3A_172 : i32 to index
      %swap3A_174 = tpu.vector_load %arg6[%swap3A_173] {strides = array<i32>} : memref<25600xi32, #tpu.memory_space<vmem>>, vector<16xi32>,
      %swap3A_175 = vector.shape_cast %swap3A_174 : vector<16xi32> to vector<16xi32>
      %swap3A_176 = vector.shape_cast %get3A_166 : vector<16xi32> to vector<16xi32>
      tpu.vector_store %arg6[%swap3A_173], %swap3A_176 {strides = array<i32>} : memref<25600xi32, #tpu.memory_space<vmem>>, vector<16xi32>,
      %get3A_177 = arith.index_cast %scan3A_108 : i32 to index
      %get3A_178 = arith.constant 80 : index
      %get3A_179 = tpu.vector_load %arg5[%get3A_177, %get3A_178] {strides = array<i32>} : memref<32x200xi32, #tpu.memory_space<vmem>>, vector<1x16xi32>,
      %get3A_180 = vector.shape_cast %get3A_179 : vector<1x16xi32> to vector<16xi32>
      %add3A_181 = arith.constant 64 : i32
      %add3A_182 = arith.addi %add3A_181, %scan3A_108 : i32
      %mul3A_183 = arith.constant 200 : i32
      %mul3A_184 = arith.muli %add3A_182, %mul3A_183 : i32
      %add3A_185 = arith.constant 80 : i32
      %add3A_186 = arith.addi %mul3A_184, %add3A_185 : i32
      %swap3A_187 = arith.index_cast %add3A_186 : i32 to index
      %swap3A_188 = tpu.vector_load %arg6[%swap3A_187] {strides = array<i32>} : memref<25600xi32, #tpu.memory_space<vmem>>, vector<16xi32>,
      %swap3A_189 = vector.shape_cast %swap3A_188 : vector<16xi32> to vector<16xi32>
      %swap3A_190 = vector.shape_cast %get3A_180 : vector<16xi32> to vector<16xi32>
      tpu.vector_store %arg6[%swap3A_187], %swap3A_190 {strides = array<i32>} : memref<25600xi32, #tpu.memory_space<vmem>>, vector<16xi32>,
      %get3A_191 = arith.index_cast %scan3A_108 : i32 to index
      %get3A_192 = arith.constant 96 : index
      %get3A_193 = tpu.vector_load %arg5[%get3A_191, %get3A_192] {strides = array<i32>} : memref<32x200xi32, #tpu.memory_space<vmem>>, vector<1x16xi32>,
      %get3A_194 = vector.shape_cast %get3A_193 : vector<1x16xi32> to vector<16xi32>
      %add3A_195 = arith.constant 64 : i32
      %add3A_196 = arith.addi %add3A_195, %scan3A_108 : i32
      %mul3A_197 = arith.constant 200 : i32
      %mul3A_198 = arith.muli %add3A_196, %mul3A_197 : i32
      %add3A_199 = arith.constant 96 : i32
      %add3A_200 = arith.addi %mul3A_198, %add3A_199 : i32
      %swap3A_201 = arith.index_cast %add3A_200 : i32 to index
      %swap3A_202 = tpu.vector_load %arg6[%swap3A_201] {strides = array<i32>} : memref<25600xi32, #tpu.memory_space<vmem>>, vector<16xi32>,
      %swap3A_203 = vector.shape_cast %swap3A_202 : vector<16xi32> to vector<16xi32>
      %swap3A_204 = vector.shape_cast %get3A_194 : vector<16xi32> to vector<16xi32>
      tpu.vector_store %arg6[%swap3A_201], %swap3A_204 {strides = array<i32>} : memref<25600xi32, #tpu.memory_space<vmem>>, vector<16xi32>,
      %get3A_205 = arith.index_cast %scan3A_108 : i32 to index
      %get3A_206 = arith.constant 112 : index
      %get3A_207 = tpu.vector_load %arg5[%get3A_205, %get3A_206] {strides = array<i32>} : memref<32x200xi32, #tpu.memory_space<vmem>>, vector<1x16xi32>,
      %get3A_208 = vector.shape_cast %get3A_207 : vector<1x16xi32> to vector<16xi32>
      %add3A_209 = arith.constant 64 : i32
      %add3A_210 = arith.addi %add3A_209, %scan3A_108 : i32
      %mul3A_211 = arith.constant 200 : i32
      %mul3A_212 = arith.muli %add3A_210, %mul3A_211 : i32
      %add3A_213 = arith.constant 112 : i32
      %add3A_214 = arith.addi %mul3A_212, %add3A_213 : i32
      %swap3A_215 = arith.index_cast %add3A_214 : i32 to index
      %swap3A_216 = tpu.vector_load %arg6[%swap3A_215] {strides = array<i32>} : memref<25600xi32, #tpu.memory_space<vmem>>, vector<16xi32>,
      %swap3A_217 = vector.shape_cast %swap3A_216 : vector<16xi32> to vector<16xi32>
      %swap3A_218 = vector.shape_cast %get3A_208 : vector<16xi32> to vector<16xi32>
      tpu.vector_store %arg6[%swap3A_215], %swap3A_218 {strides = array<i32>} : memref<25600xi32, #tpu.memory_space<vmem>>, vector<16xi32>,
      %get3A_219 = arith.index_cast %scan3A_108 : i32 to index
      %get3A_220 = arith.constant 128 : index
      %get3A_221 = tpu.vector_load %arg5[%get3A_219, %get3A_220] {strides = array<i32>} : memref<32x200xi32, #tpu.memory_space<vmem>>, vector<1x16xi32>,
      %get3A_222 = vector.shape_cast %get3A_221 : vector<1x16xi32> to vector<16xi32>
      %add3A_223 = arith.constant 64 : i32
      %add3A_224 = arith.addi %add3A_223, %scan3A_108 : i32
      %mul3A_225 = arith.constant 200 : i32
      %mul3A_226 = arith.muli %add3A_224, %mul3A_225 : i32
      %add3A_227 = arith.constant 128 : i32
      %add3A_228 = arith.addi %mul3A_226, %add3A_227 : i32
      %swap3A_229 = arith.index_cast %add3A_228 : i32 to index
      %swap3A_230 = tpu.vector_load %arg6[%swap3A_229] {strides = array<i32>} : memref<25600xi32, #tpu.memory_space<vmem>>, vector<16xi32>,
      %swap3A_231 = vector.shape_cast %swap3A_230 : vector<16xi32> to vector<16xi32>
      %swap3A_232 = vector.shape_cast %get3A_222 : vector<16xi32> to vector<16xi32>
      tpu.vector_store %arg6[%swap3A_229], %swap3A_232 {strides = array<i32>} : memref<25600xi32, #tpu.memory_space<vmem>>, vector<16xi32>,
      %get3A_233 = arith.index_cast %scan3A_108 : i32 to index
      %get3A_234 = arith.constant 144 : index
      %get3A_235 = tpu.vector_load %arg5[%get3A_233, %get3A_234] {strides = array<i32>} : memref<32x200xi32, #tpu.memory_space<vmem>>, vector<1x16xi32>,
      %get3A_236 = vector.shape_cast %get3A_235 : vector<1x16xi32> to vector<16xi32>
      %add3A_237 = arith.constant 64 : i32
      %add3A_238 = arith.addi %add3A_237, %scan3A_108 : i32
      %mul3A_239 = arith.constant 200 : i32
      %mul3A_240 = arith.muli %add3A_238, %mul3A_239 : i32
      %add3A_241 = arith.constant 144 : i32
      %add3A_242 = arith.addi %mul3A_240, %add3A_241 : i32
      %swap3A_243 = arith.index_cast %add3A_242 : i32 to index
      %swap3A_244 = tpu.vector_load %arg6[%swap3A_243] {strides = array<i32>} : memref<25600xi32, #tpu.memory_space<vmem>>, vector<16xi32>,
      %swap3A_245 = vector.shape_cast %swap3A_244 : vector<16xi32> to vector<16xi32>
      %swap3A_246 = vector.shape_cast %get3A_236 : vector<16xi32> to vector<16xi32>
      tpu.vector_store %arg6[%swap3A_243], %swap3A_246 {strides = array<i32>} : memref<25600xi32, #tpu.memory_space<vmem>>, vector<16xi32>,
      %get3A_247 = arith.index_cast %scan3A_108 : i32 to index
      %get3A_248 = arith.constant 160 : index
      %get3A_249 = tpu.vector_load %arg5[%get3A_247, %get3A_248] {strides = array<i32>} : memref<32x200xi32, #tpu.memory_space<vmem>>, vector<1x16xi32>,
      %get3A_250 = vector.shape_cast %get3A_249 : vector<1x16xi32> to vector<16xi32>
      %add3A_251 = arith.constant 64 : i32
      %add3A_252 = arith.addi %add3A_251, %scan3A_108 : i32
      %mul3A_253 = arith.constant 200 : i32
      %mul3A_254 = arith.muli %add3A_252, %mul3A_253 : i32
      %add3A_255 = arith.constant 160 : i32
      %add3A_256 = arith.addi %mul3A_254, %add3A_255 : i32
      %swap3A_257 = arith.index_cast %add3A_256 : i32 to index
      %swap3A_258 = tpu.vector_load %arg6[%swap3A_257] {strides = array<i32>} : memref<25600xi32, #tpu.memory_space<vmem>>, vector<16xi32>,
      %swap3A_259 = vector.shape_cast %swap3A_258 : vector<16xi32> to vector<16xi32>
      %swap3A_260 = vector.shape_cast %get3A_250 : vector<16xi32> to vector<16xi32>
      tpu.vector_store %arg6[%swap3A_257], %swap3A_260 {strides = array<i32>} : memref<25600xi32, #tpu.memory_space<vmem>>, vector<16xi32>,
      %get3A_261 = arith.index_cast %scan3A_108 : i32 to index
      %get3A_262 = arith.constant 176 : index
      %get3A_263 = tpu.vector_load %arg5[%get3A_261, %get3A_262] {strides = array<i32>} : memref<32x200xi32, #tpu.memory_space<vmem>>, vector<1x16xi32>,
      %get3A_264 = vector.shape_cast %get3A_263 : vector<1x16xi32> to vector<16xi32>
      %add3A_265 = arith.constant 64 : i32
      %add3A_266 = arith.addi %add3A_265, %scan3A_108 : i32
      %mul3A_267 = arith.constant 200 : i32
      %mul3A_268 = arith.muli %add3A_266, %mul3A_267 : i32
      %add3A_269 = arith.constant 176 : i32
      %add3A_270 = arith.addi %mul3A_268, %add3A_269 : i32
      %swap3A_271 = arith.index_cast %add3A_270 : i32 to index
      %swap3A_272 = tpu.vector_load %arg6[%swap3A_271] {strides = array<i32>} : memref<25600xi32, #tpu.memory_space<vmem>>, vector<16xi32>,
      %swap3A_273 = vector.shape_cast %swap3A_272 : vector<16xi32> to vector<16xi32>
      %swap3A_274 = vector.shape_cast %get3A_264 : vector<16xi32> to vector<16xi32>
      tpu.vector_store %arg6[%swap3A_271], %swap3A_274 {strides = array<i32>} : memref<25600xi32, #tpu.memory_space<vmem>>, vector<16xi32>,
      %get3A_275 = arith.index_cast %scan3A_108 : i32 to index
      %get3A_276 = arith.constant 184 : index
      %get3A_277 = tpu.vector_load %arg5[%get3A_275, %get3A_276] {strides = array<i32>} : memref<32x200xi32, #tpu.memory_space<vmem>>, vector<1x16xi32>,
      %get3A_278 = vector.shape_cast %get3A_277 : vector<1x16xi32> to vector<16xi32>
      %add3A_279 = arith.constant 64 : i32
      %add3A_280 = arith.addi %add3A_279, %scan3A_108 : i32
      %mul3A_281 = arith.constant 200 : i32
      %mul3A_282 = arith.muli %add3A_280, %mul3A_281 : i32
      %add3A_283 = arith.constant 184 : i32
      %add3A_284 = arith.addi %mul3A_282, %add3A_283 : i32
      %swap3A_285 = arith.index_cast %add3A_284 : i32 to index
      %swap3A_286 = tpu.vector_load %arg6[%swap3A_285] {strides = array<i32>} : memref<25600xi32, #tpu.memory_space<vmem>>, vector<16xi32>,
      %swap3A_287 = vector.shape_cast %swap3A_286 : vector<16xi32> to vector<16xi32>
      %swap3A_288 = vector.shape_cast %get3A_278 : vector<16xi32> to vector<16xi32>
      tpu.vector_store %arg6[%swap3A_285], %swap3A_288 {strides = array<i32>} : memref<25600xi32, #tpu.memory_space<vmem>>, vector<16xi32>,
    }
    %scan3A_27 = arith.constant 32 : i32
    %add3A_28 = arith.constant 96 : i32
    %add3A_29 = arith.addi %mul3A_2, %add3A_28 : i32
    "tpu.region"() ({
      %run_scoped3A = tpu.sem_alloc : memref<!tpu.dma_semaphore, #tpu.memory_space<semaphore_mem>>
      %dma_start3A_108 = arith.constant 0 : i32
      %dma_start3A_109 = tpu.memref_slice %arg2[%add3A_29, %dma_start3A_108] : memref<4096x200xi32, #tpu.memory_space<hbm>> -> memref<32x200xi32, #tpu.memory_space<hbm>>
      %dma_start3A_110 = arith.constant 0 : i32
      %dma_start3A_111 = tpu.memref_slice %arg2[%add3A_29, %dma_start3A_110] : memref<4096x200xi32, #tpu.memory_space<hbm>> -> memref<32x200xi32, #tpu.memory_space<hbm>>
      tpu.enqueue_dma source(%dma_start3A_111 : memref<32x200xi32, #tpu.memory_space<hbm>>) target(%arg5 : memref<32x200xi32, #tpu.memory_space<vmem>>) target_semaphore(%run_scoped3A : memref<!tpu.dma_semaphore, #tpu.memory_space<semaphore_mem>>)
      %dma_wait3A_112 = arith.constant 0 : i32
      %dma_wait3A_113 = tpu.memref_slice %arg2[%add3A_29, %dma_wait3A_112] : memref<4096x200xi32, #tpu.memory_space<hbm>> -> memref<32x200xi32, #tpu.memory_space<hbm>>
      %dma_wait3A_114 = arith.constant 0 : i32
      %dma_wait3A_115 = tpu.memref_slice %arg2[%add3A_29, %dma_wait3A_114] : memref<4096x200xi32, #tpu.memory_space<hbm>> -> memref<32x200xi32, #tpu.memory_space<hbm>>
      tpu.wait_dma2 semaphore(%run_scoped3A : memref<!tpu.dma_semaphore, #tpu.memory_space<semaphore_mem>>) src(%dma_wait3A_115 : memref<32x200xi32, #tpu.memory_space<hbm>>) dst(%arg5 : memref<32x200xi32, #tpu.memory_space<vmem>>)
      tpu.yield
    }) : () -> ()
    %scan3A_30 = arith.constant 0 : i32
    %scan3A_31 = arith.constant 0 : i32
    %scan3A_32 = arith.constant 32 : i32
    %scan3A_33 = arith.addi %scan3A_31, %scan3A_32 : i32
    %scan3A_34 = arith.constant 1 : i32
    scf.for %scan3A_108 = %scan3A_31 to %scan3A_33 step %scan3A_34  : i32 {
      %get3A = arith.index_cast %scan3A_108 : i32 to index
      %get3A_109 = arith.constant 0 : index
      %get3A_110 = tpu.vector_load %arg5[%get3A, %get3A_109] {strides = array<i32>} : memref<32x200xi32, #tpu.memory_space<vmem>>, vector<1x16xi32>,
      %get3A_111 = vector.shape_cast %get3A_110 : vector<1x16xi32> to vector<16xi32>
      %add3A_112 = arith.constant 96 : i32
      %add3A_113 = arith.addi %add3A_112, %scan3A_108 : i32
      %mul3A_114 = arith.constant 200 : i32
      %mul3A_115 = arith.muli %add3A_113, %mul3A_114 : i32
      %add3A_116 = arith.constant 0 : i32
      %add3A_117 = arith.addi %mul3A_115, %add3A_116 : i32
      %swap3A = arith.index_cast %add3A_117 : i32 to index
      %swap3A_118 = tpu.vector_load %arg6[%swap3A] {strides = array<i32>} : memref<25600xi32, #tpu.memory_space<vmem>>, vector<16xi32>,
      %swap3A_119 = vector.shape_cast %swap3A_118 : vector<16xi32> to vector<16xi32>
      %swap3A_120 = vector.shape_cast %get3A_111 : vector<16xi32> to vector<16xi32>
      tpu.vector_store %arg6[%swap3A], %swap3A_120 {strides = array<i32>} : memref<25600xi32, #tpu.memory_space<vmem>>, vector<16xi32>,
      %get3A_121 = arith.index_cast %scan3A_108 : i32 to index
      %get3A_122 = arith.constant 16 : index
      %get3A_123 = tpu.vector_load %arg5[%get3A_121, %get3A_122] {strides = array<i32>} : memref<32x200xi32, #tpu.memory_space<vmem>>, vector<1x16xi32>,
      %get3A_124 = vector.shape_cast %get3A_123 : vector<1x16xi32> to vector<16xi32>
      %add3A_125 = arith.constant 96 : i32
      %add3A_126 = arith.addi %add3A_125, %scan3A_108 : i32
      %mul3A_127 = arith.constant 200 : i32
      %mul3A_128 = arith.muli %add3A_126, %mul3A_127 : i32
      %add3A_129 = arith.constant 16 : i32
      %add3A_130 = arith.addi %mul3A_128, %add3A_129 : i32
      %swap3A_131 = arith.index_cast %add3A_130 : i32 to index
      %swap3A_132 = tpu.vector_load %arg6[%swap3A_131] {strides = array<i32>} : memref<25600xi32, #tpu.memory_space<vmem>>, vector<16xi32>,
      %swap3A_133 = vector.shape_cast %swap3A_132 : vector<16xi32> to vector<16xi32>
      %swap3A_134 = vector.shape_cast %get3A_124 : vector<16xi32> to vector<16xi32>
      tpu.vector_store %arg6[%swap3A_131], %swap3A_134 {strides = array<i32>} : memref<25600xi32, #tpu.memory_space<vmem>>, vector<16xi32>,
      %get3A_135 = arith.index_cast %scan3A_108 : i32 to index
      %get3A_136 = arith.constant 32 : index
      %get3A_137 = tpu.vector_load %arg5[%get3A_135, %get3A_136] {strides = array<i32>} : memref<32x200xi32, #tpu.memory_space<vmem>>, vector<1x16xi32>,
      %get3A_138 = vector.shape_cast %get3A_137 : vector<1x16xi32> to vector<16xi32>
      %add3A_139 = arith.constant 96 : i32
      %add3A_140 = arith.addi %add3A_139, %scan3A_108 : i32
      %mul3A_141 = arith.constant 200 : i32
      %mul3A_142 = arith.muli %add3A_140, %mul3A_141 : i32
      %add3A_143 = arith.constant 32 : i32
      %add3A_144 = arith.addi %mul3A_142, %add3A_143 : i32
      %swap3A_145 = arith.index_cast %add3A_144 : i32 to index
      %swap3A_146 = tpu.vector_load %arg6[%swap3A_145] {strides = array<i32>} : memref<25600xi32, #tpu.memory_space<vmem>>, vector<16xi32>,
      %swap3A_147 = vector.shape_cast %swap3A_146 : vector<16xi32> to vector<16xi32>
      %swap3A_148 = vector.shape_cast %get3A_138 : vector<16xi32> to vector<16xi32>
      tpu.vector_store %arg6[%swap3A_145], %swap3A_148 {strides = array<i32>} : memref<25600xi32, #tpu.memory_space<vmem>>, vector<16xi32>,
      %get3A_149 = arith.index_cast %scan3A_108 : i32 to index
      %get3A_150 = arith.constant 48 : index
      %get3A_151 = tpu.vector_load %arg5[%get3A_149, %get3A_150] {strides = array<i32>} : memref<32x200xi32, #tpu.memory_space<vmem>>, vector<1x16xi32>,
      %get3A_152 = vector.shape_cast %get3A_151 : vector<1x16xi32> to vector<16xi32>
      %add3A_153 = arith.constant 96 : i32
      %add3A_154 = arith.addi %add3A_153, %scan3A_108 : i32
      %mul3A_155 = arith.constant 200 : i32
      %mul3A_156 = arith.muli %add3A_154, %mul3A_155 : i32
      %add3A_157 = arith.constant 48 : i32
      %add3A_158 = arith.addi %mul3A_156, %add3A_157 : i32
      %swap3A_159 = arith.index_cast %add3A_158 : i32 to index
      %swap3A_160 = tpu.vector_load %arg6[%swap3A_159] {strides = array<i32>} : memref<25600xi32, #tpu.memory_space<vmem>>, vector<16xi32>,
      %swap3A_161 = vector.shape_cast %swap3A_160 : vector<16xi32> to vector<16xi32>
      %swap3A_162 = vector.shape_cast %get3A_152 : vector<16xi32> to vector<16xi32>
      tpu.vector_store %arg6[%swap3A_159], %swap3A_162 {strides = array<i32>} : memref<25600xi32, #tpu.memory_space<vmem>>, vector<16xi32>,
      %get3A_163 = arith.index_cast %scan3A_108 : i32 to index
      %get3A_164 = arith.constant 64 : index
      %get3A_165 = tpu.vector_load %arg5[%get3A_163, %get3A_164] {strides = array<i32>} : memref<32x200xi32, #tpu.memory_space<vmem>>, vector<1x16xi32>,
      %get3A_166 = vector.shape_cast %get3A_165 : vector<1x16xi32> to vector<16xi32>
      %add3A_167 = arith.constant 96 : i32
      %add3A_168 = arith.addi %add3A_167, %scan3A_108 : i32
      %mul3A_169 = arith.constant 200 : i32
      %mul3A_170 = arith.muli %add3A_168, %mul3A_169 : i32
      %add3A_171 = arith.constant 64 : i32
      %add3A_172 = arith.addi %mul3A_170, %add3A_171 : i32
      %swap3A_173 = arith.index_cast %add3A_172 : i32 to index
      %swap3A_174 = tpu.vector_load %arg6[%swap3A_173] {strides = array<i32>} : memref<25600xi32, #tpu.memory_space<vmem>>, vector<16xi32>,
      %swap3A_175 = vector.shape_cast %swap3A_174 : vector<16xi32> to vector<16xi32>
      %swap3A_176 = vector.shape_cast %get3A_166 : vector<16xi32> to vector<16xi32>
      tpu.vector_store %arg6[%swap3A_173], %swap3A_176 {strides = array<i32>} : memref<25600xi32, #tpu.memory_space<vmem>>, vector<16xi32>,
      %get3A_177 = arith.index_cast %scan3A_108 : i32 to index
      %get3A_178 = arith.constant 80 : index
      %get3A_179 = tpu.vector_load %arg5[%get3A_177, %get3A_178] {strides = array<i32>} : memref<32x200xi32, #tpu.memory_space<vmem>>, vector<1x16xi32>,
      %get3A_180 = vector.shape_cast %get3A_179 : vector<1x16xi32> to vector<16xi32>
      %add3A_181 = arith.constant 96 : i32
      %add3A_182 = arith.addi %add3A_181, %scan3A_108 : i32
      %mul3A_183 = arith.constant 200 : i32
      %mul3A_184 = arith.muli %add3A_182, %mul3A_183 : i32
      %add3A_185 = arith.constant 80 : i32
      %add3A_186 = arith.addi %mul3A_184, %add3A_185 : i32
      %swap3A_187 = arith.index_cast %add3A_186 : i32 to index
      %swap3A_188 = tpu.vector_load %arg6[%swap3A_187] {strides = array<i32>} : memref<25600xi32, #tpu.memory_space<vmem>>, vector<16xi32>,
      %swap3A_189 = vector.shape_cast %swap3A_188 : vector<16xi32> to vector<16xi32>
      %swap3A_190 = vector.shape_cast %get3A_180 : vector<16xi32> to vector<16xi32>
      tpu.vector_store %arg6[%swap3A_187], %swap3A_190 {strides = array<i32>} : memref<25600xi32, #tpu.memory_space<vmem>>, vector<16xi32>,
      %get3A_191 = arith.index_cast %scan3A_108 : i32 to index
      %get3A_192 = arith.constant 96 : index
      %get3A_193 = tpu.vector_load %arg5[%get3A_191, %get3A_192] {strides = array<i32>} : memref<32x200xi32, #tpu.memory_space<vmem>>, vector<1x16xi32>,
      %get3A_194 = vector.shape_cast %get3A_193 : vector<1x16xi32> to vector<16xi32>
      %add3A_195 = arith.constant 96 : i32
      %add3A_196 = arith.addi %add3A_195, %scan3A_108 : i32
      %mul3A_197 = arith.constant 200 : i32
      %mul3A_198 = arith.muli %add3A_196, %mul3A_197 : i32
      %add3A_199 = arith.constant 96 : i32
      %add3A_200 = arith.addi %mul3A_198, %add3A_199 : i32
      %swap3A_201 = arith.index_cast %add3A_200 : i32 to index
      %swap3A_202 = tpu.vector_load %arg6[%swap3A_201] {strides = array<i32>} : memref<25600xi32, #tpu.memory_space<vmem>>, vector<16xi32>,
      %swap3A_203 = vector.shape_cast %swap3A_202 : vector<16xi32> to vector<16xi32>
      %swap3A_204 = vector.shape_cast %get3A_194 : vector<16xi32> to vector<16xi32>
      tpu.vector_store %arg6[%swap3A_201], %swap3A_204 {strides = array<i32>} : memref<25600xi32, #tpu.memory_space<vmem>>, vector<16xi32>,
      %get3A_205 = arith.index_cast %scan3A_108 : i32 to index
      %get3A_206 = arith.constant 112 : index
      %get3A_207 = tpu.vector_load %arg5[%get3A_205, %get3A_206] {strides = array<i32>} : memref<32x200xi32, #tpu.memory_space<vmem>>, vector<1x16xi32>,
      %get3A_208 = vector.shape_cast %get3A_207 : vector<1x16xi32> to vector<16xi32>
      %add3A_209 = arith.constant 96 : i32
      %add3A_210 = arith.addi %add3A_209, %scan3A_108 : i32
      %mul3A_211 = arith.constant 200 : i32
      %mul3A_212 = arith.muli %add3A_210, %mul3A_211 : i32
      %add3A_213 = arith.constant 112 : i32
      %add3A_214 = arith.addi %mul3A_212, %add3A_213 : i32
      %swap3A_215 = arith.index_cast %add3A_214 : i32 to index
      %swap3A_216 = tpu.vector_load %arg6[%swap3A_215] {strides = array<i32>} : memref<25600xi32, #tpu.memory_space<vmem>>, vector<16xi32>,
      %swap3A_217 = vector.shape_cast %swap3A_216 : vector<16xi32> to vector<16xi32>
      %swap3A_218 = vector.shape_cast %get3A_208 : vector<16xi32> to vector<16xi32>
      tpu.vector_store %arg6[%swap3A_215], %swap3A_218 {strides = array<i32>} : memref<25600xi32, #tpu.memory_space<vmem>>, vector<16xi32>,
      %get3A_219 = arith.index_cast %scan3A_108 : i32 to index
      %get3A_220 = arith.constant 128 : index
      %get3A_221 = tpu.vector_load %arg5[%get3A_219, %get3A_220] {strides = array<i32>} : memref<32x200xi32, #tpu.memory_space<vmem>>, vector<1x16xi32>,
      %get3A_222 = vector.shape_cast %get3A_221 : vector<1x16xi32> to vector<16xi32>
      %add3A_223 = arith.constant 96 : i32
      %add3A_224 = arith.addi %add3A_223, %scan3A_108 : i32
      %mul3A_225 = arith.constant 200 : i32
      %mul3A_226 = arith.muli %add3A_224, %mul3A_225 : i32
      %add3A_227 = arith.constant 128 : i32
      %add3A_228 = arith.addi %mul3A_226, %add3A_227 : i32
      %swap3A_229 = arith.index_cast %add3A_228 : i32 to index
      %swap3A_230 = tpu.vector_load %arg6[%swap3A_229] {strides = array<i32>} : memref<25600xi32, #tpu.memory_space<vmem>>, vector<16xi32>,
      %swap3A_231 = vector.shape_cast %swap3A_230 : vector<16xi32> to vector<16xi32>
      %swap3A_232 = vector.shape_cast %get3A_222 : vector<16xi32> to vector<16xi32>
      tpu.vector_store %arg6[%swap3A_229], %swap3A_232 {strides = array<i32>} : memref<25600xi32, #tpu.memory_space<vmem>>, vector<16xi32>,
      %get3A_233 = arith.index_cast %scan3A_108 : i32 to index
      %get3A_234 = arith.constant 144 : index
      %get3A_235 = tpu.vector_load %arg5[%get3A_233, %get3A_234] {strides = array<i32>} : memref<32x200xi32, #tpu.memory_space<vmem>>, vector<1x16xi32>,
      %get3A_236 = vector.shape_cast %get3A_235 : vector<1x16xi32> to vector<16xi32>
      %add3A_237 = arith.constant 96 : i32
      %add3A_238 = arith.addi %add3A_237, %scan3A_108 : i32
      %mul3A_239 = arith.constant 200 : i32
      %mul3A_240 = arith.muli %add3A_238, %mul3A_239 : i32
      %add3A_241 = arith.constant 144 : i32
      %add3A_242 = arith.addi %mul3A_240, %add3A_241 : i32
      %swap3A_243 = arith.index_cast %add3A_242 : i32 to index
      %swap3A_244 = tpu.vector_load %arg6[%swap3A_243] {strides = array<i32>} : memref<25600xi32, #tpu.memory_space<vmem>>, vector<16xi32>,
      %swap3A_245 = vector.shape_cast %swap3A_244 : vector<16xi32> to vector<16xi32>
      %swap3A_246 = vector.shape_cast %get3A_236 : vector<16xi32> to vector<16xi32>
      tpu.vector_store %arg6[%swap3A_243], %swap3A_246 {strides = array<i32>} : memref<25600xi32, #tpu.memory_space<vmem>>, vector<16xi32>,
      %get3A_247 = arith.index_cast %scan3A_108 : i32 to index
      %get3A_248 = arith.constant 160 : index
      %get3A_249 = tpu.vector_load %arg5[%get3A_247, %get3A_248] {strides = array<i32>} : memref<32x200xi32, #tpu.memory_space<vmem>>, vector<1x16xi32>,
      %get3A_250 = vector.shape_cast %get3A_249 : vector<1x16xi32> to vector<16xi32>
      %add3A_251 = arith.constant 96 : i32
      %add3A_252 = arith.addi %add3A_251, %scan3A_108 : i32
      %mul3A_253 = arith.constant 200 : i32
      %mul3A_254 = arith.muli %add3A_252, %mul3A_253 : i32
      %add3A_255 = arith.constant 160 : i32
      %add3A_256 = arith.addi %mul3A_254, %add3A_255 : i32
      %swap3A_257 = arith.index_cast %add3A_256 : i32 to index
      %swap3A_258 = tpu.vector_load %arg6[%swap3A_257] {strides = array<i32>} : memref<25600xi32, #tpu.memory_space<vmem>>, vector<16xi32>,
      %swap3A_259 = vector.shape_cast %swap3A_258 : vector<16xi32> to vector<16xi32>
      %swap3A_260 = vector.shape_cast %get3A_250 : vector<16xi32> to vector<16xi32>
      tpu.vector_store %arg6[%swap3A_257], %swap3A_260 {strides = array<i32>} : memref<25600xi32, #tpu.memory_space<vmem>>, vector<16xi32>,
      %get3A_261 = arith.index_cast %scan3A_108 : i32 to index
      %get3A_262 = arith.constant 176 : index
      %get3A_263 = tpu.vector_load %arg5[%get3A_261, %get3A_262] {strides = array<i32>} : memref<32x200xi32, #tpu.memory_space<vmem>>, vector<1x16xi32>,
      %get3A_264 = vector.shape_cast %get3A_263 : vector<1x16xi32> to vector<16xi32>
      %add3A_265 = arith.constant 96 : i32
      %add3A_266 = arith.addi %add3A_265, %scan3A_108 : i32
      %mul3A_267 = arith.constant 200 : i32
      %mul3A_268 = arith.muli %add3A_266, %mul3A_267 : i32
      %add3A_269 = arith.constant 176 : i32
      %add3A_270 = arith.addi %mul3A_268, %add3A_269 : i32
      %swap3A_271 = arith.index_cast %add3A_270 : i32 to index
      %swap3A_272 = tpu.vector_load %arg6[%swap3A_271] {strides = array<i32>} : memref<25600xi32, #tpu.memory_space<vmem>>, vector<16xi32>,
      %swap3A_273 = vector.shape_cast %swap3A_272 : vector<16xi32> to vector<16xi32>
      %swap3A_274 = vector.shape_cast %get3A_264 : vector<16xi32> to vector<16xi32>
      tpu.vector_store %arg6[%swap3A_271], %swap3A_274 {strides = array<i32>} : memref<25600xi32, #tpu.memory_space<vmem>>, vector<16xi32>,
      %get3A_275 = arith.index_cast %scan3A_108 : i32 to index
      %get3A_276 = arith.constant 184 : index
      %get3A_277 = tpu.vector_load %arg5[%get3A_275, %get3A_276] {strides = array<i32>} : memref<32x200xi32, #tpu.memory_space<vmem>>, vector<1x16xi32>,
      %get3A_278 = vector.shape_cast %get3A_277 : vector<1x16xi32> to vector<16xi32>
      %add3A_279 = arith.constant 96 : i32
      %add3A_280 = arith.addi %add3A_279, %scan3A_108 : i32
      %mul3A_281 = arith.constant 200 : i32
      %mul3A_282 = arith.muli %add3A_280, %mul3A_281 : i32
      %add3A_283 = arith.constant 184 : i32
      %add3A_284 = arith.addi %mul3A_282, %add3A_283 : i32
      %swap3A_285 = arith.index_cast %add3A_284 : i32 to index
      %swap3A_286 = tpu.vector_load %arg6[%swap3A_285] {strides = array<i32>} : memref<25600xi32, #tpu.memory_space<vmem>>, vector<16xi32>,
      %swap3A_287 = vector.shape_cast %swap3A_286 : vector<16xi32> to vector<16xi32>
      %swap3A_288 = vector.shape_cast %get3A_278 : vector<16xi32> to vector<16xi32>
      tpu.vector_store %arg6[%swap3A_285], %swap3A_288 {strides = array<i32>} : memref<25600xi32, #tpu.memory_space<vmem>>, vector<16xi32>,
    }
    %scan3A_35 = arith.constant 32 : i32
    %dma_start3A = arith.constant 0 : i32
    %dma_start3A_36 = arith.constant 0 : i32
    %dma_start3A_37 = tpu.memref_slice %arg6[%dma_start3A_36] : memref<25600xi32, #tpu.memory_space<vmem>> -> memref<80xi32, #tpu.memory_space<vmem>>
    %dma_start3A_38 = arith.constant 0 : i32
    %dma_start3A_39 = arith.constant 0 : i32
    %dma_start3A_40 = tpu.memref_slice %arg3[%dma_start3A_38, %dma_start3A_39] : memref<1000000x128xf32, #tpu.memory_space<hbm>> -> memref<1000000x128xf32, #tpu.memory_space<hbm>>
    %dma_start3A_41 = tpu.memref_slice %arg15[%dma_start3A] : memref<4x!tpu.dma_semaphore, #tpu.memory_space<semaphore_mem>> -> memref<1x!tpu.dma_semaphore, #tpu.memory_space<semaphore_mem>>
    %dma_start3A_42 = tpu.memref_squeeze %dma_start3A_41 : memref<1x!tpu.dma_semaphore, #tpu.memory_space<semaphore_mem>> -> memref<!tpu.dma_semaphore, #tpu.memory_space<semaphore_mem>>
    tpu.enqueue_indirect_dma source(%dma_start3A_40 : memref<1000000x128xf32, #tpu.memory_space<hbm>>) target(%arg7 : memref<80x128xf32, #tpu.memory_space<vmem>>) offsets(%dma_start3A_37 : memref<80xi32, #tpu.memory_space<vmem>>) semaphore(%dma_start3A_42 : memref<!tpu.dma_semaphore, #tpu.memory_space<semaphore_mem>>)
    %dma_start3A_43 = arith.constant 1 : i32
    %dma_start3A_44 = arith.constant 80 : i32
    %dma_start3A_45 = tpu.memref_slice %arg6[%dma_start3A_44] : memref<25600xi32, #tpu.memory_space<vmem>> -> memref<80xi32, #tpu.memory_space<vmem>>
    %dma_start3A_46 = arith.constant 0 : i32
    %dma_start3A_47 = arith.constant 0 : i32
    %dma_start3A_48 = tpu.memref_slice %arg3[%dma_start3A_46, %dma_start3A_47] : memref<1000000x128xf32, #tpu.memory_space<hbm>> -> memref<1000000x128xf32, #tpu.memory_space<hbm>>
    %dma_start3A_49 = tpu.memref_slice %arg15[%dma_start3A_43] : memref<4x!tpu.dma_semaphore, #tpu.memory_space<semaphore_mem>> -> memref<1x!tpu.dma_semaphore, #tpu.memory_space<semaphore_mem>>
    %dma_start3A_50 = tpu.memref_squeeze %dma_start3A_49 : memref<1x!tpu.dma_semaphore, #tpu.memory_space<semaphore_mem>> -> memref<!tpu.dma_semaphore, #tpu.memory_space<semaphore_mem>>
    tpu.enqueue_indirect_dma source(%dma_start3A_48 : memref<1000000x128xf32, #tpu.memory_space<hbm>>) target(%arg8 : memref<80x128xf32, #tpu.memory_space<vmem>>) offsets(%dma_start3A_45 : memref<80xi32, #tpu.memory_space<vmem>>) semaphore(%dma_start3A_50 : memref<!tpu.dma_semaphore, #tpu.memory_space<semaphore_mem>>)
    %dma_start3A_51 = arith.constant 2 : i32
    %dma_start3A_52 = arith.constant 160 : i32
    %dma_start3A_53 = tpu.memref_slice %arg6[%dma_start3A_52] : memref<25600xi32, #tpu.memory_space<vmem>> -> memref<80xi32, #tpu.memory_space<vmem>>
    %dma_start3A_54 = arith.constant 0 : i32
    %dma_start3A_55 = arith.constant 0 : i32
    %dma_start3A_56 = tpu.memref_slice %arg3[%dma_start3A_54, %dma_start3A_55] : memref<1000000x128xf32, #tpu.memory_space<hbm>> -> memref<1000000x128xf32, #tpu.memory_space<hbm>>
    %dma_start3A_57 = tpu.memref_slice %arg15[%dma_start3A_51] : memref<4x!tpu.dma_semaphore, #tpu.memory_space<semaphore_mem>> -> memref<1x!tpu.dma_semaphore, #tpu.memory_space<semaphore_mem>>
    %dma_start3A_58 = tpu.memref_squeeze %dma_start3A_57 : memref<1x!tpu.dma_semaphore, #tpu.memory_space<semaphore_mem>> -> memref<!tpu.dma_semaphore, #tpu.memory_space<semaphore_mem>>
    tpu.enqueue_indirect_dma source(%dma_start3A_56 : memref<1000000x128xf32, #tpu.memory_space<hbm>>) target(%arg9 : memref<80x128xf32, #tpu.memory_space<vmem>>) offsets(%dma_start3A_53 : memref<80xi32, #tpu.memory_space<vmem>>) semaphore(%dma_start3A_58 : memref<!tpu.dma_semaphore, #tpu.memory_space<semaphore_mem>>)
    %dma_start3A_59 = arith.constant 3 : i32
    %dma_start3A_60 = arith.constant 240 : i32
    %dma_start3A_61 = tpu.memref_slice %arg6[%dma_start3A_60] : memref<25600xi32, #tpu.memory_space<vmem>> -> memref<80xi32, #tpu.memory_space<vmem>>
    %dma_start3A_62 = arith.constant 0 : i32
    %dma_start3A_63 = arith.constant 0 : i32
    %dma_start3A_64 = tpu.memref_slice %arg3[%dma_start3A_62, %dma_start3A_63] : memref<1000000x128xf32, #tpu.memory_space<hbm>> -> memref<1000000x128xf32, #tpu.memory_space<hbm>>
    %dma_start3A_65 = tpu.memref_slice %arg15[%dma_start3A_59] : memref<4x!tpu.dma_semaphore, #tpu.memory_space<semaphore_mem>> -> memref<1x!tpu.dma_semaphore, #tpu.memory_space<semaphore_mem>>
    %dma_start3A_66 = tpu.memref_squeeze %dma_start3A_65 : memref<1x!tpu.dma_semaphore, #tpu.memory_space<semaphore_mem>> -> memref<!tpu.dma_semaphore, #tpu.memory_space<semaphore_mem>>
    tpu.enqueue_indirect_dma source(%dma_start3A_64 : memref<1000000x128xf32, #tpu.memory_space<hbm>>) target(%arg10 : memref<80x128xf32, #tpu.memory_space<vmem>>) offsets(%dma_start3A_61 : memref<80xi32, #tpu.memory_space<vmem>>) semaphore(%dma_start3A_66 : memref<!tpu.dma_semaphore, #tpu.memory_space<semaphore_mem>>)
    %scan3A_67 = arith.constant 0 : i32
    %scan3A_68 = arith.constant 0 : i32
    %scan3A_69 = arith.constant 80 : i32
    %scan3A_70 = arith.addi %scan3A_68, %scan3A_69 : i32
    %scan3A_71 = arith.constant 1 : i32
    scf.for %scan3A_108 = %scan3A_68 to %scan3A_70 step %scan3A_71  : i32 {
      %mul3A_109 = arith.constant 4 : i32
      %mul3A_110 = arith.muli %scan3A_108, %mul3A_109 : i32
      %add3A_111 = arith.constant 0 : i32
      %add3A_112 = arith.addi %mul3A_110, %add3A_111 : i32
      %mul3A_113 = arith.constant 80 : i32
      %mul3A_114 = arith.muli %add3A_112, %mul3A_113 : i32
      %dma_wait3A_115 = arith.constant 0 : i32
      %dma_wait3A_116 = tpu.memref_slice %arg6[%mul3A_114] : memref<25600xi32, #tpu.memory_space<vmem>> -> memref<80xi32, #tpu.memory_space<vmem>>
      %dma_wait3A_117 = arith.constant 0 : i32
      %dma_wait3A_118 = arith.constant 0 : i32
      %dma_wait3A_119 = tpu.memref_slice %arg3[%dma_wait3A_117, %dma_wait3A_118] : memref<1000000x128xf32, #tpu.memory_space<hbm>> -> memref<1000000x128xf32, #tpu.memory_space<hbm>>
      %dma_wait3A_120 = tpu.memref_slice %arg15[%dma_wait3A_115] : memref<4x!tpu.dma_semaphore, #tpu.memory_space<semaphore_mem>> -> memref<1x!tpu.dma_semaphore, #tpu.memory_space<semaphore_mem>>
      %dma_wait3A_121 = tpu.memref_squeeze %dma_wait3A_120 : memref<1x!tpu.dma_semaphore, #tpu.memory_space<semaphore_mem>> -> memref<!tpu.dma_semaphore, #tpu.memory_space<semaphore_mem>>
      tpu.wait_indirect_dma semaphore(%dma_wait3A_121 : memref<!tpu.dma_semaphore, #tpu.memory_space<semaphore_mem>>) src(%dma_wait3A_119 : memref<1000000x128xf32, #tpu.memory_space<hbm>>) dst(%arg7 : memref<80x128xf32, #tpu.memory_space<vmem>>)
      %ge3A = arith.constant 4 : i32
      %ge3A_122 = arith.cmpi sge, %add3A_112, %ge3A : i32
      %convert_element_type3A = arith.extui %ge3A_122 : i1 to i32
      %cond3A = arith.constant 0 : i32
      %cond3A_123 = arith.cmpi ne, %convert_element_type3A, %cond3A : i32
      scf.if %cond3A_123 {
        %sub3A = arith.constant 4 : i32
        %sub3A_269 = arith.subi %add3A_112, %sub3A : i32
        %mul3A_270 = arith.constant 80 : i32
        %mul3A_271 = arith.muli %sub3A_269, %mul3A_270 : i32
        %add3A_272 = arith.addi %mul3A_4, %mul3A_271 : i32
        %dma_wait3A_273 = arith.constant 0 : i32
        %dma_wait3A_274 = arith.constant 0 : i32
        %dma_wait3A_275 = tpu.memref_slice %arg4[%add3A_272, %dma_wait3A_274] : memref<819200x64xf32, #tpu.memory_space<hbm>> -> memref<80x64xf32, #tpu.memory_space<hbm>>
        %dma_wait3A_276 = tpu.memref_slice %arg16[%dma_wait3A_273] : memref<4x!tpu.dma_semaphore, #tpu.memory_space<semaphore_mem>> -> memref<1x!tpu.dma_semaphore, #tpu.memory_space<semaphore_mem>>
        %dma_wait3A_277 = tpu.memref_squeeze %dma_wait3A_276 : memref<1x!tpu.dma_semaphore, #tpu.memory_space<semaphore_mem>> -> memref<!tpu.dma_semaphore, #tpu.memory_space<semaphore_mem>>
        %dma_wait3A_278 = arith.constant 0 : i32
        %dma_wait3A_279 = tpu.memref_slice %arg4[%add3A_272, %dma_wait3A_278] : memref<819200x64xf32, #tpu.memory_space<hbm>> -> memref<80x64xf32, #tpu.memory_space<hbm>>
        tpu.wait_dma2 semaphore(%dma_wait3A_277 : memref<!tpu.dma_semaphore, #tpu.memory_space<semaphore_mem>>) src(%arg11 : memref<80x64xf32, #tpu.memory_space<vmem>>) dst(%dma_wait3A_279 : memref<80x64xf32, #tpu.memory_space<hbm>>)
      } else {
      }
      %scan3A_124 = arith.constant 0 : i32
      %scan3A_125 = arith.constant 0 : i32
      %scan3A_126 = arith.constant 10 : i32
      %scan3A_127 = arith.addi %scan3A_125, %scan3A_126 : i32
      %scan3A_128 = arith.constant 1 : i32
      scf.for %scan3A_269 = %scan3A_125 to %scan3A_127 step %scan3A_128  : i32 {
        %mul3A_270 = arith.constant 8 : i32
        %mul3A_271 = arith.muli %scan3A_269, %mul3A_270 : i32
        %add3A_272 = arith.constant 0 : i32
        %add3A_273 = arith.addi %mul3A_271, %add3A_272 : i32
        %get3A = arith.index_cast %add3A_273 : i32 to index
        %get3A_274 = arith.constant 0 : index
        %get3A_275 = tpu.vector_load %arg7[%get3A, %get3A_274] {strides = array<i32>} : memref<80x128xf32, #tpu.memory_space<vmem>>, vector<1x16xf32>,
        %get3A_276 = vector.shape_cast %get3A_275 : vector<1x16xf32> to vector<16xf32>
        %mul3A_277 = arith.constant 8.000000e+00 : f32
        %mul3A_278 = vector.broadcast %mul3A_277 : f32 to vector<16xf32>
        %mul3A_279 = arith.mulf %get3A_276, %mul3A_278 : vector<16xf32>
        %add3A_280 = arith.constant 0 : i32
        %add3A_281 = arith.addi %mul3A_271, %add3A_280 : i32
        %swap3A = arith.index_cast %add3A_281 : i32 to index
        %swap3A_282 = arith.constant 0 : index
        %swap3A_283 = tpu.vector_load %arg11[%swap3A, %swap3A_282] {strides = array<i32>} : memref<80x64xf32, #tpu.memory_space<vmem>>, vector<1x16xf32>,
        %swap3A_284 = vector.shape_cast %swap3A_283 : vector<1x16xf32> to vector<16xf32>
        %swap3A_285 = vector.shape_cast %mul3A_279 : vector<16xf32> to vector<1x16xf32>
        tpu.vector_store %arg11[%swap3A, %swap3A_282], %swap3A_285 {strides = array<i32>} : memref<80x64xf32, #tpu.memory_space<vmem>>, vector<1x16xf32>,
        %add3A_286 = arith.constant 0 : i32
        %add3A_287 = arith.addi %mul3A_271, %add3A_286 : i32
        %get3A_288 = arith.index_cast %add3A_287 : i32 to index
        %get3A_289 = arith.constant 16 : index
        %get3A_290 = tpu.vector_load %arg7[%get3A_288, %get3A_289] {strides = array<i32>} : memref<80x128xf32, #tpu.memory_space<vmem>>, vector<1x16xf32>,
        %get3A_291 = vector.shape_cast %get3A_290 : vector<1x16xf32> to vector<16xf32>
        %mul3A_292 = arith.constant 8.000000e+00 : f32
        %mul3A_293 = vector.broadcast %mul3A_292 : f32 to vector<16xf32>
        %mul3A_294 = arith.mulf %get3A_291, %mul3A_293 : vector<16xf32>
        %add3A_295 = arith.constant 0 : i32
        %add3A_296 = arith.addi %mul3A_271, %add3A_295 : i32
        %swap3A_297 = arith.index_cast %add3A_296 : i32 to index
        %swap3A_298 = arith.constant 16 : index
        %swap3A_299 = tpu.vector_load %arg11[%swap3A_297, %swap3A_298] {strides = array<i32>} : memref<80x64xf32, #tpu.memory_space<vmem>>, vector<1x16xf32>,
        %swap3A_300 = vector.shape_cast %swap3A_299 : vector<1x16xf32> to vector<16xf32>
        %swap3A_301 = vector.shape_cast %mul3A_294 : vector<16xf32> to vector<1x16xf32>
        tpu.vector_store %arg11[%swap3A_297, %swap3A_298], %swap3A_301 {strides = array<i32>} : memref<80x64xf32, #tpu.memory_space<vmem>>, vector<1x16xf32>,
        %add3A_302 = arith.constant 0 : i32
        %add3A_303 = arith.addi %mul3A_271, %add3A_302 : i32
        %get3A_304 = arith.index_cast %add3A_303 : i32 to index
        %get3A_305 = arith.constant 32 : index
        %get3A_306 = tpu.vector_load %arg7[%get3A_304, %get3A_305] {strides = array<i32>} : memref<80x128xf32, #tpu.memory_space<vmem>>, vector<1x16xf32>,
        %get3A_307 = vector.shape_cast %get3A_306 : vector<1x16xf32> to vector<16xf32>
        %mul3A_308 = arith.constant 8.000000e+00 : f32
        %mul3A_309 = vector.broadcast %mul3A_308 : f32 to vector<16xf32>
        %mul3A_310 = arith.mulf %get3A_307, %mul3A_309 : vector<16xf32>
        %add3A_311 = arith.constant 0 : i32
        %add3A_312 = arith.addi %mul3A_271, %add3A_311 : i32
        %swap3A_313 = arith.index_cast %add3A_312 : i32 to index
        %swap3A_314 = arith.constant 32 : index
        %swap3A_315 = tpu.vector_load %arg11[%swap3A_313, %swap3A_314] {strides = array<i32>} : memref<80x64xf32, #tpu.memory_space<vmem>>, vector<1x16xf32>,
        %swap3A_316 = vector.shape_cast %swap3A_315 : vector<1x16xf32> to vector<16xf32>
        %swap3A_317 = vector.shape_cast %mul3A_310 : vector<16xf32> to vector<1x16xf32>
        tpu.vector_store %arg11[%swap3A_313, %swap3A_314], %swap3A_317 {strides = array<i32>} : memref<80x64xf32, #tpu.memory_space<vmem>>, vector<1x16xf32>,
        %add3A_318 = arith.constant 0 : i32
        %add3A_319 = arith.addi %mul3A_271, %add3A_318 : i32
        %get3A_320 = arith.index_cast %add3A_319 : i32 to index
        %get3A_321 = arith.constant 48 : index
        %get3A_322 = tpu.vector_load %arg7[%get3A_320, %get3A_321] {strides = array<i32>} : memref<80x128xf32, #tpu.memory_space<vmem>>, vector<1x16xf32>,
        %get3A_323 = vector.shape_cast %get3A_322 : vector<1x16xf32> to vector<16xf32>
        %mul3A_324 = arith.constant 8.000000e+00 : f32
        %mul3A_325 = vector.broadcast %mul3A_324 : f32 to vector<16xf32>
        %mul3A_326 = arith.mulf %get3A_323, %mul3A_325 : vector<16xf32>
        %add3A_327 = arith.constant 0 : i32
        %add3A_328 = arith.addi %mul3A_271, %add3A_327 : i32
        %swap3A_329 = arith.index_cast %add3A_328 : i32 to index
        %swap3A_330 = arith.constant 48 : index
        %swap3A_331 = tpu.vector_load %arg11[%swap3A_329, %swap3A_330] {strides = array<i32>} : memref<80x64xf32, #tpu.memory_space<vmem>>, vector<1x16xf32>,
        %swap3A_332 = vector.shape_cast %swap3A_331 : vector<1x16xf32> to vector<16xf32>
        %swap3A_333 = vector.shape_cast %mul3A_326 : vector<16xf32> to vector<1x16xf32>
        tpu.vector_store %arg11[%swap3A_329, %swap3A_330], %swap3A_333 {strides = array<i32>} : memref<80x64xf32, #tpu.memory_space<vmem>>, vector<1x16xf32>,
        %add3A_334 = arith.constant 1 : i32
        %add3A_335 = arith.addi %mul3A_271, %add3A_334 : i32
        %get3A_336 = arith.index_cast %add3A_335 : i32 to index
        %get3A_337 = arith.constant 0 : index
        %get3A_338 = tpu.vector_load %arg7[%get3A_336, %get3A_337] {strides = array<i32>} : memref<80x128xf32, #tpu.memory_space<vmem>>, vector<1x16xf32>,
        %get3A_339 = vector.shape_cast %get3A_338 : vector<1x16xf32> to vector<16xf32>
        %mul3A_340 = arith.constant 8.000000e+00 : f32
        %mul3A_341 = vector.broadcast %mul3A_340 : f32 to vector<16xf32>
        %mul3A_342 = arith.mulf %get3A_339, %mul3A_341 : vector<16xf32>
        %add3A_343 = arith.constant 1 : i32
        %add3A_344 = arith.addi %mul3A_271, %add3A_343 : i32
        %swap3A_345 = arith.index_cast %add3A_344 : i32 to index
        %swap3A_346 = arith.constant 0 : index
        %swap3A_347 = tpu.vector_load %arg11[%swap3A_345, %swap3A_346] {strides = array<i32>} : memref<80x64xf32, #tpu.memory_space<vmem>>, vector<1x16xf32>,
        %swap3A_348 = vector.shape_cast %swap3A_347 : vector<1x16xf32> to vector<16xf32>
        %swap3A_349 = vector.shape_cast %mul3A_342 : vector<16xf32> to vector<1x16xf32>
        tpu.vector_store %arg11[%swap3A_345, %swap3A_346], %swap3A_349 {strides = array<i32>} : memref<80x64xf32, #tpu.memory_space<vmem>>, vector<1x16xf32>,
        %add3A_350 = arith.constant 1 : i32
        %add3A_351 = arith.addi %mul3A_271, %add3A_350 : i32
        %get3A_352 = arith.index_cast %add3A_351 : i32 to index
        %get3A_353 = arith.constant 16 : index
        %get3A_354 = tpu.vector_load %arg7[%get3A_352, %get3A_353] {strides = array<i32>} : memref<80x128xf32, #tpu.memory_space<vmem>>, vector<1x16xf32>,
        %get3A_355 = vector.shape_cast %get3A_354 : vector<1x16xf32> to vector<16xf32>
        %mul3A_356 = arith.constant 8.000000e+00 : f32
        %mul3A_357 = vector.broadcast %mul3A_356 : f32 to vector<16xf32>
        %mul3A_358 = arith.mulf %get3A_355, %mul3A_357 : vector<16xf32>
        %add3A_359 = arith.constant 1 : i32
        %add3A_360 = arith.addi %mul3A_271, %add3A_359 : i32
        %swap3A_361 = arith.index_cast %add3A_360 : i32 to index
        %swap3A_362 = arith.constant 16 : index
        %swap3A_363 = tpu.vector_load %arg11[%swap3A_361, %swap3A_362] {strides = array<i32>} : memref<80x64xf32, #tpu.memory_space<vmem>>, vector<1x16xf32>,
        %swap3A_364 = vector.shape_cast %swap3A_363 : vector<1x16xf32> to vector<16xf32>
        %swap3A_365 = vector.shape_cast %mul3A_358 : vector<16xf32> to vector<1x16xf32>
        tpu.vector_store %arg11[%swap3A_361, %swap3A_362], %swap3A_365 {strides = array<i32>} : memref<80x64xf32, #tpu.memory_space<vmem>>, vector<1x16xf32>,
        %add3A_366 = arith.constant 1 : i32
        %add3A_367 = arith.addi %mul3A_271, %add3A_366 : i32
        %get3A_368 = arith.index_cast %add3A_367 : i32 to index
        %get3A_369 = arith.constant 32 : index
        %get3A_370 = tpu.vector_load %arg7[%get3A_368, %get3A_369] {strides = array<i32>} : memref<80x128xf32, #tpu.memory_space<vmem>>, vector<1x16xf32>,
        %get3A_371 = vector.shape_cast %get3A_370 : vector<1x16xf32> to vector<16xf32>
        %mul3A_372 = arith.constant 8.000000e+00 : f32
        %mul3A_373 = vector.broadcast %mul3A_372 : f32 to vector<16xf32>
        %mul3A_374 = arith.mulf %get3A_371, %mul3A_373 : vector<16xf32>
        %add3A_375 = arith.constant 1 : i32
        %add3A_376 = arith.addi %mul3A_271, %add3A_375 : i32
        %swap3A_377 = arith.index_cast %add3A_376 : i32 to index
        %swap3A_378 = arith.constant 32 : index
        %swap3A_379 = tpu.vector_load %arg11[%swap3A_377, %swap3A_378] {strides = array<i32>} : memref<80x64xf32, #tpu.memory_space<vmem>>, vector<1x16xf32>,
        %swap3A_380 = vector.shape_cast %swap3A_379 : vector<1x16xf32> to vector<16xf32>
        %swap3A_381 = vector.shape_cast %mul3A_374 : vector<16xf32> to vector<1x16xf32>
        tpu.vector_store %arg11[%swap3A_377, %swap3A_378], %swap3A_381 {strides = array<i32>} : memref<80x64xf32, #tpu.memory_space<vmem>>, vector<1x16xf32>,
        %add3A_382 = arith.constant 1 : i32
        %add3A_383 = arith.addi %mul3A_271, %add3A_382 : i32
        %get3A_384 = arith.index_cast %add3A_383 : i32 to index
        %get3A_385 = arith.constant 48 : index
        %get3A_386 = tpu.vector_load %arg7[%get3A_384, %get3A_385] {strides = array<i32>} : memref<80x128xf32, #tpu.memory_space<vmem>>, vector<1x16xf32>,
        %get3A_387 = vector.shape_cast %get3A_386 : vector<1x16xf32> to vector<16xf32>
        %mul3A_388 = arith.constant 8.000000e+00 : f32
        %mul3A_389 = vector.broadcast %mul3A_388 : f32 to vector<16xf32>
        %mul3A_390 = arith.mulf %get3A_387, %mul3A_389 : vector<16xf32>
        %add3A_391 = arith.constant 1 : i32
        %add3A_392 = arith.addi %mul3A_271, %add3A_391 : i32
        %swap3A_393 = arith.index_cast %add3A_392 : i32 to index
        %swap3A_394 = arith.constant 48 : index
        %swap3A_395 = tpu.vector_load %arg11[%swap3A_393, %swap3A_394] {strides = array<i32>} : memref<80x64xf32, #tpu.memory_space<vmem>>, vector<1x16xf32>,
        %swap3A_396 = vector.shape_cast %swap3A_395 : vector<1x16xf32> to vector<16xf32>
        %swap3A_397 = vector.shape_cast %mul3A_390 : vector<16xf32> to vector<1x16xf32>
        tpu.vector_store %arg11[%swap3A_393, %swap3A_394], %swap3A_397 {strides = array<i32>} : memref<80x64xf32, #tpu.memory_space<vmem>>, vector<1x16xf32>,
        %add3A_398 = arith.constant 2 : i32
        %add3A_399 = arith.addi %mul3A_271, %add3A_398 : i32
        %get3A_400 = arith.index_cast %add3A_399 : i32 to index
        %get3A_401 = arith.constant 0 : index
        %get3A_402 = tpu.vector_load %arg7[%get3A_400, %get3A_401] {strides = array<i32>} : memref<80x128xf32, #tpu.memory_space<vmem>>, vector<1x16xf32>,
        %get3A_403 = vector.shape_cast %get3A_402 : vector<1x16xf32> to vector<16xf32>
        %mul3A_404 = arith.constant 8.000000e+00 : f32
        %mul3A_405 = vector.broadcast %mul3A_404 : f32 to vector<16xf32>
        %mul3A_406 = arith.mulf %get3A_403, %mul3A_405 : vector<16xf32>
        %add3A_407 = arith.constant 2 : i32
        %add3A_408 = arith.addi %mul3A_271, %add3A_407 : i32
        %swap3A_409 = arith.index_cast %add3A_408 : i32 to index
        %swap3A_410 = arith.constant 0 : index
        %swap3A_411 = tpu.vector_load %arg11[%swap3A_409, %swap3A_410] {strides = array<i32>} : memref<80x64xf32, #tpu.memory_space<vmem>>, vector<1x16xf32>,
        %swap3A_412 = vector.shape_cast %swap3A_411 : vector<1x16xf32> to vector<16xf32>
        %swap3A_413 = vector.shape_cast %mul3A_406 : vector<16xf32> to vector<1x16xf32>
        tpu.vector_store %arg11[%swap3A_409, %swap3A_410], %swap3A_413 {strides = array<i32>} : memref<80x64xf32, #tpu.memory_space<vmem>>, vector<1x16xf32>,
        %add3A_414 = arith.constant 2 : i32
        %add3A_415 = arith.addi %mul3A_271, %add3A_414 : i32
        %get3A_416 = arith.index_cast %add3A_415 : i32 to index
        %get3A_417 = arith.constant 16 : index
        %get3A_418 = tpu.vector_load %arg7[%get3A_416, %get3A_417] {strides = array<i32>} : memref<80x128xf32, #tpu.memory_space<vmem>>, vector<1x16xf32>,
        %get3A_419 = vector.shape_cast %get3A_418 : vector<1x16xf32> to vector<16xf32>
        %mul3A_420 = arith.constant 8.000000e+00 : f32
        %mul3A_421 = vector.broadcast %mul3A_420 : f32 to vector<16xf32>
        %mul3A_422 = arith.mulf %get3A_419, %mul3A_421 : vector<16xf32>
        %add3A_423 = arith.constant 2 : i32
        %add3A_424 = arith.addi %mul3A_271, %add3A_423 : i32
        %swap3A_425 = arith.index_cast %add3A_424 : i32 to index
        %swap3A_426 = arith.constant 16 : index
        %swap3A_427 = tpu.vector_load %arg11[%swap3A_425, %swap3A_426] {strides = array<i32>} : memref<80x64xf32, #tpu.memory_space<vmem>>, vector<1x16xf32>,
        %swap3A_428 = vector.shape_cast %swap3A_427 : vector<1x16xf32> to vector<16xf32>
        %swap3A_429 = vector.shape_cast %mul3A_422 : vector<16xf32> to vector<1x16xf32>
        tpu.vector_store %arg11[%swap3A_425, %swap3A_426], %swap3A_429 {strides = array<i32>} : memref<80x64xf32, #tpu.memory_space<vmem>>, vector<1x16xf32>,
        %add3A_430 = arith.constant 2 : i32
        %add3A_431 = arith.addi %mul3A_271, %add3A_430 : i32
        %get3A_432 = arith.index_cast %add3A_431 : i32 to index
        %get3A_433 = arith.constant 32 : index
        %get3A_434 = tpu.vector_load %arg7[%get3A_432, %get3A_433] {strides = array<i32>} : memref<80x128xf32, #tpu.memory_space<vmem>>, vector<1x16xf32>,
        %get3A_435 = vector.shape_cast %get3A_434 : vector<1x16xf32> to vector<16xf32>
        %mul3A_436 = arith.constant 8.000000e+00 : f32
        %mul3A_437 = vector.broadcast %mul3A_436 : f32 to vector<16xf32>
        %mul3A_438 = arith.mulf %get3A_435, %mul3A_437 : vector<16xf32>
        %add3A_439 = arith.constant 2 : i32
        %add3A_440 = arith.addi %mul3A_271, %add3A_439 : i32
        %swap3A_441 = arith.index_cast %add3A_440 : i32 to index
        %swap3A_442 = arith.constant 32 : index
        %swap3A_443 = tpu.vector_load %arg11[%swap3A_441, %swap3A_442] {strides = array<i32>} : memref<80x64xf32, #tpu.memory_space<vmem>>, vector<1x16xf32>,
        %swap3A_444 = vector.shape_cast %swap3A_443 : vector<1x16xf32> to vector<16xf32>
        %swap3A_445 = vector.shape_cast %mul3A_438 : vector<16xf32> to vector<1x16xf32>
        tpu.vector_store %arg11[%swap3A_441, %swap3A_442], %swap3A_445 {strides = array<i32>} : memref<80x64xf32, #tpu.memory_space<vmem>>, vector<1x16xf32>,
        %add3A_446 = arith.constant 2 : i32
        %add3A_447 = arith.addi %mul3A_271, %add3A_446 : i32
        %get3A_448 = arith.index_cast %add3A_447 : i32 to index
        %get3A_449 = arith.constant 48 : index
        %get3A_450 = tpu.vector_load %arg7[%get3A_448, %get3A_449] {strides = array<i32>} : memref<80x128xf32, #tpu.memory_space<vmem>>, vector<1x16xf32>,
        %get3A_451 = vector.shape_cast %get3A_450 : vector<1x16xf32> to vector<16xf32>
        %mul3A_452 = arith.constant 8.000000e+00 : f32
        %mul3A_453 = vector.broadcast %mul3A_452 : f32 to vector<16xf32>
        %mul3A_454 = arith.mulf %get3A_451, %mul3A_453 : vector<16xf32>
        %add3A_455 = arith.constant 2 : i32
        %add3A_456 = arith.addi %mul3A_271, %add3A_455 : i32
        %swap3A_457 = arith.index_cast %add3A_456 : i32 to index
        %swap3A_458 = arith.constant 48 : index
        %swap3A_459 = tpu.vector_load %arg11[%swap3A_457, %swap3A_458] {strides = array<i32>} : memref<80x64xf32, #tpu.memory_space<vmem>>, vector<1x16xf32>,
        %swap3A_460 = vector.shape_cast %swap3A_459 : vector<1x16xf32> to vector<16xf32>
        %swap3A_461 = vector.shape_cast %mul3A_454 : vector<16xf32> to vector<1x16xf32>
        tpu.vector_store %arg11[%swap3A_457, %swap3A_458], %swap3A_461 {strides = array<i32>} : memref<80x64xf32, #tpu.memory_space<vmem>>, vector<1x16xf32>,
        %add3A_462 = arith.constant 3 : i32
        %add3A_463 = arith.addi %mul3A_271, %add3A_462 : i32
        %get3A_464 = arith.index_cast %add3A_463 : i32 to index
        %get3A_465 = arith.constant 0 : index
        %get3A_466 = tpu.vector_load %arg7[%get3A_464, %get3A_465] {strides = array<i32>} : memref<80x128xf32, #tpu.memory_space<vmem>>, vector<1x16xf32>,
        %get3A_467 = vector.shape_cast %get3A_466 : vector<1x16xf32> to vector<16xf32>
        %mul3A_468 = arith.constant 8.000000e+00 : f32
        %mul3A_469 = vector.broadcast %mul3A_468 : f32 to vector<16xf32>
        %mul3A_470 = arith.mulf %get3A_467, %mul3A_469 : vector<16xf32>
        %add3A_471 = arith.constant 3 : i32
        %add3A_472 = arith.addi %mul3A_271, %add3A_471 : i32
        %swap3A_473 = arith.index_cast %add3A_472 : i32 to index
        %swap3A_474 = arith.constant 0 : index
        %swap3A_475 = tpu.vector_load %arg11[%swap3A_473, %swap3A_474] {strides = array<i32>} : memref<80x64xf32, #tpu.memory_space<vmem>>, vector<1x16xf32>,
        %swap3A_476 = vector.shape_cast %swap3A_475 : vector<1x16xf32> to vector<16xf32>
        %swap3A_477 = vector.shape_cast %mul3A_470 : vector<16xf32> to vector<1x16xf32>
        tpu.vector_store %arg11[%swap3A_473, %swap3A_474], %swap3A_477 {strides = array<i32>} : memref<80x64xf32, #tpu.memory_space<vmem>>, vector<1x16xf32>,
        %add3A_478 = arith.constant 3 : i32
        %add3A_479 = arith.addi %mul3A_271, %add3A_478 : i32
        %get3A_480 = arith.index_cast %add3A_479 : i32 to index
        %get3A_481 = arith.constant 16 : index
        %get3A_482 = tpu.vector_load %arg7[%get3A_480, %get3A_481] {strides = array<i32>} : memref<80x128xf32, #tpu.memory_space<vmem>>, vector<1x16xf32>,
        %get3A_483 = vector.shape_cast %get3A_482 : vector<1x16xf32> to vector<16xf32>
        %mul3A_484 = arith.constant 8.000000e+00 : f32
        %mul3A_485 = vector.broadcast %mul3A_484 : f32 to vector<16xf32>
        %mul3A_486 = arith.mulf %get3A_483, %mul3A_485 : vector<16xf32>
        %add3A_487 = arith.constant 3 : i32
        %add3A_488 = arith.addi %mul3A_271, %add3A_487 : i32
        %swap3A_489 = arith.index_cast %add3A_488 : i32 to index
        %swap3A_490 = arith.constant 16 : index
        %swap3A_491 = tpu.vector_load %arg11[%swap3A_489, %swap3A_490] {strides = array<i32>} : memref<80x64xf32, #tpu.memory_space<vmem>>, vector<1x16xf32>,
        %swap3A_492 = vector.shape_cast %swap3A_491 : vector<1x16xf32> to vector<16xf32>
        %swap3A_493 = vector.shape_cast %mul3A_486 : vector<16xf32> to vector<1x16xf32>
        tpu.vector_store %arg11[%swap3A_489, %swap3A_490], %swap3A_493 {strides = array<i32>} : memref<80x64xf32, #tpu.memory_space<vmem>>, vector<1x16xf32>,
        %add3A_494 = arith.constant 3 : i32
        %add3A_495 = arith.addi %mul3A_271, %add3A_494 : i32
        %get3A_496 = arith.index_cast %add3A_495 : i32 to index
        %get3A_497 = arith.constant 32 : index
        %get3A_498 = tpu.vector_load %arg7[%get3A_496, %get3A_497] {strides = array<i32>} : memref<80x128xf32, #tpu.memory_space<vmem>>, vector<1x16xf32>,
        %get3A_499 = vector.shape_cast %get3A_498 : vector<1x16xf32> to vector<16xf32>
        %mul3A_500 = arith.constant 8.000000e+00 : f32
        %mul3A_501 = vector.broadcast %mul3A_500 : f32 to vector<16xf32>
        %mul3A_502 = arith.mulf %get3A_499, %mul3A_501 : vector<16xf32>
        %add3A_503 = arith.constant 3 : i32
        %add3A_504 = arith.addi %mul3A_271, %add3A_503 : i32
        %swap3A_505 = arith.index_cast %add3A_504 : i32 to index
        %swap3A_506 = arith.constant 32 : index
        %swap3A_507 = tpu.vector_load %arg11[%swap3A_505, %swap3A_506] {strides = array<i32>} : memref<80x64xf32, #tpu.memory_space<vmem>>, vector<1x16xf32>,
        %swap3A_508 = vector.shape_cast %swap3A_507 : vector<1x16xf32> to vector<16xf32>
        %swap3A_509 = vector.shape_cast %mul3A_502 : vector<16xf32> to vector<1x16xf32>
        tpu.vector_store %arg11[%swap3A_505, %swap3A_506], %swap3A_509 {strides = array<i32>} : memref<80x64xf32, #tpu.memory_space<vmem>>, vector<1x16xf32>,
        %add3A_510 = arith.constant 3 : i32
        %add3A_511 = arith.addi %mul3A_271, %add3A_510 : i32
        %get3A_512 = arith.index_cast %add3A_511 : i32 to index
        %get3A_513 = arith.constant 48 : index
        %get3A_514 = tpu.vector_load %arg7[%get3A_512, %get3A_513] {strides = array<i32>} : memref<80x128xf32, #tpu.memory_space<vmem>>, vector<1x16xf32>,
        %get3A_515 = vector.shape_cast %get3A_514 : vector<1x16xf32> to vector<16xf32>
        %mul3A_516 = arith.constant 8.000000e+00 : f32
        %mul3A_517 = vector.broadcast %mul3A_516 : f32 to vector<16xf32>
        %mul3A_518 = arith.mulf %get3A_515, %mul3A_517 : vector<16xf32>
        %add3A_519 = arith.constant 3 : i32
        %add3A_520 = arith.addi %mul3A_271, %add3A_519 : i32
        %swap3A_521 = arith.index_cast %add3A_520 : i32 to index
        %swap3A_522 = arith.constant 48 : index
        %swap3A_523 = tpu.vector_load %arg11[%swap3A_521, %swap3A_522] {strides = array<i32>} : memref<80x64xf32, #tpu.memory_space<vmem>>, vector<1x16xf32>,
        %swap3A_524 = vector.shape_cast %swap3A_523 : vector<1x16xf32> to vector<16xf32>
        %swap3A_525 = vector.shape_cast %mul3A_518 : vector<16xf32> to vector<1x16xf32>
        tpu.vector_store %arg11[%swap3A_521, %swap3A_522], %swap3A_525 {strides = array<i32>} : memref<80x64xf32, #tpu.memory_space<vmem>>, vector<1x16xf32>,
        %add3A_526 = arith.constant 4 : i32
        %add3A_527 = arith.addi %mul3A_271, %add3A_526 : i32
        %get3A_528 = arith.index_cast %add3A_527 : i32 to index
        %get3A_529 = arith.constant 0 : index
        %get3A_530 = tpu.vector_load %arg7[%get3A_528, %get3A_529] {strides = array<i32>} : memref<80x128xf32, #tpu.memory_space<vmem>>, vector<1x16xf32>,
        %get3A_531 = vector.shape_cast %get3A_530 : vector<1x16xf32> to vector<16xf32>
        %mul3A_532 = arith.constant 8.000000e+00 : f32
        %mul3A_533 = vector.broadcast %mul3A_532 : f32 to vector<16xf32>
        %mul3A_534 = arith.mulf %get3A_531, %mul3A_533 : vector<16xf32>
        %add3A_535 = arith.constant 4 : i32
        %add3A_536 = arith.addi %mul3A_271, %add3A_535 : i32
        %swap3A_537 = arith.index_cast %add3A_536 : i32 to index
        %swap3A_538 = arith.constant 0 : index
        %swap3A_539 = tpu.vector_load %arg11[%swap3A_537, %swap3A_538] {strides = array<i32>} : memref<80x64xf32, #tpu.memory_space<vmem>>, vector<1x16xf32>,
        %swap3A_540 = vector.shape_cast %swap3A_539 : vector<1x16xf32> to vector<16xf32>
        %swap3A_541 = vector.shape_cast %mul3A_534 : vector<16xf32> to vector<1x16xf32>
        tpu.vector_store %arg11[%swap3A_537, %swap3A_538], %swap3A_541 {strides = array<i32>} : memref<80x64xf32, #tpu.memory_space<vmem>>, vector<1x16xf32>,
        %add3A_542 = arith.constant 4 : i32
        %add3A_543 = arith.addi %mul3A_271, %add3A_542 : i32
        %get3A_544 = arith.index_cast %add3A_543 : i32 to index
        %get3A_545 = arith.constant 16 : index
        %get3A_546 = tpu.vector_load %arg7[%get3A_544, %get3A_545] {strides = array<i32>} : memref<80x128xf32, #tpu.memory_space<vmem>>, vector<1x16xf32>,
        %get3A_547 = vector.shape_cast %get3A_546 : vector<1x16xf32> to vector<16xf32>
        %mul3A_548 = arith.constant 8.000000e+00 : f32
        %mul3A_549 = vector.broadcast %mul3A_548 : f32 to vector<16xf32>
        %mul3A_550 = arith.mulf %get3A_547, %mul3A_549 : vector<16xf32>
        %add3A_551 = arith.constant 4 : i32
        %add3A_552 = arith.addi %mul3A_271, %add3A_551 : i32
        %swap3A_553 = arith.index_cast %add3A_552 : i32 to index
        %swap3A_554 = arith.constant 16 : index
        %swap3A_555 = tpu.vector_load %arg11[%swap3A_553, %swap3A_554] {strides = array<i32>} : memref<80x64xf32, #tpu.memory_space<vmem>>, vector<1x16xf32>,
        %swap3A_556 = vector.shape_cast %swap3A_555 : vector<1x16xf32> to vector<16xf32>
        %swap3A_557 = vector.shape_cast %mul3A_550 : vector<16xf32> to vector<1x16xf32>
        tpu.vector_store %arg11[%swap3A_553, %swap3A_554], %swap3A_557 {strides = array<i32>} : memref<80x64xf32, #tpu.memory_space<vmem>>, vector<1x16xf32>,
        %add3A_558 = arith.constant 4 : i32
        %add3A_559 = arith.addi %mul3A_271, %add3A_558 : i32
        %get3A_560 = arith.index_cast %add3A_559 : i32 to index
        %get3A_561 = arith.constant 32 : index
        %get3A_562 = tpu.vector_load %arg7[%get3A_560, %get3A_561] {strides = array<i32>} : memref<80x128xf32, #tpu.memory_space<vmem>>, vector<1x16xf32>,
        %get3A_563 = vector.shape_cast %get3A_562 : vector<1x16xf32> to vector<16xf32>
        %mul3A_564 = arith.constant 8.000000e+00 : f32
        %mul3A_565 = vector.broadcast %mul3A_564 : f32 to vector<16xf32>
        %mul3A_566 = arith.mulf %get3A_563, %mul3A_565 : vector<16xf32>
        %add3A_567 = arith.constant 4 : i32
        %add3A_568 = arith.addi %mul3A_271, %add3A_567 : i32
        %swap3A_569 = arith.index_cast %add3A_568 : i32 to index
        %swap3A_570 = arith.constant 32 : index
        %swap3A_571 = tpu.vector_load %arg11[%swap3A_569, %swap3A_570] {strides = array<i32>} : memref<80x64xf32, #tpu.memory_space<vmem>>, vector<1x16xf32>,
        %swap3A_572 = vector.shape_cast %swap3A_571 : vector<1x16xf32> to vector<16xf32>
        %swap3A_573 = vector.shape_cast %mul3A_566 : vector<16xf32> to vector<1x16xf32>
        tpu.vector_store %arg11[%swap3A_569, %swap3A_570], %swap3A_573 {strides = array<i32>} : memref<80x64xf32, #tpu.memory_space<vmem>>, vector<1x16xf32>,
        %add3A_574 = arith.constant 4 : i32
        %add3A_575 = arith.addi %mul3A_271, %add3A_574 : i32
        %get3A_576 = arith.index_cast %add3A_575 : i32 to index
        %get3A_577 = arith.constant 48 : index
        %get3A_578 = tpu.vector_load %arg7[%get3A_576, %get3A_577] {strides = array<i32>} : memref<80x128xf32, #tpu.memory_space<vmem>>, vector<1x16xf32>,
        %get3A_579 = vector.shape_cast %get3A_578 : vector<1x16xf32> to vector<16xf32>
        %mul3A_580 = arith.constant 8.000000e+00 : f32
        %mul3A_581 = vector.broadcast %mul3A_580 : f32 to vector<16xf32>
        %mul3A_582 = arith.mulf %get3A_579, %mul3A_581 : vector<16xf32>
        %add3A_583 = arith.constant 4 : i32
        %add3A_584 = arith.addi %mul3A_271, %add3A_583 : i32
        %swap3A_585 = arith.index_cast %add3A_584 : i32 to index
        %swap3A_586 = arith.constant 48 : index
        %swap3A_587 = tpu.vector_load %arg11[%swap3A_585, %swap3A_586] {strides = array<i32>} : memref<80x64xf32, #tpu.memory_space<vmem>>, vector<1x16xf32>,
        %swap3A_588 = vector.shape_cast %swap3A_587 : vector<1x16xf32> to vector<16xf32>
        %swap3A_589 = vector.shape_cast %mul3A_582 : vector<16xf32> to vector<1x16xf32>
        tpu.vector_store %arg11[%swap3A_585, %swap3A_586], %swap3A_589 {strides = array<i32>} : memref<80x64xf32, #tpu.memory_space<vmem>>, vector<1x16xf32>,
        %add3A_590 = arith.constant 5 : i32
        %add3A_591 = arith.addi %mul3A_271, %add3A_590 : i32
        %get3A_592 = arith.index_cast %add3A_591 : i32 to index
        %get3A_593 = arith.constant 0 : index
        %get3A_594 = tpu.vector_load %arg7[%get3A_592, %get3A_593] {strides = array<i32>} : memref<80x128xf32, #tpu.memory_space<vmem>>, vector<1x16xf32>,
        %get3A_595 = vector.shape_cast %get3A_594 : vector<1x16xf32> to vector<16xf32>
        %mul3A_596 = arith.constant 8.000000e+00 : f32
        %mul3A_597 = vector.broadcast %mul3A_596 : f32 to vector<16xf32>
        %mul3A_598 = arith.mulf %get3A_595, %mul3A_597 : vector<16xf32>
        %add3A_599 = arith.constant 5 : i32
        %add3A_600 = arith.addi %mul3A_271, %add3A_599 : i32
        %swap3A_601 = arith.index_cast %add3A_600 : i32 to index
        %swap3A_602 = arith.constant 0 : index
        %swap3A_603 = tpu.vector_load %arg11[%swap3A_601, %swap3A_602] {strides = array<i32>} : memref<80x64xf32, #tpu.memory_space<vmem>>, vector<1x16xf32>,
        %swap3A_604 = vector.shape_cast %swap3A_603 : vector<1x16xf32> to vector<16xf32>
        %swap3A_605 = vector.shape_cast %mul3A_598 : vector<16xf32> to vector<1x16xf32>
        tpu.vector_store %arg11[%swap3A_601, %swap3A_602], %swap3A_605 {strides = array<i32>} : memref<80x64xf32, #tpu.memory_space<vmem>>, vector<1x16xf32>,
        %add3A_606 = arith.constant 5 : i32
        %add3A_607 = arith.addi %mul3A_271, %add3A_606 : i32
        %get3A_608 = arith.index_cast %add3A_607 : i32 to index
        %get3A_609 = arith.constant 16 : index
        %get3A_610 = tpu.vector_load %arg7[%get3A_608, %get3A_609] {strides = array<i32>} : memref<80x128xf32, #tpu.memory_space<vmem>>, vector<1x16xf32>,
        %get3A_611 = vector.shape_cast %get3A_610 : vector<1x16xf32> to vector<16xf32>
        %mul3A_612 = arith.constant 8.000000e+00 : f32
        %mul3A_613 = vector.broadcast %mul3A_612 : f32 to vector<16xf32>
        %mul3A_614 = arith.mulf %get3A_611, %mul3A_613 : vector<16xf32>
        %add3A_615 = arith.constant 5 : i32
        %add3A_616 = arith.addi %mul3A_271, %add3A_615 : i32
        %swap3A_617 = arith.index_cast %add3A_616 : i32 to index
        %swap3A_618 = arith.constant 16 : index
        %swap3A_619 = tpu.vector_load %arg11[%swap3A_617, %swap3A_618] {strides = array<i32>} : memref<80x64xf32, #tpu.memory_space<vmem>>, vector<1x16xf32>,
        %swap3A_620 = vector.shape_cast %swap3A_619 : vector<1x16xf32> to vector<16xf32>
        %swap3A_621 = vector.shape_cast %mul3A_614 : vector<16xf32> to vector<1x16xf32>
        tpu.vector_store %arg11[%swap3A_617, %swap3A_618], %swap3A_621 {strides = array<i32>} : memref<80x64xf32, #tpu.memory_space<vmem>>, vector<1x16xf32>,
        %add3A_622 = arith.constant 5 : i32
        %add3A_623 = arith.addi %mul3A_271, %add3A_622 : i32
        %get3A_624 = arith.index_cast %add3A_623 : i32 to index
        %get3A_625 = arith.constant 32 : index
        %get3A_626 = tpu.vector_load %arg7[%get3A_624, %get3A_625] {strides = array<i32>} : memref<80x128xf32, #tpu.memory_space<vmem>>, vector<1x16xf32>,
        %get3A_627 = vector.shape_cast %get3A_626 : vector<1x16xf32> to vector<16xf32>
        %mul3A_628 = arith.constant 8.000000e+00 : f32
        %mul3A_629 = vector.broadcast %mul3A_628 : f32 to vector<16xf32>
        %mul3A_630 = arith.mulf %get3A_627, %mul3A_629 : vector<16xf32>
        %add3A_631 = arith.constant 5 : i32
        %add3A_632 = arith.addi %mul3A_271, %add3A_631 : i32
        %swap3A_633 = arith.index_cast %add3A_632 : i32 to index
        %swap3A_634 = arith.constant 32 : index
        %swap3A_635 = tpu.vector_load %arg11[%swap3A_633, %swap3A_634] {strides = array<i32>} : memref<80x64xf32, #tpu.memory_space<vmem>>, vector<1x16xf32>,
        %swap3A_636 = vector.shape_cast %swap3A_635 : vector<1x16xf32> to vector<16xf32>
        %swap3A_637 = vector.shape_cast %mul3A_630 : vector<16xf32> to vector<1x16xf32>
        tpu.vector_store %arg11[%swap3A_633, %swap3A_634], %swap3A_637 {strides = array<i32>} : memref<80x64xf32, #tpu.memory_space<vmem>>, vector<1x16xf32>,
        %add3A_638 = arith.constant 5 : i32
        %add3A_639 = arith.addi %mul3A_271, %add3A_638 : i32
        %get3A_640 = arith.index_cast %add3A_639 : i32 to index
        %get3A_641 = arith.constant 48 : index
        %get3A_642 = tpu.vector_load %arg7[%get3A_640, %get3A_641] {strides = array<i32>} : memref<80x128xf32, #tpu.memory_space<vmem>>, vector<1x16xf32>,
        %get3A_643 = vector.shape_cast %get3A_642 : vector<1x16xf32> to vector<16xf32>
        %mul3A_644 = arith.constant 8.000000e+00 : f32
        %mul3A_645 = vector.broadcast %mul3A_644 : f32 to vector<16xf32>
        %mul3A_646 = arith.mulf %get3A_643, %mul3A_645 : vector<16xf32>
        %add3A_647 = arith.constant 5 : i32
        %add3A_648 = arith.addi %mul3A_271, %add3A_647 : i32
        %swap3A_649 = arith.index_cast %add3A_648 : i32 to index
        %swap3A_650 = arith.constant 48 : index
        %swap3A_651 = tpu.vector_load %arg11[%swap3A_649, %swap3A_650] {strides = array<i32>} : memref<80x64xf32, #tpu.memory_space<vmem>>, vector<1x16xf32>,
        %swap3A_652 = vector.shape_cast %swap3A_651 : vector<1x16xf32> to vector<16xf32>
        %swap3A_653 = vector.shape_cast %mul3A_646 : vector<16xf32> to vector<1x16xf32>
        tpu.vector_store %arg11[%swap3A_649, %swap3A_650], %swap3A_653 {strides = array<i32>} : memref<80x64xf32, #tpu.memory_space<vmem>>, vector<1x16xf32>,
        %add3A_654 = arith.constant 6 : i32
        %add3A_655 = arith.addi %mul3A_271, %add3A_654 : i32
        %get3A_656 = arith.index_cast %add3A_655 : i32 to index
        %get3A_657 = arith.constant 0 : index
        %get3A_658 = tpu.vector_load %arg7[%get3A_656, %get3A_657] {strides = array<i32>} : memref<80x128xf32, #tpu.memory_space<vmem>>, vector<1x16xf32>,
        %get3A_659 = vector.shape_cast %get3A_658 : vector<1x16xf32> to vector<16xf32>
        %mul3A_660 = arith.constant 8.000000e+00 : f32
        %mul3A_661 = vector.broadcast %mul3A_660 : f32 to vector<16xf32>
        %mul3A_662 = arith.mulf %get3A_659, %mul3A_661 : vector<16xf32>
        %add3A_663 = arith.constant 6 : i32
        %add3A_664 = arith.addi %mul3A_271, %add3A_663 : i32
        %swap3A_665 = arith.index_cast %add3A_664 : i32 to index
        %swap3A_666 = arith.constant 0 : index
        %swap3A_667 = tpu.vector_load %arg11[%swap3A_665, %swap3A_666] {strides = array<i32>} : memref<80x64xf32, #tpu.memory_space<vmem>>, vector<1x16xf32>,
        %swap3A_668 = vector.shape_cast %swap3A_667 : vector<1x16xf32> to vector<16xf32>
        %swap3A_669 = vector.shape_cast %mul3A_662 : vector<16xf32> to vector<1x16xf32>
        tpu.vector_store %arg11[%swap3A_665, %swap3A_666], %swap3A_669 {strides = array<i32>} : memref<80x64xf32, #tpu.memory_space<vmem>>, vector<1x16xf32>,
        %add3A_670 = arith.constant 6 : i32
        %add3A_671 = arith.addi %mul3A_271, %add3A_670 : i32
        %get3A_672 = arith.index_cast %add3A_671 : i32 to index
        %get3A_673 = arith.constant 16 : index
        %get3A_674 = tpu.vector_load %arg7[%get3A_672, %get3A_673] {strides = array<i32>} : memref<80x128xf32, #tpu.memory_space<vmem>>, vector<1x16xf32>,
        %get3A_675 = vector.shape_cast %get3A_674 : vector<1x16xf32> to vector<16xf32>
        %mul3A_676 = arith.constant 8.000000e+00 : f32
        %mul3A_677 = vector.broadcast %mul3A_676 : f32 to vector<16xf32>
        %mul3A_678 = arith.mulf %get3A_675, %mul3A_677 : vector<16xf32>
        %add3A_679 = arith.constant 6 : i32
        %add3A_680 = arith.addi %mul3A_271, %add3A_679 : i32
        %swap3A_681 = arith.index_cast %add3A_680 : i32 to index
        %swap3A_682 = arith.constant 16 : index
        %swap3A_683 = tpu.vector_load %arg11[%swap3A_681, %swap3A_682] {strides = array<i32>} : memref<80x64xf32, #tpu.memory_space<vmem>>, vector<1x16xf32>,
        %swap3A_684 = vector.shape_cast %swap3A_683 : vector<1x16xf32> to vector<16xf32>
        %swap3A_685 = vector.shape_cast %mul3A_678 : vector<16xf32> to vector<1x16xf32>
        tpu.vector_store %arg11[%swap3A_681, %swap3A_682], %swap3A_685 {strides = array<i32>} : memref<80x64xf32, #tpu.memory_space<vmem>>, vector<1x16xf32>,
        %add3A_686 = arith.constant 6 : i32
        %add3A_687 = arith.addi %mul3A_271, %add3A_686 : i32
        %get3A_688 = arith.index_cast %add3A_687 : i32 to index
        %get3A_689 = arith.constant 32 : index
        %get3A_690 = tpu.vector_load %arg7[%get3A_688, %get3A_689] {strides = array<i32>} : memref<80x128xf32, #tpu.memory_space<vmem>>, vector<1x16xf32>,
        %get3A_691 = vector.shape_cast %get3A_690 : vector<1x16xf32> to vector<16xf32>
        %mul3A_692 = arith.constant 8.000000e+00 : f32
        %mul3A_693 = vector.broadcast %mul3A_692 : f32 to vector<16xf32>
        %mul3A_694 = arith.mulf %get3A_691, %mul3A_693 : vector<16xf32>
        %add3A_695 = arith.constant 6 : i32
        %add3A_696 = arith.addi %mul3A_271, %add3A_695 : i32
        %swap3A_697 = arith.index_cast %add3A_696 : i32 to index
        %swap3A_698 = arith.constant 32 : index
        %swap3A_699 = tpu.vector_load %arg11[%swap3A_697, %swap3A_698] {strides = array<i32>} : memref<80x64xf32, #tpu.memory_space<vmem>>, vector<1x16xf32>,
        %swap3A_700 = vector.shape_cast %swap3A_699 : vector<1x16xf32> to vector<16xf32>
        %swap3A_701 = vector.shape_cast %mul3A_694 : vector<16xf32> to vector<1x16xf32>
        tpu.vector_store %arg11[%swap3A_697, %swap3A_698], %swap3A_701 {strides = array<i32>} : memref<80x64xf32, #tpu.memory_space<vmem>>, vector<1x16xf32>,
        %add3A_702 = arith.constant 6 : i32
        %add3A_703 = arith.addi %mul3A_271, %add3A_702 : i32
        %get3A_704 = arith.index_cast %add3A_703 : i32 to index
        %get3A_705 = arith.constant 48 : index
        %get3A_706 = tpu.vector_load %arg7[%get3A_704, %get3A_705] {strides = array<i32>} : memref<80x128xf32, #tpu.memory_space<vmem>>, vector<1x16xf32>,
        %get3A_707 = vector.shape_cast %get3A_706 : vector<1x16xf32> to vector<16xf32>
        %mul3A_708 = arith.constant 8.000000e+00 : f32
        %mul3A_709 = vector.broadcast %mul3A_708 : f32 to vector<16xf32>
        %mul3A_710 = arith.mulf %get3A_707, %mul3A_709 : vector<16xf32>
        %add3A_711 = arith.constant 6 : i32
        %add3A_712 = arith.addi %mul3A_271, %add3A_711 : i32
        %swap3A_713 = arith.index_cast %add3A_712 : i32 to index
        %swap3A_714 = arith.constant 48 : index
        %swap3A_715 = tpu.vector_load %arg11[%swap3A_713, %swap3A_714] {strides = array<i32>} : memref<80x64xf32, #tpu.memory_space<vmem>>, vector<1x16xf32>,
        %swap3A_716 = vector.shape_cast %swap3A_715 : vector<1x16xf32> to vector<16xf32>
        %swap3A_717 = vector.shape_cast %mul3A_710 : vector<16xf32> to vector<1x16xf32>
        tpu.vector_store %arg11[%swap3A_713, %swap3A_714], %swap3A_717 {strides = array<i32>} : memref<80x64xf32, #tpu.memory_space<vmem>>, vector<1x16xf32>,
        %add3A_718 = arith.constant 7 : i32
        %add3A_719 = arith.addi %mul3A_271, %add3A_718 : i32
        %get3A_720 = arith.index_cast %add3A_719 : i32 to index
        %get3A_721 = arith.constant 0 : index
        %get3A_722 = tpu.vector_load %arg7[%get3A_720, %get3A_721] {strides = array<i32>} : memref<80x128xf32, #tpu.memory_space<vmem>>, vector<1x16xf32>,
        %get3A_723 = vector.shape_cast %get3A_722 : vector<1x16xf32> to vector<16xf32>
        %mul3A_724 = arith.constant 8.000000e+00 : f32
        %mul3A_725 = vector.broadcast %mul3A_724 : f32 to vector<16xf32>
        %mul3A_726 = arith.mulf %get3A_723, %mul3A_725 : vector<16xf32>
        %add3A_727 = arith.constant 7 : i32
        %add3A_728 = arith.addi %mul3A_271, %add3A_727 : i32
        %swap3A_729 = arith.index_cast %add3A_728 : i32 to index
        %swap3A_730 = arith.constant 0 : index
        %swap3A_731 = tpu.vector_load %arg11[%swap3A_729, %swap3A_730] {strides = array<i32>} : memref<80x64xf32, #tpu.memory_space<vmem>>, vector<1x16xf32>,
        %swap3A_732 = vector.shape_cast %swap3A_731 : vector<1x16xf32> to vector<16xf32>
        %swap3A_733 = vector.shape_cast %mul3A_726 : vector<16xf32> to vector<1x16xf32>
        tpu.vector_store %arg11[%swap3A_729, %swap3A_730], %swap3A_733 {strides = array<i32>} : memref<80x64xf32, #tpu.memory_space<vmem>>, vector<1x16xf32>,
        %add3A_734 = arith.constant 7 : i32
        %add3A_735 = arith.addi %mul3A_271, %add3A_734 : i32
        %get3A_736 = arith.index_cast %add3A_735 : i32 to index
        %get3A_737 = arith.constant 16 : index
        %get3A_738 = tpu.vector_load %arg7[%get3A_736, %get3A_737] {strides = array<i32>} : memref<80x128xf32, #tpu.memory_space<vmem>>, vector<1x16xf32>,
        %get3A_739 = vector.shape_cast %get3A_738 : vector<1x16xf32> to vector<16xf32>
        %mul3A_740 = arith.constant 8.000000e+00 : f32
        %mul3A_741 = vector.broadcast %mul3A_740 : f32 to vector<16xf32>
        %mul3A_742 = arith.mulf %get3A_739, %mul3A_741 : vector<16xf32>
        %add3A_743 = arith.constant 7 : i32
        %add3A_744 = arith.addi %mul3A_271, %add3A_743 : i32
        %swap3A_745 = arith.index_cast %add3A_744 : i32 to index
        %swap3A_746 = arith.constant 16 : index
        %swap3A_747 = tpu.vector_load %arg11[%swap3A_745, %swap3A_746] {strides = array<i32>} : memref<80x64xf32, #tpu.memory_space<vmem>>, vector<1x16xf32>,
        %swap3A_748 = vector.shape_cast %swap3A_747 : vector<1x16xf32> to vector<16xf32>
        %swap3A_749 = vector.shape_cast %mul3A_742 : vector<16xf32> to vector<1x16xf32>
        tpu.vector_store %arg11[%swap3A_745, %swap3A_746], %swap3A_749 {strides = array<i32>} : memref<80x64xf32, #tpu.memory_space<vmem>>, vector<1x16xf32>,
        %add3A_750 = arith.constant 7 : i32
        %add3A_751 = arith.addi %mul3A_271, %add3A_750 : i32
        %get3A_752 = arith.index_cast %add3A_751 : i32 to index
        %get3A_753 = arith.constant 32 : index
        %get3A_754 = tpu.vector_load %arg7[%get3A_752, %get3A_753] {strides = array<i32>} : memref<80x128xf32, #tpu.memory_space<vmem>>, vector<1x16xf32>,
        %get3A_755 = vector.shape_cast %get3A_754 : vector<1x16xf32> to vector<16xf32>
        %mul3A_756 = arith.constant 8.000000e+00 : f32
        %mul3A_757 = vector.broadcast %mul3A_756 : f32 to vector<16xf32>
        %mul3A_758 = arith.mulf %get3A_755, %mul3A_757 : vector<16xf32>
        %add3A_759 = arith.constant 7 : i32
        %add3A_760 = arith.addi %mul3A_271, %add3A_759 : i32
        %swap3A_761 = arith.index_cast %add3A_760 : i32 to index
        %swap3A_762 = arith.constant 32 : index
        %swap3A_763 = tpu.vector_load %arg11[%swap3A_761, %swap3A_762] {strides = array<i32>} : memref<80x64xf32, #tpu.memory_space<vmem>>, vector<1x16xf32>,
        %swap3A_764 = vector.shape_cast %swap3A_763 : vector<1x16xf32> to vector<16xf32>
        %swap3A_765 = vector.shape_cast %mul3A_758 : vector<16xf32> to vector<1x16xf32>
        tpu.vector_store %arg11[%swap3A_761, %swap3A_762], %swap3A_765 {strides = array<i32>} : memref<80x64xf32, #tpu.memory_space<vmem>>, vector<1x16xf32>,
        %add3A_766 = arith.constant 7 : i32
        %add3A_767 = arith.addi %mul3A_271, %add3A_766 : i32
        %get3A_768 = arith.index_cast %add3A_767 : i32 to index
        %get3A_769 = arith.constant 48 : index
        %get3A_770 = tpu.vector_load %arg7[%get3A_768, %get3A_769] {strides = array<i32>} : memref<80x128xf32, #tpu.memory_space<vmem>>, vector<1x16xf32>,
        %get3A_771 = vector.shape_cast %get3A_770 : vector<1x16xf32> to vector<16xf32>
        %mul3A_772 = arith.constant 8.000000e+00 : f32
        %mul3A_773 = vector.broadcast %mul3A_772 : f32 to vector<16xf32>
        %mul3A_774 = arith.mulf %get3A_771, %mul3A_773 : vector<16xf32>
        %add3A_775 = arith.constant 7 : i32
        %add3A_776 = arith.addi %mul3A_271, %add3A_775 : i32
        %swap3A_777 = arith.index_cast %add3A_776 : i32 to index
        %swap3A_778 = arith.constant 48 : index
        %swap3A_779 = tpu.vector_load %arg11[%swap3A_777, %swap3A_778] {strides = array<i32>} : memref<80x64xf32, #tpu.memory_space<vmem>>, vector<1x16xf32>,
        %swap3A_780 = vector.shape_cast %swap3A_779 : vector<1x16xf32> to vector<16xf32>
        %swap3A_781 = vector.shape_cast %mul3A_774 : vector<16xf32> to vector<1x16xf32>
        tpu.vector_store %arg11[%swap3A_777, %swap3A_778], %swap3A_781 {strides = array<i32>} : memref<80x64xf32, #tpu.memory_space<vmem>>, vector<1x16xf32>,
      }
      %scan3A_129 = arith.constant 10 : i32
      %add3A_130 = arith.constant 4 : i32
      %add3A_131 = arith.addi %add3A_112, %add3A_130 : i32
      %lt3A = arith.constant 320 : i32
      %lt3A_132 = arith.cmpi slt, %add3A_131, %lt3A : i32
      %convert_element_type3A_133 = arith.extui %lt3A_132 : i1 to i32
      %cond3A_134 = arith.constant 0 : i32
      %cond3A_135 = arith.cmpi ne, %convert_element_type3A_133, %cond3A_134 : i32
      scf.if %cond3A_135 {
        %add3A_269 = arith.constant 4 : i32
        %add3A_270 = arith.addi %add3A_112, %add3A_269 : i32
        %mul3A_271 = arith.constant 80 : i32
        %mul3A_272 = arith.muli %add3A_270, %mul3A_271 : i32
        %dma_start3A_273 = arith.constant 0 : i32
        %dma_start3A_274 = tpu.memref_slice %arg6[%mul3A_272] : memref<25600xi32, #tpu.memory_space<vmem>> -> memref<80xi32, #tpu.memory_space<vmem>>
        %dma_start3A_275 = arith.constant 0 : i32
        %dma_start3A_276 = arith.constant 0 : i32
        %dma_start3A_277 = tpu.memref_slice %arg3[%dma_start3A_275, %dma_start3A_276] : memref<1000000x128xf32, #tpu.memory_space<hbm>> -> memref<1000000x128xf32, #tpu.memory_space<hbm>>
        %dma_start3A_278 = tpu.memref_slice %arg15[%dma_start3A_273] : memref<4x!tpu.dma_semaphore, #tpu.memory_space<semaphore_mem>> -> memref<1x!tpu.dma_semaphore, #tpu.memory_space<semaphore_mem>>
        %dma_start3A_279 = tpu.memref_squeeze %dma_start3A_278 : memref<1x!tpu.dma_semaphore, #tpu.memory_space<semaphore_mem>> -> memref<!tpu.dma_semaphore, #tpu.memory_space<semaphore_mem>>
        tpu.enqueue_indirect_dma source(%dma_start3A_277 : memref<1000000x128xf32, #tpu.memory_space<hbm>>) target(%arg7 : memref<80x128xf32, #tpu.memory_space<vmem>>) offsets(%dma_start3A_274 : memref<80xi32, #tpu.memory_space<vmem>>) semaphore(%dma_start3A_279 : memref<!tpu.dma_semaphore, #tpu.memory_space<semaphore_mem>>)
      } else {
      }
      %mul3A_136 = arith.constant 80 : i32
      %mul3A_137 = arith.muli %add3A_112, %mul3A_136 : i32
      %add3A_138 = arith.addi %mul3A_4, %mul3A_137 : i32
      %dma_start3A_139 = arith.constant 0 : i32
      %dma_start3A_140 = arith.constant 0 : i32
      %dma_start3A_141 = tpu.memref_slice %arg4[%add3A_138, %dma_start3A_140] : memref<819200x64xf32, #tpu.memory_space<hbm>> -> memref<80x64xf32, #tpu.memory_space<hbm>>
      %dma_start3A_142 = tpu.memref_slice %arg16[%dma_start3A_139] : memref<4x!tpu.dma_semaphore, #tpu.memory_space<semaphore_mem>> -> memref<1x!tpu.dma_semaphore, #tpu.memory_space<semaphore_mem>>
      %dma_start3A_143 = tpu.memref_squeeze %dma_start3A_142 : memref<1x!tpu.dma_semaphore, #tpu.memory_space<semaphore_mem>> -> memref<!tpu.dma_semaphore, #tpu.memory_space<semaphore_mem>>
      %dma_start3A_144 = arith.constant 0 : i32
      %dma_start3A_145 = tpu.memref_slice %arg4[%add3A_138, %dma_start3A_144] : memref<819200x64xf32, #tpu.memory_space<hbm>> -> memref<80x64xf32, #tpu.memory_space<hbm>>
      tpu.enqueue_dma source(%arg11 : memref<80x64xf32, #tpu.memory_space<vmem>>) target(%dma_start3A_145 : memref<80x64xf32, #tpu.memory_space<hbm>>) target_semaphore(%dma_start3A_143 : memref<!tpu.dma_semaphore, #tpu.memory_space<semaphore_mem>>)
      %mul3A_146 = arith.constant 4 : i32
      %mul3A_147 = arith.muli %scan3A_108, %mul3A_146 : i32
      %add3A_148 = arith.constant 1 : i32
      %add3A_149 = arith.addi %mul3A_147, %add3A_148 : i32
      %mul3A_150 = arith.constant 80 : i32
      %mul3A_151 = arith.muli %add3A_149, %mul3A_150 : i32
      %dma_wait3A_152 = arith.constant 1 : i32
      %dma_wait3A_153 = tpu.memref_slice %arg6[%mul3A_151] : memref<25600xi32, #tpu.memory_space<vmem>> -> memref<80xi32, #tpu.memory_space<vmem>>
      %dma_wait3A_154 = arith.constant 0 : i32
      %dma_wait3A_155 = arith.constant 0 : i32
      %dma_wait3A_156 = tpu.memref_slice %arg3[%dma_wait3A_154, %dma_wait3A_155] : memref<1000000x128xf32, #tpu.memory_space<hbm>> -> memref<1000000x128xf32, #tpu.memory_space<hbm>>
      %dma_wait3A_157 = tpu.memref_slice %arg15[%dma_wait3A_152] : memref<4x!tpu.dma_semaphore, #tpu.memory_space<semaphore_mem>> -> memref<1x!tpu.dma_semaphore, #tpu.memory_space<semaphore_mem>>
      %dma_wait3A_158 = tpu.memref_squeeze %dma_wait3A_157 : memref<1x!tpu.dma_semaphore, #tpu.memory_space<semaphore_mem>> -> memref<!tpu.dma_semaphore, #tpu.memory_space<semaphore_mem>>
      tpu.wait_indirect_dma semaphore(%dma_wait3A_158 : memref<!tpu.dma_semaphore, #tpu.memory_space<semaphore_mem>>) src(%dma_wait3A_156 : memref<1000000x128xf32, #tpu.memory_space<hbm>>) dst(%arg8 : memref<80x128xf32, #tpu.memory_space<vmem>>)
      %ge3A_159 = arith.constant 4 : i32
      %ge3A_160 = arith.cmpi sge, %add3A_149, %ge3A_159 : i32
      %convert_element_type3A_161 = arith.extui %ge3A_160 : i1 to i32
      %cond3A_162 = arith.constant 0 : i32
      %cond3A_163 = arith.cmpi ne, %convert_element_type3A_161, %cond3A_162 : i32
      scf.if %cond3A_163 {
        %sub3A = arith.constant 4 : i32
        %sub3A_269 = arith.subi %add3A_149, %sub3A : i32
        %mul3A_270 = arith.constant 80 : i32
        %mul3A_271 = arith.muli %sub3A_269, %mul3A_270 : i32
        %add3A_272 = arith.addi %mul3A_4, %mul3A_271 : i32
        %dma_wait3A_273 = arith.constant 1 : i32
        %dma_wait3A_274 = arith.constant 0 : i32
        %dma_wait3A_275 = tpu.memref_slice %arg4[%add3A_272, %dma_wait3A_274] : memref<819200x64xf32, #tpu.memory_space<hbm>> -> memref<80x64xf32, #tpu.memory_space<hbm>>
        %dma_wait3A_276 = tpu.memref_slice %arg16[%dma_wait3A_273] : memref<4x!tpu.dma_semaphore, #tpu.memory_space<semaphore_mem>> -> memref<1x!tpu.dma_semaphore, #tpu.memory_space<semaphore_mem>>
        %dma_wait3A_277 = tpu.memref_squeeze %dma_wait3A_276 : memref<1x!tpu.dma_semaphore, #tpu.memory_space<semaphore_mem>> -> memref<!tpu.dma_semaphore, #tpu.memory_space<semaphore_mem>>
        %dma_wait3A_278 = arith.constant 0 : i32
        %dma_wait3A_279 = tpu.memref_slice %arg4[%add3A_272, %dma_wait3A_278] : memref<819200x64xf32, #tpu.memory_space<hbm>> -> memref<80x64xf32, #tpu.memory_space<hbm>>
        tpu.wait_dma2 semaphore(%dma_wait3A_277 : memref<!tpu.dma_semaphore, #tpu.memory_space<semaphore_mem>>) src(%arg12 : memref<80x64xf32, #tpu.memory_space<vmem>>) dst(%dma_wait3A_279 : memref<80x64xf32, #tpu.memory_space<hbm>>)
      } else {
      }
      %scan3A_164 = arith.constant 0 : i32
      %scan3A_165 = arith.constant 0 : i32
      %scan3A_166 = arith.constant 10 : i32
      %scan3A_167 = arith.addi %scan3A_165, %scan3A_166 : i32
      %scan3A_168 = arith.constant 1 : i32
      scf.for %scan3A_269 = %scan3A_165 to %scan3A_167 step %scan3A_168  : i32 {
        %mul3A_270 = arith.constant 8 : i32
        %mul3A_271 = arith.muli %scan3A_269, %mul3A_270 : i32
        %add3A_272 = arith.constant 0 : i32
        %add3A_273 = arith.addi %mul3A_271, %add3A_272 : i32
        %get3A = arith.index_cast %add3A_273 : i32 to index
        %get3A_274 = arith.constant 0 : index
        %get3A_275 = tpu.vector_load %arg8[%get3A, %get3A_274] {strides = array<i32>} : memref<80x128xf32, #tpu.memory_space<vmem>>, vector<1x16xf32>,
        %get3A_276 = vector.shape_cast %get3A_275 : vector<1x16xf32> to vector<16xf32>
        %mul3A_277 = arith.constant 8.000000e+00 : f32
        %mul3A_278 = vector.broadcast %mul3A_277 : f32 to vector<16xf32>
        %mul3A_279 = arith.mulf %get3A_276, %mul3A_278 : vector<16xf32>
        %add3A_280 = arith.constant 0 : i32
        %add3A_281 = arith.addi %mul3A_271, %add3A_280 : i32
        %swap3A = arith.index_cast %add3A_281 : i32 to index
        %swap3A_282 = arith.constant 0 : index
        %swap3A_283 = tpu.vector_load %arg12[%swap3A, %swap3A_282] {strides = array<i32>} : memref<80x64xf32, #tpu.memory_space<vmem>>, vector<1x16xf32>,
        %swap3A_284 = vector.shape_cast %swap3A_283 : vector<1x16xf32> to vector<16xf32>
        %swap3A_285 = vector.shape_cast %mul3A_279 : vector<16xf32> to vector<1x16xf32>
        tpu.vector_store %arg12[%swap3A, %swap3A_282], %swap3A_285 {strides = array<i32>} : memref<80x64xf32, #tpu.memory_space<vmem>>, vector<1x16xf32>,
        %add3A_286 = arith.constant 0 : i32
        %add3A_287 = arith.addi %mul3A_271, %add3A_286 : i32
        %get3A_288 = arith.index_cast %add3A_287 : i32 to index
        %get3A_289 = arith.constant 16 : index
        %get3A_290 = tpu.vector_load %arg8[%get3A_288, %get3A_289] {strides = array<i32>} : memref<80x128xf32, #tpu.memory_space<vmem>>, vector<1x16xf32>,
        %get3A_291 = vector.shape_cast %get3A_290 : vector<1x16xf32> to vector<16xf32>
        %mul3A_292 = arith.constant 8.000000e+00 : f32
        %mul3A_293 = vector.broadcast %mul3A_292 : f32 to vector<16xf32>
        %mul3A_294 = arith.mulf %get3A_291, %mul3A_293 : vector<16xf32>
        %add3A_295 = arith.constant 0 : i32
        %add3A_296 = arith.addi %mul3A_271, %add3A_295 : i32
        %swap3A_297 = arith.index_cast %add3A_296 : i32 to index
        %swap3A_298 = arith.constant 16 : index
        %swap3A_299 = tpu.vector_load %arg12[%swap3A_297, %swap3A_298] {strides = array<i32>} : memref<80x64xf32, #tpu.memory_space<vmem>>, vector<1x16xf32>,
        %swap3A_300 = vector.shape_cast %swap3A_299 : vector<1x16xf32> to vector<16xf32>
        %swap3A_301 = vector.shape_cast %mul3A_294 : vector<16xf32> to vector<1x16xf32>
        tpu.vector_store %arg12[%swap3A_297, %swap3A_298], %swap3A_301 {strides = array<i32>} : memref<80x64xf32, #tpu.memory_space<vmem>>, vector<1x16xf32>,
        %add3A_302 = arith.constant 0 : i32
        %add3A_303 = arith.addi %mul3A_271, %add3A_302 : i32
        %get3A_304 = arith.index_cast %add3A_303 : i32 to index
        %get3A_305 = arith.constant 32 : index
        %get3A_306 = tpu.vector_load %arg8[%get3A_304, %get3A_305] {strides = array<i32>} : memref<80x128xf32, #tpu.memory_space<vmem>>, vector<1x16xf32>,
        %get3A_307 = vector.shape_cast %get3A_306 : vector<1x16xf32> to vector<16xf32>
        %mul3A_308 = arith.constant 8.000000e+00 : f32
        %mul3A_309 = vector.broadcast %mul3A_308 : f32 to vector<16xf32>
        %mul3A_310 = arith.mulf %get3A_307, %mul3A_309 : vector<16xf32>
        %add3A_311 = arith.constant 0 : i32
        %add3A_312 = arith.addi %mul3A_271, %add3A_311 : i32
        %swap3A_313 = arith.index_cast %add3A_312 : i32 to index
        %swap3A_314 = arith.constant 32 : index
        %swap3A_315 = tpu.vector_load %arg12[%swap3A_313, %swap3A_314] {strides = array<i32>} : memref<80x64xf32, #tpu.memory_space<vmem>>, vector<1x16xf32>,
        %swap3A_316 = vector.shape_cast %swap3A_315 : vector<1x16xf32> to vector<16xf32>
        %swap3A_317 = vector.shape_cast %mul3A_310 : vector<16xf32> to vector<1x16xf32>
        tpu.vector_store %arg12[%swap3A_313, %swap3A_314], %swap3A_317 {strides = array<i32>} : memref<80x64xf32, #tpu.memory_space<vmem>>, vector<1x16xf32>,
        %add3A_318 = arith.constant 0 : i32
        %add3A_319 = arith.addi %mul3A_271, %add3A_318 : i32
        %get3A_320 = arith.index_cast %add3A_319 : i32 to index
        %get3A_321 = arith.constant 48 : index
        %get3A_322 = tpu.vector_load %arg8[%get3A_320, %get3A_321] {strides = array<i32>} : memref<80x128xf32, #tpu.memory_space<vmem>>, vector<1x16xf32>,
        %get3A_323 = vector.shape_cast %get3A_322 : vector<1x16xf32> to vector<16xf32>
        %mul3A_324 = arith.constant 8.000000e+00 : f32
        %mul3A_325 = vector.broadcast %mul3A_324 : f32 to vector<16xf32>
        %mul3A_326 = arith.mulf %get3A_323, %mul3A_325 : vector<16xf32>
        %add3A_327 = arith.constant 0 : i32
        %add3A_328 = arith.addi %mul3A_271, %add3A_327 : i32
        %swap3A_329 = arith.index_cast %add3A_328 : i32 to index
        %swap3A_330 = arith.constant 48 : index
        %swap3A_331 = tpu.vector_load %arg12[%swap3A_329, %swap3A_330] {strides = array<i32>} : memref<80x64xf32, #tpu.memory_space<vmem>>, vector<1x16xf32>,
        %swap3A_332 = vector.shape_cast %swap3A_331 : vector<1x16xf32> to vector<16xf32>
        %swap3A_333 = vector.shape_cast %mul3A_326 : vector<16xf32> to vector<1x16xf32>
        tpu.vector_store %arg12[%swap3A_329, %swap3A_330], %swap3A_333 {strides = array<i32>} : memref<80x64xf32, #tpu.memory_space<vmem>>, vector<1x16xf32>,
        %add3A_334 = arith.constant 1 : i32
        %add3A_335 = arith.addi %mul3A_271, %add3A_334 : i32
        %get3A_336 = arith.index_cast %add3A_335 : i32 to index
        %get3A_337 = arith.constant 0 : index
        %get3A_338 = tpu.vector_load %arg8[%get3A_336, %get3A_337] {strides = array<i32>} : memref<80x128xf32, #tpu.memory_space<vmem>>, vector<1x16xf32>,
        %get3A_339 = vector.shape_cast %get3A_338 : vector<1x16xf32> to vector<16xf32>
        %mul3A_340 = arith.constant 8.000000e+00 : f32
        %mul3A_341 = vector.broadcast %mul3A_340 : f32 to vector<16xf32>
        %mul3A_342 = arith.mulf %get3A_339, %mul3A_341 : vector<16xf32>
        %add3A_343 = arith.constant 1 : i32
        %add3A_344 = arith.addi %mul3A_271, %add3A_343 : i32
        %swap3A_345 = arith.index_cast %add3A_344 : i32 to index
        %swap3A_346 = arith.constant 0 : index
        %swap3A_347 = tpu.vector_load %arg12[%swap3A_345, %swap3A_346] {strides = array<i32>} : memref<80x64xf32, #tpu.memory_space<vmem>>, vector<1x16xf32>,
        %swap3A_348 = vector.shape_cast %swap3A_347 : vector<1x16xf32> to vector<16xf32>
        %swap3A_349 = vector.shape_cast %mul3A_342 : vector<16xf32> to vector<1x16xf32>
        tpu.vector_store %arg12[%swap3A_345, %swap3A_346], %swap3A_349 {strides = array<i32>} : memref<80x64xf32, #tpu.memory_space<vmem>>, vector<1x16xf32>,
        %add3A_350 = arith.constant 1 : i32
        %add3A_351 = arith.addi %mul3A_271, %add3A_350 : i32
        %get3A_352 = arith.index_cast %add3A_351 : i32 to index
        %get3A_353 = arith.constant 16 : index
        %get3A_354 = tpu.vector_load %arg8[%get3A_352, %get3A_353] {strides = array<i32>} : memref<80x128xf32, #tpu.memory_space<vmem>>, vector<1x16xf32>,
        %get3A_355 = vector.shape_cast %get3A_354 : vector<1x16xf32> to vector<16xf32>
        %mul3A_356 = arith.constant 8.000000e+00 : f32
        %mul3A_357 = vector.broadcast %mul3A_356 : f32 to vector<16xf32>
        %mul3A_358 = arith.mulf %get3A_355, %mul3A_357 : vector<16xf32>
        %add3A_359 = arith.constant 1 : i32
        %add3A_360 = arith.addi %mul3A_271, %add3A_359 : i32
        %swap3A_361 = arith.index_cast %add3A_360 : i32 to index
        %swap3A_362 = arith.constant 16 : index
        %swap3A_363 = tpu.vector_load %arg12[%swap3A_361, %swap3A_362] {strides = array<i32>} : memref<80x64xf32, #tpu.memory_space<vmem>>, vector<1x16xf32>,
        %swap3A_364 = vector.shape_cast %swap3A_363 : vector<1x16xf32> to vector<16xf32>
        %swap3A_365 = vector.shape_cast %mul3A_358 : vector<16xf32> to vector<1x16xf32>
        tpu.vector_store %arg12[%swap3A_361, %swap3A_362], %swap3A_365 {strides = array<i32>} : memref<80x64xf32, #tpu.memory_space<vmem>>, vector<1x16xf32>,
        %add3A_366 = arith.constant 1 : i32
        %add3A_367 = arith.addi %mul3A_271, %add3A_366 : i32
        %get3A_368 = arith.index_cast %add3A_367 : i32 to index
        %get3A_369 = arith.constant 32 : index
        %get3A_370 = tpu.vector_load %arg8[%get3A_368, %get3A_369] {strides = array<i32>} : memref<80x128xf32, #tpu.memory_space<vmem>>, vector<1x16xf32>,
        %get3A_371 = vector.shape_cast %get3A_370 : vector<1x16xf32> to vector<16xf32>
        %mul3A_372 = arith.constant 8.000000e+00 : f32
        %mul3A_373 = vector.broadcast %mul3A_372 : f32 to vector<16xf32>
        %mul3A_374 = arith.mulf %get3A_371, %mul3A_373 : vector<16xf32>
        %add3A_375 = arith.constant 1 : i32
        %add3A_376 = arith.addi %mul3A_271, %add3A_375 : i32
        %swap3A_377 = arith.index_cast %add3A_376 : i32 to index
        %swap3A_378 = arith.constant 32 : index
        %swap3A_379 = tpu.vector_load %arg12[%swap3A_377, %swap3A_378] {strides = array<i32>} : memref<80x64xf32, #tpu.memory_space<vmem>>, vector<1x16xf32>,
        %swap3A_380 = vector.shape_cast %swap3A_379 : vector<1x16xf32> to vector<16xf32>
        %swap3A_381 = vector.shape_cast %mul3A_374 : vector<16xf32> to vector<1x16xf32>
        tpu.vector_store %arg12[%swap3A_377, %swap3A_378], %swap3A_381 {strides = array<i32>} : memref<80x64xf32, #tpu.memory_space<vmem>>, vector<1x16xf32>,
        %add3A_382 = arith.constant 1 : i32
        %add3A_383 = arith.addi %mul3A_271, %add3A_382 : i32
        %get3A_384 = arith.index_cast %add3A_383 : i32 to index
        %get3A_385 = arith.constant 48 : index
        %get3A_386 = tpu.vector_load %arg8[%get3A_384, %get3A_385] {strides = array<i32>} : memref<80x128xf32, #tpu.memory_space<vmem>>, vector<1x16xf32>,
        %get3A_387 = vector.shape_cast %get3A_386 : vector<1x16xf32> to vector<16xf32>
        %mul3A_388 = arith.constant 8.000000e+00 : f32
        %mul3A_389 = vector.broadcast %mul3A_388 : f32 to vector<16xf32>
        %mul3A_390 = arith.mulf %get3A_387, %mul3A_389 : vector<16xf32>
        %add3A_391 = arith.constant 1 : i32
        %add3A_392 = arith.addi %mul3A_271, %add3A_391 : i32
        %swap3A_393 = arith.index_cast %add3A_392 : i32 to index
        %swap3A_394 = arith.constant 48 : index
        %swap3A_395 = tpu.vector_load %arg12[%swap3A_393, %swap3A_394] {strides = array<i32>} : memref<80x64xf32, #tpu.memory_space<vmem>>, vector<1x16xf32>,
        %swap3A_396 = vector.shape_cast %swap3A_395 : vector<1x16xf32> to vector<16xf32>
        %swap3A_397 = vector.shape_cast %mul3A_390 : vector<16xf32> to vector<1x16xf32>
        tpu.vector_store %arg12[%swap3A_393, %swap3A_394], %swap3A_397 {strides = array<i32>} : memref<80x64xf32, #tpu.memory_space<vmem>>, vector<1x16xf32>,
        %add3A_398 = arith.constant 2 : i32
        %add3A_399 = arith.addi %mul3A_271, %add3A_398 : i32
        %get3A_400 = arith.index_cast %add3A_399 : i32 to index
        %get3A_401 = arith.constant 0 : index
        %get3A_402 = tpu.vector_load %arg8[%get3A_400, %get3A_401] {strides = array<i32>} : memref<80x128xf32, #tpu.memory_space<vmem>>, vector<1x16xf32>,
        %get3A_403 = vector.shape_cast %get3A_402 : vector<1x16xf32> to vector<16xf32>
        %mul3A_404 = arith.constant 8.000000e+00 : f32
        %mul3A_405 = vector.broadcast %mul3A_404 : f32 to vector<16xf32>
        %mul3A_406 = arith.mulf %get3A_403, %mul3A_405 : vector<16xf32>
        %add3A_407 = arith.constant 2 : i32
        %add3A_408 = arith.addi %mul3A_271, %add3A_407 : i32
        %swap3A_409 = arith.index_cast %add3A_408 : i32 to index
        %swap3A_410 = arith.constant 0 : index
        %swap3A_411 = tpu.vector_load %arg12[%swap3A_409, %swap3A_410] {strides = array<i32>} : memref<80x64xf32, #tpu.memory_space<vmem>>, vector<1x16xf32>,
        %swap3A_412 = vector.shape_cast %swap3A_411 : vector<1x16xf32> to vector<16xf32>
        %swap3A_413 = vector.shape_cast %mul3A_406 : vector<16xf32> to vector<1x16xf32>
        tpu.vector_store %arg12[%swap3A_409, %swap3A_410], %swap3A_413 {strides = array<i32>} : memref<80x64xf32, #tpu.memory_space<vmem>>, vector<1x16xf32>,
        %add3A_414 = arith.constant 2 : i32
        %add3A_415 = arith.addi %mul3A_271, %add3A_414 : i32
        %get3A_416 = arith.index_cast %add3A_415 : i32 to index
        %get3A_417 = arith.constant 16 : index
        %get3A_418 = tpu.vector_load %arg8[%get3A_416, %get3A_417] {strides = array<i32>} : memref<80x128xf32, #tpu.memory_space<vmem>>, vector<1x16xf32>,
        %get3A_419 = vector.shape_cast %get3A_418 : vector<1x16xf32> to vector<16xf32>
        %mul3A_420 = arith.constant 8.000000e+00 : f32
        %mul3A_421 = vector.broadcast %mul3A_420 : f32 to vector<16xf32>
        %mul3A_422 = arith.mulf %get3A_419, %mul3A_421 : vector<16xf32>
        %add3A_423 = arith.constant 2 : i32
        %add3A_424 = arith.addi %mul3A_271, %add3A_423 : i32
        %swap3A_425 = arith.index_cast %add3A_424 : i32 to index
        %swap3A_426 = arith.constant 16 : index
        %swap3A_427 = tpu.vector_load %arg12[%swap3A_425, %swap3A_426] {strides = array<i32>} : memref<80x64xf32, #tpu.memory_space<vmem>>, vector<1x16xf32>,
        %swap3A_428 = vector.shape_cast %swap3A_427 : vector<1x16xf32> to vector<16xf32>
        %swap3A_429 = vector.shape_cast %mul3A_422 : vector<16xf32> to vector<1x16xf32>
        tpu.vector_store %arg12[%swap3A_425, %swap3A_426], %swap3A_429 {strides = array<i32>} : memref<80x64xf32, #tpu.memory_space<vmem>>, vector<1x16xf32>,
        %add3A_430 = arith.constant 2 : i32
        %add3A_431 = arith.addi %mul3A_271, %add3A_430 : i32
        %get3A_432 = arith.index_cast %add3A_431 : i32 to index
        %get3A_433 = arith.constant 32 : index
        %get3A_434 = tpu.vector_load %arg8[%get3A_432, %get3A_433] {strides = array<i32>} : memref<80x128xf32, #tpu.memory_space<vmem>>, vector<1x16xf32>,
        %get3A_435 = vector.shape_cast %get3A_434 : vector<1x16xf32> to vector<16xf32>
        %mul3A_436 = arith.constant 8.000000e+00 : f32
        %mul3A_437 = vector.broadcast %mul3A_436 : f32 to vector<16xf32>
        %mul3A_438 = arith.mulf %get3A_435, %mul3A_437 : vector<16xf32>
        %add3A_439 = arith.constant 2 : i32
        %add3A_440 = arith.addi %mul3A_271, %add3A_439 : i32
        %swap3A_441 = arith.index_cast %add3A_440 : i32 to index
        %swap3A_442 = arith.constant 32 : index
        %swap3A_443 = tpu.vector_load %arg12[%swap3A_441, %swap3A_442] {strides = array<i32>} : memref<80x64xf32, #tpu.memory_space<vmem>>, vector<1x16xf32>,
        %swap3A_444 = vector.shape_cast %swap3A_443 : vector<1x16xf32> to vector<16xf32>
        %swap3A_445 = vector.shape_cast %mul3A_438 : vector<16xf32> to vector<1x16xf32>
        tpu.vector_store %arg12[%swap3A_441, %swap3A_442], %swap3A_445 {strides = array<i32>} : memref<80x64xf32, #tpu.memory_space<vmem>>, vector<1x16xf32>,
        %add3A_446 = arith.constant 2 : i32
        %add3A_447 = arith.addi %mul3A_271, %add3A_446 : i32
        %get3A_448 = arith.index_cast %add3A_447 : i32 to index
        %get3A_449 = arith.constant 48 : index
        %get3A_450 = tpu.vector_load %arg8[%get3A_448, %get3A_449] {strides = array<i32>} : memref<80x128xf32, #tpu.memory_space<vmem>>, vector<1x16xf32>,
        %get3A_451 = vector.shape_cast %get3A_450 : vector<1x16xf32> to vector<16xf32>
        %mul3A_452 = arith.constant 8.000000e+00 : f32
        %mul3A_453 = vector.broadcast %mul3A_452 : f32 to vector<16xf32>
        %mul3A_454 = arith.mulf %get3A_451, %mul3A_453 : vector<16xf32>
        %add3A_455 = arith.constant 2 : i32
        %add3A_456 = arith.addi %mul3A_271, %add3A_455 : i32
        %swap3A_457 = arith.index_cast %add3A_456 : i32 to index
        %swap3A_458 = arith.constant 48 : index
        %swap3A_459 = tpu.vector_load %arg12[%swap3A_457, %swap3A_458] {strides = array<i32>} : memref<80x64xf32, #tpu.memory_space<vmem>>, vector<1x16xf32>,
        %swap3A_460 = vector.shape_cast %swap3A_459 : vector<1x16xf32> to vector<16xf32>
        %swap3A_461 = vector.shape_cast %mul3A_454 : vector<16xf32> to vector<1x16xf32>
        tpu.vector_store %arg12[%swap3A_457, %swap3A_458], %swap3A_461 {strides = array<i32>} : memref<80x64xf32, #tpu.memory_space<vmem>>, vector<1x16xf32>,
        %add3A_462 = arith.constant 3 : i32
        %add3A_463 = arith.addi %mul3A_271, %add3A_462 : i32
        %get3A_464 = arith.index_cast %add3A_463 : i32 to index
        %get3A_465 = arith.constant 0 : index
        %get3A_466 = tpu.vector_load %arg8[%get3A_464, %get3A_465] {strides = array<i32>} : memref<80x128xf32, #tpu.memory_space<vmem>>, vector<1x16xf32>,
        %get3A_467 = vector.shape_cast %get3A_466 : vector<1x16xf32> to vector<16xf32>
        %mul3A_468 = arith.constant 8.000000e+00 : f32
        %mul3A_469 = vector.broadcast %mul3A_468 : f32 to vector<16xf32>
        %mul3A_470 = arith.mulf %get3A_467, %mul3A_469 : vector<16xf32>
        %add3A_471 = arith.constant 3 : i32
        %add3A_472 = arith.addi %mul3A_271, %add3A_471 : i32
        %swap3A_473 = arith.index_cast %add3A_472 : i32 to index
        %swap3A_474 = arith.constant 0 : index
        %swap3A_475 = tpu.vector_load %arg12[%swap3A_473, %swap3A_474] {strides = array<i32>} : memref<80x64xf32, #tpu.memory_space<vmem>>, vector<1x16xf32>,
        %swap3A_476 = vector.shape_cast %swap3A_475 : vector<1x16xf32> to vector<16xf32>
        %swap3A_477 = vector.shape_cast %mul3A_470 : vector<16xf32> to vector<1x16xf32>
        tpu.vector_store %arg12[%swap3A_473, %swap3A_474], %swap3A_477 {strides = array<i32>} : memref<80x64xf32, #tpu.memory_space<vmem>>, vector<1x16xf32>,
        %add3A_478 = arith.constant 3 : i32
        %add3A_479 = arith.addi %mul3A_271, %add3A_478 : i32
        %get3A_480 = arith.index_cast %add3A_479 : i32 to index
        %get3A_481 = arith.constant 16 : index
        %get3A_482 = tpu.vector_load %arg8[%get3A_480, %get3A_481] {strides = array<i32>} : memref<80x128xf32, #tpu.memory_space<vmem>>, vector<1x16xf32>,
        %get3A_483 = vector.shape_cast %get3A_482 : vector<1x16xf32> to vector<16xf32>
        %mul3A_484 = arith.constant 8.000000e+00 : f32
        %mul3A_485 = vector.broadcast %mul3A_484 : f32 to vector<16xf32>
        %mul3A_486 = arith.mulf %get3A_483, %mul3A_485 : vector<16xf32>
        %add3A_487 = arith.constant 3 : i32
        %add3A_488 = arith.addi %mul3A_271, %add3A_487 : i32
        %swap3A_489 = arith.index_cast %add3A_488 : i32 to index
        %swap3A_490 = arith.constant 16 : index
        %swap3A_491 = tpu.vector_load %arg12[%swap3A_489, %swap3A_490] {strides = array<i32>} : memref<80x64xf32, #tpu.memory_space<vmem>>, vector<1x16xf32>,
        %swap3A_492 = vector.shape_cast %swap3A_491 : vector<1x16xf32> to vector<16xf32>
        %swap3A_493 = vector.shape_cast %mul3A_486 : vector<16xf32> to vector<1x16xf32>
        tpu.vector_store %arg12[%swap3A_489, %swap3A_490], %swap3A_493 {strides = array<i32>} : memref<80x64xf32, #tpu.memory_space<vmem>>, vector<1x16xf32>,
        %add3A_494 = arith.constant 3 : i32
        %add3A_495 = arith.addi %mul3A_271, %add3A_494 : i32
        %get3A_496 = arith.index_cast %add3A_495 : i32 to index
        %get3A_497 = arith.constant 32 : index
        %get3A_498 = tpu.vector_load %arg8[%get3A_496, %get3A_497] {strides = array<i32>} : memref<80x128xf32, #tpu.memory_space<vmem>>, vector<1x16xf32>,
        %get3A_499 = vector.shape_cast %get3A_498 : vector<1x16xf32> to vector<16xf32>
        %mul3A_500 = arith.constant 8.000000e+00 : f32
        %mul3A_501 = vector.broadcast %mul3A_500 : f32 to vector<16xf32>
        %mul3A_502 = arith.mulf %get3A_499, %mul3A_501 : vector<16xf32>
        %add3A_503 = arith.constant 3 : i32
        %add3A_504 = arith.addi %mul3A_271, %add3A_503 : i32
        %swap3A_505 = arith.index_cast %add3A_504 : i32 to index
        %swap3A_506 = arith.constant 32 : index
        %swap3A_507 = tpu.vector_load %arg12[%swap3A_505, %swap3A_506] {strides = array<i32>} : memref<80x64xf32, #tpu.memory_space<vmem>>, vector<1x16xf32>,
        %swap3A_508 = vector.shape_cast %swap3A_507 : vector<1x16xf32> to vector<16xf32>
        %swap3A_509 = vector.shape_cast %mul3A_502 : vector<16xf32> to vector<1x16xf32>
        tpu.vector_store %arg12[%swap3A_505, %swap3A_506], %swap3A_509 {strides = array<i32>} : memref<80x64xf32, #tpu.memory_space<vmem>>, vector<1x16xf32>,
        %add3A_510 = arith.constant 3 : i32
        %add3A_511 = arith.addi %mul3A_271, %add3A_510 : i32
        %get3A_512 = arith.index_cast %add3A_511 : i32 to index
        %get3A_513 = arith.constant 48 : index
        %get3A_514 = tpu.vector_load %arg8[%get3A_512, %get3A_513] {strides = array<i32>} : memref<80x128xf32, #tpu.memory_space<vmem>>, vector<1x16xf32>,
        %get3A_515 = vector.shape_cast %get3A_514 : vector<1x16xf32> to vector<16xf32>
        %mul3A_516 = arith.constant 8.000000e+00 : f32
        %mul3A_517 = vector.broadcast %mul3A_516 : f32 to vector<16xf32>
        %mul3A_518 = arith.mulf %get3A_515, %mul3A_517 : vector<16xf32>
        %add3A_519 = arith.constant 3 : i32
        %add3A_520 = arith.addi %mul3A_271, %add3A_519 : i32
        %swap3A_521 = arith.index_cast %add3A_520 : i32 to index
        %swap3A_522 = arith.constant 48 : index
        %swap3A_523 = tpu.vector_load %arg12[%swap3A_521, %swap3A_522] {strides = array<i32>} : memref<80x64xf32, #tpu.memory_space<vmem>>, vector<1x16xf32>,
        %swap3A_524 = vector.shape_cast %swap3A_523 : vector<1x16xf32> to vector<16xf32>
        %swap3A_525 = vector.shape_cast %mul3A_518 : vector<16xf32> to vector<1x16xf32>
        tpu.vector_store %arg12[%swap3A_521, %swap3A_522], %swap3A_525 {strides = array<i32>} : memref<80x64xf32, #tpu.memory_space<vmem>>, vector<1x16xf32>,
        %add3A_526 = arith.constant 4 : i32
        %add3A_527 = arith.addi %mul3A_271, %add3A_526 : i32
        %get3A_528 = arith.index_cast %add3A_527 : i32 to index
        %get3A_529 = arith.constant 0 : index
        %get3A_530 = tpu.vector_load %arg8[%get3A_528, %get3A_529] {strides = array<i32>} : memref<80x128xf32, #tpu.memory_space<vmem>>, vector<1x16xf32>,
        %get3A_531 = vector.shape_cast %get3A_530 : vector<1x16xf32> to vector<16xf32>
        %mul3A_532 = arith.constant 8.000000e+00 : f32
        %mul3A_533 = vector.broadcast %mul3A_532 : f32 to vector<16xf32>
        %mul3A_534 = arith.mulf %get3A_531, %mul3A_533 : vector<16xf32>
        %add3A_535 = arith.constant 4 : i32
        %add3A_536 = arith.addi %mul3A_271, %add3A_535 : i32
        %swap3A_537 = arith.index_cast %add3A_536 : i32 to index
        %swap3A_538 = arith.constant 0 : index
        %swap3A_539 = tpu.vector_load %arg12[%swap3A_537, %swap3A_538] {strides = array<i32>} : memref<80x64xf32, #tpu.memory_space<vmem>>, vector<1x16xf32>,
        %swap3A_540 = vector.shape_cast %swap3A_539 : vector<1x16xf32> to vector<16xf32>
        %swap3A_541 = vector.shape_cast %mul3A_534 : vector<16xf32> to vector<1x16xf32>
        tpu.vector_store %arg12[%swap3A_537, %swap3A_538], %swap3A_541 {strides = array<i32>} : memref<80x64xf32, #tpu.memory_space<vmem>>, vector<1x16xf32>,
        %add3A_542 = arith.constant 4 : i32
        %add3A_543 = arith.addi %mul3A_271, %add3A_542 : i32
        %get3A_544 = arith.index_cast %add3A_543 : i32 to index
        %get3A_545 = arith.constant 16 : index
        %get3A_546 = tpu.vector_load %arg8[%get3A_544, %get3A_545] {strides = array<i32>} : memref<80x128xf32, #tpu.memory_space<vmem>>, vector<1x16xf32>,
        %get3A_547 = vector.shape_cast %get3A_546 : vector<1x16xf32> to vector<16xf32>
        %mul3A_548 = arith.constant 8.000000e+00 : f32
        %mul3A_549 = vector.broadcast %mul3A_548 : f32 to vector<16xf32>
        %mul3A_550 = arith.mulf %get3A_547, %mul3A_549 : vector<16xf32>
        %add3A_551 = arith.constant 4 : i32
        %add3A_552 = arith.addi %mul3A_271, %add3A_551 : i32
        %swap3A_553 = arith.index_cast %add3A_552 : i32 to index
        %swap3A_554 = arith.constant 16 : index
        %swap3A_555 = tpu.vector_load %arg12[%swap3A_553, %swap3A_554] {strides = array<i32>} : memref<80x64xf32, #tpu.memory_space<vmem>>, vector<1x16xf32>,
        %swap3A_556 = vector.shape_cast %swap3A_555 : vector<1x16xf32> to vector<16xf32>
        %swap3A_557 = vector.shape_cast %mul3A_550 : vector<16xf32> to vector<1x16xf32>
        tpu.vector_store %arg12[%swap3A_553, %swap3A_554], %swap3A_557 {strides = array<i32>} : memref<80x64xf32, #tpu.memory_space<vmem>>, vector<1x16xf32>,
        %add3A_558 = arith.constant 4 : i32
        %add3A_559 = arith.addi %mul3A_271, %add3A_558 : i32
        %get3A_560 = arith.index_cast %add3A_559 : i32 to index
        %get3A_561 = arith.constant 32 : index
        %get3A_562 = tpu.vector_load %arg8[%get3A_560, %get3A_561] {strides = array<i32>} : memref<80x128xf32, #tpu.memory_space<vmem>>, vector<1x16xf32>,
        %get3A_563 = vector.shape_cast %get3A_562 : vector<1x16xf32> to vector<16xf32>
        %mul3A_564 = arith.constant 8.000000e+00 : f32
        %mul3A_565 = vector.broadcast %mul3A_564 : f32 to vector<16xf32>
        %mul3A_566 = arith.mulf %get3A_563, %mul3A_565 : vector<16xf32>
        %add3A_567 = arith.constant 4 : i32
        %add3A_568 = arith.addi %mul3A_271, %add3A_567 : i32
        %swap3A_569 = arith.index_cast %add3A_568 : i32 to index
        %swap3A_570 = arith.constant 32 : index
        %swap3A_571 = tpu.vector_load %arg12[%swap3A_569, %swap3A_570] {strides = array<i32>} : memref<80x64xf32, #tpu.memory_space<vmem>>, vector<1x16xf32>,
        %swap3A_572 = vector.shape_cast %swap3A_571 : vector<1x16xf32> to vector<16xf32>
        %swap3A_573 = vector.shape_cast %mul3A_566 : vector<16xf32> to vector<1x16xf32>
        tpu.vector_store %arg12[%swap3A_569, %swap3A_570], %swap3A_573 {strides = array<i32>} : memref<80x64xf32, #tpu.memory_space<vmem>>, vector<1x16xf32>,
        %add3A_574 = arith.constant 4 : i32
        %add3A_575 = arith.addi %mul3A_271, %add3A_574 : i32
        %get3A_576 = arith.index_cast %add3A_575 : i32 to index
        %get3A_577 = arith.constant 48 : index
        %get3A_578 = tpu.vector_load %arg8[%get3A_576, %get3A_577] {strides = array<i32>} : memref<80x128xf32, #tpu.memory_space<vmem>>, vector<1x16xf32>,
        %get3A_579 = vector.shape_cast %get3A_578 : vector<1x16xf32> to vector<16xf32>
        %mul3A_580 = arith.constant 8.000000e+00 : f32
        %mul3A_581 = vector.broadcast %mul3A_580 : f32 to vector<16xf32>
        %mul3A_582 = arith.mulf %get3A_579, %mul3A_581 : vector<16xf32>
        %add3A_583 = arith.constant 4 : i32
        %add3A_584 = arith.addi %mul3A_271, %add3A_583 : i32
        %swap3A_585 = arith.index_cast %add3A_584 : i32 to index
        %swap3A_586 = arith.constant 48 : index
        %swap3A_587 = tpu.vector_load %arg12[%swap3A_585, %swap3A_586] {strides = array<i32>} : memref<80x64xf32, #tpu.memory_space<vmem>>, vector<1x16xf32>,
        %swap3A_588 = vector.shape_cast %swap3A_587 : vector<1x16xf32> to vector<16xf32>
        %swap3A_589 = vector.shape_cast %mul3A_582 : vector<16xf32> to vector<1x16xf32>
        tpu.vector_store %arg12[%swap3A_585, %swap3A_586], %swap3A_589 {strides = array<i32>} : memref<80x64xf32, #tpu.memory_space<vmem>>, vector<1x16xf32>,
        %add3A_590 = arith.constant 5 : i32
        %add3A_591 = arith.addi %mul3A_271, %add3A_590 : i32
        %get3A_592 = arith.index_cast %add3A_591 : i32 to index
        %get3A_593 = arith.constant 0 : index
        %get3A_594 = tpu.vector_load %arg8[%get3A_592, %get3A_593] {strides = array<i32>} : memref<80x128xf32, #tpu.memory_space<vmem>>, vector<1x16xf32>,
        %get3A_595 = vector.shape_cast %get3A_594 : vector<1x16xf32> to vector<16xf32>
        %mul3A_596 = arith.constant 8.000000e+00 : f32
        %mul3A_597 = vector.broadcast %mul3A_596 : f32 to vector<16xf32>
        %mul3A_598 = arith.mulf %get3A_595, %mul3A_597 : vector<16xf32>
        %add3A_599 = arith.constant 5 : i32
        %add3A_600 = arith.addi %mul3A_271, %add3A_599 : i32
        %swap3A_601 = arith.index_cast %add3A_600 : i32 to index
        %swap3A_602 = arith.constant 0 : index
        %swap3A_603 = tpu.vector_load %arg12[%swap3A_601, %swap3A_602] {strides = array<i32>} : memref<80x64xf32, #tpu.memory_space<vmem>>, vector<1x16xf32>,
        %swap3A_604 = vector.shape_cast %swap3A_603 : vector<1x16xf32> to vector<16xf32>
        %swap3A_605 = vector.shape_cast %mul3A_598 : vector<16xf32> to vector<1x16xf32>
        tpu.vector_store %arg12[%swap3A_601, %swap3A_602], %swap3A_605 {strides = array<i32>} : memref<80x64xf32, #tpu.memory_space<vmem>>, vector<1x16xf32>,
        %add3A_606 = arith.constant 5 : i32
        %add3A_607 = arith.addi %mul3A_271, %add3A_606 : i32
        %get3A_608 = arith.index_cast %add3A_607 : i32 to index
        %get3A_609 = arith.constant 16 : index
        %get3A_610 = tpu.vector_load %arg8[%get3A_608, %get3A_609] {strides = array<i32>} : memref<80x128xf32, #tpu.memory_space<vmem>>, vector<1x16xf32>,
        %get3A_611 = vector.shape_cast %get3A_610 : vector<1x16xf32> to vector<16xf32>
        %mul3A_612 = arith.constant 8.000000e+00 : f32
        %mul3A_613 = vector.broadcast %mul3A_612 : f32 to vector<16xf32>
        %mul3A_614 = arith.mulf %get3A_611, %mul3A_613 : vector<16xf32>
        %add3A_615 = arith.constant 5 : i32
        %add3A_616 = arith.addi %mul3A_271, %add3A_615 : i32
        %swap3A_617 = arith.index_cast %add3A_616 : i32 to index
        %swap3A_618 = arith.constant 16 : index
        %swap3A_619 = tpu.vector_load %arg12[%swap3A_617, %swap3A_618] {strides = array<i32>} : memref<80x64xf32, #tpu.memory_space<vmem>>, vector<1x16xf32>,
        %swap3A_620 = vector.shape_cast %swap3A_619 : vector<1x16xf32> to vector<16xf32>
        %swap3A_621 = vector.shape_cast %mul3A_614 : vector<16xf32> to vector<1x16xf32>
        tpu.vector_store %arg12[%swap3A_617, %swap3A_618], %swap3A_621 {strides = array<i32>} : memref<80x64xf32, #tpu.memory_space<vmem>>, vector<1x16xf32>,
        %add3A_622 = arith.constant 5 : i32
        %add3A_623 = arith.addi %mul3A_271, %add3A_622 : i32
        %get3A_624 = arith.index_cast %add3A_623 : i32 to index
        %get3A_625 = arith.constant 32 : index
        %get3A_626 = tpu.vector_load %arg8[%get3A_624, %get3A_625] {strides = array<i32>} : memref<80x128xf32, #tpu.memory_space<vmem>>, vector<1x16xf32>,
        %get3A_627 = vector.shape_cast %get3A_626 : vector<1x16xf32> to vector<16xf32>
        %mul3A_628 = arith.constant 8.000000e+00 : f32
        %mul3A_629 = vector.broadcast %mul3A_628 : f32 to vector<16xf32>
        %mul3A_630 = arith.mulf %get3A_627, %mul3A_629 : vector<16xf32>
        %add3A_631 = arith.constant 5 : i32
        %add3A_632 = arith.addi %mul3A_271, %add3A_631 : i32
        %swap3A_633 = arith.index_cast %add3A_632 : i32 to index
        %swap3A_634 = arith.constant 32 : index
        %swap3A_635 = tpu.vector_load %arg12[%swap3A_633, %swap3A_634] {strides = array<i32>} : memref<80x64xf32, #tpu.memory_space<vmem>>, vector<1x16xf32>,
        %swap3A_636 = vector.shape_cast %swap3A_635 : vector<1x16xf32> to vector<16xf32>
        %swap3A_637 = vector.shape_cast %mul3A_630 : vector<16xf32> to vector<1x16xf32>
        tpu.vector_store %arg12[%swap3A_633, %swap3A_634], %swap3A_637 {strides = array<i32>} : memref<80x64xf32, #tpu.memory_space<vmem>>, vector<1x16xf32>,
        %add3A_638 = arith.constant 5 : i32
        %add3A_639 = arith.addi %mul3A_271, %add3A_638 : i32
        %get3A_640 = arith.index_cast %add3A_639 : i32 to index
        %get3A_641 = arith.constant 48 : index
        %get3A_642 = tpu.vector_load %arg8[%get3A_640, %get3A_641] {strides = array<i32>} : memref<80x128xf32, #tpu.memory_space<vmem>>, vector<1x16xf32>,
        %get3A_643 = vector.shape_cast %get3A_642 : vector<1x16xf32> to vector<16xf32>
        %mul3A_644 = arith.constant 8.000000e+00 : f32
        %mul3A_645 = vector.broadcast %mul3A_644 : f32 to vector<16xf32>
        %mul3A_646 = arith.mulf %get3A_643, %mul3A_645 : vector<16xf32>
        %add3A_647 = arith.constant 5 : i32
        %add3A_648 = arith.addi %mul3A_271, %add3A_647 : i32
        %swap3A_649 = arith.index_cast %add3A_648 : i32 to index
        %swap3A_650 = arith.constant 48 : index
        %swap3A_651 = tpu.vector_load %arg12[%swap3A_649, %swap3A_650] {strides = array<i32>} : memref<80x64xf32, #tpu.memory_space<vmem>>, vector<1x16xf32>,
        %swap3A_652 = vector.shape_cast %swap3A_651 : vector<1x16xf32> to vector<16xf32>
        %swap3A_653 = vector.shape_cast %mul3A_646 : vector<16xf32> to vector<1x16xf32>
        tpu.vector_store %arg12[%swap3A_649, %swap3A_650], %swap3A_653 {strides = array<i32>} : memref<80x64xf32, #tpu.memory_space<vmem>>, vector<1x16xf32>,
        %add3A_654 = arith.constant 6 : i32
        %add3A_655 = arith.addi %mul3A_271, %add3A_654 : i32
        %get3A_656 = arith.index_cast %add3A_655 : i32 to index
        %get3A_657 = arith.constant 0 : index
        %get3A_658 = tpu.vector_load %arg8[%get3A_656, %get3A_657] {strides = array<i32>} : memref<80x128xf32, #tpu.memory_space<vmem>>, vector<1x16xf32>,
        %get3A_659 = vector.shape_cast %get3A_658 : vector<1x16xf32> to vector<16xf32>
        %mul3A_660 = arith.constant 8.000000e+00 : f32
        %mul3A_661 = vector.broadcast %mul3A_660 : f32 to vector<16xf32>
        %mul3A_662 = arith.mulf %get3A_659, %mul3A_661 : vector<16xf32>
        %add3A_663 = arith.constant 6 : i32
        %add3A_664 = arith.addi %mul3A_271, %add3A_663 : i32
        %swap3A_665 = arith.index_cast %add3A_664 : i32 to index
        %swap3A_666 = arith.constant 0 : index
        %swap3A_667 = tpu.vector_load %arg12[%swap3A_665, %swap3A_666] {strides = array<i32>} : memref<80x64xf32, #tpu.memory_space<vmem>>, vector<1x16xf32>,
        %swap3A_668 = vector.shape_cast %swap3A_667 : vector<1x16xf32> to vector<16xf32>
        %swap3A_669 = vector.shape_cast %mul3A_662 : vector<16xf32> to vector<1x16xf32>
        tpu.vector_store %arg12[%swap3A_665, %swap3A_666], %swap3A_669 {strides = array<i32>} : memref<80x64xf32, #tpu.memory_space<vmem>>, vector<1x16xf32>,
        %add3A_670 = arith.constant 6 : i32
        %add3A_671 = arith.addi %mul3A_271, %add3A_670 : i32
        %get3A_672 = arith.index_cast %add3A_671 : i32 to index
        %get3A_673 = arith.constant 16 : index
        %get3A_674 = tpu.vector_load %arg8[%get3A_672, %get3A_673] {strides = array<i32>} : memref<80x128xf32, #tpu.memory_space<vmem>>, vector<1x16xf32>,
        %get3A_675 = vector.shape_cast %get3A_674 : vector<1x16xf32> to vector<16xf32>
        %mul3A_676 = arith.constant 8.000000e+00 : f32
        %mul3A_677 = vector.broadcast %mul3A_676 : f32 to vector<16xf32>
        %mul3A_678 = arith.mulf %get3A_675, %mul3A_677 : vector<16xf32>
        %add3A_679 = arith.constant 6 : i32
        %add3A_680 = arith.addi %mul3A_271, %add3A_679 : i32
        %swap3A_681 = arith.index_cast %add3A_680 : i32 to index
        %swap3A_682 = arith.constant 16 : index
        %swap3A_683 = tpu.vector_load %arg12[%swap3A_681, %swap3A_682] {strides = array<i32>} : memref<80x64xf32, #tpu.memory_space<vmem>>, vector<1x16xf32>,
        %swap3A_684 = vector.shape_cast %swap3A_683 : vector<1x16xf32> to vector<16xf32>
        %swap3A_685 = vector.shape_cast %mul3A_678 : vector<16xf32> to vector<1x16xf32>
        tpu.vector_store %arg12[%swap3A_681, %swap3A_682], %swap3A_685 {strides = array<i32>} : memref<80x64xf32, #tpu.memory_space<vmem>>, vector<1x16xf32>,
        %add3A_686 = arith.constant 6 : i32
        %add3A_687 = arith.addi %mul3A_271, %add3A_686 : i32
        %get3A_688 = arith.index_cast %add3A_687 : i32 to index
        %get3A_689 = arith.constant 32 : index
        %get3A_690 = tpu.vector_load %arg8[%get3A_688, %get3A_689] {strides = array<i32>} : memref<80x128xf32, #tpu.memory_space<vmem>>, vector<1x16xf32>,
        %get3A_691 = vector.shape_cast %get3A_690 : vector<1x16xf32> to vector<16xf32>
        %mul3A_692 = arith.constant 8.000000e+00 : f32
        %mul3A_693 = vector.broadcast %mul3A_692 : f32 to vector<16xf32>
        %mul3A_694 = arith.mulf %get3A_691, %mul3A_693 : vector<16xf32>
        %add3A_695 = arith.constant 6 : i32
        %add3A_696 = arith.addi %mul3A_271, %add3A_695 : i32
        %swap3A_697 = arith.index_cast %add3A_696 : i32 to index
        %swap3A_698 = arith.constant 32 : index
        %swap3A_699 = tpu.vector_load %arg12[%swap3A_697, %swap3A_698] {strides = array<i32>} : memref<80x64xf32, #tpu.memory_space<vmem>>, vector<1x16xf32>,
        %swap3A_700 = vector.shape_cast %swap3A_699 : vector<1x16xf32> to vector<16xf32>
        %swap3A_701 = vector.shape_cast %mul3A_694 : vector<16xf32> to vector<1x16xf32>
        tpu.vector_store %arg12[%swap3A_697, %swap3A_698], %swap3A_701 {strides = array<i32>} : memref<80x64xf32, #tpu.memory_space<vmem>>, vector<1x16xf32>,
        %add3A_702 = arith.constant 6 : i32
        %add3A_703 = arith.addi %mul3A_271, %add3A_702 : i32
        %get3A_704 = arith.index_cast %add3A_703 : i32 to index
        %get3A_705 = arith.constant 48 : index
        %get3A_706 = tpu.vector_load %arg8[%get3A_704, %get3A_705] {strides = array<i32>} : memref<80x128xf32, #tpu.memory_space<vmem>>, vector<1x16xf32>,
        %get3A_707 = vector.shape_cast %get3A_706 : vector<1x16xf32> to vector<16xf32>
        %mul3A_708 = arith.constant 8.000000e+00 : f32
        %mul3A_709 = vector.broadcast %mul3A_708 : f32 to vector<16xf32>
        %mul3A_710 = arith.mulf %get3A_707, %mul3A_709 : vector<16xf32>
        %add3A_711 = arith.constant 6 : i32
        %add3A_712 = arith.addi %mul3A_271, %add3A_711 : i32
        %swap3A_713 = arith.index_cast %add3A_712 : i32 to index
        %swap3A_714 = arith.constant 48 : index
        %swap3A_715 = tpu.vector_load %arg12[%swap3A_713, %swap3A_714] {strides = array<i32>} : memref<80x64xf32, #tpu.memory_space<vmem>>, vector<1x16xf32>,
        %swap3A_716 = vector.shape_cast %swap3A_715 : vector<1x16xf32> to vector<16xf32>
        %swap3A_717 = vector.shape_cast %mul3A_710 : vector<16xf32> to vector<1x16xf32>
        tpu.vector_store %arg12[%swap3A_713, %swap3A_714], %swap3A_717 {strides = array<i32>} : memref<80x64xf32, #tpu.memory_space<vmem>>, vector<1x16xf32>,
        %add3A_718 = arith.constant 7 : i32
        %add3A_719 = arith.addi %mul3A_271, %add3A_718 : i32
        %get3A_720 = arith.index_cast %add3A_719 : i32 to index
        %get3A_721 = arith.constant 0 : index
        %get3A_722 = tpu.vector_load %arg8[%get3A_720, %get3A_721] {strides = array<i32>} : memref<80x128xf32, #tpu.memory_space<vmem>>, vector<1x16xf32>,
        %get3A_723 = vector.shape_cast %get3A_722 : vector<1x16xf32> to vector<16xf32>
        %mul3A_724 = arith.constant 8.000000e+00 : f32
        %mul3A_725 = vector.broadcast %mul3A_724 : f32 to vector<16xf32>
        %mul3A_726 = arith.mulf %get3A_723, %mul3A_725 : vector<16xf32>
        %add3A_727 = arith.constant 7 : i32
        %add3A_728 = arith.addi %mul3A_271, %add3A_727 : i32
        %swap3A_729 = arith.index_cast %add3A_728 : i32 to index
        %swap3A_730 = arith.constant 0 : index
        %swap3A_731 = tpu.vector_load %arg12[%swap3A_729, %swap3A_730] {strides = array<i32>} : memref<80x64xf32, #tpu.memory_space<vmem>>, vector<1x16xf32>,
        %swap3A_732 = vector.shape_cast %swap3A_731 : vector<1x16xf32> to vector<16xf32>
        %swap3A_733 = vector.shape_cast %mul3A_726 : vector<16xf32> to vector<1x16xf32>
        tpu.vector_store %arg12[%swap3A_729, %swap3A_730], %swap3A_733 {strides = array<i32>} : memref<80x64xf32, #tpu.memory_space<vmem>>, vector<1x16xf32>,
        %add3A_734 = arith.constant 7 : i32
        %add3A_735 = arith.addi %mul3A_271, %add3A_734 : i32
        %get3A_736 = arith.index_cast %add3A_735 : i32 to index
        %get3A_737 = arith.constant 16 : index
        %get3A_738 = tpu.vector_load %arg8[%get3A_736, %get3A_737] {strides = array<i32>} : memref<80x128xf32, #tpu.memory_space<vmem>>, vector<1x16xf32>,
        %get3A_739 = vector.shape_cast %get3A_738 : vector<1x16xf32> to vector<16xf32>
        %mul3A_740 = arith.constant 8.000000e+00 : f32
        %mul3A_741 = vector.broadcast %mul3A_740 : f32 to vector<16xf32>
        %mul3A_742 = arith.mulf %get3A_739, %mul3A_741 : vector<16xf32>
        %add3A_743 = arith.constant 7 : i32
        %add3A_744 = arith.addi %mul3A_271, %add3A_743 : i32
        %swap3A_745 = arith.index_cast %add3A_744 : i32 to index
        %swap3A_746 = arith.constant 16 : index
        %swap3A_747 = tpu.vector_load %arg12[%swap3A_745, %swap3A_746] {strides = array<i32>} : memref<80x64xf32, #tpu.memory_space<vmem>>, vector<1x16xf32>,
        %swap3A_748 = vector.shape_cast %swap3A_747 : vector<1x16xf32> to vector<16xf32>
        %swap3A_749 = vector.shape_cast %mul3A_742 : vector<16xf32> to vector<1x16xf32>
        tpu.vector_store %arg12[%swap3A_745, %swap3A_746], %swap3A_749 {strides = array<i32>} : memref<80x64xf32, #tpu.memory_space<vmem>>, vector<1x16xf32>,
        %add3A_750 = arith.constant 7 : i32
        %add3A_751 = arith.addi %mul3A_271, %add3A_750 : i32
        %get3A_752 = arith.index_cast %add3A_751 : i32 to index
        %get3A_753 = arith.constant 32 : index
        %get3A_754 = tpu.vector_load %arg8[%get3A_752, %get3A_753] {strides = array<i32>} : memref<80x128xf32, #tpu.memory_space<vmem>>, vector<1x16xf32>,
        %get3A_755 = vector.shape_cast %get3A_754 : vector<1x16xf32> to vector<16xf32>
        %mul3A_756 = arith.constant 8.000000e+00 : f32
        %mul3A_757 = vector.broadcast %mul3A_756 : f32 to vector<16xf32>
        %mul3A_758 = arith.mulf %get3A_755, %mul3A_757 : vector<16xf32>
        %add3A_759 = arith.constant 7 : i32
        %add3A_760 = arith.addi %mul3A_271, %add3A_759 : i32
        %swap3A_761 = arith.index_cast %add3A_760 : i32 to index
        %swap3A_762 = arith.constant 32 : index
        %swap3A_763 = tpu.vector_load %arg12[%swap3A_761, %swap3A_762] {strides = array<i32>} : memref<80x64xf32, #tpu.memory_space<vmem>>, vector<1x16xf32>,
        %swap3A_764 = vector.shape_cast %swap3A_763 : vector<1x16xf32> to vector<16xf32>
        %swap3A_765 = vector.shape_cast %mul3A_758 : vector<16xf32> to vector<1x16xf32>
        tpu.vector_store %arg12[%swap3A_761, %swap3A_762], %swap3A_765 {strides = array<i32>} : memref<80x64xf32, #tpu.memory_space<vmem>>, vector<1x16xf32>,
        %add3A_766 = arith.constant 7 : i32
        %add3A_767 = arith.addi %mul3A_271, %add3A_766 : i32
        %get3A_768 = arith.index_cast %add3A_767 : i32 to index
        %get3A_769 = arith.constant 48 : index
        %get3A_770 = tpu.vector_load %arg8[%get3A_768, %get3A_769] {strides = array<i32>} : memref<80x128xf32, #tpu.memory_space<vmem>>, vector<1x16xf32>,
        %get3A_771 = vector.shape_cast %get3A_770 : vector<1x16xf32> to vector<16xf32>
        %mul3A_772 = arith.constant 8.000000e+00 : f32
        %mul3A_773 = vector.broadcast %mul3A_772 : f32 to vector<16xf32>
        %mul3A_774 = arith.mulf %get3A_771, %mul3A_773 : vector<16xf32>
        %add3A_775 = arith.constant 7 : i32
        %add3A_776 = arith.addi %mul3A_271, %add3A_775 : i32
        %swap3A_777 = arith.index_cast %add3A_776 : i32 to index
        %swap3A_778 = arith.constant 48 : index
        %swap3A_779 = tpu.vector_load %arg12[%swap3A_777, %swap3A_778] {strides = array<i32>} : memref<80x64xf32, #tpu.memory_space<vmem>>, vector<1x16xf32>,
        %swap3A_780 = vector.shape_cast %swap3A_779 : vector<1x16xf32> to vector<16xf32>
        %swap3A_781 = vector.shape_cast %mul3A_774 : vector<16xf32> to vector<1x16xf32>
        tpu.vector_store %arg12[%swap3A_777, %swap3A_778], %swap3A_781 {strides = array<i32>} : memref<80x64xf32, #tpu.memory_space<vmem>>, vector<1x16xf32>,
      }
      %scan3A_169 = arith.constant 10 : i32
      %add3A_170 = arith.constant 4 : i32
      %add3A_171 = arith.addi %add3A_149, %add3A_170 : i32
      %lt3A_172 = arith.constant 320 : i32
      %lt3A_173 = arith.cmpi slt, %add3A_171, %lt3A_172 : i32
      %convert_element_type3A_174 = arith.extui %lt3A_173 : i1 to i32
      %cond3A_175 = arith.constant 0 : i32
      %cond3A_176 = arith.cmpi ne, %convert_element_type3A_174, %cond3A_175 : i32
      scf.if %cond3A_176 {
        %add3A_269 = arith.constant 4 : i32
        %add3A_270 = arith.addi %add3A_149, %add3A_269 : i32
        %mul3A_271 = arith.constant 80 : i32
        %mul3A_272 = arith.muli %add3A_270, %mul3A_271 : i32
        %dma_start3A_273 = arith.constant 1 : i32
        %dma_start3A_274 = tpu.memref_slice %arg6[%mul3A_272] : memref<25600xi32, #tpu.memory_space<vmem>> -> memref<80xi32, #tpu.memory_space<vmem>>
        %dma_start3A_275 = arith.constant 0 : i32
        %dma_start3A_276 = arith.constant 0 : i32
        %dma_start3A_277 = tpu.memref_slice %arg3[%dma_start3A_275, %dma_start3A_276] : memref<1000000x128xf32, #tpu.memory_space<hbm>> -> memref<1000000x128xf32, #tpu.memory_space<hbm>>
        %dma_start3A_278 = tpu.memref_slice %arg15[%dma_start3A_273] : memref<4x!tpu.dma_semaphore, #tpu.memory_space<semaphore_mem>> -> memref<1x!tpu.dma_semaphore, #tpu.memory_space<semaphore_mem>>
        %dma_start3A_279 = tpu.memref_squeeze %dma_start3A_278 : memref<1x!tpu.dma_semaphore, #tpu.memory_space<semaphore_mem>> -> memref<!tpu.dma_semaphore, #tpu.memory_space<semaphore_mem>>
        tpu.enqueue_indirect_dma source(%dma_start3A_277 : memref<1000000x128xf32, #tpu.memory_space<hbm>>) target(%arg8 : memref<80x128xf32, #tpu.memory_space<vmem>>) offsets(%dma_start3A_274 : memref<80xi32, #tpu.memory_space<vmem>>) semaphore(%dma_start3A_279 : memref<!tpu.dma_semaphore, #tpu.memory_space<semaphore_mem>>)
      } else {
      }
      %mul3A_177 = arith.constant 80 : i32
      %mul3A_178 = arith.muli %add3A_149, %mul3A_177 : i32
      %add3A_179 = arith.addi %mul3A_4, %mul3A_178 : i32
      %dma_start3A_180 = arith.constant 1 : i32
      %dma_start3A_181 = arith.constant 0 : i32
      %dma_start3A_182 = tpu.memref_slice %arg4[%add3A_179, %dma_start3A_181] : memref<819200x64xf32, #tpu.memory_space<hbm>> -> memref<80x64xf32, #tpu.memory_space<hbm>>
      %dma_start3A_183 = tpu.memref_slice %arg16[%dma_start3A_180] : memref<4x!tpu.dma_semaphore, #tpu.memory_space<semaphore_mem>> -> memref<1x!tpu.dma_semaphore, #tpu.memory_space<semaphore_mem>>
      %dma_start3A_184 = tpu.memref_squeeze %dma_start3A_183 : memref<1x!tpu.dma_semaphore, #tpu.memory_space<semaphore_mem>> -> memref<!tpu.dma_semaphore, #tpu.memory_space<semaphore_mem>>
      %dma_start3A_185 = arith.constant 0 : i32
      %dma_start3A_186 = tpu.memref_slice %arg4[%add3A_179, %dma_start3A_185] : memref<819200x64xf32, #tpu.memory_space<hbm>> -> memref<80x64xf32, #tpu.memory_space<hbm>>
      tpu.enqueue_dma source(%arg12 : memref<80x64xf32, #tpu.memory_space<vmem>>) target(%dma_start3A_186 : memref<80x64xf32, #tpu.memory_space<hbm>>) target_semaphore(%dma_start3A_184 : memref<!tpu.dma_semaphore, #tpu.memory_space<semaphore_mem>>)
      %mul3A_187 = arith.constant 4 : i32
      %mul3A_188 = arith.muli %scan3A_108, %mul3A_187 : i32
      %add3A_189 = arith.constant 2 : i32
      %add3A_190 = arith.addi %mul3A_188, %add3A_189 : i32
      %mul3A_191 = arith.constant 80 : i32
      %mul3A_192 = arith.muli %add3A_190, %mul3A_191 : i32
      %dma_wait3A_193 = arith.constant 2 : i32
      %dma_wait3A_194 = tpu.memref_slice %arg6[%mul3A_192] : memref<25600xi32, #tpu.memory_space<vmem>> -> memref<80xi32, #tpu.memory_space<vmem>>
      %dma_wait3A_195 = arith.constant 0 : i32
      %dma_wait3A_196 = arith.constant 0 : i32
      %dma_wait3A_197 = tpu.memref_slice %arg3[%dma_wait3A_195, %dma_wait3A_196] : memref<1000000x128xf32, #tpu.memory_space<hbm>> -> memref<1000000x128xf32, #tpu.memory_space<hbm>>
      %dma_wait3A_198 = tpu.memref_slice %arg15[%dma_wait3A_193] : memref<4x!tpu.dma_semaphore, #tpu.memory_space<semaphore_mem>> -> memref<1x!tpu.dma_semaphore, #tpu.memory_space<semaphore_mem>>
      %dma_wait3A_199 = tpu.memref_squeeze %dma_wait3A_198 : memref<1x!tpu.dma_semaphore, #tpu.memory_space<semaphore_mem>> -> memref<!tpu.dma_semaphore, #tpu.memory_space<semaphore_mem>>
      tpu.wait_indirect_dma semaphore(%dma_wait3A_199 : memref<!tpu.dma_semaphore, #tpu.memory_space<semaphore_mem>>) src(%dma_wait3A_197 : memref<1000000x128xf32, #tpu.memory_space<hbm>>) dst(%arg9 : memref<80x128xf32, #tpu.memory_space<vmem>>)
      %ge3A_200 = arith.constant 4 : i32
      %ge3A_201 = arith.cmpi sge, %add3A_190, %ge3A_200 : i32
      %convert_element_type3A_202 = arith.extui %ge3A_201 : i1 to i32
      %cond3A_203 = arith.constant 0 : i32
      %cond3A_204 = arith.cmpi ne, %convert_element_type3A_202, %cond3A_203 : i32
      scf.if %cond3A_204 {
        %sub3A = arith.constant 4 : i32
        %sub3A_269 = arith.subi %add3A_190, %sub3A : i32
        %mul3A_270 = arith.constant 80 : i32
        %mul3A_271 = arith.muli %sub3A_269, %mul3A_270 : i32
        %add3A_272 = arith.addi %mul3A_4, %mul3A_271 : i32
        %dma_wait3A_273 = arith.constant 2 : i32
        %dma_wait3A_274 = arith.constant 0 : i32
        %dma_wait3A_275 = tpu.memref_slice %arg4[%add3A_272, %dma_wait3A_274] : memref<819200x64xf32, #tpu.memory_space<hbm>> -> memref<80x64xf32, #tpu.memory_space<hbm>>
        %dma_wait3A_276 = tpu.memref_slice %arg16[%dma_wait3A_273] : memref<4x!tpu.dma_semaphore, #tpu.memory_space<semaphore_mem>> -> memref<1x!tpu.dma_semaphore, #tpu.memory_space<semaphore_mem>>
        %dma_wait3A_277 = tpu.memref_squeeze %dma_wait3A_276 : memref<1x!tpu.dma_semaphore, #tpu.memory_space<semaphore_mem>> -> memref<!tpu.dma_semaphore, #tpu.memory_space<semaphore_mem>>
        %dma_wait3A_278 = arith.constant 0 : i32
        %dma_wait3A_279 = tpu.memref_slice %arg4[%add3A_272, %dma_wait3A_278] : memref<819200x64xf32, #tpu.memory_space<hbm>> -> memref<80x64xf32, #tpu.memory_space<hbm>>
        tpu.wait_dma2 semaphore(%dma_wait3A_277 : memref<!tpu.dma_semaphore, #tpu.memory_space<semaphore_mem>>) src(%arg13 : memref<80x64xf32, #tpu.memory_space<vmem>>) dst(%dma_wait3A_279 : memref<80x64xf32, #tpu.memory_space<hbm>>)
      } else {
      }
      %scan3A_205 = arith.constant 0 : i32
      %scan3A_206 = arith.constant 0 : i32
      %scan3A_207 = arith.constant 10 : i32
      %scan3A_208 = arith.addi %scan3A_206, %scan3A_207 : i32
      %scan3A_209 = arith.constant 1 : i32
      scf.for %scan3A_269 = %scan3A_206 to %scan3A_208 step %scan3A_209  : i32 {
        %mul3A_270 = arith.constant 8 : i32
        %mul3A_271 = arith.muli %scan3A_269, %mul3A_270 : i32
        %add3A_272 = arith.constant 0 : i32
        %add3A_273 = arith.addi %mul3A_271, %add3A_272 : i32
        %get3A = arith.index_cast %add3A_273 : i32 to index
        %get3A_274 = arith.constant 0 : index
        %get3A_275 = tpu.vector_load %arg9[%get3A, %get3A_274] {strides = array<i32>} : memref<80x128xf32, #tpu.memory_space<vmem>>, vector<1x16xf32>,
        %get3A_276 = vector.shape_cast %get3A_275 : vector<1x16xf32> to vector<16xf32>
        %mul3A_277 = arith.constant 8.000000e+00 : f32
        %mul3A_278 = vector.broadcast %mul3A_277 : f32 to vector<16xf32>
        %mul3A_279 = arith.mulf %get3A_276, %mul3A_278 : vector<16xf32>
        %add3A_280 = arith.constant 0 : i32
        %add3A_281 = arith.addi %mul3A_271, %add3A_280 : i32
        %swap3A = arith.index_cast %add3A_281 : i32 to index
        %swap3A_282 = arith.constant 0 : index
        %swap3A_283 = tpu.vector_load %arg13[%swap3A, %swap3A_282] {strides = array<i32>} : memref<80x64xf32, #tpu.memory_space<vmem>>, vector<1x16xf32>,
        %swap3A_284 = vector.shape_cast %swap3A_283 : vector<1x16xf32> to vector<16xf32>
        %swap3A_285 = vector.shape_cast %mul3A_279 : vector<16xf32> to vector<1x16xf32>
        tpu.vector_store %arg13[%swap3A, %swap3A_282], %swap3A_285 {strides = array<i32>} : memref<80x64xf32, #tpu.memory_space<vmem>>, vector<1x16xf32>,
        %add3A_286 = arith.constant 0 : i32
        %add3A_287 = arith.addi %mul3A_271, %add3A_286 : i32
        %get3A_288 = arith.index_cast %add3A_287 : i32 to index
        %get3A_289 = arith.constant 16 : index
        %get3A_290 = tpu.vector_load %arg9[%get3A_288, %get3A_289] {strides = array<i32>} : memref<80x128xf32, #tpu.memory_space<vmem>>, vector<1x16xf32>,
        %get3A_291 = vector.shape_cast %get3A_290 : vector<1x16xf32> to vector<16xf32>
        %mul3A_292 = arith.constant 8.000000e+00 : f32
        %mul3A_293 = vector.broadcast %mul3A_292 : f32 to vector<16xf32>
        %mul3A_294 = arith.mulf %get3A_291, %mul3A_293 : vector<16xf32>
        %add3A_295 = arith.constant 0 : i32
        %add3A_296 = arith.addi %mul3A_271, %add3A_295 : i32
        %swap3A_297 = arith.index_cast %add3A_296 : i32 to index
        %swap3A_298 = arith.constant 16 : index
        %swap3A_299 = tpu.vector_load %arg13[%swap3A_297, %swap3A_298] {strides = array<i32>} : memref<80x64xf32, #tpu.memory_space<vmem>>, vector<1x16xf32>,
        %swap3A_300 = vector.shape_cast %swap3A_299 : vector<1x16xf32> to vector<16xf32>
        %swap3A_301 = vector.shape_cast %mul3A_294 : vector<16xf32> to vector<1x16xf32>
        tpu.vector_store %arg13[%swap3A_297, %swap3A_298], %swap3A_301 {strides = array<i32>} : memref<80x64xf32, #tpu.memory_space<vmem>>, vector<1x16xf32>,
        %add3A_302 = arith.constant 0 : i32
        %add3A_303 = arith.addi %mul3A_271, %add3A_302 : i32
        %get3A_304 = arith.index_cast %add3A_303 : i32 to index
        %get3A_305 = arith.constant 32 : index
        %get3A_306 = tpu.vector_load %arg9[%get3A_304, %get3A_305] {strides = array<i32>} : memref<80x128xf32, #tpu.memory_space<vmem>>, vector<1x16xf32>,
        %get3A_307 = vector.shape_cast %get3A_306 : vector<1x16xf32> to vector<16xf32>
        %mul3A_308 = arith.constant 8.000000e+00 : f32
        %mul3A_309 = vector.broadcast %mul3A_308 : f32 to vector<16xf32>
        %mul3A_310 = arith.mulf %get3A_307, %mul3A_309 : vector<16xf32>
        %add3A_311 = arith.constant 0 : i32
        %add3A_312 = arith.addi %mul3A_271, %add3A_311 : i32
        %swap3A_313 = arith.index_cast %add3A_312 : i32 to index
        %swap3A_314 = arith.constant 32 : index
        %swap3A_315 = tpu.vector_load %arg13[%swap3A_313, %swap3A_314] {strides = array<i32>} : memref<80x64xf32, #tpu.memory_space<vmem>>, vector<1x16xf32>,
        %swap3A_316 = vector.shape_cast %swap3A_315 : vector<1x16xf32> to vector<16xf32>
        %swap3A_317 = vector.shape_cast %mul3A_310 : vector<16xf32> to vector<1x16xf32>
        tpu.vector_store %arg13[%swap3A_313, %swap3A_314], %swap3A_317 {strides = array<i32>} : memref<80x64xf32, #tpu.memory_space<vmem>>, vector<1x16xf32>,
        %add3A_318 = arith.constant 0 : i32
        %add3A_319 = arith.addi %mul3A_271, %add3A_318 : i32
        %get3A_320 = arith.index_cast %add3A_319 : i32 to index
        %get3A_321 = arith.constant 48 : index
        %get3A_322 = tpu.vector_load %arg9[%get3A_320, %get3A_321] {strides = array<i32>} : memref<80x128xf32, #tpu.memory_space<vmem>>, vector<1x16xf32>,
        %get3A_323 = vector.shape_cast %get3A_322 : vector<1x16xf32> to vector<16xf32>
        %mul3A_324 = arith.constant 8.000000e+00 : f32
        %mul3A_325 = vector.broadcast %mul3A_324 : f32 to vector<16xf32>
        %mul3A_326 = arith.mulf %get3A_323, %mul3A_325 : vector<16xf32>
        %add3A_327 = arith.constant 0 : i32
        %add3A_328 = arith.addi %mul3A_271, %add3A_327 : i32
        %swap3A_329 = arith.index_cast %add3A_328 : i32 to index
        %swap3A_330 = arith.constant 48 : index
        %swap3A_331 = tpu.vector_load %arg13[%swap3A_329, %swap3A_330] {strides = array<i32>} : memref<80x64xf32, #tpu.memory_space<vmem>>, vector<1x16xf32>,
        %swap3A_332 = vector.shape_cast %swap3A_331 : vector<1x16xf32> to vector<16xf32>
        %swap3A_333 = vector.shape_cast %mul3A_326 : vector<16xf32> to vector<1x16xf32>
        tpu.vector_store %arg13[%swap3A_329, %swap3A_330], %swap3A_333 {strides = array<i32>} : memref<80x64xf32, #tpu.memory_space<vmem>>, vector<1x16xf32>,
        %add3A_334 = arith.constant 1 : i32
        %add3A_335 = arith.addi %mul3A_271, %add3A_334 : i32
        %get3A_336 = arith.index_cast %add3A_335 : i32 to index
        %get3A_337 = arith.constant 0 : index
        %get3A_338 = tpu.vector_load %arg9[%get3A_336, %get3A_337] {strides = array<i32>} : memref<80x128xf32, #tpu.memory_space<vmem>>, vector<1x16xf32>,
        %get3A_339 = vector.shape_cast %get3A_338 : vector<1x16xf32> to vector<16xf32>
        %mul3A_340 = arith.constant 8.000000e+00 : f32
        %mul3A_341 = vector.broadcast %mul3A_340 : f32 to vector<16xf32>
        %mul3A_342 = arith.mulf %get3A_339, %mul3A_341 : vector<16xf32>
        %add3A_343 = arith.constant 1 : i32
        %add3A_344 = arith.addi %mul3A_271, %add3A_343 : i32
        %swap3A_345 = arith.index_cast %add3A_344 : i32 to index
        %swap3A_346 = arith.constant 0 : index
        %swap3A_347 = tpu.vector_load %arg13[%swap3A_345, %swap3A_346] {strides = array<i32>} : memref<80x64xf32, #tpu.memory_space<vmem>>, vector<1x16xf32>,
        %swap3A_348 = vector.shape_cast %swap3A_347 : vector<1x16xf32> to vector<16xf32>
        %swap3A_349 = vector.shape_cast %mul3A_342 : vector<16xf32> to vector<1x16xf32>
        tpu.vector_store %arg13[%swap3A_345, %swap3A_346], %swap3A_349 {strides = array<i32>} : memref<80x64xf32, #tpu.memory_space<vmem>>, vector<1x16xf32>,
        %add3A_350 = arith.constant 1 : i32
        %add3A_351 = arith.addi %mul3A_271, %add3A_350 : i32
        %get3A_352 = arith.index_cast %add3A_351 : i32 to index
        %get3A_353 = arith.constant 16 : index
        %get3A_354 = tpu.vector_load %arg9[%get3A_352, %get3A_353] {strides = array<i32>} : memref<80x128xf32, #tpu.memory_space<vmem>>, vector<1x16xf32>,
        %get3A_355 = vector.shape_cast %get3A_354 : vector<1x16xf32> to vector<16xf32>
        %mul3A_356 = arith.constant 8.000000e+00 : f32
        %mul3A_357 = vector.broadcast %mul3A_356 : f32 to vector<16xf32>
        %mul3A_358 = arith.mulf %get3A_355, %mul3A_357 : vector<16xf32>
        %add3A_359 = arith.constant 1 : i32
        %add3A_360 = arith.addi %mul3A_271, %add3A_359 : i32
        %swap3A_361 = arith.index_cast %add3A_360 : i32 to index
        %swap3A_362 = arith.constant 16 : index
        %swap3A_363 = tpu.vector_load %arg13[%swap3A_361, %swap3A_362] {strides = array<i32>} : memref<80x64xf32, #tpu.memory_space<vmem>>, vector<1x16xf32>,
        %swap3A_364 = vector.shape_cast %swap3A_363 : vector<1x16xf32> to vector<16xf32>
        %swap3A_365 = vector.shape_cast %mul3A_358 : vector<16xf32> to vector<1x16xf32>
        tpu.vector_store %arg13[%swap3A_361, %swap3A_362], %swap3A_365 {strides = array<i32>} : memref<80x64xf32, #tpu.memory_space<vmem>>, vector<1x16xf32>,
        %add3A_366 = arith.constant 1 : i32
        %add3A_367 = arith.addi %mul3A_271, %add3A_366 : i32
        %get3A_368 = arith.index_cast %add3A_367 : i32 to index
        %get3A_369 = arith.constant 32 : index
        %get3A_370 = tpu.vector_load %arg9[%get3A_368, %get3A_369] {strides = array<i32>} : memref<80x128xf32, #tpu.memory_space<vmem>>, vector<1x16xf32>,
        %get3A_371 = vector.shape_cast %get3A_370 : vector<1x16xf32> to vector<16xf32>
        %mul3A_372 = arith.constant 8.000000e+00 : f32
        %mul3A_373 = vector.broadcast %mul3A_372 : f32 to vector<16xf32>
        %mul3A_374 = arith.mulf %get3A_371, %mul3A_373 : vector<16xf32>
        %add3A_375 = arith.constant 1 : i32
        %add3A_376 = arith.addi %mul3A_271, %add3A_375 : i32
        %swap3A_377 = arith.index_cast %add3A_376 : i32 to index
        %swap3A_378 = arith.constant 32 : index
        %swap3A_379 = tpu.vector_load %arg13[%swap3A_377, %swap3A_378] {strides = array<i32>} : memref<80x64xf32, #tpu.memory_space<vmem>>, vector<1x16xf32>,
        %swap3A_380 = vector.shape_cast %swap3A_379 : vector<1x16xf32> to vector<16xf32>
        %swap3A_381 = vector.shape_cast %mul3A_374 : vector<16xf32> to vector<1x16xf32>
        tpu.vector_store %arg13[%swap3A_377, %swap3A_378], %swap3A_381 {strides = array<i32>} : memref<80x64xf32, #tpu.memory_space<vmem>>, vector<1x16xf32>,
        %add3A_382 = arith.constant 1 : i32
        %add3A_383 = arith.addi %mul3A_271, %add3A_382 : i32
        %get3A_384 = arith.index_cast %add3A_383 : i32 to index
        %get3A_385 = arith.constant 48 : index
        %get3A_386 = tpu.vector_load %arg9[%get3A_384, %get3A_385] {strides = array<i32>} : memref<80x128xf32, #tpu.memory_space<vmem>>, vector<1x16xf32>,
        %get3A_387 = vector.shape_cast %get3A_386 : vector<1x16xf32> to vector<16xf32>
        %mul3A_388 = arith.constant 8.000000e+00 : f32
        %mul3A_389 = vector.broadcast %mul3A_388 : f32 to vector<16xf32>
        %mul3A_390 = arith.mulf %get3A_387, %mul3A_389 : vector<16xf32>
        %add3A_391 = arith.constant 1 : i32
        %add3A_392 = arith.addi %mul3A_271, %add3A_391 : i32
        %swap3A_393 = arith.index_cast %add3A_392 : i32 to index
        %swap3A_394 = arith.constant 48 : index
        %swap3A_395 = tpu.vector_load %arg13[%swap3A_393, %swap3A_394] {strides = array<i32>} : memref<80x64xf32, #tpu.memory_space<vmem>>, vector<1x16xf32>,
        %swap3A_396 = vector.shape_cast %swap3A_395 : vector<1x16xf32> to vector<16xf32>
        %swap3A_397 = vector.shape_cast %mul3A_390 : vector<16xf32> to vector<1x16xf32>
        tpu.vector_store %arg13[%swap3A_393, %swap3A_394], %swap3A_397 {strides = array<i32>} : memref<80x64xf32, #tpu.memory_space<vmem>>, vector<1x16xf32>,
        %add3A_398 = arith.constant 2 : i32
        %add3A_399 = arith.addi %mul3A_271, %add3A_398 : i32
        %get3A_400 = arith.index_cast %add3A_399 : i32 to index
        %get3A_401 = arith.constant 0 : index
        %get3A_402 = tpu.vector_load %arg9[%get3A_400, %get3A_401] {strides = array<i32>} : memref<80x128xf32, #tpu.memory_space<vmem>>, vector<1x16xf32>,
        %get3A_403 = vector.shape_cast %get3A_402 : vector<1x16xf32> to vector<16xf32>
        %mul3A_404 = arith.constant 8.000000e+00 : f32
        %mul3A_405 = vector.broadcast %mul3A_404 : f32 to vector<16xf32>
        %mul3A_406 = arith.mulf %get3A_403, %mul3A_405 : vector<16xf32>
        %add3A_407 = arith.constant 2 : i32
        %add3A_408 = arith.addi %mul3A_271, %add3A_407 : i32
        %swap3A_409 = arith.index_cast %add3A_408 : i32 to index
        %swap3A_410 = arith.constant 0 : index
        %swap3A_411 = tpu.vector_load %arg13[%swap3A_409, %swap3A_410] {strides = array<i32>} : memref<80x64xf32, #tpu.memory_space<vmem>>, vector<1x16xf32>,
        %swap3A_412 = vector.shape_cast %swap3A_411 : vector<1x16xf32> to vector<16xf32>
        %swap3A_413 = vector.shape_cast %mul3A_406 : vector<16xf32> to vector<1x16xf32>
        tpu.vector_store %arg13[%swap3A_409, %swap3A_410], %swap3A_413 {strides = array<i32>} : memref<80x64xf32, #tpu.memory_space<vmem>>, vector<1x16xf32>,
        %add3A_414 = arith.constant 2 : i32
        %add3A_415 = arith.addi %mul3A_271, %add3A_414 : i32
        %get3A_416 = arith.index_cast %add3A_415 : i32 to index
        %get3A_417 = arith.constant 16 : index
        %get3A_418 = tpu.vector_load %arg9[%get3A_416, %get3A_417] {strides = array<i32>} : memref<80x128xf32, #tpu.memory_space<vmem>>, vector<1x16xf32>,
        %get3A_419 = vector.shape_cast %get3A_418 : vector<1x16xf32> to vector<16xf32>
        %mul3A_420 = arith.constant 8.000000e+00 : f32
        %mul3A_421 = vector.broadcast %mul3A_420 : f32 to vector<16xf32>
        %mul3A_422 = arith.mulf %get3A_419, %mul3A_421 : vector<16xf32>
        %add3A_423 = arith.constant 2 : i32
        %add3A_424 = arith.addi %mul3A_271, %add3A_423 : i32
        %swap3A_425 = arith.index_cast %add3A_424 : i32 to index
        %swap3A_426 = arith.constant 16 : index
        %swap3A_427 = tpu.vector_load %arg13[%swap3A_425, %swap3A_426] {strides = array<i32>} : memref<80x64xf32, #tpu.memory_space<vmem>>, vector<1x16xf32>,
        %swap3A_428 = vector.shape_cast %swap3A_427 : vector<1x16xf32> to vector<16xf32>
        %swap3A_429 = vector.shape_cast %mul3A_422 : vector<16xf32> to vector<1x16xf32>
        tpu.vector_store %arg13[%swap3A_425, %swap3A_426], %swap3A_429 {strides = array<i32>} : memref<80x64xf32, #tpu.memory_space<vmem>>, vector<1x16xf32>,
        %add3A_430 = arith.constant 2 : i32
        %add3A_431 = arith.addi %mul3A_271, %add3A_430 : i32
        %get3A_432 = arith.index_cast %add3A_431 : i32 to index
        %get3A_433 = arith.constant 32 : index
        %get3A_434 = tpu.vector_load %arg9[%get3A_432, %get3A_433] {strides = array<i32>} : memref<80x128xf32, #tpu.memory_space<vmem>>, vector<1x16xf32>,
        %get3A_435 = vector.shape_cast %get3A_434 : vector<1x16xf32> to vector<16xf32>
        %mul3A_436 = arith.constant 8.000000e+00 : f32
        %mul3A_437 = vector.broadcast %mul3A_436 : f32 to vector<16xf32>
        %mul3A_438 = arith.mulf %get3A_435, %mul3A_437 : vector<16xf32>
        %add3A_439 = arith.constant 2 : i32
        %add3A_440 = arith.addi %mul3A_271, %add3A_439 : i32
        %swap3A_441 = arith.index_cast %add3A_440 : i32 to index
        %swap3A_442 = arith.constant 32 : index
        %swap3A_443 = tpu.vector_load %arg13[%swap3A_441, %swap3A_442] {strides = array<i32>} : memref<80x64xf32, #tpu.memory_space<vmem>>, vector<1x16xf32>,
        %swap3A_444 = vector.shape_cast %swap3A_443 : vector<1x16xf32> to vector<16xf32>
        %swap3A_445 = vector.shape_cast %mul3A_438 : vector<16xf32> to vector<1x16xf32>
        tpu.vector_store %arg13[%swap3A_441, %swap3A_442], %swap3A_445 {strides = array<i32>} : memref<80x64xf32, #tpu.memory_space<vmem>>, vector<1x16xf32>,
        %add3A_446 = arith.constant 2 : i32
        %add3A_447 = arith.addi %mul3A_271, %add3A_446 : i32
        %get3A_448 = arith.index_cast %add3A_447 : i32 to index
        %get3A_449 = arith.constant 48 : index
        %get3A_450 = tpu.vector_load %arg9[%get3A_448, %get3A_449] {strides = array<i32>} : memref<80x128xf32, #tpu.memory_space<vmem>>, vector<1x16xf32>,
        %get3A_451 = vector.shape_cast %get3A_450 : vector<1x16xf32> to vector<16xf32>
        %mul3A_452 = arith.constant 8.000000e+00 : f32
        %mul3A_453 = vector.broadcast %mul3A_452 : f32 to vector<16xf32>
        %mul3A_454 = arith.mulf %get3A_451, %mul3A_453 : vector<16xf32>
        %add3A_455 = arith.constant 2 : i32
        %add3A_456 = arith.addi %mul3A_271, %add3A_455 : i32
        %swap3A_457 = arith.index_cast %add3A_456 : i32 to index
        %swap3A_458 = arith.constant 48 : index
        %swap3A_459 = tpu.vector_load %arg13[%swap3A_457, %swap3A_458] {strides = array<i32>} : memref<80x64xf32, #tpu.memory_space<vmem>>, vector<1x16xf32>,
        %swap3A_460 = vector.shape_cast %swap3A_459 : vector<1x16xf32> to vector<16xf32>
        %swap3A_461 = vector.shape_cast %mul3A_454 : vector<16xf32> to vector<1x16xf32>
        tpu.vector_store %arg13[%swap3A_457, %swap3A_458], %swap3A_461 {strides = array<i32>} : memref<80x64xf32, #tpu.memory_space<vmem>>, vector<1x16xf32>,
        %add3A_462 = arith.constant 3 : i32
        %add3A_463 = arith.addi %mul3A_271, %add3A_462 : i32
        %get3A_464 = arith.index_cast %add3A_463 : i32 to index
        %get3A_465 = arith.constant 0 : index
        %get3A_466 = tpu.vector_load %arg9[%get3A_464, %get3A_465] {strides = array<i32>} : memref<80x128xf32, #tpu.memory_space<vmem>>, vector<1x16xf32>,
        %get3A_467 = vector.shape_cast %get3A_466 : vector<1x16xf32> to vector<16xf32>
        %mul3A_468 = arith.constant 8.000000e+00 : f32
        %mul3A_469 = vector.broadcast %mul3A_468 : f32 to vector<16xf32>
        %mul3A_470 = arith.mulf %get3A_467, %mul3A_469 : vector<16xf32>
        %add3A_471 = arith.constant 3 : i32
        %add3A_472 = arith.addi %mul3A_271, %add3A_471 : i32
        %swap3A_473 = arith.index_cast %add3A_472 : i32 to index
        %swap3A_474 = arith.constant 0 : index
        %swap3A_475 = tpu.vector_load %arg13[%swap3A_473, %swap3A_474] {strides = array<i32>} : memref<80x64xf32, #tpu.memory_space<vmem>>, vector<1x16xf32>,
        %swap3A_476 = vector.shape_cast %swap3A_475 : vector<1x16xf32> to vector<16xf32>
        %swap3A_477 = vector.shape_cast %mul3A_470 : vector<16xf32> to vector<1x16xf32>
        tpu.vector_store %arg13[%swap3A_473, %swap3A_474], %swap3A_477 {strides = array<i32>} : memref<80x64xf32, #tpu.memory_space<vmem>>, vector<1x16xf32>,
        %add3A_478 = arith.constant 3 : i32
        %add3A_479 = arith.addi %mul3A_271, %add3A_478 : i32
        %get3A_480 = arith.index_cast %add3A_479 : i32 to index
        %get3A_481 = arith.constant 16 : index
        %get3A_482 = tpu.vector_load %arg9[%get3A_480, %get3A_481] {strides = array<i32>} : memref<80x128xf32, #tpu.memory_space<vmem>>, vector<1x16xf32>,
        %get3A_483 = vector.shape_cast %get3A_482 : vector<1x16xf32> to vector<16xf32>
        %mul3A_484 = arith.constant 8.000000e+00 : f32
        %mul3A_485 = vector.broadcast %mul3A_484 : f32 to vector<16xf32>
        %mul3A_486 = arith.mulf %get3A_483, %mul3A_485 : vector<16xf32>
        %add3A_487 = arith.constant 3 : i32
        %add3A_488 = arith.addi %mul3A_271, %add3A_487 : i32
        %swap3A_489 = arith.index_cast %add3A_488 : i32 to index
        %swap3A_490 = arith.constant 16 : index
        %swap3A_491 = tpu.vector_load %arg13[%swap3A_489, %swap3A_490] {strides = array<i32>} : memref<80x64xf32, #tpu.memory_space<vmem>>, vector<1x16xf32>,
        %swap3A_492 = vector.shape_cast %swap3A_491 : vector<1x16xf32> to vector<16xf32>
        %swap3A_493 = vector.shape_cast %mul3A_486 : vector<16xf32> to vector<1x16xf32>
        tpu.vector_store %arg13[%swap3A_489, %swap3A_490], %swap3A_493 {strides = array<i32>} : memref<80x64xf32, #tpu.memory_space<vmem>>, vector<1x16xf32>,
        %add3A_494 = arith.constant 3 : i32
        %add3A_495 = arith.addi %mul3A_271, %add3A_494 : i32
        %get3A_496 = arith.index_cast %add3A_495 : i32 to index
        %get3A_497 = arith.constant 32 : index
        %get3A_498 = tpu.vector_load %arg9[%get3A_496, %get3A_497] {strides = array<i32>} : memref<80x128xf32, #tpu.memory_space<vmem>>, vector<1x16xf32>,
        %get3A_499 = vector.shape_cast %get3A_498 : vector<1x16xf32> to vector<16xf32>
        %mul3A_500 = arith.constant 8.000000e+00 : f32
        %mul3A_501 = vector.broadcast %mul3A_500 : f32 to vector<16xf32>
        %mul3A_502 = arith.mulf %get3A_499, %mul3A_501 : vector<16xf32>
        %add3A_503 = arith.constant 3 : i32
        %add3A_504 = arith.addi %mul3A_271, %add3A_503 : i32
        %swap3A_505 = arith.index_cast %add3A_504 : i32 to index
        %swap3A_506 = arith.constant 32 : index
        %swap3A_507 = tpu.vector_load %arg13[%swap3A_505, %swap3A_506] {strides = array<i32>} : memref<80x64xf32, #tpu.memory_space<vmem>>, vector<1x16xf32>,
        %swap3A_508 = vector.shape_cast %swap3A_507 : vector<1x16xf32> to vector<16xf32>
        %swap3A_509 = vector.shape_cast %mul3A_502 : vector<16xf32> to vector<1x16xf32>
        tpu.vector_store %arg13[%swap3A_505, %swap3A_506], %swap3A_509 {strides = array<i32>} : memref<80x64xf32, #tpu.memory_space<vmem>>, vector<1x16xf32>,
        %add3A_510 = arith.constant 3 : i32
        %add3A_511 = arith.addi %mul3A_271, %add3A_510 : i32
        %get3A_512 = arith.index_cast %add3A_511 : i32 to index
        %get3A_513 = arith.constant 48 : index
        %get3A_514 = tpu.vector_load %arg9[%get3A_512, %get3A_513] {strides = array<i32>} : memref<80x128xf32, #tpu.memory_space<vmem>>, vector<1x16xf32>,
        %get3A_515 = vector.shape_cast %get3A_514 : vector<1x16xf32> to vector<16xf32>
        %mul3A_516 = arith.constant 8.000000e+00 : f32
        %mul3A_517 = vector.broadcast %mul3A_516 : f32 to vector<16xf32>
        %mul3A_518 = arith.mulf %get3A_515, %mul3A_517 : vector<16xf32>
        %add3A_519 = arith.constant 3 : i32
        %add3A_520 = arith.addi %mul3A_271, %add3A_519 : i32
        %swap3A_521 = arith.index_cast %add3A_520 : i32 to index
        %swap3A_522 = arith.constant 48 : index
        %swap3A_523 = tpu.vector_load %arg13[%swap3A_521, %swap3A_522] {strides = array<i32>} : memref<80x64xf32, #tpu.memory_space<vmem>>, vector<1x16xf32>,
        %swap3A_524 = vector.shape_cast %swap3A_523 : vector<1x16xf32> to vector<16xf32>
        %swap3A_525 = vector.shape_cast %mul3A_518 : vector<16xf32> to vector<1x16xf32>
        tpu.vector_store %arg13[%swap3A_521, %swap3A_522], %swap3A_525 {strides = array<i32>} : memref<80x64xf32, #tpu.memory_space<vmem>>, vector<1x16xf32>,
        %add3A_526 = arith.constant 4 : i32
        %add3A_527 = arith.addi %mul3A_271, %add3A_526 : i32
        %get3A_528 = arith.index_cast %add3A_527 : i32 to index
        %get3A_529 = arith.constant 0 : index
        %get3A_530 = tpu.vector_load %arg9[%get3A_528, %get3A_529] {strides = array<i32>} : memref<80x128xf32, #tpu.memory_space<vmem>>, vector<1x16xf32>,
        %get3A_531 = vector.shape_cast %get3A_530 : vector<1x16xf32> to vector<16xf32>
        %mul3A_532 = arith.constant 8.000000e+00 : f32
        %mul3A_533 = vector.broadcast %mul3A_532 : f32 to vector<16xf32>
        %mul3A_534 = arith.mulf %get3A_531, %mul3A_533 : vector<16xf32>
        %add3A_535 = arith.constant 4 : i32
        %add3A_536 = arith.addi %mul3A_271, %add3A_535 : i32
        %swap3A_537 = arith.index_cast %add3A_536 : i32 to index
        %swap3A_538 = arith.constant 0 : index
        %swap3A_539 = tpu.vector_load %arg13[%swap3A_537, %swap3A_538] {strides = array<i32>} : memref<80x64xf32, #tpu.memory_space<vmem>>, vector<1x16xf32>,
        %swap3A_540 = vector.shape_cast %swap3A_539 : vector<1x16xf32> to vector<16xf32>
        %swap3A_541 = vector.shape_cast %mul3A_534 : vector<16xf32> to vector<1x16xf32>
        tpu.vector_store %arg13[%swap3A_537, %swap3A_538], %swap3A_541 {strides = array<i32>} : memref<80x64xf32, #tpu.memory_space<vmem>>, vector<1x16xf32>,
        %add3A_542 = arith.constant 4 : i32
        %add3A_543 = arith.addi %mul3A_271, %add3A_542 : i32
        %get3A_544 = arith.index_cast %add3A_543 : i32 to index
        %get3A_545 = arith.constant 16 : index
        %get3A_546 = tpu.vector_load %arg9[%get3A_544, %get3A_545] {strides = array<i32>} : memref<80x128xf32, #tpu.memory_space<vmem>>, vector<1x16xf32>,
        %get3A_547 = vector.shape_cast %get3A_546 : vector<1x16xf32> to vector<16xf32>
        %mul3A_548 = arith.constant 8.000000e+00 : f32
        %mul3A_549 = vector.broadcast %mul3A_548 : f32 to vector<16xf32>
        %mul3A_550 = arith.mulf %get3A_547, %mul3A_549 : vector<16xf32>
        %add3A_551 = arith.constant 4 : i32
        %add3A_552 = arith.addi %mul3A_271, %add3A_551 : i32
        %swap3A_553 = arith.index_cast %add3A_552 : i32 to index
        %swap3A_554 = arith.constant 16 : index
        %swap3A_555 = tpu.vector_load %arg13[%swap3A_553, %swap3A_554] {strides = array<i32>} : memref<80x64xf32, #tpu.memory_space<vmem>>, vector<1x16xf32>,
        %swap3A_556 = vector.shape_cast %swap3A_555 : vector<1x16xf32> to vector<16xf32>
        %swap3A_557 = vector.shape_cast %mul3A_550 : vector<16xf32> to vector<1x16xf32>
        tpu.vector_store %arg13[%swap3A_553, %swap3A_554], %swap3A_557 {strides = array<i32>} : memref<80x64xf32, #tpu.memory_space<vmem>>, vector<1x16xf32>,
        %add3A_558 = arith.constant 4 : i32
        %add3A_559 = arith.addi %mul3A_271, %add3A_558 : i32
        %get3A_560 = arith.index_cast %add3A_559 : i32 to index
        %get3A_561 = arith.constant 32 : index
        %get3A_562 = tpu.vector_load %arg9[%get3A_560, %get3A_561] {strides = array<i32>} : memref<80x128xf32, #tpu.memory_space<vmem>>, vector<1x16xf32>,
        %get3A_563 = vector.shape_cast %get3A_562 : vector<1x16xf32> to vector<16xf32>
        %mul3A_564 = arith.constant 8.000000e+00 : f32
        %mul3A_565 = vector.broadcast %mul3A_564 : f32 to vector<16xf32>
        %mul3A_566 = arith.mulf %get3A_563, %mul3A_565 : vector<16xf32>
        %add3A_567 = arith.constant 4 : i32
        %add3A_568 = arith.addi %mul3A_271, %add3A_567 : i32
        %swap3A_569 = arith.index_cast %add3A_568 : i32 to index
        %swap3A_570 = arith.constant 32 : index
        %swap3A_571 = tpu.vector_load %arg13[%swap3A_569, %swap3A_570] {strides = array<i32>} : memref<80x64xf32, #tpu.memory_space<vmem>>, vector<1x16xf32>,
        %swap3A_572 = vector.shape_cast %swap3A_571 : vector<1x16xf32> to vector<16xf32>
        %swap3A_573 = vector.shape_cast %mul3A_566 : vector<16xf32> to vector<1x16xf32>
        tpu.vector_store %arg13[%swap3A_569, %swap3A_570], %swap3A_573 {strides = array<i32>} : memref<80x64xf32, #tpu.memory_space<vmem>>, vector<1x16xf32>,
        %add3A_574 = arith.constant 4 : i32
        %add3A_575 = arith.addi %mul3A_271, %add3A_574 : i32
        %get3A_576 = arith.index_cast %add3A_575 : i32 to index
        %get3A_577 = arith.constant 48 : index
        %get3A_578 = tpu.vector_load %arg9[%get3A_576, %get3A_577] {strides = array<i32>} : memref<80x128xf32, #tpu.memory_space<vmem>>, vector<1x16xf32>,
        %get3A_579 = vector.shape_cast %get3A_578 : vector<1x16xf32> to vector<16xf32>
        %mul3A_580 = arith.constant 8.000000e+00 : f32
        %mul3A_581 = vector.broadcast %mul3A_580 : f32 to vector<16xf32>
        %mul3A_582 = arith.mulf %get3A_579, %mul3A_581 : vector<16xf32>
        %add3A_583 = arith.constant 4 : i32
        %add3A_584 = arith.addi %mul3A_271, %add3A_583 : i32
        %swap3A_585 = arith.index_cast %add3A_584 : i32 to index
        %swap3A_586 = arith.constant 48 : index
        %swap3A_587 = tpu.vector_load %arg13[%swap3A_585, %swap3A_586] {strides = array<i32>} : memref<80x64xf32, #tpu.memory_space<vmem>>, vector<1x16xf32>,
        %swap3A_588 = vector.shape_cast %swap3A_587 : vector<1x16xf32> to vector<16xf32>
        %swap3A_589 = vector.shape_cast %mul3A_582 : vector<16xf32> to vector<1x16xf32>
        tpu.vector_store %arg13[%swap3A_585, %swap3A_586], %swap3A_589 {strides = array<i32>} : memref<80x64xf32, #tpu.memory_space<vmem>>, vector<1x16xf32>,
        %add3A_590 = arith.constant 5 : i32
        %add3A_591 = arith.addi %mul3A_271, %add3A_590 : i32
        %get3A_592 = arith.index_cast %add3A_591 : i32 to index
        %get3A_593 = arith.constant 0 : index
        %get3A_594 = tpu.vector_load %arg9[%get3A_592, %get3A_593] {strides = array<i32>} : memref<80x128xf32, #tpu.memory_space<vmem>>, vector<1x16xf32>,
        %get3A_595 = vector.shape_cast %get3A_594 : vector<1x16xf32> to vector<16xf32>
        %mul3A_596 = arith.constant 8.000000e+00 : f32
        %mul3A_597 = vector.broadcast %mul3A_596 : f32 to vector<16xf32>
        %mul3A_598 = arith.mulf %get3A_595, %mul3A_597 : vector<16xf32>
        %add3A_599 = arith.constant 5 : i32
        %add3A_600 = arith.addi %mul3A_271, %add3A_599 : i32
        %swap3A_601 = arith.index_cast %add3A_600 : i32 to index
        %swap3A_602 = arith.constant 0 : index
        %swap3A_603 = tpu.vector_load %arg13[%swap3A_601, %swap3A_602] {strides = array<i32>} : memref<80x64xf32, #tpu.memory_space<vmem>>, vector<1x16xf32>,
        %swap3A_604 = vector.shape_cast %swap3A_603 : vector<1x16xf32> to vector<16xf32>
        %swap3A_605 = vector.shape_cast %mul3A_598 : vector<16xf32> to vector<1x16xf32>
        tpu.vector_store %arg13[%swap3A_601, %swap3A_602], %swap3A_605 {strides = array<i32>} : memref<80x64xf32, #tpu.memory_space<vmem>>, vector<1x16xf32>,
        %add3A_606 = arith.constant 5 : i32
        %add3A_607 = arith.addi %mul3A_271, %add3A_606 : i32
        %get3A_608 = arith.index_cast %add3A_607 : i32 to index
        %get3A_609 = arith.constant 16 : index
        %get3A_610 = tpu.vector_load %arg9[%get3A_608, %get3A_609] {strides = array<i32>} : memref<80x128xf32, #tpu.memory_space<vmem>>, vector<1x16xf32>,
        %get3A_611 = vector.shape_cast %get3A_610 : vector<1x16xf32> to vector<16xf32>
        %mul3A_612 = arith.constant 8.000000e+00 : f32
        %mul3A_613 = vector.broadcast %mul3A_612 : f32 to vector<16xf32>
        %mul3A_614 = arith.mulf %get3A_611, %mul3A_613 : vector<16xf32>
        %add3A_615 = arith.constant 5 : i32
        %add3A_616 = arith.addi %mul3A_271, %add3A_615 : i32
        %swap3A_617 = arith.index_cast %add3A_616 : i32 to index
        %swap3A_618 = arith.constant 16 : index
        %swap3A_619 = tpu.vector_load %arg13[%swap3A_617, %swap3A_618] {strides = array<i32>} : memref<80x64xf32, #tpu.memory_space<vmem>>, vector<1x16xf32>,
        %swap3A_620 = vector.shape_cast %swap3A_619 : vector<1x16xf32> to vector<16xf32>
        %swap3A_621 = vector.shape_cast %mul3A_614 : vector<16xf32> to vector<1x16xf32>
        tpu.vector_store %arg13[%swap3A_617, %swap3A_618], %swap3A_621 {strides = array<i32>} : memref<80x64xf32, #tpu.memory_space<vmem>>, vector<1x16xf32>,
        %add3A_622 = arith.constant 5 : i32
        %add3A_623 = arith.addi %mul3A_271, %add3A_622 : i32
        %get3A_624 = arith.index_cast %add3A_623 : i32 to index
        %get3A_625 = arith.constant 32 : index
        %get3A_626 = tpu.vector_load %arg9[%get3A_624, %get3A_625] {strides = array<i32>} : memref<80x128xf32, #tpu.memory_space<vmem>>, vector<1x16xf32>,
        %get3A_627 = vector.shape_cast %get3A_626 : vector<1x16xf32> to vector<16xf32>
        %mul3A_628 = arith.constant 8.000000e+00 : f32
        %mul3A_629 = vector.broadcast %mul3A_628 : f32 to vector<16xf32>
        %mul3A_630 = arith.mulf %get3A_627, %mul3A_629 : vector<16xf32>
        %add3A_631 = arith.constant 5 : i32
        %add3A_632 = arith.addi %mul3A_271, %add3A_631 : i32
        %swap3A_633 = arith.index_cast %add3A_632 : i32 to index
        %swap3A_634 = arith.constant 32 : index
        %swap3A_635 = tpu.vector_load %arg13[%swap3A_633, %swap3A_634] {strides = array<i32>} : memref<80x64xf32, #tpu.memory_space<vmem>>, vector<1x16xf32>,
        %swap3A_636 = vector.shape_cast %swap3A_635 : vector<1x16xf32> to vector<16xf32>
        %swap3A_637 = vector.shape_cast %mul3A_630 : vector<16xf32> to vector<1x16xf32>
        tpu.vector_store %arg13[%swap3A_633, %swap3A_634], %swap3A_637 {strides = array<i32>} : memref<80x64xf32, #tpu.memory_space<vmem>>, vector<1x16xf32>,
        %add3A_638 = arith.constant 5 : i32
        %add3A_639 = arith.addi %mul3A_271, %add3A_638 : i32
        %get3A_640 = arith.index_cast %add3A_639 : i32 to index
        %get3A_641 = arith.constant 48 : index
        %get3A_642 = tpu.vector_load %arg9[%get3A_640, %get3A_641] {strides = array<i32>} : memref<80x128xf32, #tpu.memory_space<vmem>>, vector<1x16xf32>,
        %get3A_643 = vector.shape_cast %get3A_642 : vector<1x16xf32> to vector<16xf32>
        %mul3A_644 = arith.constant 8.000000e+00 : f32
        %mul3A_645 = vector.broadcast %mul3A_644 : f32 to vector<16xf32>
        %mul3A_646 = arith.mulf %get3A_643, %mul3A_645 : vector<16xf32>
        %add3A_647 = arith.constant 5 : i32
        %add3A_648 = arith.addi %mul3A_271, %add3A_647 : i32
        %swap3A_649 = arith.index_cast %add3A_648 : i32 to index
        %swap3A_650 = arith.constant 48 : index
        %swap3A_651 = tpu.vector_load %arg13[%swap3A_649, %swap3A_650] {strides = array<i32>} : memref<80x64xf32, #tpu.memory_space<vmem>>, vector<1x16xf32>,
        %swap3A_652 = vector.shape_cast %swap3A_651 : vector<1x16xf32> to vector<16xf32>
        %swap3A_653 = vector.shape_cast %mul3A_646 : vector<16xf32> to vector<1x16xf32>
        tpu.vector_store %arg13[%swap3A_649, %swap3A_650], %swap3A_653 {strides = array<i32>} : memref<80x64xf32, #tpu.memory_space<vmem>>, vector<1x16xf32>,
        %add3A_654 = arith.constant 6 : i32
        %add3A_655 = arith.addi %mul3A_271, %add3A_654 : i32
        %get3A_656 = arith.index_cast %add3A_655 : i32 to index
        %get3A_657 = arith.constant 0 : index
        %get3A_658 = tpu.vector_load %arg9[%get3A_656, %get3A_657] {strides = array<i32>} : memref<80x128xf32, #tpu.memory_space<vmem>>, vector<1x16xf32>,
        %get3A_659 = vector.shape_cast %get3A_658 : vector<1x16xf32> to vector<16xf32>
        %mul3A_660 = arith.constant 8.000000e+00 : f32
        %mul3A_661 = vector.broadcast %mul3A_660 : f32 to vector<16xf32>
        %mul3A_662 = arith.mulf %get3A_659, %mul3A_661 : vector<16xf32>
        %add3A_663 = arith.constant 6 : i32
        %add3A_664 = arith.addi %mul3A_271, %add3A_663 : i32
        %swap3A_665 = arith.index_cast %add3A_664 : i32 to index
        %swap3A_666 = arith.constant 0 : index
        %swap3A_667 = tpu.vector_load %arg13[%swap3A_665, %swap3A_666] {strides = array<i32>} : memref<80x64xf32, #tpu.memory_space<vmem>>, vector<1x16xf32>,
        %swap3A_668 = vector.shape_cast %swap3A_667 : vector<1x16xf32> to vector<16xf32>
        %swap3A_669 = vector.shape_cast %mul3A_662 : vector<16xf32> to vector<1x16xf32>
        tpu.vector_store %arg13[%swap3A_665, %swap3A_666], %swap3A_669 {strides = array<i32>} : memref<80x64xf32, #tpu.memory_space<vmem>>, vector<1x16xf32>,
        %add3A_670 = arith.constant 6 : i32
        %add3A_671 = arith.addi %mul3A_271, %add3A_670 : i32
        %get3A_672 = arith.index_cast %add3A_671 : i32 to index
        %get3A_673 = arith.constant 16 : index
        %get3A_674 = tpu.vector_load %arg9[%get3A_672, %get3A_673] {strides = array<i32>} : memref<80x128xf32, #tpu.memory_space<vmem>>, vector<1x16xf32>,
        %get3A_675 = vector.shape_cast %get3A_674 : vector<1x16xf32> to vector<16xf32>
        %mul3A_676 = arith.constant 8.000000e+00 : f32
        %mul3A_677 = vector.broadcast %mul3A_676 : f32 to vector<16xf32>
        %mul3A_678 = arith.mulf %get3A_675, %mul3A_677 : vector<16xf32>
        %add3A_679 = arith.constant 6 : i32
        %add3A_680 = arith.addi %mul3A_271, %add3A_679 : i32
        %swap3A_681 = arith.index_cast %add3A_680 : i32 to index
        %swap3A_682 = arith.constant 16 : index
        %swap3A_683 = tpu.vector_load %arg13[%swap3A_681, %swap3A_682] {strides = array<i32>} : memref<80x64xf32, #tpu.memory_space<vmem>>, vector<1x16xf32>,
        %swap3A_684 = vector.shape_cast %swap3A_683 : vector<1x16xf32> to vector<16xf32>
        %swap3A_685 = vector.shape_cast %mul3A_678 : vector<16xf32> to vector<1x16xf32>
        tpu.vector_store %arg13[%swap3A_681, %swap3A_682], %swap3A_685 {strides = array<i32>} : memref<80x64xf32, #tpu.memory_space<vmem>>, vector<1x16xf32>,
        %add3A_686 = arith.constant 6 : i32
        %add3A_687 = arith.addi %mul3A_271, %add3A_686 : i32
        %get3A_688 = arith.index_cast %add3A_687 : i32 to index
        %get3A_689 = arith.constant 32 : index
        %get3A_690 = tpu.vector_load %arg9[%get3A_688, %get3A_689] {strides = array<i32>} : memref<80x128xf32, #tpu.memory_space<vmem>>, vector<1x16xf32>,
        %get3A_691 = vector.shape_cast %get3A_690 : vector<1x16xf32> to vector<16xf32>
        %mul3A_692 = arith.constant 8.000000e+00 : f32
        %mul3A_693 = vector.broadcast %mul3A_692 : f32 to vector<16xf32>
        %mul3A_694 = arith.mulf %get3A_691, %mul3A_693 : vector<16xf32>
        %add3A_695 = arith.constant 6 : i32
        %add3A_696 = arith.addi %mul3A_271, %add3A_695 : i32
        %swap3A_697 = arith.index_cast %add3A_696 : i32 to index
        %swap3A_698 = arith.constant 32 : index
        %swap3A_699 = tpu.vector_load %arg13[%swap3A_697, %swap3A_698] {strides = array<i32>} : memref<80x64xf32, #tpu.memory_space<vmem>>, vector<1x16xf32>,
        %swap3A_700 = vector.shape_cast %swap3A_699 : vector<1x16xf32> to vector<16xf32>
        %swap3A_701 = vector.shape_cast %mul3A_694 : vector<16xf32> to vector<1x16xf32>
        tpu.vector_store %arg13[%swap3A_697, %swap3A_698], %swap3A_701 {strides = array<i32>} : memref<80x64xf32, #tpu.memory_space<vmem>>, vector<1x16xf32>,
        %add3A_702 = arith.constant 6 : i32
        %add3A_703 = arith.addi %mul3A_271, %add3A_702 : i32
        %get3A_704 = arith.index_cast %add3A_703 : i32 to index
        %get3A_705 = arith.constant 48 : index
        %get3A_706 = tpu.vector_load %arg9[%get3A_704, %get3A_705] {strides = array<i32>} : memref<80x128xf32, #tpu.memory_space<vmem>>, vector<1x16xf32>,
        %get3A_707 = vector.shape_cast %get3A_706 : vector<1x16xf32> to vector<16xf32>
        %mul3A_708 = arith.constant 8.000000e+00 : f32
        %mul3A_709 = vector.broadcast %mul3A_708 : f32 to vector<16xf32>
        %mul3A_710 = arith.mulf %get3A_707, %mul3A_709 : vector<16xf32>
        %add3A_711 = arith.constant 6 : i32
        %add3A_712 = arith.addi %mul3A_271, %add3A_711 : i32
        %swap3A_713 = arith.index_cast %add3A_712 : i32 to index
        %swap3A_714 = arith.constant 48 : index
        %swap3A_715 = tpu.vector_load %arg13[%swap3A_713, %swap3A_714] {strides = array<i32>} : memref<80x64xf32, #tpu.memory_space<vmem>>, vector<1x16xf32>,
        %swap3A_716 = vector.shape_cast %swap3A_715 : vector<1x16xf32> to vector<16xf32>
        %swap3A_717 = vector.shape_cast %mul3A_710 : vector<16xf32> to vector<1x16xf32>
        tpu.vector_store %arg13[%swap3A_713, %swap3A_714], %swap3A_717 {strides = array<i32>} : memref<80x64xf32, #tpu.memory_space<vmem>>, vector<1x16xf32>,
        %add3A_718 = arith.constant 7 : i32
        %add3A_719 = arith.addi %mul3A_271, %add3A_718 : i32
        %get3A_720 = arith.index_cast %add3A_719 : i32 to index
        %get3A_721 = arith.constant 0 : index
        %get3A_722 = tpu.vector_load %arg9[%get3A_720, %get3A_721] {strides = array<i32>} : memref<80x128xf32, #tpu.memory_space<vmem>>, vector<1x16xf32>,
        %get3A_723 = vector.shape_cast %get3A_722 : vector<1x16xf32> to vector<16xf32>
        %mul3A_724 = arith.constant 8.000000e+00 : f32
        %mul3A_725 = vector.broadcast %mul3A_724 : f32 to vector<16xf32>
        %mul3A_726 = arith.mulf %get3A_723, %mul3A_725 : vector<16xf32>
        %add3A_727 = arith.constant 7 : i32
        %add3A_728 = arith.addi %mul3A_271, %add3A_727 : i32
        %swap3A_729 = arith.index_cast %add3A_728 : i32 to index
        %swap3A_730 = arith.constant 0 : index
        %swap3A_731 = tpu.vector_load %arg13[%swap3A_729, %swap3A_730] {strides = array<i32>} : memref<80x64xf32, #tpu.memory_space<vmem>>, vector<1x16xf32>,
        %swap3A_732 = vector.shape_cast %swap3A_731 : vector<1x16xf32> to vector<16xf32>
        %swap3A_733 = vector.shape_cast %mul3A_726 : vector<16xf32> to vector<1x16xf32>
        tpu.vector_store %arg13[%swap3A_729, %swap3A_730], %swap3A_733 {strides = array<i32>} : memref<80x64xf32, #tpu.memory_space<vmem>>, vector<1x16xf32>,
        %add3A_734 = arith.constant 7 : i32
        %add3A_735 = arith.addi %mul3A_271, %add3A_734 : i32
        %get3A_736 = arith.index_cast %add3A_735 : i32 to index
        %get3A_737 = arith.constant 16 : index
        %get3A_738 = tpu.vector_load %arg9[%get3A_736, %get3A_737] {strides = array<i32>} : memref<80x128xf32, #tpu.memory_space<vmem>>, vector<1x16xf32>,
        %get3A_739 = vector.shape_cast %get3A_738 : vector<1x16xf32> to vector<16xf32>
        %mul3A_740 = arith.constant 8.000000e+00 : f32
        %mul3A_741 = vector.broadcast %mul3A_740 : f32 to vector<16xf32>
        %mul3A_742 = arith.mulf %get3A_739, %mul3A_741 : vector<16xf32>
        %add3A_743 = arith.constant 7 : i32
        %add3A_744 = arith.addi %mul3A_271, %add3A_743 : i32
        %swap3A_745 = arith.index_cast %add3A_744 : i32 to index
        %swap3A_746 = arith.constant 16 : index
        %swap3A_747 = tpu.vector_load %arg13[%swap3A_745, %swap3A_746] {strides = array<i32>} : memref<80x64xf32, #tpu.memory_space<vmem>>, vector<1x16xf32>,
        %swap3A_748 = vector.shape_cast %swap3A_747 : vector<1x16xf32> to vector<16xf32>
        %swap3A_749 = vector.shape_cast %mul3A_742 : vector<16xf32> to vector<1x16xf32>
        tpu.vector_store %arg13[%swap3A_745, %swap3A_746], %swap3A_749 {strides = array<i32>} : memref<80x64xf32, #tpu.memory_space<vmem>>, vector<1x16xf32>,
        %add3A_750 = arith.constant 7 : i32
        %add3A_751 = arith.addi %mul3A_271, %add3A_750 : i32
        %get3A_752 = arith.index_cast %add3A_751 : i32 to index
        %get3A_753 = arith.constant 32 : index
        %get3A_754 = tpu.vector_load %arg9[%get3A_752, %get3A_753] {strides = array<i32>} : memref<80x128xf32, #tpu.memory_space<vmem>>, vector<1x16xf32>,
        %get3A_755 = vector.shape_cast %get3A_754 : vector<1x16xf32> to vector<16xf32>
        %mul3A_756 = arith.constant 8.000000e+00 : f32
        %mul3A_757 = vector.broadcast %mul3A_756 : f32 to vector<16xf32>
        %mul3A_758 = arith.mulf %get3A_755, %mul3A_757 : vector<16xf32>
        %add3A_759 = arith.constant 7 : i32
        %add3A_760 = arith.addi %mul3A_271, %add3A_759 : i32
        %swap3A_761 = arith.index_cast %add3A_760 : i32 to index
        %swap3A_762 = arith.constant 32 : index
        %swap3A_763 = tpu.vector_load %arg13[%swap3A_761, %swap3A_762] {strides = array<i32>} : memref<80x64xf32, #tpu.memory_space<vmem>>, vector<1x16xf32>,
        %swap3A_764 = vector.shape_cast %swap3A_763 : vector<1x16xf32> to vector<16xf32>
        %swap3A_765 = vector.shape_cast %mul3A_758 : vector<16xf32> to vector<1x16xf32>
        tpu.vector_store %arg13[%swap3A_761, %swap3A_762], %swap3A_765 {strides = array<i32>} : memref<80x64xf32, #tpu.memory_space<vmem>>, vector<1x16xf32>,
        %add3A_766 = arith.constant 7 : i32
        %add3A_767 = arith.addi %mul3A_271, %add3A_766 : i32
        %get3A_768 = arith.index_cast %add3A_767 : i32 to index
        %get3A_769 = arith.constant 48 : index
        %get3A_770 = tpu.vector_load %arg9[%get3A_768, %get3A_769] {strides = array<i32>} : memref<80x128xf32, #tpu.memory_space<vmem>>, vector<1x16xf32>,
        %get3A_771 = vector.shape_cast %get3A_770 : vector<1x16xf32> to vector<16xf32>
        %mul3A_772 = arith.constant 8.000000e+00 : f32
        %mul3A_773 = vector.broadcast %mul3A_772 : f32 to vector<16xf32>
        %mul3A_774 = arith.mulf %get3A_771, %mul3A_773 : vector<16xf32>
        %add3A_775 = arith.constant 7 : i32
        %add3A_776 = arith.addi %mul3A_271, %add3A_775 : i32
        %swap3A_777 = arith.index_cast %add3A_776 : i32 to index
        %swap3A_778 = arith.constant 48 : index
        %swap3A_779 = tpu.vector_load %arg13[%swap3A_777, %swap3A_778] {strides = array<i32>} : memref<80x64xf32, #tpu.memory_space<vmem>>, vector<1x16xf32>,
        %swap3A_780 = vector.shape_cast %swap3A_779 : vector<1x16xf32> to vector<16xf32>
        %swap3A_781 = vector.shape_cast %mul3A_774 : vector<16xf32> to vector<1x16xf32>
        tpu.vector_store %arg13[%swap3A_777, %swap3A_778], %swap3A_781 {strides = array<i32>} : memref<80x64xf32, #tpu.memory_space<vmem>>, vector<1x16xf32>,
      }
      %scan3A_210 = arith.constant 10 : i32
      %add3A_211 = arith.constant 4 : i32
      %add3A_212 = arith.addi %add3A_190, %add3A_211 : i32
      %lt3A_213 = arith.constant 320 : i32
      %lt3A_214 = arith.cmpi slt, %add3A_212, %lt3A_213 : i32
      %convert_element_type3A_215 = arith.extui %lt3A_214 : i1 to i32
      %cond3A_216 = arith.constant 0 : i32
      %cond3A_217 = arith.cmpi ne, %convert_element_type3A_215, %cond3A_216 : i32
      scf.if %cond3A_217 {
        %add3A_269 = arith.constant 4 : i32
        %add3A_270 = arith.addi %add3A_190, %add3A_269 : i32
        %mul3A_271 = arith.constant 80 : i32
        %mul3A_272 = arith.muli %add3A_270, %mul3A_271 : i32
        %dma_start3A_273 = arith.constant 2 : i32
        %dma_start3A_274 = tpu.memref_slice %arg6[%mul3A_272] : memref<25600xi32, #tpu.memory_space<vmem>> -> memref<80xi32, #tpu.memory_space<vmem>>
        %dma_start3A_275 = arith.constant 0 : i32
        %dma_start3A_276 = arith.constant 0 : i32
        %dma_start3A_277 = tpu.memref_slice %arg3[%dma_start3A_275, %dma_start3A_276] : memref<1000000x128xf32, #tpu.memory_space<hbm>> -> memref<1000000x128xf32, #tpu.memory_space<hbm>>
        %dma_start3A_278 = tpu.memref_slice %arg15[%dma_start3A_273] : memref<4x!tpu.dma_semaphore, #tpu.memory_space<semaphore_mem>> -> memref<1x!tpu.dma_semaphore, #tpu.memory_space<semaphore_mem>>
        %dma_start3A_279 = tpu.memref_squeeze %dma_start3A_278 : memref<1x!tpu.dma_semaphore, #tpu.memory_space<semaphore_mem>> -> memref<!tpu.dma_semaphore, #tpu.memory_space<semaphore_mem>>
        tpu.enqueue_indirect_dma source(%dma_start3A_277 : memref<1000000x128xf32, #tpu.memory_space<hbm>>) target(%arg9 : memref<80x128xf32, #tpu.memory_space<vmem>>) offsets(%dma_start3A_274 : memref<80xi32, #tpu.memory_space<vmem>>) semaphore(%dma_start3A_279 : memref<!tpu.dma_semaphore, #tpu.memory_space<semaphore_mem>>)
      } else {
      }
      %mul3A_218 = arith.constant 80 : i32
      %mul3A_219 = arith.muli %add3A_190, %mul3A_218 : i32
      %add3A_220 = arith.addi %mul3A_4, %mul3A_219 : i32
      %dma_start3A_221 = arith.constant 2 : i32
      %dma_start3A_222 = arith.constant 0 : i32
      %dma_start3A_223 = tpu.memref_slice %arg4[%add3A_220, %dma_start3A_222] : memref<819200x64xf32, #tpu.memory_space<hbm>> -> memref<80x64xf32, #tpu.memory_space<hbm>>
      %dma_start3A_224 = tpu.memref_slice %arg16[%dma_start3A_221] : memref<4x!tpu.dma_semaphore, #tpu.memory_space<semaphore_mem>> -> memref<1x!tpu.dma_semaphore, #tpu.memory_space<semaphore_mem>>
      %dma_start3A_225 = tpu.memref_squeeze %dma_start3A_224 : memref<1x!tpu.dma_semaphore, #tpu.memory_space<semaphore_mem>> -> memref<!tpu.dma_semaphore, #tpu.memory_space<semaphore_mem>>
      %dma_start3A_226 = arith.constant 0 : i32
      %dma_start3A_227 = tpu.memref_slice %arg4[%add3A_220, %dma_start3A_226] : memref<819200x64xf32, #tpu.memory_space<hbm>> -> memref<80x64xf32, #tpu.memory_space<hbm>>
      tpu.enqueue_dma source(%arg13 : memref<80x64xf32, #tpu.memory_space<vmem>>) target(%dma_start3A_227 : memref<80x64xf32, #tpu.memory_space<hbm>>) target_semaphore(%dma_start3A_225 : memref<!tpu.dma_semaphore, #tpu.memory_space<semaphore_mem>>)
      %mul3A_228 = arith.constant 4 : i32
      %mul3A_229 = arith.muli %scan3A_108, %mul3A_228 : i32
      %add3A_230 = arith.constant 3 : i32
      %add3A_231 = arith.addi %mul3A_229, %add3A_230 : i32
      %mul3A_232 = arith.constant 80 : i32
      %mul3A_233 = arith.muli %add3A_231, %mul3A_232 : i32
      %dma_wait3A_234 = arith.constant 3 : i32
      %dma_wait3A_235 = tpu.memref_slice %arg6[%mul3A_233] : memref<25600xi32, #tpu.memory_space<vmem>> -> memref<80xi32, #tpu.memory_space<vmem>>
      %dma_wait3A_236 = arith.constant 0 : i32
      %dma_wait3A_237 = arith.constant 0 : i32
      %dma_wait3A_238 = tpu.memref_slice %arg3[%dma_wait3A_236, %dma_wait3A_237] : memref<1000000x128xf32, #tpu.memory_space<hbm>> -> memref<1000000x128xf32, #tpu.memory_space<hbm>>
      %dma_wait3A_239 = tpu.memref_slice %arg15[%dma_wait3A_234] : memref<4x!tpu.dma_semaphore, #tpu.memory_space<semaphore_mem>> -> memref<1x!tpu.dma_semaphore, #tpu.memory_space<semaphore_mem>>
      %dma_wait3A_240 = tpu.memref_squeeze %dma_wait3A_239 : memref<1x!tpu.dma_semaphore, #tpu.memory_space<semaphore_mem>> -> memref<!tpu.dma_semaphore, #tpu.memory_space<semaphore_mem>>
      tpu.wait_indirect_dma semaphore(%dma_wait3A_240 : memref<!tpu.dma_semaphore, #tpu.memory_space<semaphore_mem>>) src(%dma_wait3A_238 : memref<1000000x128xf32, #tpu.memory_space<hbm>>) dst(%arg10 : memref<80x128xf32, #tpu.memory_space<vmem>>)
      %ge3A_241 = arith.constant 4 : i32
      %ge3A_242 = arith.cmpi sge, %add3A_231, %ge3A_241 : i32
      %convert_element_type3A_243 = arith.extui %ge3A_242 : i1 to i32
      %cond3A_244 = arith.constant 0 : i32
      %cond3A_245 = arith.cmpi ne, %convert_element_type3A_243, %cond3A_244 : i32
      scf.if %cond3A_245 {
        %sub3A = arith.constant 4 : i32
        %sub3A_269 = arith.subi %add3A_231, %sub3A : i32
        %mul3A_270 = arith.constant 80 : i32
        %mul3A_271 = arith.muli %sub3A_269, %mul3A_270 : i32
        %add3A_272 = arith.addi %mul3A_4, %mul3A_271 : i32
        %dma_wait3A_273 = arith.constant 3 : i32
        %dma_wait3A_274 = arith.constant 0 : i32
        %dma_wait3A_275 = tpu.memref_slice %arg4[%add3A_272, %dma_wait3A_274] : memref<819200x64xf32, #tpu.memory_space<hbm>> -> memref<80x64xf32, #tpu.memory_space<hbm>>
        %dma_wait3A_276 = tpu.memref_slice %arg16[%dma_wait3A_273] : memref<4x!tpu.dma_semaphore, #tpu.memory_space<semaphore_mem>> -> memref<1x!tpu.dma_semaphore, #tpu.memory_space<semaphore_mem>>
        %dma_wait3A_277 = tpu.memref_squeeze %dma_wait3A_276 : memref<1x!tpu.dma_semaphore, #tpu.memory_space<semaphore_mem>> -> memref<!tpu.dma_semaphore, #tpu.memory_space<semaphore_mem>>
        %dma_wait3A_278 = arith.constant 0 : i32
        %dma_wait3A_279 = tpu.memref_slice %arg4[%add3A_272, %dma_wait3A_278] : memref<819200x64xf32, #tpu.memory_space<hbm>> -> memref<80x64xf32, #tpu.memory_space<hbm>>
        tpu.wait_dma2 semaphore(%dma_wait3A_277 : memref<!tpu.dma_semaphore, #tpu.memory_space<semaphore_mem>>) src(%arg14 : memref<80x64xf32, #tpu.memory_space<vmem>>) dst(%dma_wait3A_279 : memref<80x64xf32, #tpu.memory_space<hbm>>)
      } else {
      }
      %scan3A_246 = arith.constant 0 : i32
      %scan3A_247 = arith.constant 0 : i32
      %scan3A_248 = arith.constant 10 : i32
      %scan3A_249 = arith.addi %scan3A_247, %scan3A_248 : i32
      %scan3A_250 = arith.constant 1 : i32
      scf.for %scan3A_269 = %scan3A_247 to %scan3A_249 step %scan3A_250  : i32 {
        %mul3A_270 = arith.constant 8 : i32
        %mul3A_271 = arith.muli %scan3A_269, %mul3A_270 : i32
        %add3A_272 = arith.constant 0 : i32
        %add3A_273 = arith.addi %mul3A_271, %add3A_272 : i32
        %get3A = arith.index_cast %add3A_273 : i32 to index
        %get3A_274 = arith.constant 0 : index
        %get3A_275 = tpu.vector_load %arg10[%get3A, %get3A_274] {strides = array<i32>} : memref<80x128xf32, #tpu.memory_space<vmem>>, vector<1x16xf32>,
        %get3A_276 = vector.shape_cast %get3A_275 : vector<1x16xf32> to vector<16xf32>
        %mul3A_277 = arith.constant 8.000000e+00 : f32
        %mul3A_278 = vector.broadcast %mul3A_277 : f32 to vector<16xf32>
        %mul3A_279 = arith.mulf %get3A_276, %mul3A_278 : vector<16xf32>
        %add3A_280 = arith.constant 0 : i32
        %add3A_281 = arith.addi %mul3A_271, %add3A_280 : i32
        %swap3A = arith.index_cast %add3A_281 : i32 to index
        %swap3A_282 = arith.constant 0 : index
        %swap3A_283 = tpu.vector_load %arg14[%swap3A, %swap3A_282] {strides = array<i32>} : memref<80x64xf32, #tpu.memory_space<vmem>>, vector<1x16xf32>,
        %swap3A_284 = vector.shape_cast %swap3A_283 : vector<1x16xf32> to vector<16xf32>
        %swap3A_285 = vector.shape_cast %mul3A_279 : vector<16xf32> to vector<1x16xf32>
        tpu.vector_store %arg14[%swap3A, %swap3A_282], %swap3A_285 {strides = array<i32>} : memref<80x64xf32, #tpu.memory_space<vmem>>, vector<1x16xf32>,
        %add3A_286 = arith.constant 0 : i32
        %add3A_287 = arith.addi %mul3A_271, %add3A_286 : i32
        %get3A_288 = arith.index_cast %add3A_287 : i32 to index
        %get3A_289 = arith.constant 16 : index
        %get3A_290 = tpu.vector_load %arg10[%get3A_288, %get3A_289] {strides = array<i32>} : memref<80x128xf32, #tpu.memory_space<vmem>>, vector<1x16xf32>,
        %get3A_291 = vector.shape_cast %get3A_290 : vector<1x16xf32> to vector<16xf32>
        %mul3A_292 = arith.constant 8.000000e+00 : f32
        %mul3A_293 = vector.broadcast %mul3A_292 : f32 to vector<16xf32>
        %mul3A_294 = arith.mulf %get3A_291, %mul3A_293 : vector<16xf32>
        %add3A_295 = arith.constant 0 : i32
        %add3A_296 = arith.addi %mul3A_271, %add3A_295 : i32
        %swap3A_297 = arith.index_cast %add3A_296 : i32 to index
        %swap3A_298 = arith.constant 16 : index
        %swap3A_299 = tpu.vector_load %arg14[%swap3A_297, %swap3A_298] {strides = array<i32>} : memref<80x64xf32, #tpu.memory_space<vmem>>, vector<1x16xf32>,
        %swap3A_300 = vector.shape_cast %swap3A_299 : vector<1x16xf32> to vector<16xf32>
        %swap3A_301 = vector.shape_cast %mul3A_294 : vector<16xf32> to vector<1x16xf32>
        tpu.vector_store %arg14[%swap3A_297, %swap3A_298], %swap3A_301 {strides = array<i32>} : memref<80x64xf32, #tpu.memory_space<vmem>>, vector<1x16xf32>,
        %add3A_302 = arith.constant 0 : i32
        %add3A_303 = arith.addi %mul3A_271, %add3A_302 : i32
        %get3A_304 = arith.index_cast %add3A_303 : i32 to index
        %get3A_305 = arith.constant 32 : index
        %get3A_306 = tpu.vector_load %arg10[%get3A_304, %get3A_305] {strides = array<i32>} : memref<80x128xf32, #tpu.memory_space<vmem>>, vector<1x16xf32>,
        %get3A_307 = vector.shape_cast %get3A_306 : vector<1x16xf32> to vector<16xf32>
        %mul3A_308 = arith.constant 8.000000e+00 : f32
        %mul3A_309 = vector.broadcast %mul3A_308 : f32 to vector<16xf32>
        %mul3A_310 = arith.mulf %get3A_307, %mul3A_309 : vector<16xf32>
        %add3A_311 = arith.constant 0 : i32
        %add3A_312 = arith.addi %mul3A_271, %add3A_311 : i32
        %swap3A_313 = arith.index_cast %add3A_312 : i32 to index
        %swap3A_314 = arith.constant 32 : index
        %swap3A_315 = tpu.vector_load %arg14[%swap3A_313, %swap3A_314] {strides = array<i32>} : memref<80x64xf32, #tpu.memory_space<vmem>>, vector<1x16xf32>,
        %swap3A_316 = vector.shape_cast %swap3A_315 : vector<1x16xf32> to vector<16xf32>
        %swap3A_317 = vector.shape_cast %mul3A_310 : vector<16xf32> to vector<1x16xf32>
        tpu.vector_store %arg14[%swap3A_313, %swap3A_314], %swap3A_317 {strides = array<i32>} : memref<80x64xf32, #tpu.memory_space<vmem>>, vector<1x16xf32>,
        %add3A_318 = arith.constant 0 : i32
        %add3A_319 = arith.addi %mul3A_271, %add3A_318 : i32
        %get3A_320 = arith.index_cast %add3A_319 : i32 to index
        %get3A_321 = arith.constant 48 : index
        %get3A_322 = tpu.vector_load %arg10[%get3A_320, %get3A_321] {strides = array<i32>} : memref<80x128xf32, #tpu.memory_space<vmem>>, vector<1x16xf32>,
        %get3A_323 = vector.shape_cast %get3A_322 : vector<1x16xf32> to vector<16xf32>
        %mul3A_324 = arith.constant 8.000000e+00 : f32
        %mul3A_325 = vector.broadcast %mul3A_324 : f32 to vector<16xf32>
        %mul3A_326 = arith.mulf %get3A_323, %mul3A_325 : vector<16xf32>
        %add3A_327 = arith.constant 0 : i32
        %add3A_328 = arith.addi %mul3A_271, %add3A_327 : i32
        %swap3A_329 = arith.index_cast %add3A_328 : i32 to index
        %swap3A_330 = arith.constant 48 : index
        %swap3A_331 = tpu.vector_load %arg14[%swap3A_329, %swap3A_330] {strides = array<i32>} : memref<80x64xf32, #tpu.memory_space<vmem>>, vector<1x16xf32>,
        %swap3A_332 = vector.shape_cast %swap3A_331 : vector<1x16xf32> to vector<16xf32>
        %swap3A_333 = vector.shape_cast %mul3A_326 : vector<16xf32> to vector<1x16xf32>
        tpu.vector_store %arg14[%swap3A_329, %swap3A_330], %swap3A_333 {strides = array<i32>} : memref<80x64xf32, #tpu.memory_space<vmem>>, vector<1x16xf32>,
        %add3A_334 = arith.constant 1 : i32
        %add3A_335 = arith.addi %mul3A_271, %add3A_334 : i32
        %get3A_336 = arith.index_cast %add3A_335 : i32 to index
        %get3A_337 = arith.constant 0 : index
        %get3A_338 = tpu.vector_load %arg10[%get3A_336, %get3A_337] {strides = array<i32>} : memref<80x128xf32, #tpu.memory_space<vmem>>, vector<1x16xf32>,
        %get3A_339 = vector.shape_cast %get3A_338 : vector<1x16xf32> to vector<16xf32>
        %mul3A_340 = arith.constant 8.000000e+00 : f32
        %mul3A_341 = vector.broadcast %mul3A_340 : f32 to vector<16xf32>
        %mul3A_342 = arith.mulf %get3A_339, %mul3A_341 : vector<16xf32>
        %add3A_343 = arith.constant 1 : i32
        %add3A_344 = arith.addi %mul3A_271, %add3A_343 : i32
        %swap3A_345 = arith.index_cast %add3A_344 : i32 to index
        %swap3A_346 = arith.constant 0 : index
        %swap3A_347 = tpu.vector_load %arg14[%swap3A_345, %swap3A_346] {strides = array<i32>} : memref<80x64xf32, #tpu.memory_space<vmem>>, vector<1x16xf32>,
        %swap3A_348 = vector.shape_cast %swap3A_347 : vector<1x16xf32> to vector<16xf32>
        %swap3A_349 = vector.shape_cast %mul3A_342 : vector<16xf32> to vector<1x16xf32>
        tpu.vector_store %arg14[%swap3A_345, %swap3A_346], %swap3A_349 {strides = array<i32>} : memref<80x64xf32, #tpu.memory_space<vmem>>, vector<1x16xf32>,
        %add3A_350 = arith.constant 1 : i32
        %add3A_351 = arith.addi %mul3A_271, %add3A_350 : i32
        %get3A_352 = arith.index_cast %add3A_351 : i32 to index
        %get3A_353 = arith.constant 16 : index
        %get3A_354 = tpu.vector_load %arg10[%get3A_352, %get3A_353] {strides = array<i32>} : memref<80x128xf32, #tpu.memory_space<vmem>>, vector<1x16xf32>,
        %get3A_355 = vector.shape_cast %get3A_354 : vector<1x16xf32> to vector<16xf32>
        %mul3A_356 = arith.constant 8.000000e+00 : f32
        %mul3A_357 = vector.broadcast %mul3A_356 : f32 to vector<16xf32>
        %mul3A_358 = arith.mulf %get3A_355, %mul3A_357 : vector<16xf32>
        %add3A_359 = arith.constant 1 : i32
        %add3A_360 = arith.addi %mul3A_271, %add3A_359 : i32
        %swap3A_361 = arith.index_cast %add3A_360 : i32 to index
        %swap3A_362 = arith.constant 16 : index
        %swap3A_363 = tpu.vector_load %arg14[%swap3A_361, %swap3A_362] {strides = array<i32>} : memref<80x64xf32, #tpu.memory_space<vmem>>, vector<1x16xf32>,
        %swap3A_364 = vector.shape_cast %swap3A_363 : vector<1x16xf32> to vector<16xf32>
        %swap3A_365 = vector.shape_cast %mul3A_358 : vector<16xf32> to vector<1x16xf32>
        tpu.vector_store %arg14[%swap3A_361, %swap3A_362], %swap3A_365 {strides = array<i32>} : memref<80x64xf32, #tpu.memory_space<vmem>>, vector<1x16xf32>,
        %add3A_366 = arith.constant 1 : i32
        %add3A_367 = arith.addi %mul3A_271, %add3A_366 : i32
        %get3A_368 = arith.index_cast %add3A_367 : i32 to index
        %get3A_369 = arith.constant 32 : index
        %get3A_370 = tpu.vector_load %arg10[%get3A_368, %get3A_369] {strides = array<i32>} : memref<80x128xf32, #tpu.memory_space<vmem>>, vector<1x16xf32>,
        %get3A_371 = vector.shape_cast %get3A_370 : vector<1x16xf32> to vector<16xf32>
        %mul3A_372 = arith.constant 8.000000e+00 : f32
        %mul3A_373 = vector.broadcast %mul3A_372 : f32 to vector<16xf32>
        %mul3A_374 = arith.mulf %get3A_371, %mul3A_373 : vector<16xf32>
        %add3A_375 = arith.constant 1 : i32
        %add3A_376 = arith.addi %mul3A_271, %add3A_375 : i32
        %swap3A_377 = arith.index_cast %add3A_376 : i32 to index
        %swap3A_378 = arith.constant 32 : index
        %swap3A_379 = tpu.vector_load %arg14[%swap3A_377, %swap3A_378] {strides = array<i32>} : memref<80x64xf32, #tpu.memory_space<vmem>>, vector<1x16xf32>,
        %swap3A_380 = vector.shape_cast %swap3A_379 : vector<1x16xf32> to vector<16xf32>
        %swap3A_381 = vector.shape_cast %mul3A_374 : vector<16xf32> to vector<1x16xf32>
        tpu.vector_store %arg14[%swap3A_377, %swap3A_378], %swap3A_381 {strides = array<i32>} : memref<80x64xf32, #tpu.memory_space<vmem>>, vector<1x16xf32>,
        %add3A_382 = arith.constant 1 : i32
        %add3A_383 = arith.addi %mul3A_271, %add3A_382 : i32
        %get3A_384 = arith.index_cast %add3A_383 : i32 to index
        %get3A_385 = arith.constant 48 : index
        %get3A_386 = tpu.vector_load %arg10[%get3A_384, %get3A_385] {strides = array<i32>} : memref<80x128xf32, #tpu.memory_space<vmem>>, vector<1x16xf32>,
        %get3A_387 = vector.shape_cast %get3A_386 : vector<1x16xf32> to vector<16xf32>
        %mul3A_388 = arith.constant 8.000000e+00 : f32
        %mul3A_389 = vector.broadcast %mul3A_388 : f32 to vector<16xf32>
        %mul3A_390 = arith.mulf %get3A_387, %mul3A_389 : vector<16xf32>
        %add3A_391 = arith.constant 1 : i32
        %add3A_392 = arith.addi %mul3A_271, %add3A_391 : i32
        %swap3A_393 = arith.index_cast %add3A_392 : i32 to index
        %swap3A_394 = arith.constant 48 : index
        %swap3A_395 = tpu.vector_load %arg14[%swap3A_393, %swap3A_394] {strides = array<i32>} : memref<80x64xf32, #tpu.memory_space<vmem>>, vector<1x16xf32>,
        %swap3A_396 = vector.shape_cast %swap3A_395 : vector<1x16xf32> to vector<16xf32>
        %swap3A_397 = vector.shape_cast %mul3A_390 : vector<16xf32> to vector<1x16xf32>
        tpu.vector_store %arg14[%swap3A_393, %swap3A_394], %swap3A_397 {strides = array<i32>} : memref<80x64xf32, #tpu.memory_space<vmem>>, vector<1x16xf32>,
        %add3A_398 = arith.constant 2 : i32
        %add3A_399 = arith.addi %mul3A_271, %add3A_398 : i32
        %get3A_400 = arith.index_cast %add3A_399 : i32 to index
        %get3A_401 = arith.constant 0 : index
        %get3A_402 = tpu.vector_load %arg10[%get3A_400, %get3A_401] {strides = array<i32>} : memref<80x128xf32, #tpu.memory_space<vmem>>, vector<1x16xf32>,
        %get3A_403 = vector.shape_cast %get3A_402 : vector<1x16xf32> to vector<16xf32>
        %mul3A_404 = arith.constant 8.000000e+00 : f32
        %mul3A_405 = vector.broadcast %mul3A_404 : f32 to vector<16xf32>
        %mul3A_406 = arith.mulf %get3A_403, %mul3A_405 : vector<16xf32>
        %add3A_407 = arith.constant 2 : i32
        %add3A_408 = arith.addi %mul3A_271, %add3A_407 : i32
        %swap3A_409 = arith.index_cast %add3A_408 : i32 to index
        %swap3A_410 = arith.constant 0 : index
        %swap3A_411 = tpu.vector_load %arg14[%swap3A_409, %swap3A_410] {strides = array<i32>} : memref<80x64xf32, #tpu.memory_space<vmem>>, vector<1x16xf32>,
        %swap3A_412 = vector.shape_cast %swap3A_411 : vector<1x16xf32> to vector<16xf32>
        %swap3A_413 = vector.shape_cast %mul3A_406 : vector<16xf32> to vector<1x16xf32>
        tpu.vector_store %arg14[%swap3A_409, %swap3A_410], %swap3A_413 {strides = array<i32>} : memref<80x64xf32, #tpu.memory_space<vmem>>, vector<1x16xf32>,
        %add3A_414 = arith.constant 2 : i32
        %add3A_415 = arith.addi %mul3A_271, %add3A_414 : i32
        %get3A_416 = arith.index_cast %add3A_415 : i32 to index
        %get3A_417 = arith.constant 16 : index
        %get3A_418 = tpu.vector_load %arg10[%get3A_416, %get3A_417] {strides = array<i32>} : memref<80x128xf32, #tpu.memory_space<vmem>>, vector<1x16xf32>,
        %get3A_419 = vector.shape_cast %get3A_418 : vector<1x16xf32> to vector<16xf32>
        %mul3A_420 = arith.constant 8.000000e+00 : f32
        %mul3A_421 = vector.broadcast %mul3A_420 : f32 to vector<16xf32>
        %mul3A_422 = arith.mulf %get3A_419, %mul3A_421 : vector<16xf32>
        %add3A_423 = arith.constant 2 : i32
        %add3A_424 = arith.addi %mul3A_271, %add3A_423 : i32
        %swap3A_425 = arith.index_cast %add3A_424 : i32 to index
        %swap3A_426 = arith.constant 16 : index
        %swap3A_427 = tpu.vector_load %arg14[%swap3A_425, %swap3A_426] {strides = array<i32>} : memref<80x64xf32, #tpu.memory_space<vmem>>, vector<1x16xf32>,
        %swap3A_428 = vector.shape_cast %swap3A_427 : vector<1x16xf32> to vector<16xf32>
        %swap3A_429 = vector.shape_cast %mul3A_422 : vector<16xf32> to vector<1x16xf32>
        tpu.vector_store %arg14[%swap3A_425, %swap3A_426], %swap3A_429 {strides = array<i32>} : memref<80x64xf32, #tpu.memory_space<vmem>>, vector<1x16xf32>,
        %add3A_430 = arith.constant 2 : i32
        %add3A_431 = arith.addi %mul3A_271, %add3A_430 : i32
        %get3A_432 = arith.index_cast %add3A_431 : i32 to index
        %get3A_433 = arith.constant 32 : index
        %get3A_434 = tpu.vector_load %arg10[%get3A_432, %get3A_433] {strides = array<i32>} : memref<80x128xf32, #tpu.memory_space<vmem>>, vector<1x16xf32>,
        %get3A_435 = vector.shape_cast %get3A_434 : vector<1x16xf32> to vector<16xf32>
        %mul3A_436 = arith.constant 8.000000e+00 : f32
        %mul3A_437 = vector.broadcast %mul3A_436 : f32 to vector<16xf32>
        %mul3A_438 = arith.mulf %get3A_435, %mul3A_437 : vector<16xf32>
        %add3A_439 = arith.constant 2 : i32
        %add3A_440 = arith.addi %mul3A_271, %add3A_439 : i32
        %swap3A_441 = arith.index_cast %add3A_440 : i32 to index
        %swap3A_442 = arith.constant 32 : index
        %swap3A_443 = tpu.vector_load %arg14[%swap3A_441, %swap3A_442] {strides = array<i32>} : memref<80x64xf32, #tpu.memory_space<vmem>>, vector<1x16xf32>,
        %swap3A_444 = vector.shape_cast %swap3A_443 : vector<1x16xf32> to vector<16xf32>
        %swap3A_445 = vector.shape_cast %mul3A_438 : vector<16xf32> to vector<1x16xf32>
        tpu.vector_store %arg14[%swap3A_441, %swap3A_442], %swap3A_445 {strides = array<i32>} : memref<80x64xf32, #tpu.memory_space<vmem>>, vector<1x16xf32>,
        %add3A_446 = arith.constant 2 : i32
        %add3A_447 = arith.addi %mul3A_271, %add3A_446 : i32
        %get3A_448 = arith.index_cast %add3A_447 : i32 to index
        %get3A_449 = arith.constant 48 : index
        %get3A_450 = tpu.vector_load %arg10[%get3A_448, %get3A_449] {strides = array<i32>} : memref<80x128xf32, #tpu.memory_space<vmem>>, vector<1x16xf32>,
        %get3A_451 = vector.shape_cast %get3A_450 : vector<1x16xf32> to vector<16xf32>
        %mul3A_452 = arith.constant 8.000000e+00 : f32
        %mul3A_453 = vector.broadcast %mul3A_452 : f32 to vector<16xf32>
        %mul3A_454 = arith.mulf %get3A_451, %mul3A_453 : vector<16xf32>
        %add3A_455 = arith.constant 2 : i32
        %add3A_456 = arith.addi %mul3A_271, %add3A_455 : i32
        %swap3A_457 = arith.index_cast %add3A_456 : i32 to index
        %swap3A_458 = arith.constant 48 : index
        %swap3A_459 = tpu.vector_load %arg14[%swap3A_457, %swap3A_458] {strides = array<i32>} : memref<80x64xf32, #tpu.memory_space<vmem>>, vector<1x16xf32>,
        %swap3A_460 = vector.shape_cast %swap3A_459 : vector<1x16xf32> to vector<16xf32>
        %swap3A_461 = vector.shape_cast %mul3A_454 : vector<16xf32> to vector<1x16xf32>
        tpu.vector_store %arg14[%swap3A_457, %swap3A_458], %swap3A_461 {strides = array<i32>} : memref<80x64xf32, #tpu.memory_space<vmem>>, vector<1x16xf32>,
        %add3A_462 = arith.constant 3 : i32
        %add3A_463 = arith.addi %mul3A_271, %add3A_462 : i32
        %get3A_464 = arith.index_cast %add3A_463 : i32 to index
        %get3A_465 = arith.constant 0 : index
        %get3A_466 = tpu.vector_load %arg10[%get3A_464, %get3A_465] {strides = array<i32>} : memref<80x128xf32, #tpu.memory_space<vmem>>, vector<1x16xf32>,
        %get3A_467 = vector.shape_cast %get3A_466 : vector<1x16xf32> to vector<16xf32>
        %mul3A_468 = arith.constant 8.000000e+00 : f32
        %mul3A_469 = vector.broadcast %mul3A_468 : f32 to vector<16xf32>
        %mul3A_470 = arith.mulf %get3A_467, %mul3A_469 : vector<16xf32>
        %add3A_471 = arith.constant 3 : i32
        %add3A_472 = arith.addi %mul3A_271, %add3A_471 : i32
        %swap3A_473 = arith.index_cast %add3A_472 : i32 to index
        %swap3A_474 = arith.constant 0 : index
        %swap3A_475 = tpu.vector_load %arg14[%swap3A_473, %swap3A_474] {strides = array<i32>} : memref<80x64xf32, #tpu.memory_space<vmem>>, vector<1x16xf32>,
        %swap3A_476 = vector.shape_cast %swap3A_475 : vector<1x16xf32> to vector<16xf32>
        %swap3A_477 = vector.shape_cast %mul3A_470 : vector<16xf32> to vector<1x16xf32>
        tpu.vector_store %arg14[%swap3A_473, %swap3A_474], %swap3A_477 {strides = array<i32>} : memref<80x64xf32, #tpu.memory_space<vmem>>, vector<1x16xf32>,
        %add3A_478 = arith.constant 3 : i32
        %add3A_479 = arith.addi %mul3A_271, %add3A_478 : i32
        %get3A_480 = arith.index_cast %add3A_479 : i32 to index
        %get3A_481 = arith.constant 16 : index
        %get3A_482 = tpu.vector_load %arg10[%get3A_480, %get3A_481] {strides = array<i32>} : memref<80x128xf32, #tpu.memory_space<vmem>>, vector<1x16xf32>,
        %get3A_483 = vector.shape_cast %get3A_482 : vector<1x16xf32> to vector<16xf32>
        %mul3A_484 = arith.constant 8.000000e+00 : f32
        %mul3A_485 = vector.broadcast %mul3A_484 : f32 to vector<16xf32>
        %mul3A_486 = arith.mulf %get3A_483, %mul3A_485 : vector<16xf32>
        %add3A_487 = arith.constant 3 : i32
        %add3A_488 = arith.addi %mul3A_271, %add3A_487 : i32
        %swap3A_489 = arith.index_cast %add3A_488 : i32 to index
        %swap3A_490 = arith.constant 16 : index
        %swap3A_491 = tpu.vector_load %arg14[%swap3A_489, %swap3A_490] {strides = array<i32>} : memref<80x64xf32, #tpu.memory_space<vmem>>, vector<1x16xf32>,
        %swap3A_492 = vector.shape_cast %swap3A_491 : vector<1x16xf32> to vector<16xf32>
        %swap3A_493 = vector.shape_cast %mul3A_486 : vector<16xf32> to vector<1x16xf32>
        tpu.vector_store %arg14[%swap3A_489, %swap3A_490], %swap3A_493 {strides = array<i32>} : memref<80x64xf32, #tpu.memory_space<vmem>>, vector<1x16xf32>,
        %add3A_494 = arith.constant 3 : i32
        %add3A_495 = arith.addi %mul3A_271, %add3A_494 : i32
        %get3A_496 = arith.index_cast %add3A_495 : i32 to index
        %get3A_497 = arith.constant 32 : index
        %get3A_498 = tpu.vector_load %arg10[%get3A_496, %get3A_497] {strides = array<i32>} : memref<80x128xf32, #tpu.memory_space<vmem>>, vector<1x16xf32>,
        %get3A_499 = vector.shape_cast %get3A_498 : vector<1x16xf32> to vector<16xf32>
        %mul3A_500 = arith.constant 8.000000e+00 : f32
        %mul3A_501 = vector.broadcast %mul3A_500 : f32 to vector<16xf32>
        %mul3A_502 = arith.mulf %get3A_499, %mul3A_501 : vector<16xf32>
        %add3A_503 = arith.constant 3 : i32
        %add3A_504 = arith.addi %mul3A_271, %add3A_503 : i32
        %swap3A_505 = arith.index_cast %add3A_504 : i32 to index
        %swap3A_506 = arith.constant 32 : index
        %swap3A_507 = tpu.vector_load %arg14[%swap3A_505, %swap3A_506] {strides = array<i32>} : memref<80x64xf32, #tpu.memory_space<vmem>>, vector<1x16xf32>,
        %swap3A_508 = vector.shape_cast %swap3A_507 : vector<1x16xf32> to vector<16xf32>
        %swap3A_509 = vector.shape_cast %mul3A_502 : vector<16xf32> to vector<1x16xf32>
        tpu.vector_store %arg14[%swap3A_505, %swap3A_506], %swap3A_509 {strides = array<i32>} : memref<80x64xf32, #tpu.memory_space<vmem>>, vector<1x16xf32>,
        %add3A_510 = arith.constant 3 : i32
        %add3A_511 = arith.addi %mul3A_271, %add3A_510 : i32
        %get3A_512 = arith.index_cast %add3A_511 : i32 to index
        %get3A_513 = arith.constant 48 : index
        %get3A_514 = tpu.vector_load %arg10[%get3A_512, %get3A_513] {strides = array<i32>} : memref<80x128xf32, #tpu.memory_space<vmem>>, vector<1x16xf32>,
        %get3A_515 = vector.shape_cast %get3A_514 : vector<1x16xf32> to vector<16xf32>
        %mul3A_516 = arith.constant 8.000000e+00 : f32
        %mul3A_517 = vector.broadcast %mul3A_516 : f32 to vector<16xf32>
        %mul3A_518 = arith.mulf %get3A_515, %mul3A_517 : vector<16xf32>
        %add3A_519 = arith.constant 3 : i32
        %add3A_520 = arith.addi %mul3A_271, %add3A_519 : i32
        %swap3A_521 = arith.index_cast %add3A_520 : i32 to index
        %swap3A_522 = arith.constant 48 : index
        %swap3A_523 = tpu.vector_load %arg14[%swap3A_521, %swap3A_522] {strides = array<i32>} : memref<80x64xf32, #tpu.memory_space<vmem>>, vector<1x16xf32>,
        %swap3A_524 = vector.shape_cast %swap3A_523 : vector<1x16xf32> to vector<16xf32>
        %swap3A_525 = vector.shape_cast %mul3A_518 : vector<16xf32> to vector<1x16xf32>
        tpu.vector_store %arg14[%swap3A_521, %swap3A_522], %swap3A_525 {strides = array<i32>} : memref<80x64xf32, #tpu.memory_space<vmem>>, vector<1x16xf32>,
        %add3A_526 = arith.constant 4 : i32
        %add3A_527 = arith.addi %mul3A_271, %add3A_526 : i32
        %get3A_528 = arith.index_cast %add3A_527 : i32 to index
        %get3A_529 = arith.constant 0 : index
        %get3A_530 = tpu.vector_load %arg10[%get3A_528, %get3A_529] {strides = array<i32>} : memref<80x128xf32, #tpu.memory_space<vmem>>, vector<1x16xf32>,
        %get3A_531 = vector.shape_cast %get3A_530 : vector<1x16xf32> to vector<16xf32>
        %mul3A_532 = arith.constant 8.000000e+00 : f32
        %mul3A_533 = vector.broadcast %mul3A_532 : f32 to vector<16xf32>
        %mul3A_534 = arith.mulf %get3A_531, %mul3A_533 : vector<16xf32>
        %add3A_535 = arith.constant 4 : i32
        %add3A_536 = arith.addi %mul3A_271, %add3A_535 : i32
        %swap3A_537 = arith.index_cast %add3A_536 : i32 to index
        %swap3A_538 = arith.constant 0 : index
        %swap3A_539 = tpu.vector_load %arg14[%swap3A_537, %swap3A_538] {strides = array<i32>} : memref<80x64xf32, #tpu.memory_space<vmem>>, vector<1x16xf32>,
        %swap3A_540 = vector.shape_cast %swap3A_539 : vector<1x16xf32> to vector<16xf32>
        %swap3A_541 = vector.shape_cast %mul3A_534 : vector<16xf32> to vector<1x16xf32>
        tpu.vector_store %arg14[%swap3A_537, %swap3A_538], %swap3A_541 {strides = array<i32>} : memref<80x64xf32, #tpu.memory_space<vmem>>, vector<1x16xf32>,
        %add3A_542 = arith.constant 4 : i32
        %add3A_543 = arith.addi %mul3A_271, %add3A_542 : i32
        %get3A_544 = arith.index_cast %add3A_543 : i32 to index
        %get3A_545 = arith.constant 16 : index
        %get3A_546 = tpu.vector_load %arg10[%get3A_544, %get3A_545] {strides = array<i32>} : memref<80x128xf32, #tpu.memory_space<vmem>>, vector<1x16xf32>,
        %get3A_547 = vector.shape_cast %get3A_546 : vector<1x16xf32> to vector<16xf32>
        %mul3A_548 = arith.constant 8.000000e+00 : f32
        %mul3A_549 = vector.broadcast %mul3A_548 : f32 to vector<16xf32>
        %mul3A_550 = arith.mulf %get3A_547, %mul3A_549 : vector<16xf32>
        %add3A_551 = arith.constant 4 : i32
        %add3A_552 = arith.addi %mul3A_271, %add3A_551 : i32
        %swap3A_553 = arith.index_cast %add3A_552 : i32 to index
        %swap3A_554 = arith.constant 16 : index
        %swap3A_555 = tpu.vector_load %arg14[%swap3A_553, %swap3A_554] {strides = array<i32>} : memref<80x64xf32, #tpu.memory_space<vmem>>, vector<1x16xf32>,
        %swap3A_556 = vector.shape_cast %swap3A_555 : vector<1x16xf32> to vector<16xf32>
        %swap3A_557 = vector.shape_cast %mul3A_550 : vector<16xf32> to vector<1x16xf32>
        tpu.vector_store %arg14[%swap3A_553, %swap3A_554], %swap3A_557 {strides = array<i32>} : memref<80x64xf32, #tpu.memory_space<vmem>>, vector<1x16xf32>,
        %add3A_558 = arith.constant 4 : i32
        %add3A_559 = arith.addi %mul3A_271, %add3A_558 : i32
        %get3A_560 = arith.index_cast %add3A_559 : i32 to index
        %get3A_561 = arith.constant 32 : index
        %get3A_562 = tpu.vector_load %arg10[%get3A_560, %get3A_561] {strides = array<i32>} : memref<80x128xf32, #tpu.memory_space<vmem>>, vector<1x16xf32>,
        %get3A_563 = vector.shape_cast %get3A_562 : vector<1x16xf32> to vector<16xf32>
        %mul3A_564 = arith.constant 8.000000e+00 : f32
        %mul3A_565 = vector.broadcast %mul3A_564 : f32 to vector<16xf32>
        %mul3A_566 = arith.mulf %get3A_563, %mul3A_565 : vector<16xf32>
        %add3A_567 = arith.constant 4 : i32
        %add3A_568 = arith.addi %mul3A_271, %add3A_567 : i32
        %swap3A_569 = arith.index_cast %add3A_568 : i32 to index
        %swap3A_570 = arith.constant 32 : index
        %swap3A_571 = tpu.vector_load %arg14[%swap3A_569, %swap3A_570] {strides = array<i32>} : memref<80x64xf32, #tpu.memory_space<vmem>>, vector<1x16xf32>,
        %swap3A_572 = vector.shape_cast %swap3A_571 : vector<1x16xf32> to vector<16xf32>
        %swap3A_573 = vector.shape_cast %mul3A_566 : vector<16xf32> to vector<1x16xf32>
        tpu.vector_store %arg14[%swap3A_569, %swap3A_570], %swap3A_573 {strides = array<i32>} : memref<80x64xf32, #tpu.memory_space<vmem>>, vector<1x16xf32>,
        %add3A_574 = arith.constant 4 : i32
        %add3A_575 = arith.addi %mul3A_271, %add3A_574 : i32
        %get3A_576 = arith.index_cast %add3A_575 : i32 to index
        %get3A_577 = arith.constant 48 : index
        %get3A_578 = tpu.vector_load %arg10[%get3A_576, %get3A_577] {strides = array<i32>} : memref<80x128xf32, #tpu.memory_space<vmem>>, vector<1x16xf32>,
        %get3A_579 = vector.shape_cast %get3A_578 : vector<1x16xf32> to vector<16xf32>
        %mul3A_580 = arith.constant 8.000000e+00 : f32
        %mul3A_581 = vector.broadcast %mul3A_580 : f32 to vector<16xf32>
        %mul3A_582 = arith.mulf %get3A_579, %mul3A_581 : vector<16xf32>
        %add3A_583 = arith.constant 4 : i32
        %add3A_584 = arith.addi %mul3A_271, %add3A_583 : i32
        %swap3A_585 = arith.index_cast %add3A_584 : i32 to index
        %swap3A_586 = arith.constant 48 : index
        %swap3A_587 = tpu.vector_load %arg14[%swap3A_585, %swap3A_586] {strides = array<i32>} : memref<80x64xf32, #tpu.memory_space<vmem>>, vector<1x16xf32>,
        %swap3A_588 = vector.shape_cast %swap3A_587 : vector<1x16xf32> to vector<16xf32>
        %swap3A_589 = vector.shape_cast %mul3A_582 : vector<16xf32> to vector<1x16xf32>
        tpu.vector_store %arg14[%swap3A_585, %swap3A_586], %swap3A_589 {strides = array<i32>} : memref<80x64xf32, #tpu.memory_space<vmem>>, vector<1x16xf32>,
        %add3A_590 = arith.constant 5 : i32
        %add3A_591 = arith.addi %mul3A_271, %add3A_590 : i32
        %get3A_592 = arith.index_cast %add3A_591 : i32 to index
        %get3A_593 = arith.constant 0 : index
        %get3A_594 = tpu.vector_load %arg10[%get3A_592, %get3A_593] {strides = array<i32>} : memref<80x128xf32, #tpu.memory_space<vmem>>, vector<1x16xf32>,
        %get3A_595 = vector.shape_cast %get3A_594 : vector<1x16xf32> to vector<16xf32>
        %mul3A_596 = arith.constant 8.000000e+00 : f32
        %mul3A_597 = vector.broadcast %mul3A_596 : f32 to vector<16xf32>
        %mul3A_598 = arith.mulf %get3A_595, %mul3A_597 : vector<16xf32>
        %add3A_599 = arith.constant 5 : i32
        %add3A_600 = arith.addi %mul3A_271, %add3A_599 : i32
        %swap3A_601 = arith.index_cast %add3A_600 : i32 to index
        %swap3A_602 = arith.constant 0 : index
        %swap3A_603 = tpu.vector_load %arg14[%swap3A_601, %swap3A_602] {strides = array<i32>} : memref<80x64xf32, #tpu.memory_space<vmem>>, vector<1x16xf32>,
        %swap3A_604 = vector.shape_cast %swap3A_603 : vector<1x16xf32> to vector<16xf32>
        %swap3A_605 = vector.shape_cast %mul3A_598 : vector<16xf32> to vector<1x16xf32>
        tpu.vector_store %arg14[%swap3A_601, %swap3A_602], %swap3A_605 {strides = array<i32>} : memref<80x64xf32, #tpu.memory_space<vmem>>, vector<1x16xf32>,
        %add3A_606 = arith.constant 5 : i32
        %add3A_607 = arith.addi %mul3A_271, %add3A_606 : i32
        %get3A_608 = arith.index_cast %add3A_607 : i32 to index
        %get3A_609 = arith.constant 16 : index
        %get3A_610 = tpu.vector_load %arg10[%get3A_608, %get3A_609] {strides = array<i32>} : memref<80x128xf32, #tpu.memory_space<vmem>>, vector<1x16xf32>,
        %get3A_611 = vector.shape_cast %get3A_610 : vector<1x16xf32> to vector<16xf32>
        %mul3A_612 = arith.constant 8.000000e+00 : f32
        %mul3A_613 = vector.broadcast %mul3A_612 : f32 to vector<16xf32>
        %mul3A_614 = arith.mulf %get3A_611, %mul3A_613 : vector<16xf32>
        %add3A_615 = arith.constant 5 : i32
        %add3A_616 = arith.addi %mul3A_271, %add3A_615 : i32
        %swap3A_617 = arith.index_cast %add3A_616 : i32 to index
        %swap3A_618 = arith.constant 16 : index
        %swap3A_619 = tpu.vector_load %arg14[%swap3A_617, %swap3A_618] {strides = array<i32>} : memref<80x64xf32, #tpu.memory_space<vmem>>, vector<1x16xf32>,
        %swap3A_620 = vector.shape_cast %swap3A_619 : vector<1x16xf32> to vector<16xf32>
        %swap3A_621 = vector.shape_cast %mul3A_614 : vector<16xf32> to vector<1x16xf32>
        tpu.vector_store %arg14[%swap3A_617, %swap3A_618], %swap3A_621 {strides = array<i32>} : memref<80x64xf32, #tpu.memory_space<vmem>>, vector<1x16xf32>,
        %add3A_622 = arith.constant 5 : i32
        %add3A_623 = arith.addi %mul3A_271, %add3A_622 : i32
        %get3A_624 = arith.index_cast %add3A_623 : i32 to index
        %get3A_625 = arith.constant 32 : index
        %get3A_626 = tpu.vector_load %arg10[%get3A_624, %get3A_625] {strides = array<i32>} : memref<80x128xf32, #tpu.memory_space<vmem>>, vector<1x16xf32>,
        %get3A_627 = vector.shape_cast %get3A_626 : vector<1x16xf32> to vector<16xf32>
        %mul3A_628 = arith.constant 8.000000e+00 : f32
        %mul3A_629 = vector.broadcast %mul3A_628 : f32 to vector<16xf32>
        %mul3A_630 = arith.mulf %get3A_627, %mul3A_629 : vector<16xf32>
        %add3A_631 = arith.constant 5 : i32
        %add3A_632 = arith.addi %mul3A_271, %add3A_631 : i32
        %swap3A_633 = arith.index_cast %add3A_632 : i32 to index
        %swap3A_634 = arith.constant 32 : index
        %swap3A_635 = tpu.vector_load %arg14[%swap3A_633, %swap3A_634] {strides = array<i32>} : memref<80x64xf32, #tpu.memory_space<vmem>>, vector<1x16xf32>,
        %swap3A_636 = vector.shape_cast %swap3A_635 : vector<1x16xf32> to vector<16xf32>
        %swap3A_637 = vector.shape_cast %mul3A_630 : vector<16xf32> to vector<1x16xf32>
        tpu.vector_store %arg14[%swap3A_633, %swap3A_634], %swap3A_637 {strides = array<i32>} : memref<80x64xf32, #tpu.memory_space<vmem>>, vector<1x16xf32>,
        %add3A_638 = arith.constant 5 : i32
        %add3A_639 = arith.addi %mul3A_271, %add3A_638 : i32
        %get3A_640 = arith.index_cast %add3A_639 : i32 to index
        %get3A_641 = arith.constant 48 : index
        %get3A_642 = tpu.vector_load %arg10[%get3A_640, %get3A_641] {strides = array<i32>} : memref<80x128xf32, #tpu.memory_space<vmem>>, vector<1x16xf32>,
        %get3A_643 = vector.shape_cast %get3A_642 : vector<1x16xf32> to vector<16xf32>
        %mul3A_644 = arith.constant 8.000000e+00 : f32
        %mul3A_645 = vector.broadcast %mul3A_644 : f32 to vector<16xf32>
        %mul3A_646 = arith.mulf %get3A_643, %mul3A_645 : vector<16xf32>
        %add3A_647 = arith.constant 5 : i32
        %add3A_648 = arith.addi %mul3A_271, %add3A_647 : i32
        %swap3A_649 = arith.index_cast %add3A_648 : i32 to index
        %swap3A_650 = arith.constant 48 : index
        %swap3A_651 = tpu.vector_load %arg14[%swap3A_649, %swap3A_650] {strides = array<i32>} : memref<80x64xf32, #tpu.memory_space<vmem>>, vector<1x16xf32>,
        %swap3A_652 = vector.shape_cast %swap3A_651 : vector<1x16xf32> to vector<16xf32>
        %swap3A_653 = vector.shape_cast %mul3A_646 : vector<16xf32> to vector<1x16xf32>
        tpu.vector_store %arg14[%swap3A_649, %swap3A_650], %swap3A_653 {strides = array<i32>} : memref<80x64xf32, #tpu.memory_space<vmem>>, vector<1x16xf32>,
        %add3A_654 = arith.constant 6 : i32
        %add3A_655 = arith.addi %mul3A_271, %add3A_654 : i32
        %get3A_656 = arith.index_cast %add3A_655 : i32 to index
        %get3A_657 = arith.constant 0 : index
        %get3A_658 = tpu.vector_load %arg10[%get3A_656, %get3A_657] {strides = array<i32>} : memref<80x128xf32, #tpu.memory_space<vmem>>, vector<1x16xf32>,
        %get3A_659 = vector.shape_cast %get3A_658 : vector<1x16xf32> to vector<16xf32>
        %mul3A_660 = arith.constant 8.000000e+00 : f32
        %mul3A_661 = vector.broadcast %mul3A_660 : f32 to vector<16xf32>
        %mul3A_662 = arith.mulf %get3A_659, %mul3A_661 : vector<16xf32>
        %add3A_663 = arith.constant 6 : i32
        %add3A_664 = arith.addi %mul3A_271, %add3A_663 : i32
        %swap3A_665 = arith.index_cast %add3A_664 : i32 to index
        %swap3A_666 = arith.constant 0 : index
        %swap3A_667 = tpu.vector_load %arg14[%swap3A_665, %swap3A_666] {strides = array<i32>} : memref<80x64xf32, #tpu.memory_space<vmem>>, vector<1x16xf32>,
        %swap3A_668 = vector.shape_cast %swap3A_667 : vector<1x16xf32> to vector<16xf32>
        %swap3A_669 = vector.shape_cast %mul3A_662 : vector<16xf32> to vector<1x16xf32>
        tpu.vector_store %arg14[%swap3A_665, %swap3A_666], %swap3A_669 {strides = array<i32>} : memref<80x64xf32, #tpu.memory_space<vmem>>, vector<1x16xf32>,
        %add3A_670 = arith.constant 6 : i32
        %add3A_671 = arith.addi %mul3A_271, %add3A_670 : i32
        %get3A_672 = arith.index_cast %add3A_671 : i32 to index
        %get3A_673 = arith.constant 16 : index
        %get3A_674 = tpu.vector_load %arg10[%get3A_672, %get3A_673] {strides = array<i32>} : memref<80x128xf32, #tpu.memory_space<vmem>>, vector<1x16xf32>,
        %get3A_675 = vector.shape_cast %get3A_674 : vector<1x16xf32> to vector<16xf32>
        %mul3A_676 = arith.constant 8.000000e+00 : f32
        %mul3A_677 = vector.broadcast %mul3A_676 : f32 to vector<16xf32>
        %mul3A_678 = arith.mulf %get3A_675, %mul3A_677 : vector<16xf32>
        %add3A_679 = arith.constant 6 : i32
        %add3A_680 = arith.addi %mul3A_271, %add3A_679 : i32
        %swap3A_681 = arith.index_cast %add3A_680 : i32 to index
        %swap3A_682 = arith.constant 16 : index
        %swap3A_683 = tpu.vector_load %arg14[%swap3A_681, %swap3A_682] {strides = array<i32>} : memref<80x64xf32, #tpu.memory_space<vmem>>, vector<1x16xf32>,
        %swap3A_684 = vector.shape_cast %swap3A_683 : vector<1x16xf32> to vector<16xf32>
        %swap3A_685 = vector.shape_cast %mul3A_678 : vector<16xf32> to vector<1x16xf32>
        tpu.vector_store %arg14[%swap3A_681, %swap3A_682], %swap3A_685 {strides = array<i32>} : memref<80x64xf32, #tpu.memory_space<vmem>>, vector<1x16xf32>,
        %add3A_686 = arith.constant 6 : i32
        %add3A_687 = arith.addi %mul3A_271, %add3A_686 : i32
        %get3A_688 = arith.index_cast %add3A_687 : i32 to index
        %get3A_689 = arith.constant 32 : index
        %get3A_690 = tpu.vector_load %arg10[%get3A_688, %get3A_689] {strides = array<i32>} : memref<80x128xf32, #tpu.memory_space<vmem>>, vector<1x16xf32>,
        %get3A_691 = vector.shape_cast %get3A_690 : vector<1x16xf32> to vector<16xf32>
        %mul3A_692 = arith.constant 8.000000e+00 : f32
        %mul3A_693 = vector.broadcast %mul3A_692 : f32 to vector<16xf32>
        %mul3A_694 = arith.mulf %get3A_691, %mul3A_693 : vector<16xf32>
        %add3A_695 = arith.constant 6 : i32
        %add3A_696 = arith.addi %mul3A_271, %add3A_695 : i32
        %swap3A_697 = arith.index_cast %add3A_696 : i32 to index
        %swap3A_698 = arith.constant 32 : index
        %swap3A_699 = tpu.vector_load %arg14[%swap3A_697, %swap3A_698] {strides = array<i32>} : memref<80x64xf32, #tpu.memory_space<vmem>>, vector<1x16xf32>,
        %swap3A_700 = vector.shape_cast %swap3A_699 : vector<1x16xf32> to vector<16xf32>
        %swap3A_701 = vector.shape_cast %mul3A_694 : vector<16xf32> to vector<1x16xf32>
        tpu.vector_store %arg14[%swap3A_697, %swap3A_698], %swap3A_701 {strides = array<i32>} : memref<80x64xf32, #tpu.memory_space<vmem>>, vector<1x16xf32>,
        %add3A_702 = arith.constant 6 : i32
        %add3A_703 = arith.addi %mul3A_271, %add3A_702 : i32
        %get3A_704 = arith.index_cast %add3A_703 : i32 to index
        %get3A_705 = arith.constant 48 : index
        %get3A_706 = tpu.vector_load %arg10[%get3A_704, %get3A_705] {strides = array<i32>} : memref<80x128xf32, #tpu.memory_space<vmem>>, vector<1x16xf32>,
        %get3A_707 = vector.shape_cast %get3A_706 : vector<1x16xf32> to vector<16xf32>
        %mul3A_708 = arith.constant 8.000000e+00 : f32
        %mul3A_709 = vector.broadcast %mul3A_708 : f32 to vector<16xf32>
        %mul3A_710 = arith.mulf %get3A_707, %mul3A_709 : vector<16xf32>
        %add3A_711 = arith.constant 6 : i32
        %add3A_712 = arith.addi %mul3A_271, %add3A_711 : i32
        %swap3A_713 = arith.index_cast %add3A_712 : i32 to index
        %swap3A_714 = arith.constant 48 : index
        %swap3A_715 = tpu.vector_load %arg14[%swap3A_713, %swap3A_714] {strides = array<i32>} : memref<80x64xf32, #tpu.memory_space<vmem>>, vector<1x16xf32>,
        %swap3A_716 = vector.shape_cast %swap3A_715 : vector<1x16xf32> to vector<16xf32>
        %swap3A_717 = vector.shape_cast %mul3A_710 : vector<16xf32> to vector<1x16xf32>
        tpu.vector_store %arg14[%swap3A_713, %swap3A_714], %swap3A_717 {strides = array<i32>} : memref<80x64xf32, #tpu.memory_space<vmem>>, vector<1x16xf32>,
        %add3A_718 = arith.constant 7 : i32
        %add3A_719 = arith.addi %mul3A_271, %add3A_718 : i32
        %get3A_720 = arith.index_cast %add3A_719 : i32 to index
        %get3A_721 = arith.constant 0 : index
        %get3A_722 = tpu.vector_load %arg10[%get3A_720, %get3A_721] {strides = array<i32>} : memref<80x128xf32, #tpu.memory_space<vmem>>, vector<1x16xf32>,
        %get3A_723 = vector.shape_cast %get3A_722 : vector<1x16xf32> to vector<16xf32>
        %mul3A_724 = arith.constant 8.000000e+00 : f32
        %mul3A_725 = vector.broadcast %mul3A_724 : f32 to vector<16xf32>
        %mul3A_726 = arith.mulf %get3A_723, %mul3A_725 : vector<16xf32>
        %add3A_727 = arith.constant 7 : i32
        %add3A_728 = arith.addi %mul3A_271, %add3A_727 : i32
        %swap3A_729 = arith.index_cast %add3A_728 : i32 to index
        %swap3A_730 = arith.constant 0 : index
        %swap3A_731 = tpu.vector_load %arg14[%swap3A_729, %swap3A_730] {strides = array<i32>} : memref<80x64xf32, #tpu.memory_space<vmem>>, vector<1x16xf32>,
        %swap3A_732 = vector.shape_cast %swap3A_731 : vector<1x16xf32> to vector<16xf32>
        %swap3A_733 = vector.shape_cast %mul3A_726 : vector<16xf32> to vector<1x16xf32>
        tpu.vector_store %arg14[%swap3A_729, %swap3A_730], %swap3A_733 {strides = array<i32>} : memref<80x64xf32, #tpu.memory_space<vmem>>, vector<1x16xf32>,
        %add3A_734 = arith.constant 7 : i32
        %add3A_735 = arith.addi %mul3A_271, %add3A_734 : i32
        %get3A_736 = arith.index_cast %add3A_735 : i32 to index
        %get3A_737 = arith.constant 16 : index
        %get3A_738 = tpu.vector_load %arg10[%get3A_736, %get3A_737] {strides = array<i32>} : memref<80x128xf32, #tpu.memory_space<vmem>>, vector<1x16xf32>,
        %get3A_739 = vector.shape_cast %get3A_738 : vector<1x16xf32> to vector<16xf32>
        %mul3A_740 = arith.constant 8.000000e+00 : f32
        %mul3A_741 = vector.broadcast %mul3A_740 : f32 to vector<16xf32>
        %mul3A_742 = arith.mulf %get3A_739, %mul3A_741 : vector<16xf32>
        %add3A_743 = arith.constant 7 : i32
        %add3A_744 = arith.addi %mul3A_271, %add3A_743 : i32
        %swap3A_745 = arith.index_cast %add3A_744 : i32 to index
        %swap3A_746 = arith.constant 16 : index
        %swap3A_747 = tpu.vector_load %arg14[%swap3A_745, %swap3A_746] {strides = array<i32>} : memref<80x64xf32, #tpu.memory_space<vmem>>, vector<1x16xf32>,
        %swap3A_748 = vector.shape_cast %swap3A_747 : vector<1x16xf32> to vector<16xf32>
        %swap3A_749 = vector.shape_cast %mul3A_742 : vector<16xf32> to vector<1x16xf32>
        tpu.vector_store %arg14[%swap3A_745, %swap3A_746], %swap3A_749 {strides = array<i32>} : memref<80x64xf32, #tpu.memory_space<vmem>>, vector<1x16xf32>,
        %add3A_750 = arith.constant 7 : i32
        %add3A_751 = arith.addi %mul3A_271, %add3A_750 : i32
        %get3A_752 = arith.index_cast %add3A_751 : i32 to index
        %get3A_753 = arith.constant 32 : index
        %get3A_754 = tpu.vector_load %arg10[%get3A_752, %get3A_753] {strides = array<i32>} : memref<80x128xf32, #tpu.memory_space<vmem>>, vector<1x16xf32>,
        %get3A_755 = vector.shape_cast %get3A_754 : vector<1x16xf32> to vector<16xf32>
        %mul3A_756 = arith.constant 8.000000e+00 : f32
        %mul3A_757 = vector.broadcast %mul3A_756 : f32 to vector<16xf32>
        %mul3A_758 = arith.mulf %get3A_755, %mul3A_757 : vector<16xf32>
        %add3A_759 = arith.constant 7 : i32
        %add3A_760 = arith.addi %mul3A_271, %add3A_759 : i32
        %swap3A_761 = arith.index_cast %add3A_760 : i32 to index
        %swap3A_762 = arith.constant 32 : index
        %swap3A_763 = tpu.vector_load %arg14[%swap3A_761, %swap3A_762] {strides = array<i32>} : memref<80x64xf32, #tpu.memory_space<vmem>>, vector<1x16xf32>,
        %swap3A_764 = vector.shape_cast %swap3A_763 : vector<1x16xf32> to vector<16xf32>
        %swap3A_765 = vector.shape_cast %mul3A_758 : vector<16xf32> to vector<1x16xf32>
        tpu.vector_store %arg14[%swap3A_761, %swap3A_762], %swap3A_765 {strides = array<i32>} : memref<80x64xf32, #tpu.memory_space<vmem>>, vector<1x16xf32>,
        %add3A_766 = arith.constant 7 : i32
        %add3A_767 = arith.addi %mul3A_271, %add3A_766 : i32
        %get3A_768 = arith.index_cast %add3A_767 : i32 to index
        %get3A_769 = arith.constant 48 : index
        %get3A_770 = tpu.vector_load %arg10[%get3A_768, %get3A_769] {strides = array<i32>} : memref<80x128xf32, #tpu.memory_space<vmem>>, vector<1x16xf32>,
        %get3A_771 = vector.shape_cast %get3A_770 : vector<1x16xf32> to vector<16xf32>
        %mul3A_772 = arith.constant 8.000000e+00 : f32
        %mul3A_773 = vector.broadcast %mul3A_772 : f32 to vector<16xf32>
        %mul3A_774 = arith.mulf %get3A_771, %mul3A_773 : vector<16xf32>
        %add3A_775 = arith.constant 7 : i32
        %add3A_776 = arith.addi %mul3A_271, %add3A_775 : i32
        %swap3A_777 = arith.index_cast %add3A_776 : i32 to index
        %swap3A_778 = arith.constant 48 : index
        %swap3A_779 = tpu.vector_load %arg14[%swap3A_777, %swap3A_778] {strides = array<i32>} : memref<80x64xf32, #tpu.memory_space<vmem>>, vector<1x16xf32>,
        %swap3A_780 = vector.shape_cast %swap3A_779 : vector<1x16xf32> to vector<16xf32>
        %swap3A_781 = vector.shape_cast %mul3A_774 : vector<16xf32> to vector<1x16xf32>
        tpu.vector_store %arg14[%swap3A_777, %swap3A_778], %swap3A_781 {strides = array<i32>} : memref<80x64xf32, #tpu.memory_space<vmem>>, vector<1x16xf32>,
      }
      %scan3A_251 = arith.constant 10 : i32
      %add3A_252 = arith.constant 4 : i32
      %add3A_253 = arith.addi %add3A_231, %add3A_252 : i32
      %lt3A_254 = arith.constant 320 : i32
      %lt3A_255 = arith.cmpi slt, %add3A_253, %lt3A_254 : i32
      %convert_element_type3A_256 = arith.extui %lt3A_255 : i1 to i32
      %cond3A_257 = arith.constant 0 : i32
      %cond3A_258 = arith.cmpi ne, %convert_element_type3A_256, %cond3A_257 : i32
      scf.if %cond3A_258 {
        %add3A_269 = arith.constant 4 : i32
        %add3A_270 = arith.addi %add3A_231, %add3A_269 : i32
        %mul3A_271 = arith.constant 80 : i32
        %mul3A_272 = arith.muli %add3A_270, %mul3A_271 : i32
        %dma_start3A_273 = arith.constant 3 : i32
        %dma_start3A_274 = tpu.memref_slice %arg6[%mul3A_272] : memref<25600xi32, #tpu.memory_space<vmem>> -> memref<80xi32, #tpu.memory_space<vmem>>
        %dma_start3A_275 = arith.constant 0 : i32
        %dma_start3A_276 = arith.constant 0 : i32
        %dma_start3A_277 = tpu.memref_slice %arg3[%dma_start3A_275, %dma_start3A_276] : memref<1000000x128xf32, #tpu.memory_space<hbm>> -> memref<1000000x128xf32, #tpu.memory_space<hbm>>
        %dma_start3A_278 = tpu.memref_slice %arg15[%dma_start3A_273] : memref<4x!tpu.dma_semaphore, #tpu.memory_space<semaphore_mem>> -> memref<1x!tpu.dma_semaphore, #tpu.memory_space<semaphore_mem>>
        %dma_start3A_279 = tpu.memref_squeeze %dma_start3A_278 : memref<1x!tpu.dma_semaphore, #tpu.memory_space<semaphore_mem>> -> memref<!tpu.dma_semaphore, #tpu.memory_space<semaphore_mem>>
        tpu.enqueue_indirect_dma source(%dma_start3A_277 : memref<1000000x128xf32, #tpu.memory_space<hbm>>) target(%arg10 : memref<80x128xf32, #tpu.memory_space<vmem>>) offsets(%dma_start3A_274 : memref<80xi32, #tpu.memory_space<vmem>>) semaphore(%dma_start3A_279 : memref<!tpu.dma_semaphore, #tpu.memory_space<semaphore_mem>>)
      } else {
      }
      %mul3A_259 = arith.constant 80 : i32
      %mul3A_260 = arith.muli %add3A_231, %mul3A_259 : i32
      %add3A_261 = arith.addi %mul3A_4, %mul3A_260 : i32
      %dma_start3A_262 = arith.constant 3 : i32
      %dma_start3A_263 = arith.constant 0 : i32
      %dma_start3A_264 = tpu.memref_slice %arg4[%add3A_261, %dma_start3A_263] : memref<819200x64xf32, #tpu.memory_space<hbm>> -> memref<80x64xf32, #tpu.memory_space<hbm>>
      %dma_start3A_265 = tpu.memref_slice %arg16[%dma_start3A_262] : memref<4x!tpu.dma_semaphore, #tpu.memory_space<semaphore_mem>> -> memref<1x!tpu.dma_semaphore, #tpu.memory_space<semaphore_mem>>
      %dma_start3A_266 = tpu.memref_squeeze %dma_start3A_265 : memref<1x!tpu.dma_semaphore, #tpu.memory_space<semaphore_mem>> -> memref<!tpu.dma_semaphore, #tpu.memory_space<semaphore_mem>>
      %dma_start3A_267 = arith.constant 0 : i32
      %dma_start3A_268 = tpu.memref_slice %arg4[%add3A_261, %dma_start3A_267] : memref<819200x64xf32, #tpu.memory_space<hbm>> -> memref<80x64xf32, #tpu.memory_space<hbm>>
      tpu.enqueue_dma source(%arg14 : memref<80x64xf32, #tpu.memory_space<vmem>>) target(%dma_start3A_268 : memref<80x64xf32, #tpu.memory_space<hbm>>) target_semaphore(%dma_start3A_266 : memref<!tpu.dma_semaphore, #tpu.memory_space<semaphore_mem>>)
    }
    %scan3A_72 = arith.constant 80 : i32
    %add3A_73 = arith.constant 25280 : i32
    %add3A_74 = arith.addi %mul3A_4, %add3A_73 : i32
    %dma_wait3A = arith.constant 0 : i32
    %dma_wait3A_75 = arith.constant 0 : i32
    %dma_wait3A_76 = tpu.memref_slice %arg4[%add3A_74, %dma_wait3A_75] : memref<819200x64xf32, #tpu.memory_space<hbm>> -> memref<80x64xf32, #tpu.memory_space<hbm>>
    %dma_wait3A_77 = tpu.memref_slice %arg16[%dma_wait3A] : memref<4x!tpu.dma_semaphore, #tpu.memory_space<semaphore_mem>> -> memref<1x!tpu.dma_semaphore, #tpu.memory_space<semaphore_mem>>
    %dma_wait3A_78 = tpu.memref_squeeze %dma_wait3A_77 : memref<1x!tpu.dma_semaphore, #tpu.memory_space<semaphore_mem>> -> memref<!tpu.dma_semaphore, #tpu.memory_space<semaphore_mem>>
    %dma_wait3A_79 = arith.constant 0 : i32
    %dma_wait3A_80 = tpu.memref_slice %arg4[%add3A_74, %dma_wait3A_79] : memref<819200x64xf32, #tpu.memory_space<hbm>> -> memref<80x64xf32, #tpu.memory_space<hbm>>
    tpu.wait_dma2 semaphore(%dma_wait3A_78 : memref<!tpu.dma_semaphore, #tpu.memory_space<semaphore_mem>>) src(%arg11 : memref<80x64xf32, #tpu.memory_space<vmem>>) dst(%dma_wait3A_80 : memref<80x64xf32, #tpu.memory_space<hbm>>)
    %add3A_81 = arith.constant 25360 : i32
    %add3A_82 = arith.addi %mul3A_4, %add3A_81 : i32
    %dma_wait3A_83 = arith.constant 1 : i32
    %dma_wait3A_84 = arith.constant 0 : i32
    %dma_wait3A_85 = tpu.memref_slice %arg4[%add3A_82, %dma_wait3A_84] : memref<819200x64xf32, #tpu.memory_space<hbm>> -> memref<80x64xf32, #tpu.memory_space<hbm>>
    %dma_wait3A_86 = tpu.memref_slice %arg16[%dma_wait3A_83] : memref<4x!tpu.dma_semaphore, #tpu.memory_space<semaphore_mem>> -> memref<1x!tpu.dma_semaphore, #tpu.memory_space<semaphore_mem>>
    %dma_wait3A_87 = tpu.memref_squeeze %dma_wait3A_86 : memref<1x!tpu.dma_semaphore, #tpu.memory_space<semaphore_mem>> -> memref<!tpu.dma_semaphore, #tpu.memory_space<semaphore_mem>>
    %dma_wait3A_88 = arith.constant 0 : i32
    %dma_wait3A_89 = tpu.memref_slice %arg4[%add3A_82, %dma_wait3A_88] : memref<819200x64xf32, #tpu.memory_space<hbm>> -> memref<80x64xf32, #tpu.memory_space<hbm>>
    tpu.wait_dma2 semaphore(%dma_wait3A_87 : memref<!tpu.dma_semaphore, #tpu.memory_space<semaphore_mem>>) src(%arg12 : memref<80x64xf32, #tpu.memory_space<vmem>>) dst(%dma_wait3A_89 : memref<80x64xf32, #tpu.memory_space<hbm>>)
    %add3A_90 = arith.constant 25440 : i32
    %add3A_91 = arith.addi %mul3A_4, %add3A_90 : i32
    %dma_wait3A_92 = arith.constant 2 : i32
    %dma_wait3A_93 = arith.constant 0 : i32
    %dma_wait3A_94 = tpu.memref_slice %arg4[%add3A_91, %dma_wait3A_93] : memref<819200x64xf32, #tpu.memory_space<hbm>> -> memref<80x64xf32, #tpu.memory_space<hbm>>
    %dma_wait3A_95 = tpu.memref_slice %arg16[%dma_wait3A_92] : memref<4x!tpu.dma_semaphore, #tpu.memory_space<semaphore_mem>> -> memref<1x!tpu.dma_semaphore, #tpu.memory_space<semaphore_mem>>
    %dma_wait3A_96 = tpu.memref_squeeze %dma_wait3A_95 : memref<1x!tpu.dma_semaphore, #tpu.memory_space<semaphore_mem>> -> memref<!tpu.dma_semaphore, #tpu.memory_space<semaphore_mem>>
    %dma_wait3A_97 = arith.constant 0 : i32
    %dma_wait3A_98 = tpu.memref_slice %arg4[%add3A_91, %dma_wait3A_97] : memref<819200x64xf32, #tpu.memory_space<hbm>> -> memref<80x64xf32, #tpu.memory_space<hbm>>
    tpu.wait_dma2 semaphore(%dma_wait3A_96 : memref<!tpu.dma_semaphore, #tpu.memory_space<semaphore_mem>>) src(%arg13 : memref<80x64xf32, #tpu.memory_space<vmem>>) dst(%dma_wait3A_98 : memref<80x64xf32, #tpu.memory_space<hbm>>)
    %add3A_99 = arith.constant 25520 : i32
    %add3A_100 = arith.addi %mul3A_4, %add3A_99 : i32
    %dma_wait3A_101 = arith.constant 3 : i32
    %dma_wait3A_102 = arith.constant 0 : i32
    %dma_wait3A_103 = tpu.memref_slice %arg4[%add3A_100, %dma_wait3A_102] : memref<819200x64xf32, #tpu.memory_space<hbm>> -> memref<80x64xf32, #tpu.memory_space<hbm>>
    %dma_wait3A_104 = tpu.memref_slice %arg16[%dma_wait3A_101] : memref<4x!tpu.dma_semaphore, #tpu.memory_space<semaphore_mem>> -> memref<1x!tpu.dma_semaphore, #tpu.memory_space<semaphore_mem>>
    %dma_wait3A_105 = tpu.memref_squeeze %dma_wait3A_104 : memref<1x!tpu.dma_semaphore, #tpu.memory_space<semaphore_mem>> -> memref<!tpu.dma_semaphore, #tpu.memory_space<semaphore_mem>>
    %dma_wait3A_106 = arith.constant 0 : i32
    %dma_wait3A_107 = tpu.memref_slice %arg4[%add3A_100, %dma_wait3A_106] : memref<819200x64xf32, #tpu.memory_space<hbm>> -> memref<80x64xf32, #tpu.memory_space<hbm>>
    tpu.wait_dma2 semaphore(%dma_wait3A_105 : memref<!tpu.dma_semaphore, #tpu.memory_space<semaphore_mem>>) src(%arg14 : memref<80x64xf32, #tpu.memory_space<vmem>>) dst(%dma_wait3A_107 : memref<80x64xf32, #tpu.memory_space<hbm>>)
    return
  }
}

</mosaic_0001>

<sc_bundles>
// kernel: kernel.3.cloned.1.call-start
scs
__scs_entry_jumppad:
0x0: {  	(pc) =	sbr.rel $0x88, $3  }
0x1: {  	(tag) =	ssettag $0x0;
	lr =	simm.s32 $0x1  }
0x2: {  	[smem:$0x3F9F] =	sst lr;
	_ =	strace $0xD0000000  }
0x3: {  	_ = 	snop  }
0x4: {  	_ = 	snop  }
0x5: {  	_ = 	snop  }
0x6: {  	_ = 	snop  }
0x7: {  	_ = 	snop  }
__scs_overlays_trampoline_lowered:
0x8: {  	[smem:$0x3FAE] =	sst s0  }
0x9: {  	[smem:$0x3FAF] =	sst s1  }
0xa: {  	[smem:$0x3FB0] =	sst s2  }
0xb: {  	[smem:$0x3FB1] =	sst s3  }
0xc: {  	[smem:$0x3FB2] =	sst s4  }
0xd: {  	[smem:$0x3FB3] =	sst s5  }
0xe: {  	[smem:$0x3FB4] =	sst s6  }
0xf: {  	[smem:$0x3FB5] =	sst s7  }
0x10: {  	[smem:$0x3FB6] =	sst s8  }
0x11: {  	[smem:$0x3FB7] =	sst s9;
	s0 =	simm.s32 @!p0 $0x0  }
0x12: {  	s1 =	sld [smem:$0x3F9D];
	s0 =	simm.s32 @p0 $0x1  }
0x13: {  	[smem:$0x3FB8] =	sst s0;
	s0 =	simm.s32 @!p1 $0x0  }
0x14: {  	s2 =	sld [smem:$0x3F9C];
	s0 =	simm.s32 @p1 $0x1  }
0x15: {  	[smem:$0x3FB9] =	sst s0;
	s0 =	simm.s32 @!p2 $0x0  }
0x16: {  	s3 =	sld [smem:$0x3FDB];
	s0 =	simm.s32 @p2 $0x1  }
0x17: {  	s4 =	simm.s32 $0x1BF5;
	[smem:$0x3FBB] =	sst s0  }
0x18: {  	s0 =	sld [smem:$0x3F9E];
	_ =	swait.ge [sflag:s4], $0x0  }
0x19: {  	s7 =	sld [smem:$0x3F9F]  }
0x1a: {  	s8 =	sadd.s32 $0xFFFFE003, lr  }
0x1b: {  	s9 =	sadd.s32 $0xFFFFFEF7, lr;
	s5 =	simm.s32 $0xFFFFFFFF;
	p2 =	slt.u32 s8, $0xFFFFF086  }
0x1c: {  	p1 =	slt.u32 s9, $0xF7A;
	s5 =	simm.s32 @!p2 $0x0  }
0x1d: {  	s5 =	simm.s32 @p1 $0x1;
	p0 =	seq.s32 s7, s2  }
0x1e: {  	s7 =	smul.u32 @!p0 $0xF7A, s2;
	p2 =	seq.s32 @!p0 s5, $0x0  }
0x1f: {  	s9 =	smul.u32 $0xF7A, s1;
	s8 =	simm.s32 @!p0 $0x1BF5;
	p2 =	por !p2, p0  }
0x20: {  	[sflag:s8] =	ssyncset.s32 @!p0 $0xFFFFF086;
	s6 =	sadd.s32 @!p0 s3, s7;
	s7 =	simm.s32 @!p0 $0x108  }
0x21: {  	s3 =	sadd.s32 s3, s9;
	s6 =	sadd.s32 @!p0 $0x88, s6;
	s7 =	simm.s32 @p2 $0x1082  }
0x22: {  	[simem:s7], [sflag:s8] =	dma.local @!p0 [hbm:s6], $0xF7A  }
0x23: {  	s9 =	sor.u32 $0xD0000000, s2;
	s6 =	simm.s32 $0x108;
	_ =	swait.ge @!p0 [sflag:s8], $0x0  }
0x24: {  	s3 =	sadd.s32 $0x88, s3;
	s6 =	simm.s32 @!p1 $0x1082;
	[sflag:s4] =	ssyncset.s32 $0xFFFFF086  }
0x25: {  	[simem:s6], [sflag:s4] =	dma.local [hbm:s3], $0xF7A  }
0x26: {  	[smem:$0x3F9F] =	sst s1;
	(tag) =	ssettag s2;
	_ =	strace s9  }
0x27: {  	s1 =	sld [smem:$0x3FAF]  }
0x28: {  	s2 =	sld [smem:$0x3FB0]  }
0x29: {  	s4 =	sld [smem:$0x3FB2]  }
0x2a: {  	p0 =	seq.s32 s5, $0x0;
	s5 =	sld [smem:$0x3FB3]  }
0x2b: {  	s6 =	sld [smem:$0x3FB4]  }
0x2c: {  	s7 =	sld [smem:$0x3FB5]  }
0x2d: {  	s3 =	simm.s32 $0x108;
	s8 =	sld [smem:$0x3FB6]  }
0x2e: {  	s3 =	simm.s32 @!p0 $0x1082;
	s9 =	sld [smem:$0x3FB7]  }
0x2f: {  	lr =	sadd.s32 s0, s3;
	s0 =	sld [smem:$0x3FAE]  }
0x30: {  	s3 =	sld [smem:$0x3FB1]  }
0x31: {  	[smem:$0x3FBA] =	sst s10  }
0x32: {  	s10 =	sld [smem:$0x3FB8];
	_ =	sdelay $0x3  }
0x33: {  	p0 =	seq.s32 s10, $0x1;
	s10 =	sld [smem:$0x3FBA];
	_ =	sdelay $0x3  }
0x34: {  	[smem:$0x3FBA] =	sst s10  }
0x35: {  	s10 =	sld [smem:$0x3FB9];
	_ =	sdelay $0x3  }
0x36: {  	p1 =	seq.s32 s10, $0x1;
	s10 =	sld [smem:$0x3FBA];
	_ =	sdelay $0x3  }
0x37: {  	[smem:$0x3FBA] =	sst s10  }
0x38: {  	s10 =	sld [smem:$0x3FBB]  }
0x39: {  	_ = 	snop;
	(pc) =	sbr.ind lr, $3  }
0x3a: {  	_ = 	snop  }
0x3b: {  	_ = 	snop  }
0x3c: {  	p2 =	seq.s32 s10, $0x1;
	s10 =	sld [smem:$0x3FBA]  }
0x3d: {  	_ =	shalt  }
0x3e: {  	_ =	shalt  }
0x3f: {  	_ =	shalt  }
0x40: {  	_ =	shalt  }
0x41: {  	_ =	shalt  }
0x42: {  	_ =	shalt  }
0x43: {  	_ =	shalt  }
0x44: {  	_ =	shalt  }
0x45: {  	_ =	shalt  }
0x46: {  	_ =	shalt  }
0x47: {  	_ =	shalt  }
0x48: {  	_ =	shalt  }
0x49: {  	_ =	shalt  }
0x4a: {  	_ =	shalt  }
0x4b: {  	_ =	shalt  }
0x4c: {  	_ =	shalt  }
0x4d: {  	_ =	shalt  }
0x4e: {  	_ =	shalt  }
0x4f: {  	_ =	shalt  }
0x50: {  	_ =	shalt  }
0x51: {  	_ =	shalt  }
0x52: {  	_ =	shalt  }
0x53: {  	_ =	shalt  }
0x54: {  	_ =	shalt  }
0x55: {  	_ =	shalt  }
0x56: {  	_ =	shalt  }
0x57: {  	_ =	shalt  }
0x58: {  	_ =	shalt  }
0x59: {  	_ =	shalt  }
0x5a: {  	_ =	shalt  }
0x5b: {  	_ =	shalt  }
0x5c: {  	_ =	shalt  }
0x5d: {  	_ =	shalt  }
0x5e: {  	_ =	shalt  }
0x5f: {  	_ =	shalt  }
0x60: {  	_ =	shalt  }
0x61: {  	_ =	shalt  }
0x62: {  	_ =	shalt  }
0x63: {  	_ =	shalt  }
0x64: {  	_ =	shalt  }
0x65: {  	_ =	shalt  }
0x66: {  	_ =	shalt  }
0x67: {  	_ =	shalt  }
0x68: {  	_ =	shalt  }
0x69: {  	_ =	shalt  }
0x6a: {  	_ =	shalt  }
0x6b: {  	_ =	shalt  }
0x6c: {  	_ =	shalt  }
0x6d: {  	_ =	shalt  }
0x6e: {  	_ =	shalt  }
0x6f: {  	_ =	shalt  }
0x70: {  	_ =	shalt  }
0x71: {  	_ =	shalt  }
0x72: {  	_ =	shalt  }
0x73: {  	_ =	shalt  }
0x74: {  	_ =	shalt  }
0x75: {  	_ =	shalt  }
0x76: {  	_ =	shalt  }
0x77: {  	_ =	shalt  }
0x78: {  	_ =	shalt  }
0x79: {  	_ =	shalt  }
0x7a: {  	_ =	shalt  }
0x7b: {  	_ =	shalt  }
0x7c: {  	_ =	shalt  }
0x7d: {  	_ =	shalt  }
0x7e: {  	_ =	shalt  }
0x7f: {  	_ =	shalt  }
0x80: {  	_ =	shalt  }
0x81: {  	_ =	shalt  }
0x82: {  	_ =	shalt  }
0x83: {  	_ =	shalt  }
0x84: {  	_ =	shalt  }
0x85: {  	_ =	shalt  }
0x86: {  	_ =	shalt  }
0x87: {  	_ =	shalt  }
.Lfunc_end0:
.L_simem_size_0:
called_computation.1_lowered:
.L_overlay_start_0:
0x88: {  	s2 =	sld [smem:$0x3FD9]  }
0x89: {  	s3 =	sld [smem:$0x3FFE];
	_ =	sdelay $0x1  }
0x8a: {  	s1 =	srdreg.scid  }
0x8b: {  	s0 =	sand.u32 $0x1, s1  }
0x8c: {  	s17 =	sshll.u32 s0, $0xA;
	s2 =	sadd.s32 s3, s2  }
0x8d: {  	s2 =	sadd.s32 s2, s17  }
0x8e: {  	[smem:$0x3FC6] =	sst s2  }
0x8f: {  	_ = 	snop  }
0x90: {  	s2 =	sld [smem:$0x3FD0];
	(tm) =	ssettm $0x1  }
0x91: {  	s18 =	sld [smem:$0x3FFB];
	_ =	sdelay $0x3  }
0x92: {  	_ =	strace s18  }
0x93: {  	s3 =	sld [smem:$0x3FFC];
	_ =	sdelay $0x3  }
0x94: {  	_ =	strace s3  }
0x95: {  	s3 =	sld [smem:$0x3FFD];
	_ =	sdelay $0x3  }
0x96: {  	_ =	strace s3  }
0x97: {  	_ =	strace $0x8FFFFFFF  }
0x98: {  	s19 =	sld [smem:$0x3FDB];
	_ =	sdelay $0x1  }
0x99: {  	s4 =	simm.s32 $_scs_section_size  }
0x9a: {  	s5 =	simm.s32 $_size__tile_overlayer_lowered;
	s6 =	simm.s32 $_tile_overlayer_lowered  }
0x9b: {  	s22 =	simm.s32 $0x1BFF;
	s21 =	sshll.u32 s6, $0x1;
	s3 =	sadd.s32 s4, s19  }
0x9c: {  	s7 =	simm.s32 $0x0;
	s20 =	sshll.u32 s5, $0x1;
	s5 =	sadd.s32 s21, s3  }
0x9d: {  	[timem:s7], [sflag:s22] =	dma.local [hbm:s5], s20  }
0x9e: {  	_ =	swait.ge [sflag:s22], s20  }
0x9f: {  	s4 =	ssub.s32 $0x0, s20;
	[sflag:s22] =	ssyncset.done $0x0  }
0xa0: {  	[sflag:s22] =	ssyncadd.s32 s4;
	_ =	sdelay $0x1  }
0xa1: {  	s23 =	simm.s32 $0x1B8B  }
0xa2: {  	_ =	swait.ge [sflag:s23], $0x1  }
0xa3: {  	[sflag:s23] =	ssyncset.done $0x0  }
0xa4: {  	s25 =	simm.s32 $0x1B8E;
	s24 =	sld [smem:$0x3FFE];
	[sflag:s23] =	ssyncadd.s32 $0xFFFFFFFF  }
0xa5: {  	s26 =	simm.s32 $execute0_lowered;
	[smem:$0x3FD2] =	sst s25  }
0xa6: {  	s5 =	sshll.u32 s26, $0x1;
	_ =	strace $0x80000046;
	[dreg:$0x1] =	wrdreg $0xFFFFFFFF  }
0xa7: {  	s28 =	simm.s32 $_size_execute0_lowered;
	s3 =	sadd.s32 s3, s5;
	[dreg:$0x0] =	wrdreg $0x0  }
0xa8: {  	s5 =	sshll.u32 s28, $0x1;
	[dreg:$0x2] =	wrdreg s3  }
0xa9: {  	[dreg:$0x3] =	wrdreg s5  }
0xaa: {  	[dreg:$0x4] =	wrdreg $0xC0  }
0xab: {  	_ =	task [dreg:s7], $0x5FFFF  }
0xac: {  	[dreg:$0x1] =	wrdreg $0xFFFFFFFF  }
0xad: {  	[dreg:$0x0] =	wrdreg $0x60  }
0xae: {  	[dreg:$0x2] =	wrdreg s2  }
0xaf: {  	[dreg:$0x3] =	wrdreg s24  }
0xb0: {  	[dreg:$0x4] =	wrdreg $0x9  }
0xb1: {  	_ =	task.clear_ibuf [dreg:s7], $0x5FFFF;
	_ =	strace $0x90000046  }
0xb2: {  	s29 =	simm.s32 $0x9;
	_ =	strace $0x80000048  }
0xb3: {  	_ =	swait.ge [sflag:s29], $0x1  }
0xb4: {  	[sflag:s29] =	ssyncadd.s32 $0xFFFFFFFF  }
0xb5: {  	_ =	strace $0x90000048  }
0xb6: {  	_ =	sfence  }
0xb7: {  	s30 =	sld [smem:$0x0];
	_ =	sdelay $0x2  }
0xb8: {  	s31 =	sshll.u32 s1, $0xD;
	s1 =	sshrl.u32 s1, $0x2  }
0xb9: {  	s3 =	sand.u32 $0x4000, s31;
	s1 =	sadd.s32 s1, s30  }
0xba: {  	s0 =	sor.u32 s3, s0;
	s1 =	sshll.u32 s1, $0x11  }
0xbb: {  	s0 =	sor.u32 s1, s0  }
0xbc: {  	s0 =	sadd.s32 $0x8F2B, s0  }
0xbd: {  	[sflag:s0] =	ssyncadd.remote.s32 $0x1  }
0xbe: {  	_ =	sfence.sel $0xFFFF  }
0xbf: {  	[dreg:$0x0] =	wrdreg $0xFFFFFFFF;
	(pc) =	sbr.abs _section_cstart, $3  }
0xc0: {  	[dreg:$0x1] =	wrdreg $0xFFFFFFFF  }
0xc1: {  	_ =	task.clear_ibuf [dreg:s7], $0x2FFFF;
	_ =	strace $0x9FFFFFFF  }
0xc2: {  	(tm) =	ssettm $0x7FFFFFFF  }
0xc3: {  	_ =	shalt  }
tec
execute0_lowered:
.L_overlay_start_1:
0x0: {  	(tag) =	ssettag $0x1  }
0x1: {  	s0 =	rddreg [dreg:$0x0]  }
0x2: {  	s1 =	rddreg [dreg:$0x1];
	s2 =	simm.s32 $0x0  }
0x3: {  	s3 =	srdreg.scid;
	s5 =	stileid.u32;
	s14 =	simm.s32 $0x9  }
0x4: {  	s15 =	simm.s32 $0x50;
	s28 =	simm.s32 $0x14C00;
	s29 =	simm.s32 $0x3  }
0x5: {  	s30 =	simm.s32 $0x17400;
	s31 =	simm.s32 $0x4;
	s16 =	simm.s32 $0x6  }
0x6: {  	s17 =	simm.s32 $0x7;
	s18 =	simm.s32 $0x8;
	s19 =	simm.s32 $0x0  }
0x7: {  	[smem:$0x7FF] =	sst s2;
	s4 =	sand.u32 $0x1, s3;
	s5 =	sshll.u32 s5, $0x1  }
0x8: {  	s3 =	sadd.s32 $0xF42E00, s1;
	_ =	strace $0x80000047;
	s5 =	sor.u32 s4, s5  }
0x9: {  	s6 =	ssub.s32 $0x2, s4;
	s4 =	sadd.s32 $0xA00, s1;
	s7 =	sshll.u32 s5, $0xC  }
0xa: {  	v0 =	vimm.s32 $0xFEDCBA98;
	s23 =	sshrl.u32 s6, $0x1;
	s5 =	smul.u32 $0x6400, s5;
	s0 =	sadd.s32 s0, s7  }
0xb: {  	v1 =	vimm.s32 $0x76543210;
	v0 =	vunpack.c.l.s4.s8 v0;
	s1 =	ssub.s32 s6, s23;
	s24 =	sadd.s32 $0x400, s0;
	[dreg:$0x3] =	wrdreg s0  }
0xc: {  	v1 =	vunpack.c.l.s4.s8 v1;
	s25 =	sadd.s32 $0x800, s0;
	s0 =	sadd.s32 $0xC00, s0;
	[dreg:$0x4] =	wrdreg s24  }
0xd: {  	v0 =	vunpack.c.0.s8.s32 v0;
	s10 =	sor.u32 $0x50, s5;
	s11 =	sor.u32 $0xA0, s5;
	[dreg:$0x5] =	wrdreg s25  }
0xe: {  	v1 =	vunpack.c.0.s8.s32 v1;
	s12 =	sor.u32 $0xF0, s5;
	s26 =	smax.u32 s1, $0x1;
	[dreg:$0x6] =	wrdreg s0  }
0xf: {  	v0 =	vand.u32 $0xF, v0;
	s1 =	simm.s32 $0x5;
	[dreg:$0x7] =	wrdreg s26;
	s24 =	simm.s32 $0x1  }
0x10: {  	vm0 =	vmmov $0xff;
	s25 =	simm.s32 $0x12400;
	s26 =	simm.s32 $0x2;
	s0 =	simm.s32 $0x19C00;
	v0 =	vcombine.low v0, v1  }
.LBB2_1:
0x11: {  	s6 =	rddreg [dreg:$0x3]  }
0x12: {  	[tilespmem:s2], [sflag:$0x9] =	stream.linear.gather [hbm4b:s6+s2], $0x2000, $0x38;
	[tilespmem:$0x1C400] =	vst v63  }
0x13: {  	_ =	swait.ge [sflag:s14], $0x2000  }
0x14: {  	s7 =	sand.u32 $0x1800, s2;
	s8 =	sand.u32 $0x380, s2;
	[sflag:s14] =	ssyncset.done $0x0  }
0x15: {  	s7 =	sor.u32 s8, s7;
	[sflag:s14] =	ssyncadd.s32 $0xFFFFE000  }
0x16: {  	v1 =	vld [tilespmem:s7+$0x0];
	_ =	sdelay $0x3  }
0x17: {  	s20 =	simm.s32 $0x2060  }
0x18: {  	[tilespmem:s20+$0xFFFFFFA0] =	vst v1  }
0x19: {  	v1 =	vld [tilespmem:s7+$0x10];
	_ =	sdelay $0x4  }
0x1a: {  	[tilespmem:s20+$0xFFFFFFB0] =	vst v1  }
0x1b: {  	v1 =	vld [tilespmem:s7+$0x20];
	_ =	sdelay $0x4  }
0x1c: {  	[tilespmem:s20+$0xFFFFFFC0] =	vst v1  }
0x1d: {  	v1 =	vld [tilespmem:s7+$0x30];
	_ =	sdelay $0x4  }
0x1e: {  	[tilespmem:s20+$0xFFFFFFD0] =	vst v1  }
0x1f: {  	v1 =	vld [tilespmem:s7+$0x40];
	_ =	sdelay $0x4  }
0x20: {  	[tilespmem:s20+$0xFFFFFFE0] =	vst v1  }
0x21: {  	v1 =	vld [tilespmem:s7+$0x50];
	_ =	sdelay $0x4  }
0x22: {  	[tilespmem:s20+$0xFFFFFFF0] =	vst v1  }
0x23: {  	v1 =	vld [tilespmem:s7+$0x60];
	_ =	sdelay $0x4  }
0x24: {  	[tilespmem:s20+$0x0] =	vst v1  }
0x25: {  	v1 =	vld [tilespmem:s7+$0x70];
	_ =	sdelay $0x4  }
0x26: {  	[tilespmem:s20+$0x10] =	vst v1  }
0x27: {  	v1 =	vld [tilespmem:s7+$0x400];
	_ =	sdelay $0x3  }
0x28: {  	s22 =	sand.u32 $0x1FF8, s2  }
0x29: {  	[tilespmem:s22+$0x2080] =	vst v1  }
0x2a: {  	v1 =	vld [tilespmem:s7+$0x410];
	_ =	sdelay $0x4  }
0x2b: {  	[tilespmem:s20+$0x30] =	vst v1  }
0x2c: {  	v1 =	vld [tilespmem:s7+$0x420];
	_ =	sdelay $0x4  }
0x2d: {  	[tilespmem:s20+$0x40] =	vst v1  }
0x2e: {  	v1 =	vld [tilespmem:s7+$0x430];
	_ =	sdelay $0x4  }
0x2f: {  	s7 =	sor.u32 $0x440, s7;
	[tilespmem:s20+$0x50] =	vst v1  }
0x30: {  	v2 =	vld.msk [tilespmem:s7+$0x0], $0xff;
	_ =	sdelay $0x4  }
0x31: {  	v1 =	vperm.xlane v1, v0;
	v2 =	vperm.xlane v2, v0  }
0x32: {  	s23 =	simm.s32 $0x100;
	s21 =	simm.s32 $0x200;
	s8 =	simm.s32 $0x80  }
0x33: {  	s9 =	sand.u32 $0x1800, s23;
	s13 =	sand.u32 $0x380, s8;
	s7 =	simm.s32 $0x0;
	v1 =	vsel vm0, v1, v2  }
.LBB2_2:
0x34: {  	p0 =	sne.s32 s21, $0x1F00;
	s9 =	sor.u32 s13, s9;
	[tilespmem:s20+$0x58] =	vst v1  }
0x35: {  	v1 =	vld [tilespmem:s9+$0x0];
	_ =	sdelay $0x3  }
0x36: {  	s20 =	sadd.s32 $0xC8, s20  }
0x37: {  	[tilespmem:s20+$0xFFFFFFA0] =	vst v1  }
0x38: {  	v1 =	vld [tilespmem:s9+$0x10];
	_ =	sdelay $0x4  }
0x39: {  	[tilespmem:s20+$0xFFFFFFB0] =	vst v1  }
0x3a: {  	v1 =	vld [tilespmem:s9+$0x20];
	_ =	sdelay $0x4  }
0x3b: {  	[tilespmem:s20+$0xFFFFFFC0] =	vst v1  }
0x3c: {  	v1 =	vld [tilespmem:s9+$0x30];
	_ =	sdelay $0x4  }
0x3d: {  	[tilespmem:s20+$0xFFFFFFD0] =	vst v1  }
0x3e: {  	v1 =	vld [tilespmem:s9+$0x40];
	_ =	sdelay $0x4  }
0x3f: {  	[tilespmem:s20+$0xFFFFFFE0] =	vst v1  }
0x40: {  	v1 =	vld [tilespmem:s9+$0x50];
	_ =	sdelay $0x4  }
0x41: {  	[tilespmem:s20+$0xFFFFFFF0] =	vst v1  }
0x42: {  	v1 =	vld [tilespmem:s9+$0x60];
	_ =	sdelay $0x4  }
0x43: {  	[tilespmem:s20+$0x0] =	vst v1  }
0x44: {  	v1 =	vld [tilespmem:s9+$0x70];
	_ =	sdelay $0x4  }
0x45: {  	[tilespmem:s20+$0x10] =	vst v1  }
0x46: {  	v1 =	vld [tilespmem:s9+$0x400];
	_ =	sdelay $0x2  }
0x47: {  	s7 =	sadd.s32 $0xC8, s7  }
0x48: {  	s13 =	sand.u32 $0x1FF8, s7  }
0x49: {  	[tilespmem:s13+$0x2080] =	vst v1  }
0x4a: {  	v1 =	vld [tilespmem:s9+$0x410];
	_ =	sdelay $0x4  }
0x4b: {  	[tilespmem:s20+$0x30] =	vst v1  }
0x4c: {  	v1 =	vld [tilespmem:s9+$0x420];
	_ =	sdelay $0x4  }
0x4d: {  	[tilespmem:s20+$0x40] =	vst v1  }
0x4e: {  	v1 =	vld [tilespmem:s9+$0x430];
	_ =	sdelay $0x4  }
0x4f: {  	s9 =	sor.u32 $0x440, s9;
	[tilespmem:s20+$0x50] =	vst v1  }
0x50: {  	v2 =	vld.msk [tilespmem:s9+$0x0], $0xff;
	_ =	sdelay $0x2  }
.Ltmp0:
0x51: {  	(pc) =	sbr.rel @p0 .LBB2_2-.Ltmp0, $4  }
0x52: {  	_ = 	snop  }
0x53: {  	v1 =	vperm.xlane v1, v0;
	v2 =	vperm.xlane v2, v0  }
0x54: {  	s8 =	sadd.s32 $0x80, s8  }
0x55: {  	s13 =	sand.u32 $0x380, s8;
	s9 =	sand.u32 $0x1800, s21;
	s21 =	sadd.s32 $0x100, s21;
	v1 =	vsel vm0, v1, v2  }
0x56: {  	s8 =	sor.u32 s13, s9;
	[tilespmem:s20+$0x58] =	vst v1  }
0x57: {  	v1 =	vld [tilespmem:s8+$0x0];
	_ =	sdelay $0x3  }
0x58: {  	s6 =	sadd.s32 $0xC8, s20  }
0x59: {  	[tilespmem:s6+$0xFFFFFFA0] =	vst v1  }
0x5a: {  	v1 =	vld [tilespmem:s8+$0x10];
	_ =	sdelay $0x4  }
0x5b: {  	[tilespmem:s6+$0xFFFFFFB0] =	vst v1  }
0x5c: {  	v1 =	vld [tilespmem:s8+$0x20];
	_ =	sdelay $0x4  }
0x5d: {  	[tilespmem:s6+$0xFFFFFFC0] =	vst v1  }
0x5e: {  	v1 =	vld [tilespmem:s8+$0x30];
	_ =	sdelay $0x4  }
0x5f: {  	[tilespmem:s6+$0xFFFFFFD0] =	vst v1  }
0x60: {  	v1 =	vld [tilespmem:s8+$0x40];
	_ =	sdelay $0x4  }
0x61: {  	[tilespmem:s6+$0xFFFFFFE0] =	vst v1  }
0x62: {  	v1 =	vld [tilespmem:s8+$0x50];
	_ =	sdelay $0x4  }
0x63: {  	[tilespmem:s6+$0xFFFFFFF0] =	vst v1  }
0x64: {  	v1 =	vld [tilespmem:s8+$0x60];
	_ =	sdelay $0x4  }
0x65: {  	[tilespmem:s6+$0x0] =	vst v1  }
0x66: {  	v1 =	vld [tilespmem:s8+$0x70];
	_ =	sdelay $0x4  }
0x67: {  	[tilespmem:s6+$0x10] =	vst v1  }
0x68: {  	v1 =	vld [tilespmem:s8+$0x400];
	_ =	sdelay $0x2  }
0x69: {  	s7 =	sadd.s32 $0xC8, s7  }
0x6a: {  	s7 =	sand.u32 $0x1FF8, s7  }
0x6b: {  	[tilespmem:s7+$0x2080] =	vst v1  }
0x6c: {  	v1 =	vld [tilespmem:s8+$0x410];
	_ =	sdelay $0x4  }
0x6d: {  	[tilespmem:s6+$0x30] =	vst v1  }
0x6e: {  	v1 =	vld [tilespmem:s8+$0x420];
	_ =	sdelay $0x4  }
0x6f: {  	[tilespmem:s6+$0x40] =	vst v1  }
0x70: {  	v1 =	vld [tilespmem:s8+$0x430];
	_ =	sdelay $0x4  }
0x71: {  	s8 =	sor.u32 $0x440, s8;
	[tilespmem:s6+$0x50] =	vst v1  }
0x72: {  	v2 =	vld.msk [tilespmem:s8+$0x0], $0xff;
	_ =	sdelay $0x4  }
0x73: {  	v1 =	vperm.xlane v1, v0;
	v2 =	vperm.xlane v2, v0;
	_ =	sdelay $0x1  }
0x74: {  	v1 =	vsel vm0, v1, v2  }
0x75: {  	s20 =	simm.s32 $0x0;
	[tilespmem:s6+$0x58] =	vst v1;
	s6 =	rddreg [dreg:$0x4]  }
0x76: {  	[tilespmem:s20], [sflag:$0x9] =	stream.linear.gather [hbm4b:s6+s20], $0x2000, $0x38;
	[tilespmem:$0x1C400] =	vst v63  }
0x77: {  	_ =	swait.ge [sflag:s14], $0x2000  }
0x78: {  	s9 =	sand.u32 $0x1800, s20;
	s13 =	sand.u32 $0x380, s20;
	[sflag:s14] =	ssyncset.done $0x0  }
0x79: {  	s7 =	sor.u32 s13, s9;
	[sflag:s14] =	ssyncadd.s32 $0xFFFFE000  }
0x7a: {  	v1 =	vld [tilespmem:s7+$0x0];
	_ =	sdelay $0x3  }
0x7b: {  	s21 =	sand.u32 $0x1FF8, s20  }
0x7c: {  	[tilespmem:s21+$0x3900] =	vst v1  }
0x7d: {  	v1 =	vld [tilespmem:s7+$0x10];
	_ =	sdelay $0x3  }
0x7e: {  	s22 =	simm.s32 $0x39B8  }
0x7f: {  	[tilespmem:s22+$0xFFFFFF58] =	vst v1  }
0x80: {  	v1 =	vld [tilespmem:s7+$0x20];
	_ =	sdelay $0x4  }
0x81: {  	[tilespmem:s22+$0xFFFFFF68] =	vst v1  }
0x82: {  	v1 =	vld [tilespmem:s7+$0x30];
	_ =	sdelay $0x4  }
0x83: {  	[tilespmem:s22+$0xFFFFFF78] =	vst v1  }
0x84: {  	v1 =	vld [tilespmem:s7+$0x40];
	_ =	sdelay $0x4  }
0x85: {  	[tilespmem:s22+$0xFFFFFF88] =	vst v1  }
0x86: {  	v1 =	vld [tilespmem:s7+$0x50];
	_ =	sdelay $0x4  }
0x87: {  	[tilespmem:s22+$0xFFFFFF98] =	vst v1  }
0x88: {  	v1 =	vld [tilespmem:s7+$0x60];
	_ =	sdelay $0x4  }
0x89: {  	[tilespmem:s22+$0xFFFFFFA8] =	vst v1  }
0x8a: {  	v1 =	vld [tilespmem:s7+$0x70];
	_ =	sdelay $0x4  }
0x8b: {  	[tilespmem:s22+$0xFFFFFFB8] =	vst v1  }
0x8c: {  	v1 =	vld [tilespmem:s7+$0x400];
	_ =	sdelay $0x4  }
0x8d: {  	[tilespmem:s21+$0x3980] =	vst v1  }
0x8e: {  	v1 =	vld [tilespmem:s7+$0x410];
	_ =	sdelay $0x4  }
0x8f: {  	[tilespmem:s22+$0xFFFFFFD8] =	vst v1  }
0x90: {  	v1 =	vld [tilespmem:s7+$0x420];
	_ =	sdelay $0x4  }
0x91: {  	[tilespmem:s22+$0xFFFFFFE8] =	vst v1  }
0x92: {  	v1 =	vld [tilespmem:s7+$0x430];
	_ =	sdelay $0x4  }
0x93: {  	s7 =	sor.u32 $0x440, s7;
	[tilespmem:s22+$0xFFFFFFF8] =	vst v1  }
0x94: {  	v2 =	vld.msk [tilespmem:s7+$0x0], $0xff;
	_ =	sdelay $0x4  }
0x95: {  	v1 =	vperm.xlane v1, v0;
	v2 =	vperm.xlane v2, v0  }
0x96: {  	s23 =	simm.s32 $0x100;
	s13 =	simm.s32 $0x200;
	s7 =	simm.s32 $0x80  }
0x97: {  	s9 =	sand.u32 $0x1800, s23;
	s21 =	simm.s32 $0x3A80;
	s23 =	sand.u32 $0x380, s7;
	v1 =	vsel vm0, v1, v2  }
.LBB2_4:
0x98: {  	s9 =	sor.u32 s23, s9;
	s20 =	sadd.s32 $0xC8, s20  }
0x99: {  	[tilespmem:s22+$0x0] =	vst v1;
	s23 =	smov.u32 s13;
	s8 =	sadd.s32 $0x100, s13;
	s22 =	smov.u32 s21  }
0x9a: {  	p0 =	sne.s32 s13, $0x1F00;
	v1 =	vld [tilespmem:s9+$0x0];
	_ =	sdelay $0x3  }
0x9b: {  	s13 =	sand.u32 $0x1FF8, s20  }
0x9c: {  	[tilespmem:s13+$0x3900] =	vst v1  }
0x9d: {  	v1 =	vld [tilespmem:s9+$0x10];
	_ =	sdelay $0x4  }
0x9e: {  	[tilespmem:s21+$0xFFFFFF58] =	vst v1  }
0x9f: {  	v1 =	vld [tilespmem:s9+$0x20];
	_ =	sdelay $0x4  }
0xa0: {  	[tilespmem:s21+$0xFFFFFF68] =	vst v1  }
0xa1: {  	v1 =	vld [tilespmem:s9+$0x30];
	_ =	sdelay $0x4  }
0xa2: {  	[tilespmem:s21+$0xFFFFFF78] =	vst v1  }
0xa3: {  	v1 =	vld [tilespmem:s9+$0x40];
	_ =	sdelay $0x4  }
0xa4: {  	[tilespmem:s21+$0xFFFFFF88] =	vst v1  }
0xa5: {  	v1 =	vld [tilespmem:s9+$0x50];
	_ =	sdelay $0x4  }
0xa6: {  	[tilespmem:s21+$0xFFFFFF98] =	vst v1  }
0xa7: {  	v1 =	vld [tilespmem:s9+$0x60];
	_ =	sdelay $0x4  }
0xa8: {  	[tilespmem:s21+$0xFFFFFFA8] =	vst v1  }
0xa9: {  	v1 =	vld [tilespmem:s9+$0x70];
	_ =	sdelay $0x4  }
0xaa: {  	[tilespmem:s21+$0xFFFFFFB8] =	vst v1  }
0xab: {  	v1 =	vld [tilespmem:s9+$0x400];
	_ =	sdelay $0x4  }
0xac: {  	[tilespmem:s13+$0x3980] =	vst v1  }
0xad: {  	v1 =	vld [tilespmem:s9+$0x410];
	_ =	sdelay $0x4  }
0xae: {  	[tilespmem:s21+$0xFFFFFFD8] =	vst v1  }
0xaf: {  	v1 =	vld [tilespmem:s9+$0x420];
	_ =	sdelay $0x4  }
0xb0: {  	[tilespmem:s21+$0xFFFFFFE8] =	vst v1  }
0xb1: {  	v1 =	vld [tilespmem:s9+$0x430];
	_ =	sdelay $0x4  }
0xb2: {  	s9 =	sor.u32 $0x440, s9;
	[tilespmem:s21+$0xFFFFFFF8] =	vst v1  }
0xb3: {  	v2 =	vld.msk [tilespmem:s9+$0x0], $0xff;
	_ =	sdelay $0x2  }
.Ltmp1:
0xb4: {  	(pc) =	sbr.rel @p0 .LBB2_4-.Ltmp1, $4  }
0xb5: {  	_ = 	snop  }
0xb6: {  	v1 =	vperm.xlane v1, v0;
	v2 =	vperm.xlane v2, v0  }
0xb7: {  	s7 =	sadd.s32 $0x80, s7;
	s13 =	smov.u32 s8  }
0xb8: {  	s21 =	sadd.s32 $0xC8, s21;
	s9 =	sand.u32 $0x1800, s23;
	s23 =	sand.u32 $0x380, s7;
	v1 =	vsel vm0, v1, v2  }
0xb9: {  	s7 =	sor.u32 s23, s9;
	[tilespmem:s22+$0x0] =	vst v1  }
0xba: {  	v1 =	vld [tilespmem:s7+$0x0];
	_ =	sdelay $0x2  }
0xbb: {  	s8 =	sadd.s32 $0xC8, s20  }
0xbc: {  	s8 =	sand.u32 $0x1FF8, s8  }
0xbd: {  	[tilespmem:s8+$0x3900] =	vst v1  }
0xbe: {  	v1 =	vld [tilespmem:s7+$0x10];
	_ =	sdelay $0x4  }
0xbf: {  	[tilespmem:s21+$0xFFFFFF58] =	vst v1  }
0xc0: {  	v1 =	vld [tilespmem:s7+$0x20];
	_ =	sdelay $0x4  }
0xc1: {  	[tilespmem:s21+$0xFFFFFF68] =	vst v1  }
0xc2: {  	v1 =	vld [tilespmem:s7+$0x30];
	_ =	sdelay $0x4  }
0xc3: {  	[tilespmem:s21+$0xFFFFFF78] =	vst v1  }
0xc4: {  	v1 =	vld [tilespmem:s7+$0x40];
	_ =	sdelay $0x4  }
0xc5: {  	[tilespmem:s21+$0xFFFFFF88] =	vst v1  }
0xc6: {  	v1 =	vld [tilespmem:s7+$0x50];
	_ =	sdelay $0x4  }
0xc7: {  	[tilespmem:s21+$0xFFFFFF98] =	vst v1  }
0xc8: {  	v1 =	vld [tilespmem:s7+$0x60];
	_ =	sdelay $0x4  }
0xc9: {  	[tilespmem:s21+$0xFFFFFFA8] =	vst v1  }
0xca: {  	v1 =	vld [tilespmem:s7+$0x70];
	_ =	sdelay $0x4  }
0xcb: {  	[tilespmem:s21+$0xFFFFFFB8] =	vst v1  }
0xcc: {  	v1 =	vld [tilespmem:s7+$0x400];
	_ =	sdelay $0x4  }
0xcd: {  	[tilespmem:s8+$0x3980] =	vst v1  }
0xce: {  	v1 =	vld [tilespmem:s7+$0x410];
	_ =	sdelay $0x4  }
0xcf: {  	[tilespmem:s21+$0xFFFFFFD8] =	vst v1  }
0xd0: {  	v1 =	vld [tilespmem:s7+$0x420];
	_ =	sdelay $0x4  }
0xd1: {  	[tilespmem:s21+$0xFFFFFFE8] =	vst v1  }
0xd2: {  	v1 =	vld [tilespmem:s7+$0x430];
	_ =	sdelay $0x4  }
0xd3: {  	s7 =	sor.u32 $0x440, s7;
	[tilespmem:s21+$0xFFFFFFF8] =	vst v1  }
0xd4: {  	v2 =	vld.msk [tilespmem:s7+$0x0], $0xff;
	_ =	sdelay $0x4  }
0xd5: {  	v1 =	vperm.xlane v1, v0;
	v2 =	vperm.xlane v2, v0;
	_ =	sdelay $0x1  }
0xd6: {  	v1 =	vsel vm0, v1, v2  }
0xd7: {  	s20 =	simm.s32 $0x0;
	s6 =	rddreg [dreg:$0x5];
	[tilespmem:s21+$0x0] =	vst v1  }
0xd8: {  	[tilespmem:s20], [sflag:$0x9] =	stream.linear.gather [hbm4b:s6+s20], $0x2000, $0x38;
	[tilespmem:$0x1C400] =	vst v63  }
0xd9: {  	_ =	swait.ge [sflag:s14], $0x2000  }
0xda: {  	s9 =	sand.u32 $0x1800, s20;
	s13 =	sand.u32 $0x380, s20;
	[sflag:s14] =	ssyncset.done $0x0  }
0xdb: {  	s7 =	sor.u32 s13, s9;
	[sflag:s14] =	ssyncadd.s32 $0xFFFFE000  }
0xdc: {  	v1 =	vld [tilespmem:s7+$0x0];
	_ =	sdelay $0x3  }
0xdd: {  	s21 =	sand.u32 $0x1FF8, s20  }
0xde: {  	[tilespmem:s21+$0x5200] =	vst v1  }
0xdf: {  	v1 =	vld [tilespmem:s7+$0x10];
	_ =	sdelay $0x3  }
0xe0: {  	s22 =	simm.s32 $0x52B8  }
0xe1: {  	[tilespmem:s22+$0xFFFFFF58] =	vst v1  }
0xe2: {  	v1 =	vld [tilespmem:s7+$0x20];
	_ =	sdelay $0x4  }
0xe3: {  	[tilespmem:s22+$0xFFFFFF68] =	vst v1  }
0xe4: {  	v1 =	vld [tilespmem:s7+$0x30];
	_ =	sdelay $0x4  }
0xe5: {  	[tilespmem:s22+$0xFFFFFF78] =	vst v1  }
0xe6: {  	v1 =	vld [tilespmem:s7+$0x40];
	_ =	sdelay $0x4  }
0xe7: {  	[tilespmem:s22+$0xFFFFFF88] =	vst v1  }
0xe8: {  	v1 =	vld [tilespmem:s7+$0x50];
	_ =	sdelay $0x4  }
0xe9: {  	[tilespmem:s22+$0xFFFFFF98] =	vst v1  }
0xea: {  	v1 =	vld [tilespmem:s7+$0x60];
	_ =	sdelay $0x4  }
0xeb: {  	[tilespmem:s22+$0xFFFFFFA8] =	vst v1  }
0xec: {  	v1 =	vld [tilespmem:s7+$0x70];
	_ =	sdelay $0x4  }
0xed: {  	[tilespmem:s22+$0xFFFFFFB8] =	vst v1  }
0xee: {  	v1 =	vld [tilespmem:s7+$0x400];
	_ =	sdelay $0x4  }
0xef: {  	[tilespmem:s21+$0x5280] =	vst v1  }
0xf0: {  	v1 =	vld [tilespmem:s7+$0x410];
	_ =	sdelay $0x4  }
0xf1: {  	[tilespmem:s22+$0xFFFFFFD8] =	vst v1  }
0xf2: {  	v1 =	vld [tilespmem:s7+$0x420];
	_ =	sdelay $0x4  }
0xf3: {  	[tilespmem:s22+$0xFFFFFFE8] =	vst v1  }
0xf4: {  	v1 =	vld [tilespmem:s7+$0x430];
	_ =	sdelay $0x4  }
0xf5: {  	s7 =	sor.u32 $0x440, s7;
	[tilespmem:s22+$0xFFFFFFF8] =	vst v1  }
0xf6: {  	v2 =	vld.msk [tilespmem:s7+$0x0], $0xff;
	_ =	sdelay $0x4  }
0xf7: {  	v1 =	vperm.xlane v1, v0;
	v2 =	vperm.xlane v2, v0  }
0xf8: {  	s23 =	simm.s32 $0x100;
	s13 =	simm.s32 $0x200;
	s7 =	simm.s32 $0x80  }
0xf9: {  	s9 =	sand.u32 $0x1800, s23;
	s21 =	simm.s32 $0x5380;
	s23 =	sand.u32 $0x380, s7;
	v1 =	vsel vm0, v1, v2  }
.LBB2_6:
0xfa: {  	s9 =	sor.u32 s23, s9;
	s20 =	sadd.s32 $0xC8, s20  }
0xfb: {  	[tilespmem:s22+$0x0] =	vst v1;
	s23 =	smov.u32 s13;
	s8 =	sadd.s32 $0x100, s13;
	s22 =	smov.u32 s21  }
0xfc: {  	p0 =	sne.s32 s13, $0x1F00;
	v1 =	vld [tilespmem:s9+$0x0];
	_ =	sdelay $0x3  }
0xfd: {  	s13 =	sand.u32 $0x1FF8, s20  }
0xfe: {  	[tilespmem:s13+$0x5200] =	vst v1  }
0xff: {  	v1 =	vld [tilespmem:s9+$0x10];
	_ =	sdelay $0x4  }
0x100: {  	[tilespmem:s21+$0xFFFFFF58] =	vst v1  }
0x101: {  	v1 =	vld [tilespmem:s9+$0x20];
	_ =	sdelay $0x4  }
0x102: {  	[tilespmem:s21+$0xFFFFFF68] =	vst v1  }
0x103: {  	v1 =	vld [tilespmem:s9+$0x30];
	_ =	sdelay $0x4  }
0x104: {  	[tilespmem:s21+$0xFFFFFF78] =	vst v1  }
0x105: {  	v1 =	vld [tilespmem:s9+$0x40];
	_ =	sdelay $0x4  }
0x106: {  	[tilespmem:s21+$0xFFFFFF88] =	vst v1  }
0x107: {  	v1 =	vld [tilespmem:s9+$0x50];
	_ =	sdelay $0x4  }
0x108: {  	[tilespmem:s21+$0xFFFFFF98] =	vst v1  }
0x109: {  	v1 =	vld [tilespmem:s9+$0x60];
	_ =	sdelay $0x4  }
0x10a: {  	[tilespmem:s21+$0xFFFFFFA8] =	vst v1  }
0x10b: {  	v1 =	vld [tilespmem:s9+$0x70];
	_ =	sdelay $0x4  }
0x10c: {  	[tilespmem:s21+$0xFFFFFFB8] =	vst v1  }
0x10d: {  	v1 =	vld [tilespmem:s9+$0x400];
	_ =	sdelay $0x4  }
0x10e: {  	[tilespmem:s13+$0x5280] =	vst v1  }
0x10f: {  	v1 =	vld [tilespmem:s9+$0x410];
	_ =	sdelay $0x4  }
0x110: {  	[tilespmem:s21+$0xFFFFFFD8] =	vst v1  }
0x111: {  	v1 =	vld [tilespmem:s9+$0x420];
	_ =	sdelay $0x4  }
0x112: {  	[tilespmem:s21+$0xFFFFFFE8] =	vst v1  }
0x113: {  	v1 =	vld [tilespmem:s9+$0x430];
	_ =	sdelay $0x4  }
0x114: {  	s9 =	sor.u32 $0x440, s9;
	[tilespmem:s21+$0xFFFFFFF8] =	vst v1  }
0x115: {  	v2 =	vld.msk [tilespmem:s9+$0x0], $0xff;
	_ =	sdelay $0x2  }
.Ltmp2:
0x116: {  	(pc) =	sbr.rel @p0 .LBB2_6-.Ltmp2, $4  }
0x117: {  	_ = 	snop  }
0x118: {  	v1 =	vperm.xlane v1, v0;
	v2 =	vperm.xlane v2, v0  }
0x119: {  	s7 =	sadd.s32 $0x80, s7;
	s13 =	smov.u32 s8  }
0x11a: {  	s21 =	sadd.s32 $0xC8, s21;
	s9 =	sand.u32 $0x1800, s23;
	s23 =	sand.u32 $0x380, s7;
	v1 =	vsel vm0, v1, v2  }
0x11b: {  	s7 =	sor.u32 s23, s9;
	[tilespmem:s22+$0x0] =	vst v1  }
0x11c: {  	v1 =	vld [tilespmem:s7+$0x0];
	_ =	sdelay $0x2  }
0x11d: {  	s8 =	sadd.s32 $0xC8, s20  }
0x11e: {  	s8 =	sand.u32 $0x1FF8, s8  }
0x11f: {  	[tilespmem:s8+$0x5200] =	vst v1  }
0x120: {  	v1 =	vld [tilespmem:s7+$0x10];
	_ =	sdelay $0x4  }
0x121: {  	[tilespmem:s21+$0xFFFFFF58] =	vst v1  }
0x122: {  	v1 =	vld [tilespmem:s7+$0x20];
	_ =	sdelay $0x4  }
0x123: {  	[tilespmem:s21+$0xFFFFFF68] =	vst v1  }
0x124: {  	v1 =	vld [tilespmem:s7+$0x30];
	_ =	sdelay $0x4  }
0x125: {  	[tilespmem:s21+$0xFFFFFF78] =	vst v1  }
0x126: {  	v1 =	vld [tilespmem:s7+$0x40];
	_ =	sdelay $0x4  }
0x127: {  	[tilespmem:s21+$0xFFFFFF88] =	vst v1  }
0x128: {  	v1 =	vld [tilespmem:s7+$0x50];
	_ =	sdelay $0x4  }
0x129: {  	[tilespmem:s21+$0xFFFFFF98] =	vst v1  }
0x12a: {  	v1 =	vld [tilespmem:s7+$0x60];
	_ =	sdelay $0x4  }
0x12b: {  	[tilespmem:s21+$0xFFFFFFA8] =	vst v1  }
0x12c: {  	v1 =	vld [tilespmem:s7+$0x70];
	_ =	sdelay $0x4  }
0x12d: {  	[tilespmem:s21+$0xFFFFFFB8] =	vst v1  }
0x12e: {  	v1 =	vld [tilespmem:s7+$0x400];
	_ =	sdelay $0x4  }
0x12f: {  	[tilespmem:s8+$0x5280] =	vst v1  }
0x130: {  	v1 =	vld [tilespmem:s7+$0x410];
	_ =	sdelay $0x4  }
0x131: {  	[tilespmem:s21+$0xFFFFFFD8] =	vst v1  }
0x132: {  	v1 =	vld [tilespmem:s7+$0x420];
	_ =	sdelay $0x4  }
0x133: {  	[tilespmem:s21+$0xFFFFFFE8] =	vst v1  }
0x134: {  	v1 =	vld [tilespmem:s7+$0x430];
	_ =	sdelay $0x4  }
0x135: {  	s7 =	sor.u32 $0x440, s7;
	[tilespmem:s21+$0xFFFFFFF8] =	vst v1  }
0x136: {  	v2 =	vld.msk [tilespmem:s7+$0x0], $0xff;
	_ =	sdelay $0x4  }
0x137: {  	v1 =	vperm.xlane v1, v0;
	v2 =	vperm.xlane v2, v0;
	_ =	sdelay $0x1  }
0x138: {  	v1 =	vsel vm0, v1, v2  }
0x139: {  	s20 =	simm.s32 $0x0;
	s6 =	rddreg [dreg:$0x6];
	[tilespmem:s21+$0x0] =	vst v1  }
0x13a: {  	[tilespmem:s20], [sflag:$0x9] =	stream.linear.gather [hbm4b:s6+s20], $0x2000, $0x38;
	[tilespmem:$0x1C400] =	vst v63  }
0x13b: {  	_ =	swait.ge [sflag:s14], $0x2000  }
0x13c: {  	s22 =	sand.u32 $0x380, s20;
	s21 =	sand.u32 $0x1800, s20;
	[sflag:s14] =	ssyncset.done $0x0  }
0x13d: {  	s8 =	sor.u32 s22, s21;
	[sflag:s14] =	ssyncadd.s32 $0xFFFFE000  }
0x13e: {  	v1 =	vld [tilespmem:s8+$0x0];
	_ =	sdelay $0x3  }
0x13f: {  	s23 =	sand.u32 $0x1FF8, s20  }
0x140: {  	[tilespmem:s23+$0x6B00] =	vst v1  }
0x141: {  	v1 =	vld [tilespmem:s8+$0x10];
	_ =	sdelay $0x3  }
0x142: {  	s7 =	simm.s32 $0x0  }
0x143: {  	[tilespmem:s7+$0x6B10] =	vst v1  }
0x144: {  	v1 =	vld [tilespmem:s8+$0x20];
	_ =	sdelay $0x4  }
0x145: {  	[tilespmem:s7+$0x6B20] =	vst v1  }
0x146: {  	v1 =	vld [tilespmem:s8+$0x30];
	_ =	sdelay $0x4  }
0x147: {  	[tilespmem:s7+$0x6B30] =	vst v1  }
0x148: {  	v1 =	vld [tilespmem:s8+$0x40];
	_ =	sdelay $0x4  }
0x149: {  	[tilespmem:s7+$0x6B40] =	vst v1  }
0x14a: {  	v1 =	vld [tilespmem:s8+$0x50];
	_ =	sdelay $0x4  }
0x14b: {  	[tilespmem:s7+$0x6B50] =	vst v1  }
0x14c: {  	v1 =	vld [tilespmem:s8+$0x60];
	_ =	sdelay $0x4  }
0x14d: {  	[tilespmem:s7+$0x6B60] =	vst v1  }
0x14e: {  	v1 =	vld [tilespmem:s8+$0x70];
	_ =	sdelay $0x4  }
0x14f: {  	[tilespmem:s7+$0x6B70] =	vst v1  }
0x150: {  	v1 =	vld [tilespmem:s8+$0x400];
	_ =	sdelay $0x4  }
0x151: {  	[tilespmem:s23+$0x6B80] =	vst v1  }
0x152: {  	v1 =	vld [tilespmem:s8+$0x410];
	_ =	sdelay $0x4  }
0x153: {  	[tilespmem:s7+$0x6B90] =	vst v1  }
0x154: {  	v1 =	vld [tilespmem:s8+$0x420];
	_ =	sdelay $0x4  }
0x155: {  	[tilespmem:s7+$0x6BA0] =	vst v1  }
0x156: {  	v1 =	vld [tilespmem:s8+$0x430];
	_ =	sdelay $0x4  }
0x157: {  	s8 =	sor.u32 $0x440, s8;
	[tilespmem:s7+$0x6BB0] =	vst v1  }
0x158: {  	v2 =	vld.msk [tilespmem:s8+$0x0], $0xff;
	_ =	sdelay $0x4  }
0x159: {  	v1 =	vperm.xlane v1, v0;
	v2 =	vperm.xlane v2, v0  }
0x15a: {  	s21 =	simm.s32 $0x320;
	s22 =	simm.s32 $0x100;
	s8 =	simm.s32 $0x80  }
0x15b: {  	s9 =	sand.u32 $0x1800, s22;
	s23 =	simm.s32 $0x640;
	s13 =	sand.u32 $0x380, s8;
	v1 =	vsel vm0, v1, v2  }
.LBB2_8:
0x15c: {  	p0 =	sne.s32 s23, $0x60E0;
	s9 =	sor.u32 s13, s9;
	[tilespmem:s7+$0x6BB8] =	vst v1;
	s20 =	sadd.s32 $0xC8, s20  }
0x15d: {  	s6 =	smov.u32 s23;
	s23 =	sadd.s32 $0x320, s23;
	v1 =	vld [tilespmem:s9+$0x0];
	_ =	sdelay $0x3  }
0x15e: {  	s13 =	sand.u32 $0x1FF8, s20  }
0x15f: {  	[tilespmem:s13+$0x6B00] =	vst v1  }
0x160: {  	v1 =	vld [tilespmem:s9+$0x10];
	_ =	sdelay $0x3  }
0x161: {  	s7 =	sshra.s32 s21, $0x2;
	s21 =	smov.u32 s6  }
0x162: {  	[tilespmem:s7+$0x6B10] =	vst v1  }
0x163: {  	v1 =	vld [tilespmem:s9+$0x20];
	_ =	sdelay $0x4  }
0x164: {  	[tilespmem:s7+$0x6B20] =	vst v1  }
0x165: {  	v1 =	vld [tilespmem:s9+$0x30];
	_ =	sdelay $0x4  }
0x166: {  	[tilespmem:s7+$0x6B30] =	vst v1  }
0x167: {  	v1 =	vld [tilespmem:s9+$0x40];
	_ =	sdelay $0x4  }
0x168: {  	[tilespmem:s7+$0x6B40] =	vst v1  }
0x169: {  	v1 =	vld [tilespmem:s9+$0x50];
	_ =	sdelay $0x4  }
0x16a: {  	[tilespmem:s7+$0x6B50] =	vst v1  }
0x16b: {  	v1 =	vld [tilespmem:s9+$0x60];
	_ =	sdelay $0x4  }
0x16c: {  	[tilespmem:s7+$0x6B60] =	vst v1  }
0x16d: {  	v1 =	vld [tilespmem:s9+$0x70];
	_ =	sdelay $0x4  }
0x16e: {  	[tilespmem:s7+$0x6B70] =	vst v1  }
0x16f: {  	v1 =	vld [tilespmem:s9+$0x400];
	_ =	sdelay $0x4  }
0x170: {  	[tilespmem:s13+$0x6B80] =	vst v1  }
0x171: {  	v1 =	vld [tilespmem:s9+$0x410];
	_ =	sdelay $0x4  }
0x172: {  	[tilespmem:s7+$0x6B90] =	vst v1  }
0x173: {  	v1 =	vld [tilespmem:s9+$0x420];
	_ =	sdelay $0x4  }
0x174: {  	[tilespmem:s7+$0x6BA0] =	vst v1  }
0x175: {  	v1 =	vld [tilespmem:s9+$0x430];
	_ =	sdelay $0x4  }
0x176: {  	s6 =	sor.u32 $0x440, s9;
	[tilespmem:s7+$0x6BB0] =	vst v1  }
0x177: {  	v2 =	vld.msk [tilespmem:s6+$0x0], $0xff;
	_ =	sdelay $0x2  }
.Ltmp3:
0x178: {  	(pc) =	sbr.rel @p0 .LBB2_8-.Ltmp3, $4  }
0x179: {  	_ = 	snop  }
0x17a: {  	v1 =	vperm.xlane v1, v0;
	v2 =	vperm.xlane v2, v0  }
0x17b: {  	s8 =	sadd.s32 $0x80, s8;
	s22 =	sadd.s32 $0x100, s22  }
0x17c: {  	s13 =	sand.u32 $0x380, s8;
	s9 =	sand.u32 $0x1800, s22;
	v1 =	vsel vm0, v1, v2  }
0x17d: {  	s6 =	sor.u32 s13, s9;
	[tilespmem:s7+$0x6BB8] =	vst v1  }
0x17e: {  	v1 =	vld [tilespmem:s6+$0x0];
	_ =	sdelay $0x2  }
0x17f: {  	s23 =	sadd.s32 $0xC8, s20  }
0x180: {  	s7 =	sand.u32 $0x1FF8, s23  }
0x181: {  	[tilespmem:s7+$0x6B00] =	vst v1  }
0x182: {  	v1 =	vld [tilespmem:s6+$0x10];
	_ =	sdelay $0x3  }
0x183: {  	s8 =	sshra.s32 s21, $0x2  }
0x184: {  	[tilespmem:s8+$0x6B10] =	vst v1  }
0x185: {  	v1 =	vld [tilespmem:s6+$0x20];
	_ =	sdelay $0x4  }
0x186: {  	[tilespmem:s8+$0x6B20] =	vst v1  }
0x187: {  	v1 =	vld [tilespmem:s6+$0x30];
	_ =	sdelay $0x4  }
0x188: {  	[tilespmem:s8+$0x6B30] =	vst v1  }
0x189: {  	v1 =	vld [tilespmem:s6+$0x40];
	_ =	sdelay $0x4  }
0x18a: {  	[tilespmem:s8+$0x6B40] =	vst v1  }
0x18b: {  	v1 =	vld [tilespmem:s6+$0x50];
	_ =	sdelay $0x4  }
0x18c: {  	[tilespmem:s8+$0x6B50] =	vst v1  }
0x18d: {  	v1 =	vld [tilespmem:s6+$0x60];
	_ =	sdelay $0x4  }
0x18e: {  	[tilespmem:s8+$0x6B60] =	vst v1  }
0x18f: {  	v1 =	vld [tilespmem:s6+$0x70];
	_ =	sdelay $0x4  }
0x190: {  	[tilespmem:s8+$0x6B70] =	vst v1  }
0x191: {  	v1 =	vld [tilespmem:s6+$0x400];
	_ =	sdelay $0x4  }
0x192: {  	[tilespmem:s7+$0x6B80] =	vst v1  }
0x193: {  	v1 =	vld [tilespmem:s6+$0x410];
	_ =	sdelay $0x4  }
0x194: {  	[tilespmem:s8+$0x6B90] =	vst v1  }
0x195: {  	v1 =	vld [tilespmem:s6+$0x420];
	_ =	sdelay $0x4  }
0x196: {  	[tilespmem:s8+$0x6BA0] =	vst v1  }
0x197: {  	v1 =	vld [tilespmem:s6+$0x430];
	_ =	sdelay $0x4  }
0x198: {  	s6 =	sor.u32 $0x440, s6;
	[tilespmem:s8+$0x6BB0] =	vst v1  }
0x199: {  	v2 =	vld.msk [tilespmem:s6+$0x0], $0xff;
	_ =	sdelay $0x4  }
0x19a: {  	v1 =	vperm.xlane v1, v0;
	v2 =	vperm.xlane v2, v0;
	_ =	sdelay $0x1  }
0x19b: {  	v1 =	vsel vm0, v1, v2  }
0x19c: {  	s7 =	simm.s32 $0x2000;
	[tilespmem:s8+$0x6BB8] =	vst v1;
	s8 =	simm.s32 $0x8400  }
0x19d: {  	[tilespmem:s8], [sflag:$0x1] =	stream.indirect.gather [hbm4b:s3+s15], $0x80, s7, s15, $0xb8;
	[tilespmem:$0x1C400] =	vst v63  }
0x19e: {  	s9 =	simm.s32 $0x2050;
	s13 =	simm.s32 $0xAC00  }
0x19f: {  	[tilespmem:s13], [sflag:$0x2] =	stream.indirect.gather [hbm4b:s3+s15], $0x80, s9, s15, $0xb8;
	[tilespmem:$0x1C400] =	vst v63  }
0x1a0: {  	s20 =	simm.s32 $0x20A0;
	s21 =	simm.s32 $0xD400  }
0x1a1: {  	[tilespmem:s21], [sflag:$0x3] =	stream.indirect.gather [hbm4b:s3+s15], $0x80, s20, s15, $0xb8;
	[tilespmem:$0x1C400] =	vst v63  }
0x1a2: {  	s22 =	simm.s32 $0x20F0;
	s23 =	simm.s32 $0xFC00;
	s20 =	simm.s32 $0x0  }
0x1a3: {  	[tilespmem:s23], [sflag:$0x4] =	stream.indirect.gather [hbm4b:s3+s15], $0x80, s22, s15, $0xb8;
	[tilespmem:$0x1C400] =	vst v63  }
.LBB2_10:
0x1a4: {  	_ =	swait.ge [sflag:s24], $0x2800  }
0x1a5: {  	p1 =	seq.s32 s20, $0x0;
	[sflag:s24] =	ssyncset.done $0x0  }
0x1a6: {  	s6 =	simm.s32 @!p1 $0x5;
	[sflag:s24] =	ssyncadd.s32 $0xFFFFD800  }
0x1a7: {  	_ =	swait.ge @!p1 [sflag:s6], $0x2800  }
0x1a8: {  	[sflag:s6] =	ssyncset.done @!p1 $0x0  }
0x1a9: {  	s21 =	simm.s32 $0x0;
	[sflag:s6] =	ssyncadd.s32 @!p1 $0xFFFFD800  }
0x1aa: {  	v1 =	vld [tilespmem:s21+$0x87B0]  }
0x1ab: {  	v2 =	vld [tilespmem:s21+$0x8400];
	_ =	sdelay $0x1  }
0x1ac: {  	v3 =	vld [tilespmem:s21+$0x8410]  }
0x1ad: {  	v4 =	vld [tilespmem:s21+$0x8420]  }
0x1ae: {  	v5 =	vld [tilespmem:s21+$0x8430];
	v1 =	vmul.f32 $8.000000000e+00, v1  }
0x1af: {  	v6 =	vld [tilespmem:s21+$0x8480];
	v2 =	vmul.f32 $8.000000000e+00, v2  }
0x1b0: {  	v7 =	vld [tilespmem:s21+$0x8490];
	[tilespmem:s21+$0x127B0] =	vst v1  }
0x1b1: {  	v1 =	vmul.f32 $8.000000000e+00, v3;
	[tilespmem:s21+$0x12400] =	vst v2;
	v2 =	vld [tilespmem:s21+$0x84B0]  }
0x1b2: {  	v8 =	vld [tilespmem:s21+$0x84A0];
	v3 =	vmul.f32 $8.000000000e+00, v4  }
0x1b3: {  	v4 =	vmul.f32 $8.000000000e+00, v5;
	[tilespmem:s21+$0x12410] =	vst v1;
	v1 =	vld [tilespmem:s21+$0x8500]  }
0x1b4: {  	v5 =	vmul.f32 $8.000000000e+00, v6;
	[tilespmem:s21+$0x12420] =	vst v3;
	v3 =	vld [tilespmem:s21+$0x8510]  }
0x1b5: {  	v6 =	vmul.f32 $8.000000000e+00, v7;
	[tilespmem:s21+$0x12430] =	vst v4;
	v4 =	vld [tilespmem:s21+$0x8520]  }
0x1b6: {  	[tilespmem:s21+$0x12480] =	vst v5;
	v5 =	vld [tilespmem:s21+$0x8530];
	v2 =	vmul.f32 $8.000000000e+00, v2  }
0x1b7: {  	v7 =	vmul.f32 $8.000000000e+00, v8;
	[tilespmem:s21+$0x12490] =	vst v6;
	v6 =	vld [tilespmem:s21+$0x8580]  }
0x1b8: {  	v1 =	vmul.f32 $8.000000000e+00, v1;
	[tilespmem:s21+$0x124B0] =	vst v2;
	v2 =	vld [tilespmem:s21+$0x85A0]  }
0x1b9: {  	[tilespmem:s21+$0x124A0] =	vst v7;
	v7 =	vld [tilespmem:s21+$0x8590];
	v3 =	vmul.f32 $8.000000000e+00, v3  }
0x1ba: {  	v4 =	vmul.f32 $8.000000000e+00, v4;
	[tilespmem:s21+$0x12500] =	vst v1;
	v1 =	vld [tilespmem:s21+$0x85B0]  }
0x1bb: {  	v5 =	vmul.f32 $8.000000000e+00, v5;
	[tilespmem:s21+$0x12510] =	vst v3;
	v3 =	vld [tilespmem:s21+$0x8600]  }
0x1bc: {  	v6 =	vmul.f32 $8.000000000e+00, v6;
	[tilespmem:s21+$0x12520] =	vst v4;
	v4 =	vld [tilespmem:s21+$0x8610]  }
0x1bd: {  	[tilespmem:s21+$0x12530] =	vst v5;
	v5 =	vld [tilespmem:s21+$0x8620];
	v2 =	vmul.f32 $8.000000000e+00, v2  }
0x1be: {  	v7 =	vmul.f32 $8.000000000e+00, v7;
	[tilespmem:s21+$0x12580] =	vst v6;
	v6 =	vld [tilespmem:s21+$0x8630]  }
0x1bf: {  	v1 =	vmul.f32 $8.000000000e+00, v1;
	[tilespmem:s21+$0x125A0] =	vst v2;
	v2 =	vld [tilespmem:s21+$0x8690]  }
0x1c0: {  	[tilespmem:s21+$0x12590] =	vst v7;
	v7 =	vld [tilespmem:s21+$0x8680];
	v3 =	vmul.f32 $8.000000000e+00, v3  }
0x1c1: {  	[tilespmem:s21+$0x125B0] =	vst v1;
	v1 =	vmul.f32 $8.000000000e+00, v4;
	v4 =	vld [tilespmem:s21+$0x86B0]  }
0x1c2: {  	v8 =	vld [tilespmem:s21+$0x86A0];
	[tilespmem:s21+$0x12600] =	vst v3;
	v3 =	vmul.f32 $8.000000000e+00, v5  }
0x1c3: {  	v5 =	vld [tilespmem:s21+$0x8700];
	[tilespmem:s21+$0x12610] =	vst v1;
	v1 =	vmul.f32 $8.000000000e+00, v6  }
0x1c4: {  	v9 =	vld [tilespmem:s21+$0x8710];
	[tilespmem:s21+$0x12620] =	vst v3;
	v6 =	vmul.f32 $8.000000000e+00, v2  }
0x1c5: {  	v3 =	vmul.f32 $8.000000000e+00, v7;
	[tilespmem:s21+$0x12630] =	vst v1;
	v1 =	vld [tilespmem:s21+$0x8720]  }
0x1c6: {  	v2 =	vld [tilespmem:s21+$0x8730];
	[tilespmem:s21+$0x12690] =	vst v6;
	v6 =	vmul.f32 $8.000000000e+00, v4  }
0x1c7: {  	v7 =	vmul.f32 $8.000000000e+00, v8;
	[tilespmem:s21+$0x12680] =	vst v3;
	v3 =	vld [tilespmem:s21+$0x8780]  }
0x1c8: {  	v4 =	vld [tilespmem:s21+$0x8790];
	[tilespmem:s21+$0x126B0] =	vst v6;
	v6 =	vmul.f32 $8.000000000e+00, v5  }
0x1c9: {  	s22 =	simm.s32 $0x400;
	s7 =	simm.s32 $0x2000;
	[tilespmem:s21+$0x126A0] =	vst v7;
	v7 =	vmul.f32 $8.000000000e+00, v9;
	v5 =	vld [tilespmem:s21+$0x87A0]  }
.LBB2_11:
0x1ca: {  	p0 =	sne.s32 s7, $0x9000;
	v8 =	vld [tilespmem:s22+$0x87B0];
	[tilespmem:s21+$0x12700] =	vst v6;
	v1 =	vmul.f32 $8.000000000e+00, v1  }
0x1cb: {  	v6 =	vld [tilespmem:s22+$0x8400];
	[tilespmem:s21+$0x12710] =	vst v7;
	v2 =	vmul.f32 $8.000000000e+00, v2  }
0x1cc: {  	v7 =	vld [tilespmem:s22+$0x8410];
	[tilespmem:s21+$0x12720] =	vst v1;
	v1 =	vmul.f32 $8.000000000e+00, v3  }
0x1cd: {  	v3 =	vld [tilespmem:s22+$0x8420];
	[tilespmem:s21+$0x12730] =	vst v2;
	v2 =	vmul.f32 $8.000000000e+00, v4  }
0x1ce: {  	v4 =	vld [tilespmem:s22+$0x8430];
	[tilespmem:s21+$0x12780] =	vst v1;
	v1 =	vmul.f32 $8.000000000e+00, v5  }
0x1cf: {  	v5 =	vld [tilespmem:s22+$0x8480];
	v8 =	vmul.f32 $8.000000000e+00, v8;
	[tilespmem:s21+$0x12790] =	vst v2  }
0x1d0: {  	v2 =	vmul.f32 $8.000000000e+00, v6;
	v6 =	vld [tilespmem:s22+$0x8490];
	[tilespmem:s21+$0x127A0] =	vst v1;
	s21 =	smov.u32 s22  }
0x1d1: {  	v1 =	vmul.f32 $8.000000000e+00, v7;
	v7 =	vld [tilespmem:s21+$0x84A0];
	[tilespmem:s21+$0x127B0] =	vst v8  }
0x1d2: {  	[tilespmem:s21+$0x12400] =	vst v2;
	v2 =	vmul.f32 $8.000000000e+00, v3;
	v3 =	vld [tilespmem:s21+$0x84B0]  }
0x1d3: {  	[tilespmem:s21+$0x12410] =	vst v1;
	v1 =	vmul.f32 $8.000000000e+00, v4;
	v4 =	vld [tilespmem:s21+$0x8500]  }
0x1d4: {  	[tilespmem:s21+$0x12420] =	vst v2;
	v2 =	vmul.f32 $8.000000000e+00, v5;
	v5 =	vld [tilespmem:s21+$0x8510]  }
0x1d5: {  	[tilespmem:s21+$0x12430] =	vst v1;
	v1 =	vmul.f32 $8.000000000e+00, v6;
	v6 =	vld [tilespmem:s21+$0x8520]  }
0x1d6: {  	[tilespmem:s21+$0x12480] =	vst v2;
	v2 =	vmul.f32 $8.000000000e+00, v7;
	v7 =	vld [tilespmem:s21+$0x8530]  }
0x1d7: {  	[tilespmem:s21+$0x12490] =	vst v1;
	v1 =	vmul.f32 $8.000000000e+00, v3;
	v3 =	vld [tilespmem:s21+$0x8580]  }
0x1d8: {  	[tilespmem:s21+$0x124A0] =	vst v2;
	v2 =	vmul.f32 $8.000000000e+00, v4;
	v4 =	vld [tilespmem:s21+$0x8590]  }
0x1d9: {  	[tilespmem:s21+$0x124B0] =	vst v1;
	v1 =	vmul.f32 $8.000000000e+00, v5;
	v5 =	vld [tilespmem:s21+$0x85A0]  }
0x1da: {  	[tilespmem:s21+$0x12500] =	vst v2;
	v2 =	vmul.f32 $8.000000000e+00, v6;
	v6 =	vld [tilespmem:s21+$0x85B0]  }
0x1db: {  	[tilespmem:s21+$0x12510] =	vst v1;
	v1 =	vmul.f32 $8.000000000e+00, v7;
	v7 =	vld [tilespmem:s21+$0x8600]  }
0x1dc: {  	[tilespmem:s21+$0x12520] =	vst v2;
	v2 =	vmul.f32 $8.000000000e+00, v3;
	v3 =	vld [tilespmem:s21+$0x8610]  }
0x1dd: {  	[tilespmem:s21+$0x12530] =	vst v1;
	v1 =	vmul.f32 $8.000000000e+00, v4;
	v4 =	vld [tilespmem:s21+$0x8620]  }
0x1de: {  	[tilespmem:s21+$0x12580] =	vst v2;
	v2 =	vmul.f32 $8.000000000e+00, v5;
	v5 =	vld [tilespmem:s21+$0x8630]  }
0x1df: {  	[tilespmem:s21+$0x12590] =	vst v1;
	v1 =	vmul.f32 $8.000000000e+00, v6;
	v6 =	vld [tilespmem:s21+$0x8680]  }
0x1e0: {  	[tilespmem:s21+$0x125A0] =	vst v2;
	v2 =	vmul.f32 $8.000000000e+00, v7;
	v7 =	vld [tilespmem:s21+$0x8690]  }
0x1e1: {  	[tilespmem:s21+$0x125B0] =	vst v1;
	v1 =	vmul.f32 $8.000000000e+00, v3;
	v3 =	vld [tilespmem:s21+$0x86A0]  }
0x1e2: {  	[tilespmem:s21+$0x12600] =	vst v2;
	v2 =	vmul.f32 $8.000000000e+00, v4;
	v4 =	vld [tilespmem:s21+$0x86B0]  }
0x1e3: {  	[tilespmem:s21+$0x12610] =	vst v1;
	v1 =	vmul.f32 $8.000000000e+00, v5;
	v5 =	vld [tilespmem:s21+$0x8700]  }
0x1e4: {  	[tilespmem:s21+$0x12620] =	vst v2;
	v2 =	vmul.f32 $8.000000000e+00, v6;
	v8 =	vld [tilespmem:s21+$0x8710]  }
.Ltmp4:
0x1e5: {  	[tilespmem:s21+$0x12630] =	vst v1;
	v6 =	vmul.f32 $8.000000000e+00, v7;
	v1 =	vld [tilespmem:s21+$0x8720];
	(pc) =	sbr.rel @p0 .LBB2_11-.Ltmp4, $4  }
0x1e6: {  	[tilespmem:s21+$0x12680] =	vst v2;
	v7 =	vmul.f32 $8.000000000e+00, v3;
	v2 =	vld [tilespmem:s21+$0x8730]  }
0x1e7: {  	[tilespmem:s21+$0x12690] =	vst v6;
	v9 =	vmul.f32 $8.000000000e+00, v4;
	v3 =	vld [tilespmem:s21+$0x8780]  }
0x1e8: {  	[tilespmem:s21+$0x126A0] =	vst v7;
	v6 =	vmul.f32 $8.000000000e+00, v5;
	v4 =	vld [tilespmem:s21+$0x8790]  }
0x1e9: {  	s22 =	sshra.s32 s7, $0x2;
	s7 =	sadd.s32 $0x1000, s7;
	[tilespmem:s21+$0x126B0] =	vst v9;
	v7 =	vmul.f32 $8.000000000e+00, v8;
	v5 =	vld [tilespmem:s21+$0x87A0]  }
0x1ea: {  	v8 =	vld [tilespmem:s22+$0x87B0];
	[tilespmem:s21+$0x12700] =	vst v6;
	v1 =	vmul.f32 $8.000000000e+00, v1  }
0x1eb: {  	v6 =	vld [tilespmem:s22+$0x8400];
	[tilespmem:s21+$0x12710] =	vst v7;
	v2 =	vmul.f32 $8.000000000e+00, v2  }
0x1ec: {  	v7 =	vld [tilespmem:s22+$0x8410];
	[tilespmem:s21+$0x12720] =	vst v1;
	v3 =	vmul.f32 $8.000000000e+00, v3  }
0x1ed: {  	v1 =	vld [tilespmem:s22+$0x8420];
	[tilespmem:s21+$0x12730] =	vst v2;
	v4 =	vmul.f32 $8.000000000e+00, v4  }
0x1ee: {  	v2 =	vld [tilespmem:s22+$0x8430];
	[tilespmem:s21+$0x12780] =	vst v3;
	v5 =	vmul.f32 $8.000000000e+00, v5  }
0x1ef: {  	v3 =	vld [tilespmem:s22+$0x8480];
	[tilespmem:s21+$0x12790] =	vst v4;
	v8 =	vmul.f32 $8.000000000e+00, v8  }
0x1f0: {  	v4 =	vld [tilespmem:s22+$0x8490];
	[tilespmem:s21+$0x127A0] =	vst v5;
	v5 =	vmul.f32 $8.000000000e+00, v6  }
0x1f1: {  	v6 =	vld [tilespmem:s22+$0x84A0];
	[tilespmem:s22+$0x127B0] =	vst v8;
	v7 =	vmul.f32 $8.000000000e+00, v7  }
0x1f2: {  	[tilespmem:s22+$0x12400] =	vst v5;
	v5 =	vld [tilespmem:s22+$0x84B0];
	v1 =	vmul.f32 $8.000000000e+00, v1  }
0x1f3: {  	[tilespmem:s22+$0x12410] =	vst v7;
	v7 =	vld [tilespmem:s22+$0x8500];
	v2 =	vmul.f32 $8.000000000e+00, v2  }
0x1f4: {  	[tilespmem:s22+$0x12420] =	vst v1;
	v1 =	vld [tilespmem:s22+$0x8510];
	v3 =	vmul.f32 $8.000000000e+00, v3  }
0x1f5: {  	[tilespmem:s22+$0x12430] =	vst v2;
	v2 =	vld [tilespmem:s22+$0x8520];
	v4 =	vmul.f32 $8.000000000e+00, v4  }
0x1f6: {  	[tilespmem:s22+$0x12480] =	vst v3;
	v3 =	vld [tilespmem:s22+$0x8530];
	v6 =	vmul.f32 $8.000000000e+00, v6  }
0x1f7: {  	[tilespmem:s22+$0x12490] =	vst v4;
	v4 =	vld [tilespmem:s22+$0x8580];
	v5 =	vmul.f32 $8.000000000e+00, v5  }
0x1f8: {  	[tilespmem:s22+$0x124A0] =	vst v6;
	v6 =	vld [tilespmem:s22+$0x8590];
	v7 =	vmul.f32 $8.000000000e+00, v7  }
0x1f9: {  	[tilespmem:s22+$0x124B0] =	vst v5;
	v5 =	vld [tilespmem:s22+$0x85A0];
	v1 =	vmul.f32 $8.000000000e+00, v1  }
0x1fa: {  	[tilespmem:s22+$0x12500] =	vst v7;
	v7 =	vld [tilespmem:s22+$0x85B0];
	v2 =	vmul.f32 $8.000000000e+00, v2  }
0x1fb: {  	[tilespmem:s22+$0x12510] =	vst v1;
	v1 =	vld [tilespmem:s22+$0x8600];
	v3 =	vmul.f32 $8.000000000e+00, v3  }
0x1fc: {  	[tilespmem:s22+$0x12520] =	vst v2;
	v2 =	vld [tilespmem:s22+$0x8610];
	v4 =	vmul.f32 $8.000000000e+00, v4  }
0x1fd: {  	[tilespmem:s22+$0x12530] =	vst v3;
	v3 =	vld [tilespmem:s22+$0x8620];
	v6 =	vmul.f32 $8.000000000e+00, v6  }
0x1fe: {  	[tilespmem:s22+$0x12580] =	vst v4;
	v4 =	vld [tilespmem:s22+$0x8630];
	v5 =	vmul.f32 $8.000000000e+00, v5  }
0x1ff: {  	[tilespmem:s22+$0x12590] =	vst v6;
	v6 =	vld [tilespmem:s22+$0x8680];
	v7 =	vmul.f32 $8.000000000e+00, v7  }
0x200: {  	[tilespmem:s22+$0x125A0] =	vst v5;
	v5 =	vld [tilespmem:s22+$0x8690];
	v1 =	vmul.f32 $8.000000000e+00, v1  }
0x201: {  	[tilespmem:s22+$0x125B0] =	vst v7;
	v7 =	vld [tilespmem:s22+$0x86A0];
	v2 =	vmul.f32 $8.000000000e+00, v2  }
0x202: {  	[tilespmem:s22+$0x12600] =	vst v1;
	v1 =	vld [tilespmem:s22+$0x86B0];
	v3 =	vmul.f32 $8.000000000e+00, v3  }
0x203: {  	[tilespmem:s22+$0x12610] =	vst v2;
	v2 =	vld [tilespmem:s22+$0x8700];
	v4 =	vmul.f32 $8.000000000e+00, v4  }
0x204: {  	[tilespmem:s22+$0x12620] =	vst v3;
	v3 =	vld [tilespmem:s22+$0x8710];
	v6 =	vmul.f32 $8.000000000e+00, v6  }
0x205: {  	[tilespmem:s22+$0x12630] =	vst v4;
	v4 =	vld [tilespmem:s22+$0x8720];
	v5 =	vmul.f32 $8.000000000e+00, v5  }
0x206: {  	[tilespmem:s22+$0x12680] =	vst v6;
	v6 =	vld [tilespmem:s22+$0x8730];
	v7 =	vmul.f32 $8.000000000e+00, v7  }
0x207: {  	[tilespmem:s22+$0x12690] =	vst v5;
	v5 =	vld [tilespmem:s22+$0x8780];
	v1 =	vmul.f32 $8.000000000e+00, v1  }
0x208: {  	[tilespmem:s22+$0x126A0] =	vst v7;
	v7 =	vld [tilespmem:s22+$0x8790];
	v2 =	vmul.f32 $8.000000000e+00, v2  }
0x209: {  	[tilespmem:s22+$0x126B0] =	vst v1;
	v1 =	vmul.f32 $8.000000000e+00, v3;
	v3 =	vld [tilespmem:s22+$0x87A0]  }
0x20a: {  	[tilespmem:s22+$0x12700] =	vst v2;
	v2 =	vmul.f32 $8.000000000e+00, v4  }
0x20b: {  	[tilespmem:s22+$0x12710] =	vst v1;
	v1 =	vmul.f32 $8.000000000e+00, v6  }
0x20c: {  	p0 =	seq.s32 s20, $0x4F;
	[tilespmem:s22+$0x12720] =	vst v2;
	v2 =	vmul.f32 $8.000000000e+00, v5  }
0x20d: {  	s6 =	smul.u32 @!p0 $0x500, s20;
	[tilespmem:s22+$0x12730] =	vst v1;
	v1 =	vmul.f32 $8.000000000e+00, v7  }
0x20e: {  	[tilespmem:s22+$0x12780] =	vst v2;
	v2 =	vmul.f32 $8.000000000e+00, v3  }
0x20f: {  	s7 =	simm.s32 @!p0 $0x50;
	s21 =	sshra.s32 @!p0 s6, $0x2;
	[tilespmem:s22+$0x12790] =	vst v1  }
0x210: {  	s8 =	simm.s32 @!p0 $0x8400;
	s6 =	sadd.s32 @!p0 $0x2140, s21;
	[tilespmem:s22+$0x127A0] =	vst v2;
	s22 =	smul.u32 $0x140, s20  }
0x211: {  	[tilespmem:s8], [sflag:$0x1] =	stream.indirect.gather @!p0 [hbm4b:s3+s7], $0x80, s6, s7, $0xb8;
	[tilespmem:$0x1C400] =	vst v63  }
0x212: {  	s23 =	sadd.s32 s5, s22  }
0x213: {  	s6 =	sshll.u32 s23, $0x4  }
0x214: {  	s6 =	sadd.s32 s4, s6  }
0x215: {  	[hbm4b:s6+s2] =	stream.linear.scatter [tilespmem:s25], [sflag:$0x5], $0x2800, $0x38;
	[tilespmem:$0x1C400] =	vst v63  }
0x216: {  	_ =	swait.ge [sflag:s26], $0x2800  }
0x217: {  	[sflag:s26] =	ssyncset.done $0x0  }
0x218: {  	s6 =	simm.s32 @!p1 $0x6;
	[sflag:s26] =	ssyncadd.s32 $0xFFFFD800  }
0x219: {  	_ =	swait.ge @!p1 [sflag:s6], $0x2800  }
0x21a: {  	[sflag:s6] =	ssyncset.done @!p1 $0x0  }
0x21b: {  	s23 =	simm.s32 $0x0;
	[sflag:s6] =	ssyncadd.s32 @!p1 $0xFFFFD800  }
0x21c: {  	v1 =	vld [tilespmem:s23+$0xAFB0]  }
0x21d: {  	v2 =	vld [tilespmem:s23+$0xAC00];
	_ =	sdelay $0x1  }
0x21e: {  	v3 =	vld [tilespmem:s23+$0xAC10]  }
0x21f: {  	v4 =	vld [tilespmem:s23+$0xAC20]  }
0x220: {  	v5 =	vld [tilespmem:s23+$0xAC30];
	v1 =	vmul.f32 $8.000000000e+00, v1  }
0x221: {  	v6 =	vld [tilespmem:s23+$0xAC80];
	v2 =	vmul.f32 $8.000000000e+00, v2  }
0x222: {  	v7 =	vld [tilespmem:s23+$0xAC90];
	[tilespmem:s23+$0x14FB0] =	vst v1  }
0x223: {  	v1 =	vmul.f32 $8.000000000e+00, v3;
	[tilespmem:s23+$0x14C00] =	vst v2;
	v2 =	vld [tilespmem:s23+$0xACB0]  }
0x224: {  	v8 =	vld [tilespmem:s23+$0xACA0];
	v3 =	vmul.f32 $8.000000000e+00, v4  }
0x225: {  	v4 =	vmul.f32 $8.000000000e+00, v5;
	[tilespmem:s23+$0x14C10] =	vst v1;
	v1 =	vld [tilespmem:s23+$0xAD00]  }
0x226: {  	v5 =	vmul.f32 $8.000000000e+00, v6;
	[tilespmem:s23+$0x14C20] =	vst v3;
	v3 =	vld [tilespmem:s23+$0xAD10]  }
0x227: {  	v6 =	vmul.f32 $8.000000000e+00, v7;
	[tilespmem:s23+$0x14C30] =	vst v4;
	v4 =	vld [tilespmem:s23+$0xAD20]  }
0x228: {  	[tilespmem:s23+$0x14C80] =	vst v5;
	v5 =	vld [tilespmem:s23+$0xAD30];
	v2 =	vmul.f32 $8.000000000e+00, v2  }
0x229: {  	v7 =	vmul.f32 $8.000000000e+00, v8;
	[tilespmem:s23+$0x14C90] =	vst v6;
	v6 =	vld [tilespmem:s23+$0xAD80]  }
0x22a: {  	v1 =	vmul.f32 $8.000000000e+00, v1;
	[tilespmem:s23+$0x14CB0] =	vst v2;
	v2 =	vld [tilespmem:s23+$0xADA0]  }
0x22b: {  	[tilespmem:s23+$0x14CA0] =	vst v7;
	v7 =	vld [tilespmem:s23+$0xAD90];
	v3 =	vmul.f32 $8.000000000e+00, v3  }
0x22c: {  	v4 =	vmul.f32 $8.000000000e+00, v4;
	[tilespmem:s23+$0x14D00] =	vst v1;
	v1 =	vld [tilespmem:s23+$0xADB0]  }
0x22d: {  	v5 =	vmul.f32 $8.000000000e+00, v5;
	[tilespmem:s23+$0x14D10] =	vst v3;
	v3 =	vld [tilespmem:s23+$0xAE00]  }
0x22e: {  	v6 =	vmul.f32 $8.000000000e+00, v6;
	[tilespmem:s23+$0x14D20] =	vst v4;
	v4 =	vld [tilespmem:s23+$0xAE10]  }
0x22f: {  	[tilespmem:s23+$0x14D30] =	vst v5;
	v5 =	vld [tilespmem:s23+$0xAE20];
	v2 =	vmul.f32 $8.000000000e+00, v2  }
0x230: {  	v7 =	vmul.f32 $8.000000000e+00, v7;
	[tilespmem:s23+$0x14D80] =	vst v6;
	v6 =	vld [tilespmem:s23+$0xAE30]  }
0x231: {  	v1 =	vmul.f32 $8.000000000e+00, v1;
	[tilespmem:s23+$0x14DA0] =	vst v2;
	v2 =	vld [tilespmem:s23+$0xAE90]  }
0x232: {  	[tilespmem:s23+$0x14D90] =	vst v7;
	v7 =	vld [tilespmem:s23+$0xAE80];
	v3 =	vmul.f32 $8.000000000e+00, v3  }
0x233: {  	[tilespmem:s23+$0x14DB0] =	vst v1;
	v1 =	vmul.f32 $8.000000000e+00, v4;
	v4 =	vld [tilespmem:s23+$0xAEB0]  }
0x234: {  	v8 =	vld [tilespmem:s23+$0xAEA0];
	[tilespmem:s23+$0x14E00] =	vst v3;
	v3 =	vmul.f32 $8.000000000e+00, v5  }
0x235: {  	v5 =	vld [tilespmem:s23+$0xAF00];
	[tilespmem:s23+$0x14E10] =	vst v1;
	v1 =	vmul.f32 $8.000000000e+00, v6  }
0x236: {  	v9 =	vld [tilespmem:s23+$0xAF10];
	[tilespmem:s23+$0x14E20] =	vst v3;
	v6 =	vmul.f32 $8.000000000e+00, v2  }
0x237: {  	v3 =	vmul.f32 $8.000000000e+00, v7;
	[tilespmem:s23+$0x14E30] =	vst v1;
	v1 =	vld [tilespmem:s23+$0xAF20]  }
0x238: {  	v2 =	vld [tilespmem:s23+$0xAF30];
	[tilespmem:s23+$0x14E90] =	vst v6;
	v6 =	vmul.f32 $8.000000000e+00, v4  }
0x239: {  	v7 =	vmul.f32 $8.000000000e+00, v8;
	[tilespmem:s23+$0x14E80] =	vst v3;
	v3 =	vld [tilespmem:s23+$0xAF80]  }
0x23a: {  	v4 =	vld [tilespmem:s23+$0xAF90];
	[tilespmem:s23+$0x14EB0] =	vst v6;
	v6 =	vmul.f32 $8.000000000e+00, v5  }
0x23b: {  	s7 =	simm.s32 $0x400;
	s8 =	simm.s32 $0x2000;
	[tilespmem:s23+$0x14EA0] =	vst v7;
	v7 =	vmul.f32 $8.000000000e+00, v9;
	v5 =	vld [tilespmem:s23+$0xAFA0]  }
.LBB2_13:
0x23c: {  	p2 =	sne.s32 s8, $0x9000;
	v8 =	vld [tilespmem:s7+$0xAFB0];
	[tilespmem:s23+$0x14F00] =	vst v6;
	v1 =	vmul.f32 $8.000000000e+00, v1  }
0x23d: {  	v6 =	vld [tilespmem:s7+$0xAC00];
	[tilespmem:s23+$0x14F10] =	vst v7;
	v2 =	vmul.f32 $8.000000000e+00, v2  }
0x23e: {  	v7 =	vld [tilespmem:s7+$0xAC10];
	[tilespmem:s23+$0x14F20] =	vst v1;
	v1 =	vmul.f32 $8.000000000e+00, v3  }
0x23f: {  	v3 =	vld [tilespmem:s7+$0xAC20];
	[tilespmem:s23+$0x14F30] =	vst v2;
	v2 =	vmul.f32 $8.000000000e+00, v4  }
0x240: {  	v4 =	vld [tilespmem:s7+$0xAC30];
	[tilespmem:s23+$0x14F80] =	vst v1;
	v1 =	vmul.f32 $8.000000000e+00, v5  }
0x241: {  	v5 =	vld [tilespmem:s7+$0xAC80];
	v8 =	vmul.f32 $8.000000000e+00, v8;
	[tilespmem:s23+$0x14F90] =	vst v2  }
0x242: {  	v2 =	vmul.f32 $8.000000000e+00, v6;
	v6 =	vld [tilespmem:s7+$0xAC90];
	[tilespmem:s23+$0x14FA0] =	vst v1;
	s23 =	smov.u32 s7  }
0x243: {  	v1 =	vmul.f32 $8.000000000e+00, v7;
	v7 =	vld [tilespmem:s23+$0xACA0];
	[tilespmem:s23+$0x14FB0] =	vst v8  }
0x244: {  	[tilespmem:s23+$0x14C00] =	vst v2;
	v2 =	vmul.f32 $8.000000000e+00, v3;
	v3 =	vld [tilespmem:s23+$0xACB0]  }
0x245: {  	[tilespmem:s23+$0x14C10] =	vst v1;
	v1 =	vmul.f32 $8.000000000e+00, v4;
	v4 =	vld [tilespmem:s23+$0xAD00]  }
0x246: {  	[tilespmem:s23+$0x14C20] =	vst v2;
	v2 =	vmul.f32 $8.000000000e+00, v5;
	v5 =	vld [tilespmem:s23+$0xAD10]  }
0x247: {  	[tilespmem:s23+$0x14C30] =	vst v1;
	v1 =	vmul.f32 $8.000000000e+00, v6;
	v6 =	vld [tilespmem:s23+$0xAD20]  }
0x248: {  	[tilespmem:s23+$0x14C80] =	vst v2;
	v2 =	vmul.f32 $8.000000000e+00, v7;
	v7 =	vld [tilespmem:s23+$0xAD30]  }
0x249: {  	[tilespmem:s23+$0x14C90] =	vst v1;
	v1 =	vmul.f32 $8.000000000e+00, v3;
	v3 =	vld [tilespmem:s23+$0xAD80]  }
0x24a: {  	[tilespmem:s23+$0x14CA0] =	vst v2;
	v2 =	vmul.f32 $8.000000000e+00, v4;
	v4 =	vld [tilespmem:s23+$0xAD90]  }
0x24b: {  	[tilespmem:s23+$0x14CB0] =	vst v1;
	v1 =	vmul.f32 $8.000000000e+00, v5;
	v5 =	vld [tilespmem:s23+$0xADA0]  }
0x24c: {  	[tilespmem:s23+$0x14D00] =	vst v2;
	v2 =	vmul.f32 $8.000000000e+00, v6;
	v6 =	vld [tilespmem:s23+$0xADB0]  }
0x24d: {  	[tilespmem:s23+$0x14D10] =	vst v1;
	v1 =	vmul.f32 $8.000000000e+00, v7;
	v7 =	vld [tilespmem:s23+$0xAE00]  }
0x24e: {  	[tilespmem:s23+$0x14D20] =	vst v2;
	v2 =	vmul.f32 $8.000000000e+00, v3;
	v3 =	vld [tilespmem:s23+$0xAE10]  }
0x24f: {  	[tilespmem:s23+$0x14D30] =	vst v1;
	v1 =	vmul.f32 $8.000000000e+00, v4;
	v4 =	vld [tilespmem:s23+$0xAE20]  }
0x250: {  	[tilespmem:s23+$0x14D80] =	vst v2;
	v2 =	vmul.f32 $8.000000000e+00, v5;
	v5 =	vld [tilespmem:s23+$0xAE30]  }
0x251: {  	[tilespmem:s23+$0x14D90] =	vst v1;
	v1 =	vmul.f32 $8.000000000e+00, v6;
	v6 =	vld [tilespmem:s23+$0xAE80]  }
0x252: {  	[tilespmem:s23+$0x14DA0] =	vst v2;
	v2 =	vmul.f32 $8.000000000e+00, v7;
	v7 =	vld [tilespmem:s23+$0xAE90]  }
0x253: {  	[tilespmem:s23+$0x14DB0] =	vst v1;
	v1 =	vmul.f32 $8.000000000e+00, v3;
	v3 =	vld [tilespmem:s23+$0xAEA0]  }
0x254: {  	[tilespmem:s23+$0x14E00] =	vst v2;
	v2 =	vmul.f32 $8.000000000e+00, v4;
	v4 =	vld [tilespmem:s23+$0xAEB0]  }
0x255: {  	[tilespmem:s23+$0x14E10] =	vst v1;
	v1 =	vmul.f32 $8.000000000e+00, v5;
	v5 =	vld [tilespmem:s23+$0xAF00]  }
0x256: {  	[tilespmem:s23+$0x14E20] =	vst v2;
	v2 =	vmul.f32 $8.000000000e+00, v6;
	v8 =	vld [tilespmem:s23+$0xAF10]  }
.Ltmp5:
0x257: {  	[tilespmem:s23+$0x14E30] =	vst v1;
	v6 =	vmul.f32 $8.000000000e+00, v7;
	v1 =	vld [tilespmem:s23+$0xAF20];
	(pc) =	sbr.rel @p2 .LBB2_13-.Ltmp5, $4  }
0x258: {  	[tilespmem:s23+$0x14E80] =	vst v2;
	v7 =	vmul.f32 $8.000000000e+00, v3;
	v2 =	vld [tilespmem:s23+$0xAF30]  }
0x259: {  	[tilespmem:s23+$0x14E90] =	vst v6;
	v9 =	vmul.f32 $8.000000000e+00, v4;
	v3 =	vld [tilespmem:s23+$0xAF80]  }
0x25a: {  	[tilespmem:s23+$0x14EA0] =	vst v7;
	v6 =	vmul.f32 $8.000000000e+00, v5;
	v4 =	vld [tilespmem:s23+$0xAF90]  }
0x25b: {  	s7 =	sshra.s32 s8, $0x2;
	s8 =	sadd.s32 $0x1000, s8;
	[tilespmem:s23+$0x14EB0] =	vst v9;
	v7 =	vmul.f32 $8.000000000e+00, v8;
	v5 =	vld [tilespmem:s23+$0xAFA0]  }
0x25c: {  	v8 =	vld [tilespmem:s7+$0xAFB0];
	[tilespmem:s23+$0x14F00] =	vst v6;
	v1 =	vmul.f32 $8.000000000e+00, v1  }
0x25d: {  	v6 =	vld [tilespmem:s7+$0xAC00];
	[tilespmem:s23+$0x14F10] =	vst v7;
	v2 =	vmul.f32 $8.000000000e+00, v2  }
0x25e: {  	v7 =	vld [tilespmem:s7+$0xAC10];
	[tilespmem:s23+$0x14F20] =	vst v1;
	v3 =	vmul.f32 $8.000000000e+00, v3  }
0x25f: {  	v1 =	vld [tilespmem:s7+$0xAC20];
	[tilespmem:s23+$0x14F30] =	vst v2;
	v4 =	vmul.f32 $8.000000000e+00, v4  }
0x260: {  	v2 =	vld [tilespmem:s7+$0xAC30];
	[tilespmem:s23+$0x14F80] =	vst v3;
	v5 =	vmul.f32 $8.000000000e+00, v5  }
0x261: {  	v3 =	vld [tilespmem:s7+$0xAC80];
	[tilespmem:s23+$0x14F90] =	vst v4;
	v8 =	vmul.f32 $8.000000000e+00, v8  }
0x262: {  	v4 =	vld [tilespmem:s7+$0xAC90];
	[tilespmem:s23+$0x14FA0] =	vst v5;
	v5 =	vmul.f32 $8.000000000e+00, v6  }
0x263: {  	v6 =	vld [tilespmem:s7+$0xACA0];
	[tilespmem:s7+$0x14FB0] =	vst v8;
	v7 =	vmul.f32 $8.000000000e+00, v7  }
0x264: {  	[tilespmem:s7+$0x14C00] =	vst v5;
	v5 =	vld [tilespmem:s7+$0xACB0];
	v1 =	vmul.f32 $8.000000000e+00, v1  }
0x265: {  	[tilespmem:s7+$0x14C10] =	vst v7;
	v7 =	vld [tilespmem:s7+$0xAD00];
	v2 =	vmul.f32 $8.000000000e+00, v2  }
0x266: {  	[tilespmem:s7+$0x14C20] =	vst v1;
	v1 =	vld [tilespmem:s7+$0xAD10];
	v3 =	vmul.f32 $8.000000000e+00, v3  }
0x267: {  	[tilespmem:s7+$0x14C30] =	vst v2;
	v2 =	vld [tilespmem:s7+$0xAD20];
	v4 =	vmul.f32 $8.000000000e+00, v4  }
0x268: {  	[tilespmem:s7+$0x14C80] =	vst v3;
	v3 =	vld [tilespmem:s7+$0xAD30];
	v6 =	vmul.f32 $8.000000000e+00, v6  }
0x269: {  	[tilespmem:s7+$0x14C90] =	vst v4;
	v4 =	vld [tilespmem:s7+$0xAD80];
	v5 =	vmul.f32 $8.000000000e+00, v5  }
0x26a: {  	[tilespmem:s7+$0x14CA0] =	vst v6;
	v6 =	vld [tilespmem:s7+$0xAD90];
	v7 =	vmul.f32 $8.000000000e+00, v7  }
0x26b: {  	[tilespmem:s7+$0x14CB0] =	vst v5;
	v5 =	vld [tilespmem:s7+$0xADA0];
	v1 =	vmul.f32 $8.000000000e+00, v1  }
0x26c: {  	[tilespmem:s7+$0x14D00] =	vst v7;
	v7 =	vld [tilespmem:s7+$0xADB0];
	v2 =	vmul.f32 $8.000000000e+00, v2  }
0x26d: {  	[tilespmem:s7+$0x14D10] =	vst v1;
	v1 =	vld [tilespmem:s7+$0xAE00];
	v3 =	vmul.f32 $8.000000000e+00, v3  }
0x26e: {  	[tilespmem:s7+$0x14D20] =	vst v2;
	v2 =	vld [tilespmem:s7+$0xAE10];
	v4 =	vmul.f32 $8.000000000e+00, v4  }
0x26f: {  	[tilespmem:s7+$0x14D30] =	vst v3;
	v3 =	vld [tilespmem:s7+$0xAE20];
	v6 =	vmul.f32 $8.000000000e+00, v6  }
0x270: {  	[tilespmem:s7+$0x14D80] =	vst v4;
	v4 =	vld [tilespmem:s7+$0xAE30];
	v5 =	vmul.f32 $8.000000000e+00, v5  }
0x271: {  	[tilespmem:s7+$0x14D90] =	vst v6;
	v6 =	vld [tilespmem:s7+$0xAE80];
	v7 =	vmul.f32 $8.000000000e+00, v7  }
0x272: {  	[tilespmem:s7+$0x14DA0] =	vst v5;
	v5 =	vld [tilespmem:s7+$0xAE90];
	v1 =	vmul.f32 $8.000000000e+00, v1  }
0x273: {  	[tilespmem:s7+$0x14DB0] =	vst v7;
	v7 =	vld [tilespmem:s7+$0xAEA0];
	v2 =	vmul.f32 $8.000000000e+00, v2  }
0x274: {  	[tilespmem:s7+$0x14E00] =	vst v1;
	v1 =	vld [tilespmem:s7+$0xAEB0];
	v3 =	vmul.f32 $8.000000000e+00, v3  }
0x275: {  	[tilespmem:s7+$0x14E10] =	vst v2;
	v2 =	vld [tilespmem:s7+$0xAF00];
	v4 =	vmul.f32 $8.000000000e+00, v4  }
0x276: {  	[tilespmem:s7+$0x14E20] =	vst v3;
	v3 =	vld [tilespmem:s7+$0xAF10];
	v6 =	vmul.f32 $8.000000000e+00, v6  }
0x277: {  	[tilespmem:s7+$0x14E30] =	vst v4;
	v4 =	vld [tilespmem:s7+$0xAF20];
	v5 =	vmul.f32 $8.000000000e+00, v5  }
0x278: {  	[tilespmem:s7+$0x14E80] =	vst v6;
	v6 =	vld [tilespmem:s7+$0xAF30];
	v7 =	vmul.f32 $8.000000000e+00, v7  }
0x279: {  	[tilespmem:s7+$0x14E90] =	vst v5;
	v5 =	vld [tilespmem:s7+$0xAF80];
	v1 =	vmul.f32 $8.000000000e+00, v1  }
0x27a: {  	[tilespmem:s7+$0x14EA0] =	vst v7;
	v7 =	vld [tilespmem:s7+$0xAF90];
	v2 =	vmul.f32 $8.000000000e+00, v2  }
0x27b: {  	[tilespmem:s7+$0x14EB0] =	vst v1;
	v1 =	vmul.f32 $8.000000000e+00, v3;
	v3 =	vld [tilespmem:s7+$0xAFA0]  }
0x27c: {  	[tilespmem:s7+$0x14F00] =	vst v2;
	v2 =	vmul.f32 $8.000000000e+00, v4  }
0x27d: {  	[tilespmem:s7+$0x14F10] =	vst v1;
	v1 =	vmul.f32 $8.000000000e+00, v6  }
0x27e: {  	[tilespmem:s7+$0x14F20] =	vst v2;
	v2 =	vmul.f32 $8.000000000e+00, v5  }
0x27f: {  	[tilespmem:s7+$0x14F30] =	vst v1;
	v1 =	vmul.f32 $8.000000000e+00, v7  }
0x280: {  	[tilespmem:s7+$0x14F80] =	vst v2;
	v2 =	vmul.f32 $8.000000000e+00, v3  }
0x281: {  	s6 =	sadd.s32 @!p0 $0x2190, s21;
	[tilespmem:s7+$0x14F90] =	vst v1  }
0x282: {  	s8 =	simm.s32 @!p0 $0xAC00;
	s23 =	sadd.s32 s22, s10;
	[tilespmem:s7+$0x14FA0] =	vst v2;
	s7 =	simm.s32 @!p0 $0x50  }
0x283: {  	[tilespmem:s8], [sflag:$0x2] =	stream.indirect.gather @!p0 [hbm4b:s3+s7], $0x80, s6, s7, $0xb8;
	[tilespmem:$0x1C400] =	vst v63  }
0x284: {  	s6 =	sshll.u32 s23, $0x4  }
0x285: {  	s6 =	sadd.s32 s4, s6  }
0x286: {  	[hbm4b:s6+s2] =	stream.linear.scatter [tilespmem:s28], [sflag:$0x6], $0x2800, $0x38;
	[tilespmem:$0x1C400] =	vst v63  }
0x287: {  	_ =	swait.ge [sflag:s29], $0x2800  }
0x288: {  	[sflag:s29] =	ssyncset.done $0x0  }
0x289: {  	s6 =	simm.s32 @!p1 $0x7;
	[sflag:s29] =	ssyncadd.s32 $0xFFFFD800  }
0x28a: {  	_ =	swait.ge @!p1 [sflag:s6], $0x2800  }
0x28b: {  	[sflag:s6] =	ssyncset.done @!p1 $0x0  }
0x28c: {  	s23 =	simm.s32 $0x0;
	[sflag:s6] =	ssyncadd.s32 @!p1 $0xFFFFD800  }
0x28d: {  	v1 =	vld [tilespmem:s23+$0xD7B0]  }
0x28e: {  	v2 =	vld [tilespmem:s23+$0xD400];
	_ =	sdelay $0x1  }
0x28f: {  	v3 =	vld [tilespmem:s23+$0xD410]  }
0x290: {  	v4 =	vld [tilespmem:s23+$0xD420]  }
0x291: {  	v5 =	vld [tilespmem:s23+$0xD430];
	v1 =	vmul.f32 $8.000000000e+00, v1  }
0x292: {  	v6 =	vld [tilespmem:s23+$0xD480];
	v2 =	vmul.f32 $8.000000000e+00, v2  }
0x293: {  	v7 =	vld [tilespmem:s23+$0xD490];
	[tilespmem:s23+$0x177B0] =	vst v1  }
0x294: {  	v1 =	vmul.f32 $8.000000000e+00, v3;
	[tilespmem:s23+$0x17400] =	vst v2;
	v2 =	vld [tilespmem:s23+$0xD4B0]  }
0x295: {  	v8 =	vld [tilespmem:s23+$0xD4A0];
	v3 =	vmul.f32 $8.000000000e+00, v4  }
0x296: {  	v4 =	vmul.f32 $8.000000000e+00, v5;
	[tilespmem:s23+$0x17410] =	vst v1;
	v1 =	vld [tilespmem:s23+$0xD500]  }
0x297: {  	v5 =	vmul.f32 $8.000000000e+00, v6;
	[tilespmem:s23+$0x17420] =	vst v3;
	v3 =	vld [tilespmem:s23+$0xD510]  }
0x298: {  	v6 =	vmul.f32 $8.000000000e+00, v7;
	[tilespmem:s23+$0x17430] =	vst v4;
	v4 =	vld [tilespmem:s23+$0xD520]  }
0x299: {  	[tilespmem:s23+$0x17480] =	vst v5;
	v5 =	vld [tilespmem:s23+$0xD530];
	v2 =	vmul.f32 $8.000000000e+00, v2  }
0x29a: {  	v7 =	vmul.f32 $8.000000000e+00, v8;
	[tilespmem:s23+$0x17490] =	vst v6;
	v6 =	vld [tilespmem:s23+$0xD580]  }
0x29b: {  	v1 =	vmul.f32 $8.000000000e+00, v1;
	[tilespmem:s23+$0x174B0] =	vst v2;
	v2 =	vld [tilespmem:s23+$0xD5A0]  }
0x29c: {  	[tilespmem:s23+$0x174A0] =	vst v7;
	v7 =	vld [tilespmem:s23+$0xD590];
	v3 =	vmul.f32 $8.000000000e+00, v3  }
0x29d: {  	v4 =	vmul.f32 $8.000000000e+00, v4;
	[tilespmem:s23+$0x17500] =	vst v1;
	v1 =	vld [tilespmem:s23+$0xD5B0]  }
0x29e: {  	v5 =	vmul.f32 $8.000000000e+00, v5;
	[tilespmem:s23+$0x17510] =	vst v3;
	v3 =	vld [tilespmem:s23+$0xD600]  }
0x29f: {  	v6 =	vmul.f32 $8.000000000e+00, v6;
	[tilespmem:s23+$0x17520] =	vst v4;
	v4 =	vld [tilespmem:s23+$0xD610]  }
0x2a0: {  	[tilespmem:s23+$0x17530] =	vst v5;
	v5 =	vld [tilespmem:s23+$0xD620];
	v2 =	vmul.f32 $8.000000000e+00, v2  }
0x2a1: {  	v7 =	vmul.f32 $8.000000000e+00, v7;
	[tilespmem:s23+$0x17580] =	vst v6;
	v6 =	vld [tilespmem:s23+$0xD630]  }
0x2a2: {  	v1 =	vmul.f32 $8.000000000e+00, v1;
	[tilespmem:s23+$0x175A0] =	vst v2;
	v2 =	vld [tilespmem:s23+$0xD690]  }
0x2a3: {  	[tilespmem:s23+$0x17590] =	vst v7;
	v7 =	vld [tilespmem:s23+$0xD680];
	v3 =	vmul.f32 $8.000000000e+00, v3  }
0x2a4: {  	[tilespmem:s23+$0x175B0] =	vst v1;
	v1 =	vmul.f32 $8.000000000e+00, v4;
	v4 =	vld [tilespmem:s23+$0xD6B0]  }
0x2a5: {  	v8 =	vld [tilespmem:s23+$0xD6A0];
	[tilespmem:s23+$0x17600] =	vst v3;
	v3 =	vmul.f32 $8.000000000e+00, v5  }
0x2a6: {  	v5 =	vld [tilespmem:s23+$0xD700];
	[tilespmem:s23+$0x17610] =	vst v1;
	v1 =	vmul.f32 $8.000000000e+00, v6  }
0x2a7: {  	v9 =	vld [tilespmem:s23+$0xD710];
	[tilespmem:s23+$0x17620] =	vst v3;
	v6 =	vmul.f32 $8.000000000e+00, v2  }
0x2a8: {  	v3 =	vmul.f32 $8.000000000e+00, v7;
	[tilespmem:s23+$0x17630] =	vst v1;
	v1 =	vld [tilespmem:s23+$0xD720]  }
0x2a9: {  	v2 =	vld [tilespmem:s23+$0xD730];
	[tilespmem:s23+$0x17690] =	vst v6;
	v6 =	vmul.f32 $8.000000000e+00, v4  }
0x2aa: {  	v7 =	vmul.f32 $8.000000000e+00, v8;
	[tilespmem:s23+$0x17680] =	vst v3;
	v3 =	vld [tilespmem:s23+$0xD780]  }
0x2ab: {  	v4 =	vld [tilespmem:s23+$0xD790];
	[tilespmem:s23+$0x176B0] =	vst v6;
	v6 =	vmul.f32 $8.000000000e+00, v5  }
0x2ac: {  	s7 =	simm.s32 $0x400;
	s8 =	simm.s32 $0x2000;
	[tilespmem:s23+$0x176A0] =	vst v7;
	v7 =	vmul.f32 $8.000000000e+00, v9;
	v5 =	vld [tilespmem:s23+$0xD7A0]  }
.LBB2_15:
0x2ad: {  	p2 =	sne.s32 s8, $0x9000;
	v8 =	vld [tilespmem:s7+$0xD7B0];
	[tilespmem:s23+$0x17700] =	vst v6;
	v1 =	vmul.f32 $8.000000000e+00, v1  }
0x2ae: {  	v6 =	vld [tilespmem:s7+$0xD400];
	[tilespmem:s23+$0x17710] =	vst v7;
	v2 =	vmul.f32 $8.000000000e+00, v2  }
0x2af: {  	v7 =	vld [tilespmem:s7+$0xD410];
	[tilespmem:s23+$0x17720] =	vst v1;
	v1 =	vmul.f32 $8.000000000e+00, v3  }
0x2b0: {  	v3 =	vld [tilespmem:s7+$0xD420];
	[tilespmem:s23+$0x17730] =	vst v2;
	v2 =	vmul.f32 $8.000000000e+00, v4  }
0x2b1: {  	v4 =	vld [tilespmem:s7+$0xD430];
	[tilespmem:s23+$0x17780] =	vst v1;
	v1 =	vmul.f32 $8.000000000e+00, v5  }
0x2b2: {  	v5 =	vld [tilespmem:s7+$0xD480];
	v8 =	vmul.f32 $8.000000000e+00, v8;
	[tilespmem:s23+$0x17790] =	vst v2  }
0x2b3: {  	v2 =	vmul.f32 $8.000000000e+00, v6;
	v6 =	vld [tilespmem:s7+$0xD490];
	[tilespmem:s23+$0x177A0] =	vst v1;
	s23 =	smov.u32 s7  }
0x2b4: {  	v1 =	vmul.f32 $8.000000000e+00, v7;
	v7 =	vld [tilespmem:s23+$0xD4A0];
	[tilespmem:s23+$0x177B0] =	vst v8  }
0x2b5: {  	[tilespmem:s23+$0x17400] =	vst v2;
	v2 =	vmul.f32 $8.000000000e+00, v3;
	v3 =	vld [tilespmem:s23+$0xD4B0]  }
0x2b6: {  	[tilespmem:s23+$0x17410] =	vst v1;
	v1 =	vmul.f32 $8.000000000e+00, v4;
	v4 =	vld [tilespmem:s23+$0xD500]  }
0x2b7: {  	[tilespmem:s23+$0x17420] =	vst v2;
	v2 =	vmul.f32 $8.000000000e+00, v5;
	v5 =	vld [tilespmem:s23+$0xD510]  }
0x2b8: {  	[tilespmem:s23+$0x17430] =	vst v1;
	v1 =	vmul.f32 $8.000000000e+00, v6;
	v6 =	vld [tilespmem:s23+$0xD520]  }
0x2b9: {  	[tilespmem:s23+$0x17480] =	vst v2;
	v2 =	vmul.f32 $8.000000000e+00, v7;
	v7 =	vld [tilespmem:s23+$0xD530]  }
0x2ba: {  	[tilespmem:s23+$0x17490] =	vst v1;
	v1 =	vmul.f32 $8.000000000e+00, v3;
	v3 =	vld [tilespmem:s23+$0xD580]  }
0x2bb: {  	[tilespmem:s23+$0x174A0] =	vst v2;
	v2 =	vmul.f32 $8.000000000e+00, v4;
	v4 =	vld [tilespmem:s23+$0xD590]  }
0x2bc: {  	[tilespmem:s23+$0x174B0] =	vst v1;
	v1 =	vmul.f32 $8.000000000e+00, v5;
	v5 =	vld [tilespmem:s23+$0xD5A0]  }
0x2bd: {  	[tilespmem:s23+$0x17500] =	vst v2;
	v2 =	vmul.f32 $8.000000000e+00, v6;
	v6 =	vld [tilespmem:s23+$0xD5B0]  }
0x2be: {  	[tilespmem:s23+$0x17510] =	vst v1;
	v1 =	vmul.f32 $8.000000000e+00, v7;
	v7 =	vld [tilespmem:s23+$0xD600]  }
0x2bf: {  	[tilespmem:s23+$0x17520] =	vst v2;
	v2 =	vmul.f32 $8.000000000e+00, v3;
	v3 =	vld [tilespmem:s23+$0xD610]  }
0x2c0: {  	[tilespmem:s23+$0x17530] =	vst v1;
	v1 =	vmul.f32 $8.000000000e+00, v4;
	v4 =	vld [tilespmem:s23+$0xD620]  }
0x2c1: {  	[tilespmem:s23+$0x17580] =	vst v2;
	v2 =	vmul.f32 $8.000000000e+00, v5;
	v5 =	vld [tilespmem:s23+$0xD630]  }
0x2c2: {  	[tilespmem:s23+$0x17590] =	vst v1;
	v1 =	vmul.f32 $8.000000000e+00, v6;
	v6 =	vld [tilespmem:s23+$0xD680]  }
0x2c3: {  	[tilespmem:s23+$0x175A0] =	vst v2;
	v2 =	vmul.f32 $8.000000000e+00, v7;
	v7 =	vld [tilespmem:s23+$0xD690]  }
0x2c4: {  	[tilespmem:s23+$0x175B0] =	vst v1;
	v1 =	vmul.f32 $8.000000000e+00, v3;
	v3 =	vld [tilespmem:s23+$0xD6A0]  }
0x2c5: {  	[tilespmem:s23+$0x17600] =	vst v2;
	v2 =	vmul.f32 $8.000000000e+00, v4;
	v4 =	vld [tilespmem:s23+$0xD6B0]  }
0x2c6: {  	[tilespmem:s23+$0x17610] =	vst v1;
	v1 =	vmul.f32 $8.000000000e+00, v5;
	v5 =	vld [tilespmem:s23+$0xD700]  }
0x2c7: {  	[tilespmem:s23+$0x17620] =	vst v2;
	v2 =	vmul.f32 $8.000000000e+00, v6;
	v8 =	vld [tilespmem:s23+$0xD710]  }
.Ltmp6:
0x2c8: {  	[tilespmem:s23+$0x17630] =	vst v1;
	v6 =	vmul.f32 $8.000000000e+00, v7;
	v1 =	vld [tilespmem:s23+$0xD720];
	(pc) =	sbr.rel @p2 .LBB2_15-.Ltmp6, $4  }
0x2c9: {  	[tilespmem:s23+$0x17680] =	vst v2;
	v7 =	vmul.f32 $8.000000000e+00, v3;
	v2 =	vld [tilespmem:s23+$0xD730]  }
0x2ca: {  	[tilespmem:s23+$0x17690] =	vst v6;
	v9 =	vmul.f32 $8.000000000e+00, v4;
	v3 =	vld [tilespmem:s23+$0xD780]  }
0x2cb: {  	[tilespmem:s23+$0x176A0] =	vst v7;
	v6 =	vmul.f32 $8.000000000e+00, v5;
	v4 =	vld [tilespmem:s23+$0xD790]  }
0x2cc: {  	s7 =	sshra.s32 s8, $0x2;
	s8 =	sadd.s32 $0x1000, s8;
	[tilespmem:s23+$0x176B0] =	vst v9;
	v7 =	vmul.f32 $8.000000000e+00, v8;
	v5 =	vld [tilespmem:s23+$0xD7A0]  }
0x2cd: {  	v8 =	vld [tilespmem:s7+$0xD7B0];
	[tilespmem:s23+$0x17700] =	vst v6;
	v1 =	vmul.f32 $8.000000000e+00, v1  }
0x2ce: {  	v6 =	vld [tilespmem:s7+$0xD400];
	[tilespmem:s23+$0x17710] =	vst v7;
	v2 =	vmul.f32 $8.000000000e+00, v2  }
0x2cf: {  	v7 =	vld [tilespmem:s7+$0xD410];
	[tilespmem:s23+$0x17720] =	vst v1;
	v3 =	vmul.f32 $8.000000000e+00, v3  }
0x2d0: {  	v1 =	vld [tilespmem:s7+$0xD420];
	[tilespmem:s23+$0x17730] =	vst v2;
	v4 =	vmul.f32 $8.000000000e+00, v4  }
0x2d1: {  	v2 =	vld [tilespmem:s7+$0xD430];
	[tilespmem:s23+$0x17780] =	vst v3;
	v5 =	vmul.f32 $8.000000000e+00, v5  }
0x2d2: {  	v3 =	vld [tilespmem:s7+$0xD480];
	[tilespmem:s23+$0x17790] =	vst v4;
	v8 =	vmul.f32 $8.000000000e+00, v8  }
0x2d3: {  	v4 =	vld [tilespmem:s7+$0xD490];
	[tilespmem:s23+$0x177A0] =	vst v5;
	v5 =	vmul.f32 $8.000000000e+00, v6  }
0x2d4: {  	v6 =	vld [tilespmem:s7+$0xD4A0];
	[tilespmem:s7+$0x177B0] =	vst v8;
	v7 =	vmul.f32 $8.000000000e+00, v7  }
0x2d5: {  	[tilespmem:s7+$0x17400] =	vst v5;
	v5 =	vld [tilespmem:s7+$0xD4B0];
	v1 =	vmul.f32 $8.000000000e+00, v1  }
0x2d6: {  	[tilespmem:s7+$0x17410] =	vst v7;
	v7 =	vld [tilespmem:s7+$0xD500];
	v2 =	vmul.f32 $8.000000000e+00, v2  }
0x2d7: {  	[tilespmem:s7+$0x17420] =	vst v1;
	v1 =	vld [tilespmem:s7+$0xD510];
	v3 =	vmul.f32 $8.000000000e+00, v3  }
0x2d8: {  	[tilespmem:s7+$0x17430] =	vst v2;
	v2 =	vld [tilespmem:s7+$0xD520];
	v4 =	vmul.f32 $8.000000000e+00, v4  }
0x2d9: {  	[tilespmem:s7+$0x17480] =	vst v3;
	v3 =	vld [tilespmem:s7+$0xD530];
	v6 =	vmul.f32 $8.000000000e+00, v6  }
0x2da: {  	[tilespmem:s7+$0x17490] =	vst v4;
	v4 =	vld [tilespmem:s7+$0xD580];
	v5 =	vmul.f32 $8.000000000e+00, v5  }
0x2db: {  	[tilespmem:s7+$0x174A0] =	vst v6;
	v6 =	vld [tilespmem:s7+$0xD590];
	v7 =	vmul.f32 $8.000000000e+00, v7  }
0x2dc: {  	[tilespmem:s7+$0x174B0] =	vst v5;
	v5 =	vld [tilespmem:s7+$0xD5A0];
	v1 =	vmul.f32 $8.000000000e+00, v1  }
0x2dd: {  	[tilespmem:s7+$0x17500] =	vst v7;
	v7 =	vld [tilespmem:s7+$0xD5B0];
	v2 =	vmul.f32 $8.000000000e+00, v2  }
0x2de: {  	[tilespmem:s7+$0x17510] =	vst v1;
	v1 =	vld [tilespmem:s7+$0xD600];
	v3 =	vmul.f32 $8.000000000e+00, v3  }
0x2df: {  	[tilespmem:s7+$0x17520] =	vst v2;
	v2 =	vld [tilespmem:s7+$0xD610];
	v4 =	vmul.f32 $8.000000000e+00, v4  }
0x2e0: {  	[tilespmem:s7+$0x17530] =	vst v3;
	v3 =	vld [tilespmem:s7+$0xD620];
	v6 =	vmul.f32 $8.000000000e+00, v6  }
0x2e1: {  	[tilespmem:s7+$0x17580] =	vst v4;
	v4 =	vld [tilespmem:s7+$0xD630];
	v5 =	vmul.f32 $8.000000000e+00, v5  }
0x2e2: {  	[tilespmem:s7+$0x17590] =	vst v6;
	v6 =	vld [tilespmem:s7+$0xD680];
	v7 =	vmul.f32 $8.000000000e+00, v7  }
0x2e3: {  	[tilespmem:s7+$0x175A0] =	vst v5;
	v5 =	vld [tilespmem:s7+$0xD690];
	v1 =	vmul.f32 $8.000000000e+00, v1  }
0x2e4: {  	[tilespmem:s7+$0x175B0] =	vst v7;
	v7 =	vld [tilespmem:s7+$0xD6A0];
	v2 =	vmul.f32 $8.000000000e+00, v2  }
0x2e5: {  	[tilespmem:s7+$0x17600] =	vst v1;
	v1 =	vld [tilespmem:s7+$0xD6B0];
	v3 =	vmul.f32 $8.000000000e+00, v3  }
0x2e6: {  	[tilespmem:s7+$0x17610] =	vst v2;
	v2 =	vld [tilespmem:s7+$0xD700];
	v4 =	vmul.f32 $8.000000000e+00, v4  }
0x2e7: {  	[tilespmem:s7+$0x17620] =	vst v3;
	v3 =	vld [tilespmem:s7+$0xD710];
	v6 =	vmul.f32 $8.000000000e+00, v6  }
0x2e8: {  	[tilespmem:s7+$0x17630] =	vst v4;
	v4 =	vld [tilespmem:s7+$0xD720];
	v5 =	vmul.f32 $8.000000000e+00, v5  }
0x2e9: {  	[tilespmem:s7+$0x17680] =	vst v6;
	v6 =	vld [tilespmem:s7+$0xD730];
	v7 =	vmul.f32 $8.000000000e+00, v7  }
0x2ea: {  	[tilespmem:s7+$0x17690] =	vst v5;
	v5 =	vld [tilespmem:s7+$0xD780];
	v1 =	vmul.f32 $8.000000000e+00, v1  }
0x2eb: {  	[tilespmem:s7+$0x176A0] =	vst v7;
	v7 =	vld [tilespmem:s7+$0xD790];
	v2 =	vmul.f32 $8.000000000e+00, v2  }
0x2ec: {  	[tilespmem:s7+$0x176B0] =	vst v1;
	v1 =	vmul.f32 $8.000000000e+00, v3;
	v3 =	vld [tilespmem:s7+$0xD7A0]  }
0x2ed: {  	[tilespmem:s7+$0x17700] =	vst v2;
	v2 =	vmul.f32 $8.000000000e+00, v4  }
0x2ee: {  	[tilespmem:s7+$0x17710] =	vst v1;
	v1 =	vmul.f32 $8.000000000e+00, v6  }
0x2ef: {  	[tilespmem:s7+$0x17720] =	vst v2;
	v2 =	vmul.f32 $8.000000000e+00, v5  }
0x2f0: {  	[tilespmem:s7+$0x17730] =	vst v1;
	v1 =	vmul.f32 $8.000000000e+00, v7  }
0x2f1: {  	[tilespmem:s7+$0x17780] =	vst v2;
	v2 =	vmul.f32 $8.000000000e+00, v3  }
0x2f2: {  	s6 =	sadd.s32 @!p0 $0x21E0, s21;
	[tilespmem:s7+$0x17790] =	vst v1  }
0x2f3: {  	s8 =	simm.s32 @!p0 $0xD400;
	s23 =	sadd.s32 s22, s11;
	[tilespmem:s7+$0x177A0] =	vst v2;
	s7 =	simm.s32 @!p0 $0x50  }
0x2f4: {  	[tilespmem:s8], [sflag:$0x3] =	stream.indirect.gather @!p0 [hbm4b:s3+s7], $0x80, s6, s7, $0xb8;
	[tilespmem:$0x1C400] =	vst v63  }
0x2f5: {  	s6 =	sshll.u32 s23, $0x4  }
0x2f6: {  	s6 =	sadd.s32 s4, s6  }
0x2f7: {  	[hbm4b:s6+s2] =	stream.linear.scatter [tilespmem:s30], [sflag:$0x7], $0x2800, $0x38;
	[tilespmem:$0x1C400] =	vst v63  }
0x2f8: {  	_ =	swait.ge [sflag:s31], $0x2800  }
0x2f9: {  	[sflag:s31] =	ssyncset.done $0x0  }
0x2fa: {  	s6 =	simm.s32 @!p1 $0x8;
	[sflag:s31] =	ssyncadd.s32 $0xFFFFD800  }
0x2fb: {  	_ =	swait.ge @!p1 [sflag:s6], $0x2800  }
0x2fc: {  	[sflag:s6] =	ssyncset.done @!p1 $0x0  }
0x2fd: {  	s23 =	simm.s32 $0x0;
	[sflag:s6] =	ssyncadd.s32 @!p1 $0xFFFFD800  }
0x2fe: {  	v1 =	vld [tilespmem:s23+$0xFFB0]  }
0x2ff: {  	v2 =	vld [tilespmem:s23+$0xFC00];
	_ =	sdelay $0x1  }
0x300: {  	v3 =	vld [tilespmem:s23+$0xFC10]  }
0x301: {  	v4 =	vld [tilespmem:s23+$0xFC20]  }
0x302: {  	v5 =	vld [tilespmem:s23+$0xFC30];
	v1 =	vmul.f32 $8.000000000e+00, v1  }
0x303: {  	v6 =	vld [tilespmem:s23+$0xFC80];
	v2 =	vmul.f32 $8.000000000e+00, v2  }
0x304: {  	v7 =	vld [tilespmem:s23+$0xFC90];
	[tilespmem:s23+$0x19FB0] =	vst v1  }
0x305: {  	v1 =	vmul.f32 $8.000000000e+00, v3;
	[tilespmem:s23+$0x19C00] =	vst v2;
	v2 =	vld [tilespmem:s23+$0xFCB0]  }
0x306: {  	v8 =	vld [tilespmem:s23+$0xFCA0];
	v3 =	vmul.f32 $8.000000000e+00, v4  }
0x307: {  	v4 =	vmul.f32 $8.000000000e+00, v5;
	[tilespmem:s23+$0x19C10] =	vst v1;
	v1 =	vld [tilespmem:s23+$0xFD00]  }
0x308: {  	v5 =	vmul.f32 $8.000000000e+00, v6;
	[tilespmem:s23+$0x19C20] =	vst v3;
	v3 =	vld [tilespmem:s23+$0xFD10]  }
0x309: {  	v6 =	vmul.f32 $8.000000000e+00, v7;
	[tilespmem:s23+$0x19C30] =	vst v4;
	v4 =	vld [tilespmem:s23+$0xFD20]  }
0x30a: {  	[tilespmem:s23+$0x19C80] =	vst v5;
	v5 =	vld [tilespmem:s23+$0xFD30];
	v2 =	vmul.f32 $8.000000000e+00, v2  }
0x30b: {  	v7 =	vmul.f32 $8.000000000e+00, v8;
	[tilespmem:s23+$0x19C90] =	vst v6;
	v6 =	vld [tilespmem:s23+$0xFD80]  }
0x30c: {  	v1 =	vmul.f32 $8.000000000e+00, v1;
	[tilespmem:s23+$0x19CB0] =	vst v2;
	v2 =	vld [tilespmem:s23+$0xFDA0]  }
0x30d: {  	[tilespmem:s23+$0x19CA0] =	vst v7;
	v7 =	vld [tilespmem:s23+$0xFD90];
	v3 =	vmul.f32 $8.000000000e+00, v3  }
0x30e: {  	v4 =	vmul.f32 $8.000000000e+00, v4;
	[tilespmem:s23+$0x19D00] =	vst v1;
	v1 =	vld [tilespmem:s23+$0xFDB0]  }
0x30f: {  	v5 =	vmul.f32 $8.000000000e+00, v5;
	[tilespmem:s23+$0x19D10] =	vst v3;
	v3 =	vld [tilespmem:s23+$0xFE00]  }
0x310: {  	v6 =	vmul.f32 $8.000000000e+00, v6;
	[tilespmem:s23+$0x19D20] =	vst v4;
	v4 =	vld [tilespmem:s23+$0xFE10]  }
0x311: {  	[tilespmem:s23+$0x19D30] =	vst v5;
	v5 =	vld [tilespmem:s23+$0xFE20];
	v2 =	vmul.f32 $8.000000000e+00, v2  }
0x312: {  	v7 =	vmul.f32 $8.000000000e+00, v7;
	[tilespmem:s23+$0x19D80] =	vst v6;
	v6 =	vld [tilespmem:s23+$0xFE30]  }
0x313: {  	v1 =	vmul.f32 $8.000000000e+00, v1;
	[tilespmem:s23+$0x19DA0] =	vst v2;
	v2 =	vld [tilespmem:s23+$0xFE90]  }
0x314: {  	[tilespmem:s23+$0x19D90] =	vst v7;
	v7 =	vld [tilespmem:s23+$0xFE80];
	v3 =	vmul.f32 $8.000000000e+00, v3  }
0x315: {  	[tilespmem:s23+$0x19DB0] =	vst v1;
	v1 =	vmul.f32 $8.000000000e+00, v4;
	v4 =	vld [tilespmem:s23+$0xFEB0]  }
0x316: {  	v8 =	vld [tilespmem:s23+$0xFEA0];
	[tilespmem:s23+$0x19E00] =	vst v3;
	v3 =	vmul.f32 $8.000000000e+00, v5  }
0x317: {  	v5 =	vld [tilespmem:s23+$0xFF00];
	[tilespmem:s23+$0x19E10] =	vst v1;
	v1 =	vmul.f32 $8.000000000e+00, v6  }
0x318: {  	v9 =	vld [tilespmem:s23+$0xFF10];
	[tilespmem:s23+$0x19E20] =	vst v3;
	v6 =	vmul.f32 $8.000000000e+00, v2  }
0x319: {  	v3 =	vmul.f32 $8.000000000e+00, v7;
	[tilespmem:s23+$0x19E30] =	vst v1;
	v1 =	vld [tilespmem:s23+$0xFF20]  }
0x31a: {  	v2 =	vld [tilespmem:s23+$0xFF30];
	[tilespmem:s23+$0x19E90] =	vst v6;
	v6 =	vmul.f32 $8.000000000e+00, v4  }
0x31b: {  	v7 =	vmul.f32 $8.000000000e+00, v8;
	[tilespmem:s23+$0x19E80] =	vst v3;
	v3 =	vld [tilespmem:s23+$0xFF80]  }
0x31c: {  	v4 =	vld [tilespmem:s23+$0xFF90];
	[tilespmem:s23+$0x19EB0] =	vst v6;
	v6 =	vmul.f32 $8.000000000e+00, v5  }
0x31d: {  	s7 =	simm.s32 $0x400;
	s8 =	simm.s32 $0x2000;
	[tilespmem:s23+$0x19EA0] =	vst v7;
	v7 =	vmul.f32 $8.000000000e+00, v9;
	v5 =	vld [tilespmem:s23+$0xFFA0]  }
.LBB2_17:
0x31e: {  	p1 =	sne.s32 s8, $0x9000;
	v8 =	vld [tilespmem:s7+$0xFFB0];
	[tilespmem:s23+$0x19F00] =	vst v6;
	v1 =	vmul.f32 $8.000000000e+00, v1  }
0x31f: {  	v6 =	vld [tilespmem:s7+$0xFC00];
	[tilespmem:s23+$0x19F10] =	vst v7;
	v2 =	vmul.f32 $8.000000000e+00, v2  }
0x320: {  	v7 =	vld [tilespmem:s7+$0xFC10];
	[tilespmem:s23+$0x19F20] =	vst v1;
	v1 =	vmul.f32 $8.000000000e+00, v3  }
0x321: {  	v3 =	vld [tilespmem:s7+$0xFC20];
	[tilespmem:s23+$0x19F30] =	vst v2;
	v2 =	vmul.f32 $8.000000000e+00, v4  }
0x322: {  	v4 =	vld [tilespmem:s7+$0xFC30];
	[tilespmem:s23+$0x19F80] =	vst v1;
	v1 =	vmul.f32 $8.000000000e+00, v5  }
0x323: {  	v5 =	vld [tilespmem:s7+$0xFC80];
	v8 =	vmul.f32 $8.000000000e+00, v8;
	[tilespmem:s23+$0x19F90] =	vst v2  }
0x324: {  	v2 =	vmul.f32 $8.000000000e+00, v6;
	v6 =	vld [tilespmem:s7+$0xFC90];
	[tilespmem:s23+$0x19FA0] =	vst v1;
	s23 =	smov.u32 s7  }
0x325: {  	v1 =	vmul.f32 $8.000000000e+00, v7;
	v7 =	vld [tilespmem:s23+$0xFCA0];
	[tilespmem:s23+$0x19FB0] =	vst v8  }
0x326: {  	[tilespmem:s23+$0x19C00] =	vst v2;
	v2 =	vmul.f32 $8.000000000e+00, v3;
	v3 =	vld [tilespmem:s23+$0xFCB0]  }
0x327: {  	[tilespmem:s23+$0x19C10] =	vst v1;
	v1 =	vmul.f32 $8.000000000e+00, v4;
	v4 =	vld [tilespmem:s23+$0xFD00]  }
0x328: {  	[tilespmem:s23+$0x19C20] =	vst v2;
	v2 =	vmul.f32 $8.000000000e+00, v5;
	v5 =	vld [tilespmem:s23+$0xFD10]  }
0x329: {  	[tilespmem:s23+$0x19C30] =	vst v1;
	v1 =	vmul.f32 $8.000000000e+00, v6;
	v6 =	vld [tilespmem:s23+$0xFD20]  }
0x32a: {  	[tilespmem:s23+$0x19C80] =	vst v2;
	v2 =	vmul.f32 $8.000000000e+00, v7;
	v7 =	vld [tilespmem:s23+$0xFD30]  }
0x32b: {  	[tilespmem:s23+$0x19C90] =	vst v1;
	v1 =	vmul.f32 $8.000000000e+00, v3;
	v3 =	vld [tilespmem:s23+$0xFD80]  }
0x32c: {  	[tilespmem:s23+$0x19CA0] =	vst v2;
	v2 =	vmul.f32 $8.000000000e+00, v4;
	v4 =	vld [tilespmem:s23+$0xFD90]  }
0x32d: {  	[tilespmem:s23+$0x19CB0] =	vst v1;
	v1 =	vmul.f32 $8.000000000e+00, v5;
	v5 =	vld [tilespmem:s23+$0xFDA0]  }
0x32e: {  	[tilespmem:s23+$0x19D00] =	vst v2;
	v2 =	vmul.f32 $8.000000000e+00, v6;
	v6 =	vld [tilespmem:s23+$0xFDB0]  }
0x32f: {  	[tilespmem:s23+$0x19D10] =	vst v1;
	v1 =	vmul.f32 $8.000000000e+00, v7;
	v7 =	vld [tilespmem:s23+$0xFE00]  }
0x330: {  	[tilespmem:s23+$0x19D20] =	vst v2;
	v2 =	vmul.f32 $8.000000000e+00, v3;
	v3 =	vld [tilespmem:s23+$0xFE10]  }
0x331: {  	[tilespmem:s23+$0x19D30] =	vst v1;
	v1 =	vmul.f32 $8.000000000e+00, v4;
	v4 =	vld [tilespmem:s23+$0xFE20]  }
0x332: {  	[tilespmem:s23+$0x19D80] =	vst v2;
	v2 =	vmul.f32 $8.000000000e+00, v5;
	v5 =	vld [tilespmem:s23+$0xFE30]  }
0x333: {  	[tilespmem:s23+$0x19D90] =	vst v1;
	v1 =	vmul.f32 $8.000000000e+00, v6;
	v6 =	vld [tilespmem:s23+$0xFE80]  }
0x334: {  	[tilespmem:s23+$0x19DA0] =	vst v2;
	v2 =	vmul.f32 $8.000000000e+00, v7;
	v7 =	vld [tilespmem:s23+$0xFE90]  }
0x335: {  	[tilespmem:s23+$0x19DB0] =	vst v1;
	v1 =	vmul.f32 $8.000000000e+00, v3;
	v3 =	vld [tilespmem:s23+$0xFEA0]  }
0x336: {  	[tilespmem:s23+$0x19E00] =	vst v2;
	v2 =	vmul.f32 $8.000000000e+00, v4;
	v4 =	vld [tilespmem:s23+$0xFEB0]  }
0x337: {  	[tilespmem:s23+$0x19E10] =	vst v1;
	v1 =	vmul.f32 $8.000000000e+00, v5;
	v5 =	vld [tilespmem:s23+$0xFF00]  }
0x338: {  	[tilespmem:s23+$0x19E20] =	vst v2;
	v2 =	vmul.f32 $8.000000000e+00, v6;
	v8 =	vld [tilespmem:s23+$0xFF10]  }
.Ltmp7:
0x339: {  	[tilespmem:s23+$0x19E30] =	vst v1;
	v6 =	vmul.f32 $8.000000000e+00, v7;
	v1 =	vld [tilespmem:s23+$0xFF20];
	(pc) =	sbr.rel @p1 .LBB2_17-.Ltmp7, $4  }
0x33a: {  	[tilespmem:s23+$0x19E80] =	vst v2;
	v7 =	vmul.f32 $8.000000000e+00, v3;
	v2 =	vld [tilespmem:s23+$0xFF30]  }
0x33b: {  	[tilespmem:s23+$0x19E90] =	vst v6;
	v9 =	vmul.f32 $8.000000000e+00, v4;
	v3 =	vld [tilespmem:s23+$0xFF80]  }
0x33c: {  	[tilespmem:s23+$0x19EA0] =	vst v7;
	v6 =	vmul.f32 $8.000000000e+00, v5;
	v4 =	vld [tilespmem:s23+$0xFF90]  }
0x33d: {  	s7 =	sshra.s32 s8, $0x2;
	s8 =	sadd.s32 $0x1000, s8;
	[tilespmem:s23+$0x19EB0] =	vst v9;
	v7 =	vmul.f32 $8.000000000e+00, v8;
	v5 =	vld [tilespmem:s23+$0xFFA0]  }
0x33e: {  	v8 =	vld [tilespmem:s7+$0xFFB0];
	[tilespmem:s23+$0x19F00] =	vst v6;
	v1 =	vmul.f32 $8.000000000e+00, v1  }
0x33f: {  	v6 =	vld [tilespmem:s7+$0xFC00];
	[tilespmem:s23+$0x19F10] =	vst v7;
	v2 =	vmul.f32 $8.000000000e+00, v2  }
0x340: {  	v7 =	vld [tilespmem:s7+$0xFC10];
	[tilespmem:s23+$0x19F20] =	vst v1;
	v3 =	vmul.f32 $8.000000000e+00, v3  }
0x341: {  	v1 =	vld [tilespmem:s7+$0xFC20];
	[tilespmem:s23+$0x19F30] =	vst v2;
	v4 =	vmul.f32 $8.000000000e+00, v4  }
0x342: {  	v2 =	vld [tilespmem:s7+$0xFC30];
	[tilespmem:s23+$0x19F80] =	vst v3;
	v5 =	vmul.f32 $8.000000000e+00, v5  }
0x343: {  	v3 =	vld [tilespmem:s7+$0xFC80];
	[tilespmem:s23+$0x19F90] =	vst v4;
	v8 =	vmul.f32 $8.000000000e+00, v8  }
0x344: {  	v4 =	vld [tilespmem:s7+$0xFC90];
	[tilespmem:s23+$0x19FA0] =	vst v5;
	v48 =	vmul.f32 $8.000000000e+00, v6  }
0x345: {  	v49 =	vld [tilespmem:s7+$0xFCA0];
	[tilespmem:s7+$0x19FB0] =	vst v8;
	v7 =	vmul.f32 $8.000000000e+00, v7  }
0x346: {  	v50 =	vld [tilespmem:s7+$0xFCB0];
	[tilespmem:s7+$0x19C00] =	vst v48;
	v1 =	vmul.f32 $8.000000000e+00, v1  }
0x347: {  	v51 =	vld [tilespmem:s7+$0xFD00];
	[tilespmem:s7+$0x19C10] =	vst v7;
	v2 =	vmul.f32 $8.000000000e+00, v2  }
0x348: {  	[tilespmem:s7+$0x19C20] =	vst v1;
	v1 =	vld [tilespmem:s7+$0xFD10];
	v3 =	vmul.f32 $8.000000000e+00, v3  }
0x349: {  	[tilespmem:s7+$0x19C30] =	vst v2;
	v2 =	vld [tilespmem:s7+$0xFD20];
	v4 =	vmul.f32 $8.000000000e+00, v4  }
0x34a: {  	[tilespmem:s7+$0x19C80] =	vst v3;
	v3 =	vld [tilespmem:s7+$0xFD30];
	v6 =	vmul.f32 $8.000000000e+00, v49  }
0x34b: {  	v52 =	vld [tilespmem:s7+$0xFD80];
	v5 =	vmul.f32 $8.000000000e+00, v50;
	[tilespmem:s7+$0x19C90] =	vst v4  }
0x34c: {  	v53 =	vld [tilespmem:s7+$0xFD90];
	v7 =	vmul.f32 $8.000000000e+00, v51;
	[tilespmem:s7+$0x19CA0] =	vst v6  }
0x34d: {  	v54 =	vld [tilespmem:s7+$0xFDA0];
	[tilespmem:s7+$0x19CB0] =	vst v5;
	v1 =	vmul.f32 $8.000000000e+00, v1  }
0x34e: {  	v55 =	vld [tilespmem:s7+$0xFDB0];
	[tilespmem:s7+$0x19D00] =	vst v7;
	v2 =	vmul.f32 $8.000000000e+00, v2  }
0x34f: {  	[tilespmem:s7+$0x19D10] =	vst v1;
	v1 =	vld [tilespmem:s7+$0xFE00];
	v3 =	vmul.f32 $8.000000000e+00, v3  }
0x350: {  	v4 =	vmul.f32 $8.000000000e+00, v52;
	[tilespmem:s7+$0x19D20] =	vst v2;
	v2 =	vld [tilespmem:s7+$0xFE10]  }
0x351: {  	v6 =	vmul.f32 $8.000000000e+00, v53;
	[tilespmem:s7+$0x19D30] =	vst v3;
	v3 =	vld [tilespmem:s7+$0xFE20]  }
0x352: {  	v56 =	vld [tilespmem:s7+$0xFE30];
	v5 =	vmul.f32 $8.000000000e+00, v54;
	[tilespmem:s7+$0x19D80] =	vst v4  }
0x353: {  	v57 =	vld [tilespmem:s7+$0xFE80];
	v7 =	vmul.f32 $8.000000000e+00, v55;
	[tilespmem:s7+$0x19D90] =	vst v6  }
0x354: {  	v58 =	vld [tilespmem:s7+$0xFE90];
	[tilespmem:s7+$0x19DA0] =	vst v5;
	v1 =	vmul.f32 $8.000000000e+00, v1  }
0x355: {  	v59 =	vld [tilespmem:s7+$0xFEA0];
	[tilespmem:s7+$0x19DB0] =	vst v7;
	v2 =	vmul.f32 $8.000000000e+00, v2  }
0x356: {  	[tilespmem:s7+$0x19E00] =	vst v1;
	v1 =	vld [tilespmem:s7+$0xFEB0];
	v3 =	vmul.f32 $8.000000000e+00, v3  }
0x357: {  	v4 =	vmul.f32 $8.000000000e+00, v56;
	[tilespmem:s7+$0x19E10] =	vst v2;
	v2 =	vld [tilespmem:s7+$0xFF00]  }
0x358: {  	v6 =	vmul.f32 $8.000000000e+00, v57;
	[tilespmem:s7+$0x19E20] =	vst v3;
	v3 =	vld [tilespmem:s7+$0xFF10]  }
0x359: {  	v60 =	vld [tilespmem:s7+$0xFF20];
	v5 =	vmul.f32 $8.000000000e+00, v58;
	[tilespmem:s7+$0x19E30] =	vst v4  }
0x35a: {  	v61 =	vld [tilespmem:s7+$0xFF30];
	v7 =	vmul.f32 $8.000000000e+00, v59;
	[tilespmem:s7+$0x19E80] =	vst v6  }
0x35b: {  	v62 =	vld [tilespmem:s7+$0xFF80];
	[tilespmem:s7+$0x19E90] =	vst v5;
	v1 =	vmul.f32 $8.000000000e+00, v1  }
0x35c: {  	v63 =	vld [tilespmem:s7+$0xFF90];
	[tilespmem:s7+$0x19EA0] =	vst v7;
	v2 =	vmul.f32 $8.000000000e+00, v2  }
0x35d: {  	[tilespmem:s7+$0x19EB0] =	vst v1;
	v1 =	vmul.f32 $8.000000000e+00, v3;
	v3 =	vld [tilespmem:s7+$0xFFA0]  }
0x35e: {  	[tilespmem:s7+$0x19F00] =	vst v2;
	v2 =	vmul.f32 $8.000000000e+00, v60  }
0x35f: {  	[tilespmem:s7+$0x19F10] =	vst v1;
	v1 =	vmul.f32 $8.000000000e+00, v61  }
0x360: {  	[tilespmem:s7+$0x19F20] =	vst v2;
	v2 =	vmul.f32 $8.000000000e+00, v62  }
0x361: {  	[tilespmem:s7+$0x19F30] =	vst v1;
	v1 =	vmul.f32 $8.000000000e+00, v63  }
0x362: {  	[tilespmem:s7+$0x19F80] =	vst v2;
	v2 =	vmul.f32 $8.000000000e+00, v3  }
0x363: {  	s6 =	sadd.s32 @!p0 $0x2230, s21;
	[tilespmem:s7+$0x19F90] =	vst v1  }
0x364: {  	s8 =	simm.s32 @!p0 $0xFC00;
	s20 =	sadd.s32 $0x1, s20;
	[tilespmem:s7+$0x19FA0] =	vst v2;
	s7 =	simm.s32 @!p0 $0x50  }
0x365: {  	[tilespmem:s8], [sflag:$0x4] =	stream.indirect.gather @!p0 [hbm4b:s3+s7], $0x80, s6, s7, $0xb8;
	[tilespmem:$0x1C400] =	vst v63  }
0x366: {  	p0 =	sne.s32 s20, $0x50  }
.Ltmp8:
0x367: {  	_ = 	snop;
	(pc) =	sbr.rel @p0 .LBB2_10-.Ltmp8, $4  }
0x368: {  	s23 =	sadd.s32 s22, s12  }
0x369: {  	s6 =	sshll.u32 s23, $0x4  }
0x36a: {  	s6 =	sadd.s32 s4, s6  }
0x36b: {  	[hbm4b:s6+s2] =	stream.linear.scatter [tilespmem:s0], [sflag:$0x8], $0x2800, $0x38;
	[tilespmem:$0x1C400] =	vst v63  }
0x36c: {  	_ =	swait.ge [sflag:s1], $0x2800  }
0x36d: {  	[sflag:s1] =	ssyncset.done $0x0  }
0x36e: {  	[sflag:s1] =	ssyncadd.s32 $0xFFFFD800  }
0x36f: {  	_ =	swait.ge [sflag:s16], $0x2800  }
0x370: {  	[sflag:s16] =	ssyncset.done $0x0  }
0x371: {  	[sflag:s16] =	ssyncadd.s32 $0xFFFFD800  }
0x372: {  	_ =	swait.ge [sflag:s17], $0x2800  }
0x373: {  	[sflag:s17] =	ssyncset.done $0x0  }
0x374: {  	[sflag:s17] =	ssyncadd.s32 $0xFFFFD800  }
0x375: {  	_ =	swait.ge [sflag:s18], $0x2800  }
0x376: {  	s19 =	sadd.s32 $0x1, s19;
	s6 =	rddreg [dreg:$0x7]  }
0x377: {  	p0 =	sne.s32 s19, s6  }
.Ltmp9:
0x378: {  	_ = 	snop;
	(pc) =	sbr.rel @p0 .LBB2_1-.Ltmp9, $3  }
0x379: {  	_ =	sdelay $0x1  }
0x37a: {  	[sflag:s18] =	ssyncset.done $0x0  }
0x37b: {  	[sflag:s18] =	ssyncadd.s32 $0xFFFFD800  }
0x37c: {  	_ =	sfence.sel $0x180000  }
0x37d: {  	[bflag:$0x0] =	sbarrier.arrive $0xFFFF  }
0x37e: {  	_ =	strace $0x90000047  }
0x37f: {  	s0 =	stileid.u32;
	[bflag:$0x2] =	sbarrier.arrive $0xFFFF  }
0x380: {  	p0 =	sne.s32 s0, $0x0;
	s0 =	rddreg [dreg:$0x2]  }
0x381: {  	s0 =	sadd.s32 @!p0 $0x100000, s0  }
0x382: {  	[sflag:s0] =	ssyncadd.tile.s32 @!p0 $0x1;
	_ =	shalt  }
.Lfunc_end2:
_tile_overlayer_lowered:
.L_overlay_start_2:
0x383: {  	(tag) =	ssettag $0x2  }
0x384: {  	s0 =	rddreg [dreg:$0x0];
	s2 =	stileid.u32  }
0x385: {  	s1 =	rddreg [dreg:$0x1];
	p0 =	sne.s32 s2, $0x0  }
0x386: {  	s3 =	rddreg [dreg:$0x2];
	[bflag:$0x3] =	sbarrier.arrive $0xFFFF;
	s2 =	simm.s32 @!p0 $0x1C09  }
0x387: {  	[timem:s3], [sflag:s2] =	dma.local @!p0 [hbm:s0], s1  }
0x388: {  	s0 =	simm.s32 @!p0 $0x9  }
0x389: {  	_ =	swait.ge @!p0 [sflag:s0], s1  }
0x38a: {  	s1 =	ssub.s32 @!p0 $0x0, s1;
	[sflag:s0] =	ssyncset.done @!p0 $0x0  }
0x38b: {  	[sflag:s0] =	ssyncadd.s32 @!p0 s1  }
0x38c: {  	[bflag:$0x3] =	sbarrier.arrive $0xFFFF  }
0x38d: {  	_ =	shalt  }

// kernel: sparse-core-data-format-call.cloned.1.call-start
scs
called_computation_lowered:
.L_overlay_start_0:
0x0: {  	s2 =	sld [smem:$0x3FD9]  }
0x1: {  	s3 =	sld [smem:$0x3FFE];
	_ =	sdelay $0x1  }
0x2: {  	s1 =	srdreg.scid  }
0x3: {  	s0 =	sand.u32 $0x1, s1  }
0x4: {  	s18 =	sshll.u32 s0, $0xA;
	s2 =	sadd.s32 s3, s2  }
0x5: {  	s2 =	sadd.s32 s2, s18  }
0x6: {  	[smem:$0x3FC6] =	sst s2  }
0x7: {  	_ = 	snop  }
0x8: {  	s2 =	sld [smem:$0x3FD0];
	(tm) =	ssettm $0x1  }
0x9: {  	s19 =	sld [smem:$0x3FFB];
	_ =	sdelay $0x3  }
0xa: {  	_ =	strace s19  }
0xb: {  	s3 =	sld [smem:$0x3FFC];
	_ =	sdelay $0x3  }
0xc: {  	_ =	strace s3  }
0xd: {  	s3 =	sld [smem:$0x3FFD];
	_ =	sdelay $0x3  }
0xe: {  	_ =	strace s3  }
0xf: {  	_ =	strace $0x8FFFFFFF  }
0x10: {  	s20 =	sld [smem:$0x3FDB];
	_ =	sdelay $0x1  }
0x11: {  	s4 =	simm.s32 $_scs_section_size  }
0x12: {  	s5 =	simm.s32 $_size__tile_overlayer_lowered;
	s6 =	simm.s32 $_tile_overlayer_lowered  }
0x13: {  	s23 =	simm.s32 $0x1BFF;
	s22 =	sshll.u32 s6, $0x1;
	s3 =	sadd.s32 s4, s20  }
0x14: {  	s7 =	simm.s32 $0x0;
	s21 =	sshll.u32 s5, $0x1;
	s5 =	sadd.s32 s22, s3  }
0x15: {  	[timem:s7], [sflag:s23] =	dma.local [hbm:s5], s21  }
0x16: {  	_ =	swait.ge [sflag:s23], s21  }
0x17: {  	s4 =	ssub.s32 $0x0, s21;
	[sflag:s23] =	ssyncset.done $0x0  }
0x18: {  	[sflag:s23] =	ssyncadd.s32 s4;
	_ =	sdelay $0x1  }
0x19: {  	s24 =	simm.s32 $0x1B8B  }
0x1a: {  	_ =	swait.ge [sflag:s24], $0x1  }
0x1b: {  	[sflag:s24] =	ssyncset.done $0x0  }
0x1c: {  	s26 =	simm.s32 $0x1B8E;
	s25 =	sld [smem:$0x3FFE];
	[sflag:s24] =	ssyncadd.s32 $0xFFFFFFFF  }
0x1d: {  	s27 =	simm.s32 $execute0_lowered;
	[smem:$0x3FD2] =	sst s26  }
0x1e: {  	s5 =	sshll.u32 s27, $0x1;
	_ =	strace $0x80000049;
	[dreg:$0x1] =	wrdreg $0xFFFFFFFF  }
0x1f: {  	s28 =	simm.s32 $_size_execute0_lowered;
	s3 =	sadd.s32 s3, s5;
	[dreg:$0x0] =	wrdreg $0x0  }
0x20: {  	s5 =	sshll.u32 s28, $0x1;
	[dreg:$0x2] =	wrdreg s3  }
0x21: {  	[dreg:$0x3] =	wrdreg s5  }
0x22: {  	[dreg:$0x4] =	wrdreg $0xC0  }
0x23: {  	_ =	task [dreg:s7], $0x5FFFF  }
0x24: {  	[dreg:$0x1] =	wrdreg $0xFFFFFFFF  }
0x25: {  	[dreg:$0x0] =	wrdreg $0x60  }
0x26: {  	[dreg:$0x2] =	wrdreg s25  }
0x27: {  	[dreg:$0x3] =	wrdreg s2  }
0x28: {  	[dreg:$0x4] =	wrdreg $0x9  }
0x29: {  	_ =	task.clear_ibuf [dreg:s7], $0x5FFFF;
	_ =	strace $0x90000049  }
0x2a: {  	s29 =	simm.s32 $0x9;
	_ =	strace $0x8000004B  }
0x2b: {  	_ =	swait.ge [sflag:s29], $0x1  }
0x2c: {  	[sflag:s29] =	ssyncadd.s32 $0xFFFFFFFF  }
0x2d: {  	_ =	strace $0x9000004B  }
0x2e: {  	_ =	sfence  }
0x2f: {  	s30 =	sld [smem:$0x0];
	_ =	sdelay $0x2  }
0x30: {  	s31 =	sshll.u32 s1, $0xD;
	s1 =	sshrl.u32 s1, $0x2  }
0x31: {  	s3 =	sand.u32 $0x4000, s31;
	s1 =	sadd.s32 s1, s30  }
0x32: {  	s0 =	sor.u32 s3, s0;
	s1 =	sshll.u32 s1, $0x11  }
0x33: {  	s0 =	sor.u32 s1, s0  }
0x34: {  	s0 =	sadd.s32 $0x8F2B, s0  }
0x35: {  	[sflag:s0] =	ssyncadd.remote.s32 $0x1  }
0x36: {  	_ =	sfence.sel $0xFFFF  }
0x37: {  	[dreg:$0x0] =	wrdreg $0xFFFFFFFF;
	(pc) =	sbr.abs _section_cstart, $3  }
0x38: {  	[dreg:$0x1] =	wrdreg $0xFFFFFFFF  }
0x39: {  	_ =	task.clear_ibuf [dreg:s7], $0x2FFFF;
	_ =	strace $0x9FFFFFFF  }
0x3a: {  	(tm) =	ssettm $0x7FFFFFFF  }
0x3b: {  	_ =	shalt  }
tec
execute0_lowered:
.L_overlay_start_1:
0x0: {  	(tag) =	ssettag $0x1  }
0x1: {  	s0 =	srdreg.scid  }
0x2: {  	s1 =	sshll.u32 s0, $0x4  }
0x3: {  	s0 =	stileid.u32;
	s1 =	sand.u32 $0x10, s1  }
0x4: {  	s1 =	sor.u32 s0, s1  }
0x5: {  	s6 =	rddreg [dreg:$0x0];
	s4 =	simm.s32 $0x1;
	s2 =	sshll.u32 s1, $0x7  }
0x6: {  	s7 =	simm.s32 $0x2;
	s12 =	simm.s32 $0x0;
	s1 =	ssub.s32 $0x1000, s2  }
0x7: {  	s8 =	simm.s32 $0x8000;
	s13 =	simm.s32 $0x0;
	s3 =	sand.u32 $0xF80, s1  }
0x8: {  	s9 =	simm.s32 $0x0;
	s5 =	sshrl.u32 s1, $0xC;
	p0 =	sne.s32 s3, $0x0  }
.Ltmp0:
0x9: {  	s1 =	rddreg [dreg:$0x2];
	s4 =	simm.s32 @!p0 $0x0;
	(pc) =	sbr.rel .LBB1_1-.Ltmp0, $4  }
0xa: {  	s11 =	simm.s32 $0x0;
	s3 =	rddreg [dreg:$0x1];
	s5 =	sadd.s32 s4, s5  }
0xb: {  	_ =	strace $0x8000004A;
	s4 =	simm.s32 $0x1;
	s5 =	smul.u32 $0xC8, s5  }
0xc: {  	s6 =	sadd.s32 $0xA00, s6;
	s10 =	smov.u32 s2;
	[sflag:s4] =	ssyncpa.u1 $0x0  }
0xd: {  	p0 =	por $0x0, $0x0;
	[sflag:s7] =	ssyncpa.u1 $0x0;
	s7 =	sor.u32 $0x1, s5  }
.LBB1_4:
0xe: {  	s16 =	sshll.u32 s13, $0x3;
	s17 =	sand.u32 $0x78, s13  }
0xf: {  	s30 =	sand.u32 $0x7E00, s13;
	s12 =	sshll.u32 s12, $0xF;
	s16 =	sand.u32 $0xC00, s16  }
0x10: {  	[tilespmem:s15+$0x810 ss:$0x81] =	vst.msk $0xffff, v2;
	s31 =	sand.u32 $0x7, s13;
	s16 =	sor.u32 s17, s16;
	s17 =	sadd.s32 s3, s30  }
0x11: {  	[tilespmem:s15+$0x1020 ss:$0x81] =	vst.msk $0xffff, v0;
	s13 =	sshll.u32 s31, $0x12;
	s12 =	sadd.s32 s12, s17;
	s16 =	sshrl.u32 s16, $0x3  }
0x12: {  	[tilespmem:s15+$0x0 ss:$0x81] =	vst.msk $0xffff, v1;
	s13 =	sor.u32 $0x400, s13;
	s12 =	sadd.s32 s16, s12  }
0x13: {  	[hbm4b:s12+s13] =	stream.strided.scatter [tilespmem:s14], [sflag:$0x2], $0x2000, s8, s13, $0x20;
	[tilespmem:$0x8080] =	vst v63  }
.LBB1_5:
0x14: {  	s14 =	sadd.s32 $0x1, s9  }
0x15: {  	s12 =	sadd.s32 $0x1000, s10;
	s16 =	smov.u32 s10;
	p2 =	sgt.s32 s14, $0xC7  }
0x16: {  	s16 =	smov.u32 @p2 s12  }
0x17: {  	s14 =	simm.s32 @p2 $0x0;
	p2 =	sgt.s32 s16, $0xFFF  }
0x18: {  	s16 =	smov.u32 @p2 s2;
	p2 =	sne.s32 s11, s7  }
.Ltmp1:
0x19: {  	p1 =	slt.u32 s11, $0x2;
	(pc) =	sbr.rel @!p2 .LBB1_6-.Ltmp1, $4  }
0x1a: {  	s15 =	simm.s32 @!p1 $0x2  }
0x1b: {  	s13 =	smov.u32 s10;
	p0 =	por !p0, !p0;
	_ =	swait.ge @!p1 [sflag:s15], $0x2000  }
0x1c: {  	s12 =	smov.u32 s9;
	[sflag:s15] =	ssyncset.done @!p1 $0x0;
	s9 =	smov.u32 s14  }
0x1d: {  	s11 =	sadd.s32 $0x1, s11;
	[sflag:s15] =	ssyncadd.s32 @!p1 $0xFFFFE000;
	s10 =	smov.u32 s16  }
.LBB1_1:
0x1e: {  	p1 =	sge.u32 s11, s5  }
0x1f: {  	s14 =	sand.u32 @!p1 $0x1FFFFFF, s9  }
0x20: {  	s15 =	smulhi.u32 @!p1 $0x147AE15, s14;
	_ =	sdelay $0x1  }
0x21: {  	s15 =	smul.u32 @!p1 $0xC8, s15  }
0x22: {  	s16 =	sxor.u32 @!p1 $0xFFFFFFFF, s11;
	s17 =	smul.u32 @!p1 $0xC80, s10  }
0x23: {  	s31 =	sadd.s32 $0xFFFFFFFF, s11;
	s16 =	sshll.u32 @!p1 s16, $0xD;
	s14 =	ssub.s32 @!p1 s14, s15  }
0x24: {  	s15 =	sand.u32 @!p1 $0x2000, s16;
	s16 =	sadd.s32 @!p1 s6, s17;
	s14 =	sshll.u32 @!p1 s14, $0x4  }
0x25: {  	s17 =	simm.s32 @!p1 $0x6400;
	s14 =	sadd.s32 @!p1 s14, s16;
	s16 =	simm.s32 @!p1 $0x40  }
0x26: {  	[tilespmem:s15], [sflag:$0x1] =	stream.strided.gather @!p1 [hbm4b:s14+s16], $0x2000, s17, s16, $0x38;
	[tilespmem:$0x8080] =	vst v63  }
0x27: {  	p1 =	sge.u32 s31, s5  }
.Ltmp2:
0x28: {  	_ = 	snop;
	(pc) =	sbr.rel @p1 .LBB1_5-.Ltmp2, $1  }
0x29: {  	_ =	sdelay $0x3  }
0x2a: {  	s14 =	simm.s32 $0x1  }
0x2b: {  	_ =	swait.ge [sflag:s4], $0x2000;
	s14 =	simm.s32 @!p0 $0x0  }
0x2c: {  	[sflag:s4] =	ssyncset.done $0x0;
	s15 =	sshll.u32 s14, $0xD  }
0x2d: {  	[sflag:s4] =	ssyncadd.s32 $0xFFFFE000;
	s18 =	sor.u32 $0x20, s15  }
0x2e: {  	s14 =	smul.u32 $0x8100, s14;
	v3 =	vld [tilespmem:s18+$0x10]  }
0x2f: {  	s30 =	sand.u32 $0x1, s11;
	v2 =	vld [tilespmem:s18+$0xFFFFFFF0]  }
0x30: {  	s15 =	smul.u32 $0x8100, s30;
	s14 =	sshrl.u32 s14, $0x2;
	v0 =	vld [tilespmem:s18+$0x0]  }
0x31: {  	v1 =	vld [tilespmem:s18+$0xFFFFFFE0];
	s16 =	sor.u32 $0x4000, s14  }
0x32: {  	s31 =	sshrl.u32 s15, $0x2;
	s15 =	sadd.s32 $0x0, s16  }
0x33: {  	s17 =	simm.s32 $0x4;
	s18 =	sadd.s32 $0x40, s18;
	s14 =	sor.u32 $0x4000, s31;
	[tilespmem:s15+$0x1830 ss:$0x81] =	vst.msk $0xffff, v3  }
.LBB1_3:
0x34: {  	v3 =	vld [tilespmem:s18+$0x10];
	p1 =	sne.s32 s17, $0x1FC;
	[tilespmem:s15+$0x810 ss:$0x81] =	vst.msk $0xffff, v2;
	s19 =	smov.u32 s17;
	s17 =	sadd.s32 $0x4, s17  }
.Ltmp3:
0x35: {  	v2 =	vld [tilespmem:s18+$0xFFFFFFF0];
	[tilespmem:s15+$0x1020 ss:$0x81] =	vst.msk $0xffff, v0;
	(pc) =	sbr.rel @p1 .LBB1_3-.Ltmp3, $4  }
0x36: {  	v0 =	vld [tilespmem:s18+$0x0];
	[tilespmem:s15+$0x0 ss:$0x81] =	vst.msk $0xffff, v1  }
0x37: {  	s15 =	sshra.s32 s19, $0x2;
	v1 =	vld [tilespmem:s18+$0xFFFFFFE0]  }
0x38: {  	s15 =	sadd.s32 s15, s16  }
0x39: {  	s18 =	sadd.s32 $0x40, s18;
	[tilespmem:s15+$0x1830 ss:$0x81] =	vst.msk $0xffff, v3  }
.Ltmp4:
0x3a: {  	_ = 	snop;
	(pc) =	sbr.rel .LBB1_4-.Ltmp4, $1  }
0x3b: {  	_ =	sdelay $0x3  }
.LBB1_6:
0x3c: {  	_ =	sfence.sel $0x180000  }
0x3d: {  	s2 =	simm.s32 $0x1;
	[bflag:$0x0] =	sbarrier.arrive $0xFFFF  }
0x3e: {  	s31 =	simm.s32 $0x2;
	[sflag:s2] =	ssyncpa.u1 $0x1  }
0x3f: {  	[sflag:s31] =	ssyncpa.u1 $0x1  }
0x40: {  	p0 =	sne.s32 s0, $0x0;
	_ =	strace $0x9000004A  }
0x41: {  	s0 =	sadd.s32 @!p0 $0x100000, s1;
	[bflag:$0x2] =	sbarrier.arrive $0xFFFF  }
0x42: {  	[sflag:s0] =	ssyncadd.tile.s32 @!p0 $0x1;
	_ =	shalt  }
.Lfunc_end1:
_tile_overlayer_lowered:
.L_overlay_start_2:
0x43: {  	(tag) =	ssettag $0x2  }
0x44: {  	s0 =	rddreg [dreg:$0x0];
	s2 =	stileid.u32  }
0x45: {  	s1 =	rddreg [dreg:$0x1];
	p0 =	sne.s32 s2, $0x0  }
0x46: {  	s3 =	rddreg [dreg:$0x2];
	[bflag:$0x3] =	sbarrier.arrive $0xFFFF;
	s2 =	simm.s32 @!p0 $0x1C01  }
0x47: {  	[timem:s3], [sflag:s2] =	dma.local @!p0 [hbm:s0], s1  }
0x48: {  	s0 =	simm.s32 @!p0 $0x1  }
0x49: {  	_ =	swait.ge @!p0 [sflag:s0], s1  }
0x4a: {  	s1 =	ssub.s32 @!p0 $0x0, s1;
	[sflag:s0] =	ssyncset.done @!p0 $0x0  }
0x4b: {  	[sflag:s0] =	ssyncadd.s32 @!p0 s1  }
0x4c: {  	[bflag:$0x3] =	sbarrier.arrive $0xFFFF  }
0x4d: {  	_ =	shalt  }

</sc_bundles>
